<compile_context>
chip_gen: v7x
topology: tpu7x:2x2x1
jax: 0.10.2.dev20260603
libtpu: 0.0.44.dev20260713+nightly
codegen_flags: <defaults>
</compile_context>

<pallas_src>
import functools
import math

import jax
import jax.numpy as jnp
import numpy as np
from jax import lax
from jax.experimental import pallas as pl
from jax.experimental.pallas import tpu as pltpu
from jax.experimental.pallas import tpu_sc as plsc

HIDDEN = 2048
HEAD_DIM = 128
ROPE_THETA = 10000.0
_NORM = np.float32(float(HIDDEN) ** 0.5)
_F32_MIN = float(np.finfo(np.float32).min)

_NC = 2
_NS = 16
_NW = _NC * _NS


def _make_sc_gather(n_tokens: int):
    per_w = n_tokens // _NW
    C = 8
    NIN = 2
    NOUT = 2
    nchunks = per_w // C
    mesh = plsc.VectorSubcoreMesh(core_axis_name="c", subcore_axis_name="s")

    @functools.partial(
        pl.kernel,
        mesh=mesh,
        out_type=jax.ShapeDtypeStruct((n_tokens, HIDDEN), jnp.float32),
        scratch_types=(
            [pltpu.VMEM((per_w,), jnp.int32)]
            + [pltpu.VMEM((C, HIDDEN), jnp.float32)] * (NIN + NOUT)
            + [pltpu.SemaphoreType.DMA] * (NIN + NOUT)
        ),
    )
    def sc_gather(ids_hbm, w_hbm, out_hbm, idx_v, *bufs):
        inb = list(bufs[:NIN])
        outb = list(bufs[NIN:NIN + NOUT])
        sin = list(bufs[NIN + NOUT:2 * NIN + NOUT])
        son = list(bufs[2 * NIN + NOUT:])
        wid = lax.axis_index("s") * _NC + lax.axis_index("c")
        base = wid * per_w
        pltpu.sync_copy(ids_hbm.at[pl.ds(base, per_w)], idx_v)

        def gather_copy(c, b):
            return pltpu.make_async_copy(
                w_hbm.at[idx_v.at[pl.ds(c * C, C)]], inb[b], sin[b])

        def out_copy(c, b):
            return pltpu.make_async_copy(
                outb[b], out_hbm.at[pl.ds(base + c * C, C)], son[b])

        for b in range(NIN):
            gather_copy(b, b).start()

        def body(c0):
            for b in range(NIN):
                c = c0 + b
                bo = b % NOUT
                gather_copy(c, b).wait()

                @pl.when(c >= NOUT)
                def _():
                    out_copy(c, bo).wait()

                def scale_row(r, carry):
                    for k in range(HIDDEN // 16):
                        outb[bo][r, pl.ds(k * 16, 16)] = (
                            inb[b][r, pl.ds(k * 16, 16)] * _NORM)
                    return carry

                lax.fori_loop(0, C, scale_row, 0)

                @pl.when(c + NIN < nchunks)
                def _():
                    gather_copy(c + NIN, b).start()

                out_copy(c, bo).start()

        pl.loop(0, nchunks, step=NIN)(body)
        for b in range(NOUT):
            out_copy(nchunks - NOUT + b, b).wait()

    return sc_gather


_BS = 512


def _mask_body(am_ref, out_ref):
    i = pl.program_id(1)
    bs, s = out_ref.shape[1], out_ref.shape[2]
    rows = lax.broadcasted_iota(jnp.int32, (bs, s), 0) + i * bs
    cols = lax.broadcasted_iota(jnp.int32, (bs, s), 1)
    masked = (cols > rows) | (am_ref[0] == 0)
    out_ref[0] = jnp.where(masked, jnp.float32(_F32_MIN), jnp.float32(0.0))


def _make_mask(batch: int, s: int):
    return pl.pallas_call(
        _mask_body,
        grid=(batch, s // _BS),
        in_specs=[pl.BlockSpec((1, 1, s), lambda b, i: (b, 0, 0))],
        out_specs=pl.BlockSpec((1, _BS, s), lambda b, i: (b, i, 0)),
        out_shape=jax.ShapeDtypeStruct((batch, s, s), jnp.float32),
    )


def _rope_body(pos_ref, cos_ref, sin_ref):
    p = pos_ref[:, :].astype(jnp.float32)
    k = lax.broadcasted_iota(jnp.int32, (1, HEAD_DIM // 2), 1).astype(jnp.float32)
    inv = jnp.exp(k * jnp.float32(-2.0 * math.log(ROPE_THETA) / HEAD_DIM))
    freqs = p * inv
    emb = jnp.concatenate([freqs, freqs], axis=-1)
    cos_ref[:, :] = jnp.cos(emb)
    sin_ref[:, :] = jnp.sin(emb)


def _make_rope(s: int):
    return pl.pallas_call(
        _rope_body,
        out_shape=[
            jax.ShapeDtypeStruct((s, HEAD_DIM), jnp.float32),
            jax.ShapeDtypeStruct((s, HEAD_DIM), jnp.float32),
        ],
    )


def kernel(input_ids, attention_mask, position_ids, control_classes, labels, W):
    b, s = input_ids.shape
    ids = input_ids.reshape(-1).astype(jnp.int32)

    mask = _make_mask(b, s)(attention_mask.reshape(b, 1, s)).reshape(b, 1, s, s)

    emb = _make_sc_gather(b * s)(ids, W)
    hidden = emb.reshape(b, s, HIDDEN)

    cos2, sin2 = _make_rope(s)(position_ids.reshape(s, 1))
    cos = cos2.reshape(1, s, HEAD_DIM)
    sin = sin2.reshape(1, s, HEAD_DIM)

    cache_position = jnp.arange(0, s)
    return (hidden, mask, cos, sin, cache_position, control_classes, labels)

# --- scband reference (transcript-rebuilt; emitter-appended) ---
"""Pipeline reference for scband-base-embedding-pipe-26920855011581 (READ-ONLY COPY).

The authoritative reference and input builder live on the scoring server;
editing this copy changes nothing except your own understanding.
"""

import jax, jax.numpy as jnp
import numpy as np

VOCAB = 100000
HIDDEN = 2048
HEAD_DIM = 128
ROPE_THETA = 10000.0
BATCH = 4
SEQ = 4096


def setup_inputs(seed: int = 0) -> dict:
    key = jax.random.key(seed)
    k1, k2, k3, k4 = jax.random.split(key, 4)
    input_ids = jax.random.randint(k1, (BATCH, SEQ), 0, VOCAB, dtype=jnp.int64 if jax.config.jax_enable_x64 else jnp.int32)
    attention_mask = jnp.ones((BATCH, SEQ), dtype=jnp.int32)
    position_ids = jnp.arange(SEQ, dtype=jnp.int32).reshape(1, SEQ)
    control_classes = jax.random.randint(k2, (BATCH,), 0, 10, dtype=jnp.int32)
    labels = jax.random.randint(k3, (BATCH, SEQ), 0, VOCAB, dtype=jnp.int32)
    W = jax.random.normal(k4, (VOCAB, HIDDEN), dtype=jnp.float32) * 0.02
    return {"input_ids": input_ids, "attention_mask": attention_mask, "position_ids": position_ids,
            "control_classes": control_classes, "labels": labels, "W": W}


def _rotary(position_ids):
    inv_freq = 1.0 / (ROPE_THETA ** (jnp.arange(0, HEAD_DIM, 2, dtype=jnp.float32) / HEAD_DIM))
    freqs = position_ids.astype(jnp.float32)[:, :, None] * inv_freq[None, None, :]
    emb = jnp.concatenate([freqs, freqs], axis=-1)
    return jnp.cos(emb), jnp.sin(emb)


def _update_causal_mask(attention_mask, seq_len, dtype):
    min_val = jnp.finfo(dtype).min
    i = jnp.arange(seq_len)[:, None]
    j = jnp.arange(seq_len)[None, :]
    causal = j > i  # True -> masked
    pad = (attention_mask == 0)  # [B, S]
    masked = causal[None, None, :, :] | pad[:, None, None, :]
    return jnp.where(masked, min_val, jnp.array(0.0, dtype)).astype(dtype)


def reference(input_ids, attention_mask, position_ids, control_classes, labels, W):
    # embedding lookup (SparseCore gather)
    inputs_embeds = jnp.take(W, input_ids, axis=0)
    seq_len = inputs_embeds.shape[1]
    past_seen_tokens = 0
    cache_position = jnp.arange(past_seen_tokens, past_seen_tokens + seq_len)
    if position_ids is None:
        position_ids = cache_position[None, :]
    causal_mask = _update_causal_mask(attention_mask, seq_len, inputs_embeds.dtype)
    hidden_states = inputs_embeds
    # Gemma2/Gemma3 scaling
    normalizer = jnp.asarray(HIDDEN ** 0.5, dtype=hidden_states.dtype)
    hidden_states = hidden_states * normalizer
    cos, sin = _rotary(position_ids)
    return (hidden_states, causal_mask, cos, sin, cache_position, control_classes, labels)

if __name__ == "__main__":
    import jax
    _d = setup_inputs()
    print(jax.jit(kernel)(*tuple(_d.values())))

</pallas_src>

<mosaic_0001>
#map = affine_map<(d0, d1) -> (0)>
#map1 = affine_map<(d0, d1) -> (0, 0)>
module attributes {stable_mosaic.version = 14 : i64} {
  func.func @sc_gather(%arg0: i32, %arg1: i32, %arg2: memref<16384xi32, #tpu.memory_space<hbm>>, %arg3: memref<100000x2048xf32, #tpu.memory_space<hbm>>, %arg4: memref<16384x2048xf32, #tpu.memory_space<hbm>>, %arg5: memref<512xi32, #tpu.memory_space<vmem>>, %arg6: memref<8x2048xf32, #tpu.memory_space<vmem>>, %arg7: memref<8x2048xf32, #tpu.memory_space<vmem>>, %arg8: memref<8x2048xf32, #tpu.memory_space<vmem>>, %arg9: memref<8x2048xf32, #tpu.memory_space<vmem>>, %arg10: memref<!tpu.dma_semaphore, #tpu.memory_space<semaphore_mem>>, %arg11: memref<!tpu.dma_semaphore, #tpu.memory_space<semaphore_mem>>, %arg12: memref<!tpu.dma_semaphore, #tpu.memory_space<semaphore_mem>>, %arg13: memref<!tpu.dma_semaphore, #tpu.memory_space<semaphore_mem>>) attributes {dimension_semantics = [#tpu.dimension_semantics<core_parallel>, #tpu.dimension_semantics<subcore_parallel>], iteration_bounds = array<i64: 2, 16>, scalar_prefetch = 0 : i64, scratch_operands = 9 : i64, tpu.core_type = #tpu.core_type<sc_vector_subcore>, window_params = [{transform_indices = #map}, {transform_indices = #map1}, {transform_indices = #map1}]} {
    %mul3A = arith.constant 2 : i32
    %mul3A_0 = arith.muli %arg1, %mul3A : i32
    %add3A = arith.addi %mul3A_0, %arg0 : i32
    %mul3A_1 = arith.constant 512 : i32
    %mul3A_2 = arith.muli %add3A, %mul3A_1 : i32
    "tpu.region"() ({
      %run_scoped3A = tpu.sem_alloc : memref<!tpu.dma_semaphore, #tpu.memory_space<semaphore_mem>>
      %dma_start3A_27 = tpu.memref_slice %arg2[%mul3A_2] : memref<16384xi32, #tpu.memory_space<hbm>> -> memref<512xi32, #tpu.memory_space<hbm>>
      %dma_start3A_28 = tpu.memref_slice %arg2[%mul3A_2] : memref<16384xi32, #tpu.memory_space<hbm>> -> memref<512xi32, #tpu.memory_space<hbm>>
      tpu.enqueue_dma source(%dma_start3A_28 : memref<512xi32, #tpu.memory_space<hbm>>) target(%arg5 : memref<512xi32, #tpu.memory_space<vmem>>) target_semaphore(%run_scoped3A : memref<!tpu.dma_semaphore, #tpu.memory_space<semaphore_mem>>)
      %dma_wait3A_29 = tpu.memref_slice %arg2[%mul3A_2] : memref<16384xi32, #tpu.memory_space<hbm>> -> memref<512xi32, #tpu.memory_space<hbm>>
      %dma_wait3A_30 = tpu.memref_slice %arg2[%mul3A_2] : memref<16384xi32, #tpu.memory_space<hbm>> -> memref<512xi32, #tpu.memory_space<hbm>>
      tpu.wait_dma2 semaphore(%run_scoped3A : memref<!tpu.dma_semaphore, #tpu.memory_space<semaphore_mem>>) src(%dma_wait3A_30 : memref<512xi32, #tpu.memory_space<hbm>>) dst(%arg5 : memref<512xi32, #tpu.memory_space<vmem>>)
      tpu.yield
    }) : () -> ()
    %dma_start3A = arith.constant 0 : i32
    %dma_start3A_3 = tpu.memref_slice %arg5[%dma_start3A] : memref<512xi32, #tpu.memory_space<vmem>> -> memref<8xi32, #tpu.memory_space<vmem>>
    %dma_start3A_4 = arith.constant 0 : i32
    %dma_start3A_5 = arith.constant 0 : i32
    %dma_start3A_6 = tpu.memref_slice %arg3[%dma_start3A_4, %dma_start3A_5] : memref<100000x2048xf32, #tpu.memory_space<hbm>> -> memref<100000x2048xf32, #tpu.memory_space<hbm>>
    tpu.enqueue_indirect_dma source(%dma_start3A_6 : memref<100000x2048xf32, #tpu.memory_space<hbm>>) target(%arg6 : memref<8x2048xf32, #tpu.memory_space<vmem>>) offsets(%dma_start3A_3 : memref<8xi32, #tpu.memory_space<vmem>>) semaphore(%arg10 : memref<!tpu.dma_semaphore, #tpu.memory_space<semaphore_mem>>)
    %dma_start3A_7 = arith.constant 8 : i32
    %dma_start3A_8 = tpu.memref_slice %arg5[%dma_start3A_7] : memref<512xi32, #tpu.memory_space<vmem>> -> memref<8xi32, #tpu.memory_space<vmem>>
    %dma_start3A_9 = arith.constant 0 : i32
    %dma_start3A_10 = arith.constant 0 : i32
    %dma_start3A_11 = tpu.memref_slice %arg3[%dma_start3A_9, %dma_start3A_10] : memref<100000x2048xf32, #tpu.memory_space<hbm>> -> memref<100000x2048xf32, #tpu.memory_space<hbm>>
    tpu.enqueue_indirect_dma source(%dma_start3A_11 : memref<100000x2048xf32, #tpu.memory_space<hbm>>) target(%arg7 : memref<8x2048xf32, #tpu.memory_space<vmem>>) offsets(%dma_start3A_8 : memref<8xi32, #tpu.memory_space<vmem>>) semaphore(%arg11 : memref<!tpu.dma_semaphore, #tpu.memory_space<semaphore_mem>>)
    %scan3A = arith.constant 0 : i32
    %scan3A_12 = arith.constant 32 : i32
    %scan3A_13 = arith.addi %scan3A, %scan3A_12 : i32
    %scan3A_14 = arith.constant 1 : i32
    scf.for %scan3A_27 = %scan3A to %scan3A_13 step %scan3A_14  : i32 {
      %mul3A_28 = arith.constant 2 : i32
      %mul3A_29 = arith.muli %scan3A_27, %mul3A_28 : i32
      %add3A_30 = arith.constant 0 : i32
      %add3A_31 = arith.addi %add3A_30, %mul3A_29 : i32
      %add3A_32 = arith.constant 0 : i32
      %add3A_33 = arith.addi %add3A_31, %add3A_32 : i32
      %mul3A_34 = arith.constant 8 : i32
      %mul3A_35 = arith.muli %add3A_33, %mul3A_34 : i32
      %dma_wait3A_36 = tpu.memref_slice %arg5[%mul3A_35] : memref<512xi32, #tpu.memory_space<vmem>> -> memref<8xi32, #tpu.memory_space<vmem>>
      %dma_wait3A_37 = arith.constant 0 : i32
      %dma_wait3A_38 = arith.constant 0 : i32
      %dma_wait3A_39 = tpu.memref_slice %arg3[%dma_wait3A_37, %dma_wait3A_38] : memref<100000x2048xf32, #tpu.memory_space<hbm>> -> memref<100000x2048xf32, #tpu.memory_space<hbm>>
      tpu.wait_indirect_dma semaphore(%arg10 : memref<!tpu.dma_semaphore, #tpu.memory_space<semaphore_mem>>) src(%dma_wait3A_39 : memref<100000x2048xf32, #tpu.memory_space<hbm>>) dst(%arg6 : memref<8x2048xf32, #tpu.memory_space<vmem>>)
      %ge3A = arith.constant 2 : i32
      %ge3A_40 = arith.cmpi sge, %add3A_33, %ge3A : i32
      %convert_element_type3A = arith.extui %ge3A_40 : i1 to i32
      %cond3A = arith.constant 0 : i32
      %cond3A_41 = arith.cmpi ne, %convert_element_type3A, %cond3A : i32
      scf.if %cond3A_41 {
        %mul3A_94 = arith.constant 8 : i32
        %mul3A_95 = arith.muli %add3A_33, %mul3A_94 : i32
        %add3A_96 = arith.addi %mul3A_2, %mul3A_95 : i32
        %dma_wait3A_97 = arith.constant 0 : i32
        %dma_wait3A_98 = tpu.memref_slice %arg4[%add3A_96, %dma_wait3A_97] : memref<16384x2048xf32, #tpu.memory_space<hbm>> -> memref<8x2048xf32, #tpu.memory_space<hbm>>
        %dma_wait3A_99 = arith.constant 0 : i32
        %dma_wait3A_100 = tpu.memref_slice %arg4[%add3A_96, %dma_wait3A_99] : memref<16384x2048xf32, #tpu.memory_space<hbm>> -> memref<8x2048xf32, #tpu.memory_space<hbm>>
        tpu.wait_dma2 semaphore(%arg12 : memref<!tpu.dma_semaphore, #tpu.memory_space<semaphore_mem>>) src(%arg8 : memref<8x2048xf32, #tpu.memory_space<vmem>>) dst(%dma_wait3A_100 : memref<8x2048xf32, #tpu.memory_space<hbm>>)
      } else {
      }
      %scan3A_42 = arith.constant 0 : i32
      %scan3A_43 = arith.constant 0 : i32
      %scan3A_44 = arith.constant 8 : i32
      %scan3A_45 = arith.addi %scan3A_43, %scan3A_44 : i32
      %scan3A_46 = arith.constant 1 : i32
      scf.for %scan3A_94 = %scan3A_43 to %scan3A_45 step %scan3A_46  : i32 {
        %get3A = arith.index_cast %scan3A_94 : i32 to index
        %get3A_95 = arith.constant 0 : index
        %get3A_96 = tpu.vector_load %arg6[%get3A, %get3A_95] {strides = array<i32>} : memref<8x2048xf32, #tpu.memory_space<vmem>>, vector<1x16xf32>,
        %get3A_97 = vector.shape_cast %get3A_96 : vector<1x16xf32> to vector<16xf32>
        %mul3A_98 = arith.constant 45.2548332 : f32
        %mul3A_99 = vector.broadcast %mul3A_98 : f32 to vector<16xf32>
        %mul3A_100 = arith.mulf %get3A_97, %mul3A_99 : vector<16xf32>
        %swap3A = arith.index_cast %scan3A_94 : i32 to index
        %swap3A_101 = arith.constant 0 : index
        %swap3A_102 = tpu.vector_load %arg8[%swap3A, %swap3A_101] {strides = array<i32>} : memref<8x2048xf32, #tpu.memory_space<vmem>>, vector<1x16xf32>,
        %swap3A_103 = vector.shape_cast %swap3A_102 : vector<1x16xf32> to vector<16xf32>
        %swap3A_104 = vector.shape_cast %mul3A_100 : vector<16xf32> to vector<1x16xf32>
        tpu.vector_store %arg8[%swap3A, %swap3A_101], %swap3A_104 {strides = array<i32>} : memref<8x2048xf32, #tpu.memory_space<vmem>>, vector<1x16xf32>,
        %get3A_105 = arith.index_cast %scan3A_94 : i32 to index
        %get3A_106 = arith.constant 16 : index
        %get3A_107 = tpu.vector_load %arg6[%get3A_105, %get3A_106] {strides = array<i32>} : memref<8x2048xf32, #tpu.memory_space<vmem>>, vector<1x16xf32>,
        %get3A_108 = vector.shape_cast %get3A_107 : vector<1x16xf32> to vector<16xf32>
        %mul3A_109 = arith.constant 45.2548332 : f32
        %mul3A_110 = vector.broadcast %mul3A_109 : f32 to vector<16xf32>
        %mul3A_111 = arith.mulf %get3A_108, %mul3A_110 : vector<16xf32>
        %swap3A_112 = arith.index_cast %scan3A_94 : i32 to index
        %swap3A_113 = arith.constant 16 : index
        %swap3A_114 = tpu.vector_load %arg8[%swap3A_112, %swap3A_113] {strides = array<i32>} : memref<8x2048xf32, #tpu.memory_space<vmem>>, vector<1x16xf32>,
        %swap3A_115 = vector.shape_cast %swap3A_114 : vector<1x16xf32> to vector<16xf32>
        %swap3A_116 = vector.shape_cast %mul3A_111 : vector<16xf32> to vector<1x16xf32>
        tpu.vector_store %arg8[%swap3A_112, %swap3A_113], %swap3A_116 {strides = array<i32>} : memref<8x2048xf32, #tpu.memory_space<vmem>>, vector<1x16xf32>,
        %get3A_117 = arith.index_cast %scan3A_94 : i32 to index
        %get3A_118 = arith.constant 32 : index
        %get3A_119 = tpu.vector_load %arg6[%get3A_117, %get3A_118] {strides = array<i32>} : memref<8x2048xf32, #tpu.memory_space<vmem>>, vector<1x16xf32>,
        %get3A_120 = vector.shape_cast %get3A_119 : vector<1x16xf32> to vector<16xf32>
        %mul3A_121 = arith.constant 45.2548332 : f32
        %mul3A_122 = vector.broadcast %mul3A_121 : f32 to vector<16xf32>
        %mul3A_123 = arith.mulf %get3A_120, %mul3A_122 : vector<16xf32>
        %swap3A_124 = arith.index_cast %scan3A_94 : i32 to index
        %swap3A_125 = arith.constant 32 : index
        %swap3A_126 = tpu.vector_load %arg8[%swap3A_124, %swap3A_125] {strides = array<i32>} : memref<8x2048xf32, #tpu.memory_space<vmem>>, vector<1x16xf32>,
        %swap3A_127 = vector.shape_cast %swap3A_126 : vector<1x16xf32> to vector<16xf32>
        %swap3A_128 = vector.shape_cast %mul3A_123 : vector<16xf32> to vector<1x16xf32>
        tpu.vector_store %arg8[%swap3A_124, %swap3A_125], %swap3A_128 {strides = array<i32>} : memref<8x2048xf32, #tpu.memory_space<vmem>>, vector<1x16xf32>,
        %get3A_129 = arith.index_cast %scan3A_94 : i32 to index
        %get3A_130 = arith.constant 48 : index
        %get3A_131 = tpu.vector_load %arg6[%get3A_129, %get3A_130] {strides = array<i32>} : memref<8x2048xf32, #tpu.memory_space<vmem>>, vector<1x16xf32>,
        %get3A_132 = vector.shape_cast %get3A_131 : vector<1x16xf32> to vector<16xf32>
        %mul3A_133 = arith.constant 45.2548332 : f32
        %mul3A_134 = vector.broadcast %mul3A_133 : f32 to vector<16xf32>
        %mul3A_135 = arith.mulf %get3A_132, %mul3A_134 : vector<16xf32>
        %swap3A_136 = arith.index_cast %scan3A_94 : i32 to index
        %swap3A_137 = arith.constant 48 : index
        %swap3A_138 = tpu.vector_load %arg8[%swap3A_136, %swap3A_137] {strides = array<i32>} : memref<8x2048xf32, #tpu.memory_space<vmem>>, vector<1x16xf32>,
        %swap3A_139 = vector.shape_cast %swap3A_138 : vector<1x16xf32> to vector<16xf32>
        %swap3A_140 = vector.shape_cast %mul3A_135 : vector<16xf32> to vector<1x16xf32>
        tpu.vector_store %arg8[%swap3A_136, %swap3A_137], %swap3A_140 {strides = array<i32>} : memref<8x2048xf32, #tpu.memory_space<vmem>>, vector<1x16xf32>,
        %get3A_141 = arith.index_cast %scan3A_94 : i32 to index
        %get3A_142 = arith.constant 64 : index
        %get3A_143 = tpu.vector_load %arg6[%get3A_141, %get3A_142] {strides = array<i32>} : memref<8x2048xf32, #tpu.memory_space<vmem>>, vector<1x16xf32>,
        %get3A_144 = vector.shape_cast %get3A_143 : vector<1x16xf32> to vector<16xf32>
        %mul3A_145 = arith.constant 45.2548332 : f32
        %mul3A_146 = vector.broadcast %mul3A_145 : f32 to vector<16xf32>
        %mul3A_147 = arith.mulf %get3A_144, %mul3A_146 : vector<16xf32>
        %swap3A_148 = arith.index_cast %scan3A_94 : i32 to index
        %swap3A_149 = arith.constant 64 : index
        %swap3A_150 = tpu.vector_load %arg8[%swap3A_148, %swap3A_149] {strides = array<i32>} : memref<8x2048xf32, #tpu.memory_space<vmem>>, vector<1x16xf32>,
        %swap3A_151 = vector.shape_cast %swap3A_150 : vector<1x16xf32> to vector<16xf32>
        %swap3A_152 = vector.shape_cast %mul3A_147 : vector<16xf32> to vector<1x16xf32>
        tpu.vector_store %arg8[%swap3A_148, %swap3A_149], %swap3A_152 {strides = array<i32>} : memref<8x2048xf32, #tpu.memory_space<vmem>>, vector<1x16xf32>,
        %get3A_153 = arith.index_cast %scan3A_94 : i32 to index
        %get3A_154 = arith.constant 80 : index
        %get3A_155 = tpu.vector_load %arg6[%get3A_153, %get3A_154] {strides = array<i32>} : memref<8x2048xf32, #tpu.memory_space<vmem>>, vector<1x16xf32>,
        %get3A_156 = vector.shape_cast %get3A_155 : vector<1x16xf32> to vector<16xf32>
        %mul3A_157 = arith.constant 45.2548332 : f32
        %mul3A_158 = vector.broadcast %mul3A_157 : f32 to vector<16xf32>
        %mul3A_159 = arith.mulf %get3A_156, %mul3A_158 : vector<16xf32>
        %swap3A_160 = arith.index_cast %scan3A_94 : i32 to index
        %swap3A_161 = arith.constant 80 : index
        %swap3A_162 = tpu.vector_load %arg8[%swap3A_160, %swap3A_161] {strides = array<i32>} : memref<8x2048xf32, #tpu.memory_space<vmem>>, vector<1x16xf32>,
        %swap3A_163 = vector.shape_cast %swap3A_162 : vector<1x16xf32> to vector<16xf32>
        %swap3A_164 = vector.shape_cast %mul3A_159 : vector<16xf32> to vector<1x16xf32>
        tpu.vector_store %arg8[%swap3A_160, %swap3A_161], %swap3A_164 {strides = array<i32>} : memref<8x2048xf32, #tpu.memory_space<vmem>>, vector<1x16xf32>,
        %get3A_165 = arith.index_cast %scan3A_94 : i32 to index
        %get3A_166 = arith.constant 96 : index
        %get3A_167 = tpu.vector_load %arg6[%get3A_165, %get3A_166] {strides = array<i32>} : memref<8x2048xf32, #tpu.memory_space<vmem>>, vector<1x16xf32>,
        %get3A_168 = vector.shape_cast %get3A_167 : vector<1x16xf32> to vector<16xf32>
        %mul3A_169 = arith.constant 45.2548332 : f32
        %mul3A_170 = vector.broadcast %mul3A_169 : f32 to vector<16xf32>
        %mul3A_171 = arith.mulf %get3A_168, %mul3A_170 : vector<16xf32>
        %swap3A_172 = arith.index_cast %scan3A_94 : i32 to index
        %swap3A_173 = arith.constant 96 : index
        %swap3A_174 = tpu.vector_load %arg8[%swap3A_172, %swap3A_173] {strides = array<i32>} : memref<8x2048xf32, #tpu.memory_space<vmem>>, vector<1x16xf32>,
        %swap3A_175 = vector.shape_cast %swap3A_174 : vector<1x16xf32> to vector<16xf32>
        %swap3A_176 = vector.shape_cast %mul3A_171 : vector<16xf32> to vector<1x16xf32>
        tpu.vector_store %arg8[%swap3A_172, %swap3A_173], %swap3A_176 {strides = array<i32>} : memref<8x2048xf32, #tpu.memory_space<vmem>>, vector<1x16xf32>,
        %get3A_177 = arith.index_cast %scan3A_94 : i32 to index
        %get3A_178 = arith.constant 112 : index
        %get3A_179 = tpu.vector_load %arg6[%get3A_177, %get3A_178] {strides = array<i32>} : memref<8x2048xf32, #tpu.memory_space<vmem>>, vector<1x16xf32>,
        %get3A_180 = vector.shape_cast %get3A_179 : vector<1x16xf32> to vector<16xf32>
        %mul3A_181 = arith.constant 45.2548332 : f32
        %mul3A_182 = vector.broadcast %mul3A_181 : f32 to vector<16xf32>
        %mul3A_183 = arith.mulf %get3A_180, %mul3A_182 : vector<16xf32>
        %swap3A_184 = arith.index_cast %scan3A_94 : i32 to index
        %swap3A_185 = arith.constant 112 : index
        %swap3A_186 = tpu.vector_load %arg8[%swap3A_184, %swap3A_185] {strides = array<i32>} : memref<8x2048xf32, #tpu.memory_space<vmem>>, vector<1x16xf32>,
        %swap3A_187 = vector.shape_cast %swap3A_186 : vector<1x16xf32> to vector<16xf32>
        %swap3A_188 = vector.shape_cast %mul3A_183 : vector<16xf32> to vector<1x16xf32>
        tpu.vector_store %arg8[%swap3A_184, %swap3A_185], %swap3A_188 {strides = array<i32>} : memref<8x2048xf32, #tpu.memory_space<vmem>>, vector<1x16xf32>,
        %get3A_189 = arith.index_cast %scan3A_94 : i32 to index
        %get3A_190 = arith.constant 128 : index
        %get3A_191 = tpu.vector_load %arg6[%get3A_189, %get3A_190] {strides = array<i32>} : memref<8x2048xf32, #tpu.memory_space<vmem>>, vector<1x16xf32>,
        %get3A_192 = vector.shape_cast %get3A_191 : vector<1x16xf32> to vector<16xf32>
        %mul3A_193 = arith.constant 45.2548332 : f32
        %mul3A_194 = vector.broadcast %mul3A_193 : f32 to vector<16xf32>
        %mul3A_195 = arith.mulf %get3A_192, %mul3A_194 : vector<16xf32>
        %swap3A_196 = arith.index_cast %scan3A_94 : i32 to index
        %swap3A_197 = arith.constant 128 : index
        %swap3A_198 = tpu.vector_load %arg8[%swap3A_196, %swap3A_197] {strides = array<i32>} : memref<8x2048xf32, #tpu.memory_space<vmem>>, vector<1x16xf32>,
        %swap3A_199 = vector.shape_cast %swap3A_198 : vector<1x16xf32> to vector<16xf32>
        %swap3A_200 = vector.shape_cast %mul3A_195 : vector<16xf32> to vector<1x16xf32>
        tpu.vector_store %arg8[%swap3A_196, %swap3A_197], %swap3A_200 {strides = array<i32>} : memref<8x2048xf32, #tpu.memory_space<vmem>>, vector<1x16xf32>,
        %get3A_201 = arith.index_cast %scan3A_94 : i32 to index
        %get3A_202 = arith.constant 144 : index
        %get3A_203 = tpu.vector_load %arg6[%get3A_201, %get3A_202] {strides = array<i32>} : memref<8x2048xf32, #tpu.memory_space<vmem>>, vector<1x16xf32>,
        %get3A_204 = vector.shape_cast %get3A_203 : vector<1x16xf32> to vector<16xf32>
        %mul3A_205 = arith.constant 45.2548332 : f32
        %mul3A_206 = vector.broadcast %mul3A_205 : f32 to vector<16xf32>
        %mul3A_207 = arith.mulf %get3A_204, %mul3A_206 : vector<16xf32>
        %swap3A_208 = arith.index_cast %scan3A_94 : i32 to index
        %swap3A_209 = arith.constant 144 : index
        %swap3A_210 = tpu.vector_load %arg8[%swap3A_208, %swap3A_209] {strides = array<i32>} : memref<8x2048xf32, #tpu.memory_space<vmem>>, vector<1x16xf32>,
        %swap3A_211 = vector.shape_cast %swap3A_210 : vector<1x16xf32> to vector<16xf32>
        %swap3A_212 = vector.shape_cast %mul3A_207 : vector<16xf32> to vector<1x16xf32>
        tpu.vector_store %arg8[%swap3A_208, %swap3A_209], %swap3A_212 {strides = array<i32>} : memref<8x2048xf32, #tpu.memory_space<vmem>>, vector<1x16xf32>,
        %get3A_213 = arith.index_cast %scan3A_94 : i32 to index
        %get3A_214 = arith.constant 160 : index
        %get3A_215 = tpu.vector_load %arg6[%get3A_213, %get3A_214] {strides = array<i32>} : memref<8x2048xf32, #tpu.memory_space<vmem>>, vector<1x16xf32>,
        %get3A_216 = vector.shape_cast %get3A_215 : vector<1x16xf32> to vector<16xf32>
        %mul3A_217 = arith.constant 45.2548332 : f32
        %mul3A_218 = vector.broadcast %mul3A_217 : f32 to vector<16xf32>
        %mul3A_219 = arith.mulf %get3A_216, %mul3A_218 : vector<16xf32>
        %swap3A_220 = arith.index_cast %scan3A_94 : i32 to index
        %swap3A_221 = arith.constant 160 : index
        %swap3A_222 = tpu.vector_load %arg8[%swap3A_220, %swap3A_221] {strides = array<i32>} : memref<8x2048xf32, #tpu.memory_space<vmem>>, vector<1x16xf32>,
        %swap3A_223 = vector.shape_cast %swap3A_222 : vector<1x16xf32> to vector<16xf32>
        %swap3A_224 = vector.shape_cast %mul3A_219 : vector<16xf32> to vector<1x16xf32>
        tpu.vector_store %arg8[%swap3A_220, %swap3A_221], %swap3A_224 {strides = array<i32>} : memref<8x2048xf32, #tpu.memory_space<vmem>>, vector<1x16xf32>,
        %get3A_225 = arith.index_cast %scan3A_94 : i32 to index
        %get3A_226 = arith.constant 176 : index
        %get3A_227 = tpu.vector_load %arg6[%get3A_225, %get3A_226] {strides = array<i32>} : memref<8x2048xf32, #tpu.memory_space<vmem>>, vector<1x16xf32>,
        %get3A_228 = vector.shape_cast %get3A_227 : vector<1x16xf32> to vector<16xf32>
        %mul3A_229 = arith.constant 45.2548332 : f32
        %mul3A_230 = vector.broadcast %mul3A_229 : f32 to vector<16xf32>
        %mul3A_231 = arith.mulf %get3A_228, %mul3A_230 : vector<16xf32>
        %swap3A_232 = arith.index_cast %scan3A_94 : i32 to index
        %swap3A_233 = arith.constant 176 : index
        %swap3A_234 = tpu.vector_load %arg8[%swap3A_232, %swap3A_233] {strides = array<i32>} : memref<8x2048xf32, #tpu.memory_space<vmem>>, vector<1x16xf32>,
        %swap3A_235 = vector.shape_cast %swap3A_234 : vector<1x16xf32> to vector<16xf32>
        %swap3A_236 = vector.shape_cast %mul3A_231 : vector<16xf32> to vector<1x16xf32>
        tpu.vector_store %arg8[%swap3A_232, %swap3A_233], %swap3A_236 {strides = array<i32>} : memref<8x2048xf32, #tpu.memory_space<vmem>>, vector<1x16xf32>,
        %get3A_237 = arith.index_cast %scan3A_94 : i32 to index
        %get3A_238 = arith.constant 192 : index
        %get3A_239 = tpu.vector_load %arg6[%get3A_237, %get3A_238] {strides = array<i32>} : memref<8x2048xf32, #tpu.memory_space<vmem>>, vector<1x16xf32>,
        %get3A_240 = vector.shape_cast %get3A_239 : vector<1x16xf32> to vector<16xf32>
        %mul3A_241 = arith.constant 45.2548332 : f32
        %mul3A_242 = vector.broadcast %mul3A_241 : f32 to vector<16xf32>
        %mul3A_243 = arith.mulf %get3A_240, %mul3A_242 : vector<16xf32>
        %swap3A_244 = arith.index_cast %scan3A_94 : i32 to index
        %swap3A_245 = arith.constant 192 : index
        %swap3A_246 = tpu.vector_load %arg8[%swap3A_244, %swap3A_245] {strides = array<i32>} : memref<8x2048xf32, #tpu.memory_space<vmem>>, vector<1x16xf32>,
        %swap3A_247 = vector.shape_cast %swap3A_246 : vector<1x16xf32> to vector<16xf32>
        %swap3A_248 = vector.shape_cast %mul3A_243 : vector<16xf32> to vector<1x16xf32>
        tpu.vector_store %arg8[%swap3A_244, %swap3A_245], %swap3A_248 {strides = array<i32>} : memref<8x2048xf32, #tpu.memory_space<vmem>>, vector<1x16xf32>,
        %get3A_249 = arith.index_cast %scan3A_94 : i32 to index
        %get3A_250 = arith.constant 208 : index
        %get3A_251 = tpu.vector_load %arg6[%get3A_249, %get3A_250] {strides = array<i32>} : memref<8x2048xf32, #tpu.memory_space<vmem>>, vector<1x16xf32>,
        %get3A_252 = vector.shape_cast %get3A_251 : vector<1x16xf32> to vector<16xf32>
        %mul3A_253 = arith.constant 45.2548332 : f32
        %mul3A_254 = vector.broadcast %mul3A_253 : f32 to vector<16xf32>
        %mul3A_255 = arith.mulf %get3A_252, %mul3A_254 : vector<16xf32>
        %swap3A_256 = arith.index_cast %scan3A_94 : i32 to index
        %swap3A_257 = arith.constant 208 : index
        %swap3A_258 = tpu.vector_load %arg8[%swap3A_256, %swap3A_257] {strides = array<i32>} : memref<8x2048xf32, #tpu.memory_space<vmem>>, vector<1x16xf32>,
        %swap3A_259 = vector.shape_cast %swap3A_258 : vector<1x16xf32> to vector<16xf32>
        %swap3A_260 = vector.shape_cast %mul3A_255 : vector<16xf32> to vector<1x16xf32>
        tpu.vector_store %arg8[%swap3A_256, %swap3A_257], %swap3A_260 {strides = array<i32>} : memref<8x2048xf32, #tpu.memory_space<vmem>>, vector<1x16xf32>,
        %get3A_261 = arith.index_cast %scan3A_94 : i32 to index
        %get3A_262 = arith.constant 224 : index
        %get3A_263 = tpu.vector_load %arg6[%get3A_261, %get3A_262] {strides = array<i32>} : memref<8x2048xf32, #tpu.memory_space<vmem>>, vector<1x16xf32>,
        %get3A_264 = vector.shape_cast %get3A_263 : vector<1x16xf32> to vector<16xf32>
        %mul3A_265 = arith.constant 45.2548332 : f32
        %mul3A_266 = vector.broadcast %mul3A_265 : f32 to vector<16xf32>
        %mul3A_267 = arith.mulf %get3A_264, %mul3A_266 : vector<16xf32>
        %swap3A_268 = arith.index_cast %scan3A_94 : i32 to index
        %swap3A_269 = arith.constant 224 : index
        %swap3A_270 = tpu.vector_load %arg8[%swap3A_268, %swap3A_269] {strides = array<i32>} : memref<8x2048xf32, #tpu.memory_space<vmem>>, vector<1x16xf32>,
        %swap3A_271 = vector.shape_cast %swap3A_270 : vector<1x16xf32> to vector<16xf32>
        %swap3A_272 = vector.shape_cast %mul3A_267 : vector<16xf32> to vector<1x16xf32>
        tpu.vector_store %arg8[%swap3A_268, %swap3A_269], %swap3A_272 {strides = array<i32>} : memref<8x2048xf32, #tpu.memory_space<vmem>>, vector<1x16xf32>,
        %get3A_273 = arith.index_cast %scan3A_94 : i32 to index
        %get3A_274 = arith.constant 240 : index
        %get3A_275 = tpu.vector_load %arg6[%get3A_273, %get3A_274] {strides = array<i32>} : memref<8x2048xf32, #tpu.memory_space<vmem>>, vector<1x16xf32>,
        %get3A_276 = vector.shape_cast %get3A_275 : vector<1x16xf32> to vector<16xf32>
        %mul3A_277 = arith.constant 45.2548332 : f32
        %mul3A_278 = vector.broadcast %mul3A_277 : f32 to vector<16xf32>
        %mul3A_279 = arith.mulf %get3A_276, %mul3A_278 : vector<16xf32>
        %swap3A_280 = arith.index_cast %scan3A_94 : i32 to index
        %swap3A_281 = arith.constant 240 : index
        %swap3A_282 = tpu.vector_load %arg8[%swap3A_280, %swap3A_281] {strides = array<i32>} : memref<8x2048xf32, #tpu.memory_space<vmem>>, vector<1x16xf32>,
        %swap3A_283 = vector.shape_cast %swap3A_282 : vector<1x16xf32> to vector<16xf32>
        %swap3A_284 = vector.shape_cast %mul3A_279 : vector<16xf32> to vector<1x16xf32>
        tpu.vector_store %arg8[%swap3A_280, %swap3A_281], %swap3A_284 {strides = array<i32>} : memref<8x2048xf32, #tpu.memory_space<vmem>>, vector<1x16xf32>,
        %get3A_285 = arith.index_cast %scan3A_94 : i32 to index
        %get3A_286 = arith.constant 256 : index
        %get3A_287 = tpu.vector_load %arg6[%get3A_285, %get3A_286] {strides = array<i32>} : memref<8x2048xf32, #tpu.memory_space<vmem>>, vector<1x16xf32>,
        %get3A_288 = vector.shape_cast %get3A_287 : vector<1x16xf32> to vector<16xf32>
        %mul3A_289 = arith.constant 45.2548332 : f32
        %mul3A_290 = vector.broadcast %mul3A_289 : f32 to vector<16xf32>
        %mul3A_291 = arith.mulf %get3A_288, %mul3A_290 : vector<16xf32>
        %swap3A_292 = arith.index_cast %scan3A_94 : i32 to index
        %swap3A_293 = arith.constant 256 : index
        %swap3A_294 = tpu.vector_load %arg8[%swap3A_292, %swap3A_293] {strides = array<i32>} : memref<8x2048xf32, #tpu.memory_space<vmem>>, vector<1x16xf32>,
        %swap3A_295 = vector.shape_cast %swap3A_294 : vector<1x16xf32> to vector<16xf32>
        %swap3A_296 = vector.shape_cast %mul3A_291 : vector<16xf32> to vector<1x16xf32>
        tpu.vector_store %arg8[%swap3A_292, %swap3A_293], %swap3A_296 {strides = array<i32>} : memref<8x2048xf32, #tpu.memory_space<vmem>>, vector<1x16xf32>,
        %get3A_297 = arith.index_cast %scan3A_94 : i32 to index
        %get3A_298 = arith.constant 272 : index
        %get3A_299 = tpu.vector_load %arg6[%get3A_297, %get3A_298] {strides = array<i32>} : memref<8x2048xf32, #tpu.memory_space<vmem>>, vector<1x16xf32>,
        %get3A_300 = vector.shape_cast %get3A_299 : vector<1x16xf32> to vector<16xf32>
        %mul3A_301 = arith.constant 45.2548332 : f32
        %mul3A_302 = vector.broadcast %mul3A_301 : f32 to vector<16xf32>
        %mul3A_303 = arith.mulf %get3A_300, %mul3A_302 : vector<16xf32>
        %swap3A_304 = arith.index_cast %scan3A_94 : i32 to index
        %swap3A_305 = arith.constant 272 : index
        %swap3A_306 = tpu.vector_load %arg8[%swap3A_304, %swap3A_305] {strides = array<i32>} : memref<8x2048xf32, #tpu.memory_space<vmem>>, vector<1x16xf32>,
        %swap3A_307 = vector.shape_cast %swap3A_306 : vector<1x16xf32> to vector<16xf32>
        %swap3A_308 = vector.shape_cast %mul3A_303 : vector<16xf32> to vector<1x16xf32>
        tpu.vector_store %arg8[%swap3A_304, %swap3A_305], %swap3A_308 {strides = array<i32>} : memref<8x2048xf32, #tpu.memory_space<vmem>>, vector<1x16xf32>,
        %get3A_309 = arith.index_cast %scan3A_94 : i32 to index
        %get3A_310 = arith.constant 288 : index
        %get3A_311 = tpu.vector_load %arg6[%get3A_309, %get3A_310] {strides = array<i32>} : memref<8x2048xf32, #tpu.memory_space<vmem>>, vector<1x16xf32>,
        %get3A_312 = vector.shape_cast %get3A_311 : vector<1x16xf32> to vector<16xf32>
        %mul3A_313 = arith.constant 45.2548332 : f32
        %mul3A_314 = vector.broadcast %mul3A_313 : f32 to vector<16xf32>
        %mul3A_315 = arith.mulf %get3A_312, %mul3A_314 : vector<16xf32>
        %swap3A_316 = arith.index_cast %scan3A_94 : i32 to index
        %swap3A_317 = arith.constant 288 : index
        %swap3A_318 = tpu.vector_load %arg8[%swap3A_316, %swap3A_317] {strides = array<i32>} : memref<8x2048xf32, #tpu.memory_space<vmem>>, vector<1x16xf32>,
        %swap3A_319 = vector.shape_cast %swap3A_318 : vector<1x16xf32> to vector<16xf32>
        %swap3A_320 = vector.shape_cast %mul3A_315 : vector<16xf32> to vector<1x16xf32>
        tpu.vector_store %arg8[%swap3A_316, %swap3A_317], %swap3A_320 {strides = array<i32>} : memref<8x2048xf32, #tpu.memory_space<vmem>>, vector<1x16xf32>,
        %get3A_321 = arith.index_cast %scan3A_94 : i32 to index
        %get3A_322 = arith.constant 304 : index
        %get3A_323 = tpu.vector_load %arg6[%get3A_321, %get3A_322] {strides = array<i32>} : memref<8x2048xf32, #tpu.memory_space<vmem>>, vector<1x16xf32>,
        %get3A_324 = vector.shape_cast %get3A_323 : vector<1x16xf32> to vector<16xf32>
        %mul3A_325 = arith.constant 45.2548332 : f32
        %mul3A_326 = vector.broadcast %mul3A_325 : f32 to vector<16xf32>
        %mul3A_327 = arith.mulf %get3A_324, %mul3A_326 : vector<16xf32>
        %swap3A_328 = arith.index_cast %scan3A_94 : i32 to index
        %swap3A_329 = arith.constant 304 : index
        %swap3A_330 = tpu.vector_load %arg8[%swap3A_328, %swap3A_329] {strides = array<i32>} : memref<8x2048xf32, #tpu.memory_space<vmem>>, vector<1x16xf32>,
        %swap3A_331 = vector.shape_cast %swap3A_330 : vector<1x16xf32> to vector<16xf32>
        %swap3A_332 = vector.shape_cast %mul3A_327 : vector<16xf32> to vector<1x16xf32>
        tpu.vector_store %arg8[%swap3A_328, %swap3A_329], %swap3A_332 {strides = array<i32>} : memref<8x2048xf32, #tpu.memory_space<vmem>>, vector<1x16xf32>,
        %get3A_333 = arith.index_cast %scan3A_94 : i32 to index
        %get3A_334 = arith.constant 320 : index
        %get3A_335 = tpu.vector_load %arg6[%get3A_333, %get3A_334] {strides = array<i32>} : memref<8x2048xf32, #tpu.memory_space<vmem>>, vector<1x16xf32>,
        %get3A_336 = vector.shape_cast %get3A_335 : vector<1x16xf32> to vector<16xf32>
        %mul3A_337 = arith.constant 45.2548332 : f32
        %mul3A_338 = vector.broadcast %mul3A_337 : f32 to vector<16xf32>
        %mul3A_339 = arith.mulf %get3A_336, %mul3A_338 : vector<16xf32>
        %swap3A_340 = arith.index_cast %scan3A_94 : i32 to index
        %swap3A_341 = arith.constant 320 : index
        %swap3A_342 = tpu.vector_load %arg8[%swap3A_340, %swap3A_341] {strides = array<i32>} : memref<8x2048xf32, #tpu.memory_space<vmem>>, vector<1x16xf32>,
        %swap3A_343 = vector.shape_cast %swap3A_342 : vector<1x16xf32> to vector<16xf32>
        %swap3A_344 = vector.shape_cast %mul3A_339 : vector<16xf32> to vector<1x16xf32>
        tpu.vector_store %arg8[%swap3A_340, %swap3A_341], %swap3A_344 {strides = array<i32>} : memref<8x2048xf32, #tpu.memory_space<vmem>>, vector<1x16xf32>,
        %get3A_345 = arith.index_cast %scan3A_94 : i32 to index
        %get3A_346 = arith.constant 336 : index
        %get3A_347 = tpu.vector_load %arg6[%get3A_345, %get3A_346] {strides = array<i32>} : memref<8x2048xf32, #tpu.memory_space<vmem>>, vector<1x16xf32>,
        %get3A_348 = vector.shape_cast %get3A_347 : vector<1x16xf32> to vector<16xf32>
        %mul3A_349 = arith.constant 45.2548332 : f32
        %mul3A_350 = vector.broadcast %mul3A_349 : f32 to vector<16xf32>
        %mul3A_351 = arith.mulf %get3A_348, %mul3A_350 : vector<16xf32>
        %swap3A_352 = arith.index_cast %scan3A_94 : i32 to index
        %swap3A_353 = arith.constant 336 : index
        %swap3A_354 = tpu.vector_load %arg8[%swap3A_352, %swap3A_353] {strides = array<i32>} : memref<8x2048xf32, #tpu.memory_space<vmem>>, vector<1x16xf32>,
        %swap3A_355 = vector.shape_cast %swap3A_354 : vector<1x16xf32> to vector<16xf32>
        %swap3A_356 = vector.shape_cast %mul3A_351 : vector<16xf32> to vector<1x16xf32>
        tpu.vector_store %arg8[%swap3A_352, %swap3A_353], %swap3A_356 {strides = array<i32>} : memref<8x2048xf32, #tpu.memory_space<vmem>>, vector<1x16xf32>,
        %get3A_357 = arith.index_cast %scan3A_94 : i32 to index
        %get3A_358 = arith.constant 352 : index
        %get3A_359 = tpu.vector_load %arg6[%get3A_357, %get3A_358] {strides = array<i32>} : memref<8x2048xf32, #tpu.memory_space<vmem>>, vector<1x16xf32>,
        %get3A_360 = vector.shape_cast %get3A_359 : vector<1x16xf32> to vector<16xf32>
        %mul3A_361 = arith.constant 45.2548332 : f32
        %mul3A_362 = vector.broadcast %mul3A_361 : f32 to vector<16xf32>
        %mul3A_363 = arith.mulf %get3A_360, %mul3A_362 : vector<16xf32>
        %swap3A_364 = arith.index_cast %scan3A_94 : i32 to index
        %swap3A_365 = arith.constant 352 : index
        %swap3A_366 = tpu.vector_load %arg8[%swap3A_364, %swap3A_365] {strides = array<i32>} : memref<8x2048xf32, #tpu.memory_space<vmem>>, vector<1x16xf32>,
        %swap3A_367 = vector.shape_cast %swap3A_366 : vector<1x16xf32> to vector<16xf32>
        %swap3A_368 = vector.shape_cast %mul3A_363 : vector<16xf32> to vector<1x16xf32>
        tpu.vector_store %arg8[%swap3A_364, %swap3A_365], %swap3A_368 {strides = array<i32>} : memref<8x2048xf32, #tpu.memory_space<vmem>>, vector<1x16xf32>,
        %get3A_369 = arith.index_cast %scan3A_94 : i32 to index
        %get3A_370 = arith.constant 368 : index
        %get3A_371 = tpu.vector_load %arg6[%get3A_369, %get3A_370] {strides = array<i32>} : memref<8x2048xf32, #tpu.memory_space<vmem>>, vector<1x16xf32>,
        %get3A_372 = vector.shape_cast %get3A_371 : vector<1x16xf32> to vector<16xf32>
        %mul3A_373 = arith.constant 45.2548332 : f32
        %mul3A_374 = vector.broadcast %mul3A_373 : f32 to vector<16xf32>
        %mul3A_375 = arith.mulf %get3A_372, %mul3A_374 : vector<16xf32>
        %swap3A_376 = arith.index_cast %scan3A_94 : i32 to index
        %swap3A_377 = arith.constant 368 : index
        %swap3A_378 = tpu.vector_load %arg8[%swap3A_376, %swap3A_377] {strides = array<i32>} : memref<8x2048xf32, #tpu.memory_space<vmem>>, vector<1x16xf32>,
        %swap3A_379 = vector.shape_cast %swap3A_378 : vector<1x16xf32> to vector<16xf32>
        %swap3A_380 = vector.shape_cast %mul3A_375 : vector<16xf32> to vector<1x16xf32>
        tpu.vector_store %arg8[%swap3A_376, %swap3A_377], %swap3A_380 {strides = array<i32>} : memref<8x2048xf32, #tpu.memory_space<vmem>>, vector<1x16xf32>,
        %get3A_381 = arith.index_cast %scan3A_94 : i32 to index
        %get3A_382 = arith.constant 384 : index
        %get3A_383 = tpu.vector_load %arg6[%get3A_381, %get3A_382] {strides = array<i32>} : memref<8x2048xf32, #tpu.memory_space<vmem>>, vector<1x16xf32>,
        %get3A_384 = vector.shape_cast %get3A_383 : vector<1x16xf32> to vector<16xf32>
        %mul3A_385 = arith.constant 45.2548332 : f32
        %mul3A_386 = vector.broadcast %mul3A_385 : f32 to vector<16xf32>
        %mul3A_387 = arith.mulf %get3A_384, %mul3A_386 : vector<16xf32>
        %swap3A_388 = arith.index_cast %scan3A_94 : i32 to index
        %swap3A_389 = arith.constant 384 : index
        %swap3A_390 = tpu.vector_load %arg8[%swap3A_388, %swap3A_389] {strides = array<i32>} : memref<8x2048xf32, #tpu.memory_space<vmem>>, vector<1x16xf32>,
        %swap3A_391 = vector.shape_cast %swap3A_390 : vector<1x16xf32> to vector<16xf32>
        %swap3A_392 = vector.shape_cast %mul3A_387 : vector<16xf32> to vector<1x16xf32>
        tpu.vector_store %arg8[%swap3A_388, %swap3A_389], %swap3A_392 {strides = array<i32>} : memref<8x2048xf32, #tpu.memory_space<vmem>>, vector<1x16xf32>,
        %get3A_393 = arith.index_cast %scan3A_94 : i32 to index
        %get3A_394 = arith.constant 400 : index
        %get3A_395 = tpu.vector_load %arg6[%get3A_393, %get3A_394] {strides = array<i32>} : memref<8x2048xf32, #tpu.memory_space<vmem>>, vector<1x16xf32>,
        %get3A_396 = vector.shape_cast %get3A_395 : vector<1x16xf32> to vector<16xf32>
        %mul3A_397 = arith.constant 45.2548332 : f32
        %mul3A_398 = vector.broadcast %mul3A_397 : f32 to vector<16xf32>
        %mul3A_399 = arith.mulf %get3A_396, %mul3A_398 : vector<16xf32>
        %swap3A_400 = arith.index_cast %scan3A_94 : i32 to index
        %swap3A_401 = arith.constant 400 : index
        %swap3A_402 = tpu.vector_load %arg8[%swap3A_400, %swap3A_401] {strides = array<i32>} : memref<8x2048xf32, #tpu.memory_space<vmem>>, vector<1x16xf32>,
        %swap3A_403 = vector.shape_cast %swap3A_402 : vector<1x16xf32> to vector<16xf32>
        %swap3A_404 = vector.shape_cast %mul3A_399 : vector<16xf32> to vector<1x16xf32>
        tpu.vector_store %arg8[%swap3A_400, %swap3A_401], %swap3A_404 {strides = array<i32>} : memref<8x2048xf32, #tpu.memory_space<vmem>>, vector<1x16xf32>,
        %get3A_405 = arith.index_cast %scan3A_94 : i32 to index
        %get3A_406 = arith.constant 416 : index
        %get3A_407 = tpu.vector_load %arg6[%get3A_405, %get3A_406] {strides = array<i32>} : memref<8x2048xf32, #tpu.memory_space<vmem>>, vector<1x16xf32>,
        %get3A_408 = vector.shape_cast %get3A_407 : vector<1x16xf32> to vector<16xf32>
        %mul3A_409 = arith.constant 45.2548332 : f32
        %mul3A_410 = vector.broadcast %mul3A_409 : f32 to vector<16xf32>
        %mul3A_411 = arith.mulf %get3A_408, %mul3A_410 : vector<16xf32>
        %swap3A_412 = arith.index_cast %scan3A_94 : i32 to index
        %swap3A_413 = arith.constant 416 : index
        %swap3A_414 = tpu.vector_load %arg8[%swap3A_412, %swap3A_413] {strides = array<i32>} : memref<8x2048xf32, #tpu.memory_space<vmem>>, vector<1x16xf32>,
        %swap3A_415 = vector.shape_cast %swap3A_414 : vector<1x16xf32> to vector<16xf32>
        %swap3A_416 = vector.shape_cast %mul3A_411 : vector<16xf32> to vector<1x16xf32>
        tpu.vector_store %arg8[%swap3A_412, %swap3A_413], %swap3A_416 {strides = array<i32>} : memref<8x2048xf32, #tpu.memory_space<vmem>>, vector<1x16xf32>,
        %get3A_417 = arith.index_cast %scan3A_94 : i32 to index
        %get3A_418 = arith.constant 432 : index
        %get3A_419 = tpu.vector_load %arg6[%get3A_417, %get3A_418] {strides = array<i32>} : memref<8x2048xf32, #tpu.memory_space<vmem>>, vector<1x16xf32>,
        %get3A_420 = vector.shape_cast %get3A_419 : vector<1x16xf32> to vector<16xf32>
        %mul3A_421 = arith.constant 45.2548332 : f32
        %mul3A_422 = vector.broadcast %mul3A_421 : f32 to vector<16xf32>
        %mul3A_423 = arith.mulf %get3A_420, %mul3A_422 : vector<16xf32>
        %swap3A_424 = arith.index_cast %scan3A_94 : i32 to index
        %swap3A_425 = arith.constant 432 : index
        %swap3A_426 = tpu.vector_load %arg8[%swap3A_424, %swap3A_425] {strides = array<i32>} : memref<8x2048xf32, #tpu.memory_space<vmem>>, vector<1x16xf32>,
        %swap3A_427 = vector.shape_cast %swap3A_426 : vector<1x16xf32> to vector<16xf32>
        %swap3A_428 = vector.shape_cast %mul3A_423 : vector<16xf32> to vector<1x16xf32>
        tpu.vector_store %arg8[%swap3A_424, %swap3A_425], %swap3A_428 {strides = array<i32>} : memref<8x2048xf32, #tpu.memory_space<vmem>>, vector<1x16xf32>,
        %get3A_429 = arith.index_cast %scan3A_94 : i32 to index
        %get3A_430 = arith.constant 448 : index
        %get3A_431 = tpu.vector_load %arg6[%get3A_429, %get3A_430] {strides = array<i32>} : memref<8x2048xf32, #tpu.memory_space<vmem>>, vector<1x16xf32>,
        %get3A_432 = vector.shape_cast %get3A_431 : vector<1x16xf32> to vector<16xf32>
        %mul3A_433 = arith.constant 45.2548332 : f32
        %mul3A_434 = vector.broadcast %mul3A_433 : f32 to vector<16xf32>
        %mul3A_435 = arith.mulf %get3A_432, %mul3A_434 : vector<16xf32>
        %swap3A_436 = arith.index_cast %scan3A_94 : i32 to index
        %swap3A_437 = arith.constant 448 : index
        %swap3A_438 = tpu.vector_load %arg8[%swap3A_436, %swap3A_437] {strides = array<i32>} : memref<8x2048xf32, #tpu.memory_space<vmem>>, vector<1x16xf32>,
        %swap3A_439 = vector.shape_cast %swap3A_438 : vector<1x16xf32> to vector<16xf32>
        %swap3A_440 = vector.shape_cast %mul3A_435 : vector<16xf32> to vector<1x16xf32>
        tpu.vector_store %arg8[%swap3A_436, %swap3A_437], %swap3A_440 {strides = array<i32>} : memref<8x2048xf32, #tpu.memory_space<vmem>>, vector<1x16xf32>,
        %get3A_441 = arith.index_cast %scan3A_94 : i32 to index
        %get3A_442 = arith.constant 464 : index
        %get3A_443 = tpu.vector_load %arg6[%get3A_441, %get3A_442] {strides = array<i32>} : memref<8x2048xf32, #tpu.memory_space<vmem>>, vector<1x16xf32>,
        %get3A_444 = vector.shape_cast %get3A_443 : vector<1x16xf32> to vector<16xf32>
        %mul3A_445 = arith.constant 45.2548332 : f32
        %mul3A_446 = vector.broadcast %mul3A_445 : f32 to vector<16xf32>
        %mul3A_447 = arith.mulf %get3A_444, %mul3A_446 : vector<16xf32>
        %swap3A_448 = arith.index_cast %scan3A_94 : i32 to index
        %swap3A_449 = arith.constant 464 : index
        %swap3A_450 = tpu.vector_load %arg8[%swap3A_448, %swap3A_449] {strides = array<i32>} : memref<8x2048xf32, #tpu.memory_space<vmem>>, vector<1x16xf32>,
        %swap3A_451 = vector.shape_cast %swap3A_450 : vector<1x16xf32> to vector<16xf32>
        %swap3A_452 = vector.shape_cast %mul3A_447 : vector<16xf32> to vector<1x16xf32>
        tpu.vector_store %arg8[%swap3A_448, %swap3A_449], %swap3A_452 {strides = array<i32>} : memref<8x2048xf32, #tpu.memory_space<vmem>>, vector<1x16xf32>,
        %get3A_453 = arith.index_cast %scan3A_94 : i32 to index
        %get3A_454 = arith.constant 480 : index
        %get3A_455 = tpu.vector_load %arg6[%get3A_453, %get3A_454] {strides = array<i32>} : memref<8x2048xf32, #tpu.memory_space<vmem>>, vector<1x16xf32>,
        %get3A_456 = vector.shape_cast %get3A_455 : vector<1x16xf32> to vector<16xf32>
        %mul3A_457 = arith.constant 45.2548332 : f32
        %mul3A_458 = vector.broadcast %mul3A_457 : f32 to vector<16xf32>
        %mul3A_459 = arith.mulf %get3A_456, %mul3A_458 : vector<16xf32>
        %swap3A_460 = arith.index_cast %scan3A_94 : i32 to index
        %swap3A_461 = arith.constant 480 : index
        %swap3A_462 = tpu.vector_load %arg8[%swap3A_460, %swap3A_461] {strides = array<i32>} : memref<8x2048xf32, #tpu.memory_space<vmem>>, vector<1x16xf32>,
        %swap3A_463 = vector.shape_cast %swap3A_462 : vector<1x16xf32> to vector<16xf32>
        %swap3A_464 = vector.shape_cast %mul3A_459 : vector<16xf32> to vector<1x16xf32>
        tpu.vector_store %arg8[%swap3A_460, %swap3A_461], %swap3A_464 {strides = array<i32>} : memref<8x2048xf32, #tpu.memory_space<vmem>>, vector<1x16xf32>,
        %get3A_465 = arith.index_cast %scan3A_94 : i32 to index
        %get3A_466 = arith.constant 496 : index
        %get3A_467 = tpu.vector_load %arg6[%get3A_465, %get3A_466] {strides = array<i32>} : memref<8x2048xf32, #tpu.memory_space<vmem>>, vector<1x16xf32>,
        %get3A_468 = vector.shape_cast %get3A_467 : vector<1x16xf32> to vector<16xf32>
        %mul3A_469 = arith.constant 45.2548332 : f32
        %mul3A_470 = vector.broadcast %mul3A_469 : f32 to vector<16xf32>
        %mul3A_471 = arith.mulf %get3A_468, %mul3A_470 : vector<16xf32>
        %swap3A_472 = arith.index_cast %scan3A_94 : i32 to index
        %swap3A_473 = arith.constant 496 : index
        %swap3A_474 = tpu.vector_load %arg8[%swap3A_472, %swap3A_473] {strides = array<i32>} : memref<8x2048xf32, #tpu.memory_space<vmem>>, vector<1x16xf32>,
        %swap3A_475 = vector.shape_cast %swap3A_474 : vector<1x16xf32> to vector<16xf32>
        %swap3A_476 = vector.shape_cast %mul3A_471 : vector<16xf32> to vector<1x16xf32>
        tpu.vector_store %arg8[%swap3A_472, %swap3A_473], %swap3A_476 {strides = array<i32>} : memref<8x2048xf32, #tpu.memory_space<vmem>>, vector<1x16xf32>,
        %get3A_477 = arith.index_cast %scan3A_94 : i32 to index
        %get3A_478 = arith.constant 512 : index
        %get3A_479 = tpu.vector_load %arg6[%get3A_477, %get3A_478] {strides = array<i32>} : memref<8x2048xf32, #tpu.memory_space<vmem>>, vector<1x16xf32>,
        %get3A_480 = vector.shape_cast %get3A_479 : vector<1x16xf32> to vector<16xf32>
        %mul3A_481 = arith.constant 45.2548332 : f32
        %mul3A_482 = vector.broadcast %mul3A_481 : f32 to vector<16xf32>
        %mul3A_483 = arith.mulf %get3A_480, %mul3A_482 : vector<16xf32>
        %swap3A_484 = arith.index_cast %scan3A_94 : i32 to index
        %swap3A_485 = arith.constant 512 : index
        %swap3A_486 = tpu.vector_load %arg8[%swap3A_484, %swap3A_485] {strides = array<i32>} : memref<8x2048xf32, #tpu.memory_space<vmem>>, vector<1x16xf32>,
        %swap3A_487 = vector.shape_cast %swap3A_486 : vector<1x16xf32> to vector<16xf32>
        %swap3A_488 = vector.shape_cast %mul3A_483 : vector<16xf32> to vector<1x16xf32>
        tpu.vector_store %arg8[%swap3A_484, %swap3A_485], %swap3A_488 {strides = array<i32>} : memref<8x2048xf32, #tpu.memory_space<vmem>>, vector<1x16xf32>,
        %get3A_489 = arith.index_cast %scan3A_94 : i32 to index
        %get3A_490 = arith.constant 528 : index
        %get3A_491 = tpu.vector_load %arg6[%get3A_489, %get3A_490] {strides = array<i32>} : memref<8x2048xf32, #tpu.memory_space<vmem>>, vector<1x16xf32>,
        %get3A_492 = vector.shape_cast %get3A_491 : vector<1x16xf32> to vector<16xf32>
        %mul3A_493 = arith.constant 45.2548332 : f32
        %mul3A_494 = vector.broadcast %mul3A_493 : f32 to vector<16xf32>
        %mul3A_495 = arith.mulf %get3A_492, %mul3A_494 : vector<16xf32>
        %swap3A_496 = arith.index_cast %scan3A_94 : i32 to index
        %swap3A_497 = arith.constant 528 : index
        %swap3A_498 = tpu.vector_load %arg8[%swap3A_496, %swap3A_497] {strides = array<i32>} : memref<8x2048xf32, #tpu.memory_space<vmem>>, vector<1x16xf32>,
        %swap3A_499 = vector.shape_cast %swap3A_498 : vector<1x16xf32> to vector<16xf32>
        %swap3A_500 = vector.shape_cast %mul3A_495 : vector<16xf32> to vector<1x16xf32>
        tpu.vector_store %arg8[%swap3A_496, %swap3A_497], %swap3A_500 {strides = array<i32>} : memref<8x2048xf32, #tpu.memory_space<vmem>>, vector<1x16xf32>,
        %get3A_501 = arith.index_cast %scan3A_94 : i32 to index
        %get3A_502 = arith.constant 544 : index
        %get3A_503 = tpu.vector_load %arg6[%get3A_501, %get3A_502] {strides = array<i32>} : memref<8x2048xf32, #tpu.memory_space<vmem>>, vector<1x16xf32>,
        %get3A_504 = vector.shape_cast %get3A_503 : vector<1x16xf32> to vector<16xf32>
        %mul3A_505 = arith.constant 45.2548332 : f32
        %mul3A_506 = vector.broadcast %mul3A_505 : f32 to vector<16xf32>
        %mul3A_507 = arith.mulf %get3A_504, %mul3A_506 : vector<16xf32>
        %swap3A_508 = arith.index_cast %scan3A_94 : i32 to index
        %swap3A_509 = arith.constant 544 : index
        %swap3A_510 = tpu.vector_load %arg8[%swap3A_508, %swap3A_509] {strides = array<i32>} : memref<8x2048xf32, #tpu.memory_space<vmem>>, vector<1x16xf32>,
        %swap3A_511 = vector.shape_cast %swap3A_510 : vector<1x16xf32> to vector<16xf32>
        %swap3A_512 = vector.shape_cast %mul3A_507 : vector<16xf32> to vector<1x16xf32>
        tpu.vector_store %arg8[%swap3A_508, %swap3A_509], %swap3A_512 {strides = array<i32>} : memref<8x2048xf32, #tpu.memory_space<vmem>>, vector<1x16xf32>,
        %get3A_513 = arith.index_cast %scan3A_94 : i32 to index
        %get3A_514 = arith.constant 560 : index
        %get3A_515 = tpu.vector_load %arg6[%get3A_513, %get3A_514] {strides = array<i32>} : memref<8x2048xf32, #tpu.memory_space<vmem>>, vector<1x16xf32>,
        %get3A_516 = vector.shape_cast %get3A_515 : vector<1x16xf32> to vector<16xf32>
        %mul3A_517 = arith.constant 45.2548332 : f32
        %mul3A_518 = vector.broadcast %mul3A_517 : f32 to vector<16xf32>
        %mul3A_519 = arith.mulf %get3A_516, %mul3A_518 : vector<16xf32>
        %swap3A_520 = arith.index_cast %scan3A_94 : i32 to index
        %swap3A_521 = arith.constant 560 : index
        %swap3A_522 = tpu.vector_load %arg8[%swap3A_520, %swap3A_521] {strides = array<i32>} : memref<8x2048xf32, #tpu.memory_space<vmem>>, vector<1x16xf32>,
        %swap3A_523 = vector.shape_cast %swap3A_522 : vector<1x16xf32> to vector<16xf32>
        %swap3A_524 = vector.shape_cast %mul3A_519 : vector<16xf32> to vector<1x16xf32>
        tpu.vector_store %arg8[%swap3A_520, %swap3A_521], %swap3A_524 {strides = array<i32>} : memref<8x2048xf32, #tpu.memory_space<vmem>>, vector<1x16xf32>,
        %get3A_525 = arith.index_cast %scan3A_94 : i32 to index
        %get3A_526 = arith.constant 576 : index
        %get3A_527 = tpu.vector_load %arg6[%get3A_525, %get3A_526] {strides = array<i32>} : memref<8x2048xf32, #tpu.memory_space<vmem>>, vector<1x16xf32>,
        %get3A_528 = vector.shape_cast %get3A_527 : vector<1x16xf32> to vector<16xf32>
        %mul3A_529 = arith.constant 45.2548332 : f32
        %mul3A_530 = vector.broadcast %mul3A_529 : f32 to vector<16xf32>
        %mul3A_531 = arith.mulf %get3A_528, %mul3A_530 : vector<16xf32>
        %swap3A_532 = arith.index_cast %scan3A_94 : i32 to index
        %swap3A_533 = arith.constant 576 : index
        %swap3A_534 = tpu.vector_load %arg8[%swap3A_532, %swap3A_533] {strides = array<i32>} : memref<8x2048xf32, #tpu.memory_space<vmem>>, vector<1x16xf32>,
        %swap3A_535 = vector.shape_cast %swap3A_534 : vector<1x16xf32> to vector<16xf32>
        %swap3A_536 = vector.shape_cast %mul3A_531 : vector<16xf32> to vector<1x16xf32>
        tpu.vector_store %arg8[%swap3A_532, %swap3A_533], %swap3A_536 {strides = array<i32>} : memref<8x2048xf32, #tpu.memory_space<vmem>>, vector<1x16xf32>,
        %get3A_537 = arith.index_cast %scan3A_94 : i32 to index
        %get3A_538 = arith.constant 592 : index
        %get3A_539 = tpu.vector_load %arg6[%get3A_537, %get3A_538] {strides = array<i32>} : memref<8x2048xf32, #tpu.memory_space<vmem>>, vector<1x16xf32>,
        %get3A_540 = vector.shape_cast %get3A_539 : vector<1x16xf32> to vector<16xf32>
        %mul3A_541 = arith.constant 45.2548332 : f32
        %mul3A_542 = vector.broadcast %mul3A_541 : f32 to vector<16xf32>
        %mul3A_543 = arith.mulf %get3A_540, %mul3A_542 : vector<16xf32>
        %swap3A_544 = arith.index_cast %scan3A_94 : i32 to index
        %swap3A_545 = arith.constant 592 : index
        %swap3A_546 = tpu.vector_load %arg8[%swap3A_544, %swap3A_545] {strides = array<i32>} : memref<8x2048xf32, #tpu.memory_space<vmem>>, vector<1x16xf32>,
        %swap3A_547 = vector.shape_cast %swap3A_546 : vector<1x16xf32> to vector<16xf32>
        %swap3A_548 = vector.shape_cast %mul3A_543 : vector<16xf32> to vector<1x16xf32>
        tpu.vector_store %arg8[%swap3A_544, %swap3A_545], %swap3A_548 {strides = array<i32>} : memref<8x2048xf32, #tpu.memory_space<vmem>>, vector<1x16xf32>,
        %get3A_549 = arith.index_cast %scan3A_94 : i32 to index
        %get3A_550 = arith.constant 608 : index
        %get3A_551 = tpu.vector_load %arg6[%get3A_549, %get3A_550] {strides = array<i32>} : memref<8x2048xf32, #tpu.memory_space<vmem>>, vector<1x16xf32>,
        %get3A_552 = vector.shape_cast %get3A_551 : vector<1x16xf32> to vector<16xf32>
        %mul3A_553 = arith.constant 45.2548332 : f32
        %mul3A_554 = vector.broadcast %mul3A_553 : f32 to vector<16xf32>
        %mul3A_555 = arith.mulf %get3A_552, %mul3A_554 : vector<16xf32>
        %swap3A_556 = arith.index_cast %scan3A_94 : i32 to index
        %swap3A_557 = arith.constant 608 : index
        %swap3A_558 = tpu.vector_load %arg8[%swap3A_556, %swap3A_557] {strides = array<i32>} : memref<8x2048xf32, #tpu.memory_space<vmem>>, vector<1x16xf32>,
        %swap3A_559 = vector.shape_cast %swap3A_558 : vector<1x16xf32> to vector<16xf32>
        %swap3A_560 = vector.shape_cast %mul3A_555 : vector<16xf32> to vector<1x16xf32>
        tpu.vector_store %arg8[%swap3A_556, %swap3A_557], %swap3A_560 {strides = array<i32>} : memref<8x2048xf32, #tpu.memory_space<vmem>>, vector<1x16xf32>,
        %get3A_561 = arith.index_cast %scan3A_94 : i32 to index
        %get3A_562 = arith.constant 624 : index
        %get3A_563 = tpu.vector_load %arg6[%get3A_561, %get3A_562] {strides = array<i32>} : memref<8x2048xf32, #tpu.memory_space<vmem>>, vector<1x16xf32>,
        %get3A_564 = vector.shape_cast %get3A_563 : vector<1x16xf32> to vector<16xf32>
        %mul3A_565 = arith.constant 45.2548332 : f32
        %mul3A_566 = vector.broadcast %mul3A_565 : f32 to vector<16xf32>
        %mul3A_567 = arith.mulf %get3A_564, %mul3A_566 : vector<16xf32>
        %swap3A_568 = arith.index_cast %scan3A_94 : i32 to index
        %swap3A_569 = arith.constant 624 : index
        %swap3A_570 = tpu.vector_load %arg8[%swap3A_568, %swap3A_569] {strides = array<i32>} : memref<8x2048xf32, #tpu.memory_space<vmem>>, vector<1x16xf32>,
        %swap3A_571 = vector.shape_cast %swap3A_570 : vector<1x16xf32> to vector<16xf32>
        %swap3A_572 = vector.shape_cast %mul3A_567 : vector<16xf32> to vector<1x16xf32>
        tpu.vector_store %arg8[%swap3A_568, %swap3A_569], %swap3A_572 {strides = array<i32>} : memref<8x2048xf32, #tpu.memory_space<vmem>>, vector<1x16xf32>,
        %get3A_573 = arith.index_cast %scan3A_94 : i32 to index
        %get3A_574 = arith.constant 640 : index
        %get3A_575 = tpu.vector_load %arg6[%get3A_573, %get3A_574] {strides = array<i32>} : memref<8x2048xf32, #tpu.memory_space<vmem>>, vector<1x16xf32>,
        %get3A_576 = vector.shape_cast %get3A_575 : vector<1x16xf32> to vector<16xf32>
        %mul3A_577 = arith.constant 45.2548332 : f32
        %mul3A_578 = vector.broadcast %mul3A_577 : f32 to vector<16xf32>
        %mul3A_579 = arith.mulf %get3A_576, %mul3A_578 : vector<16xf32>
        %swap3A_580 = arith.index_cast %scan3A_94 : i32 to index
        %swap3A_581 = arith.constant 640 : index
        %swap3A_582 = tpu.vector_load %arg8[%swap3A_580, %swap3A_581] {strides = array<i32>} : memref<8x2048xf32, #tpu.memory_space<vmem>>, vector<1x16xf32>,
        %swap3A_583 = vector.shape_cast %swap3A_582 : vector<1x16xf32> to vector<16xf32>
        %swap3A_584 = vector.shape_cast %mul3A_579 : vector<16xf32> to vector<1x16xf32>
        tpu.vector_store %arg8[%swap3A_580, %swap3A_581], %swap3A_584 {strides = array<i32>} : memref<8x2048xf32, #tpu.memory_space<vmem>>, vector<1x16xf32>,
        %get3A_585 = arith.index_cast %scan3A_94 : i32 to index
        %get3A_586 = arith.constant 656 : index
        %get3A_587 = tpu.vector_load %arg6[%get3A_585, %get3A_586] {strides = array<i32>} : memref<8x2048xf32, #tpu.memory_space<vmem>>, vector<1x16xf32>,
        %get3A_588 = vector.shape_cast %get3A_587 : vector<1x16xf32> to vector<16xf32>
        %mul3A_589 = arith.constant 45.2548332 : f32
        %mul3A_590 = vector.broadcast %mul3A_589 : f32 to vector<16xf32>
        %mul3A_591 = arith.mulf %get3A_588, %mul3A_590 : vector<16xf32>
        %swap3A_592 = arith.index_cast %scan3A_94 : i32 to index
        %swap3A_593 = arith.constant 656 : index
        %swap3A_594 = tpu.vector_load %arg8[%swap3A_592, %swap3A_593] {strides = array<i32>} : memref<8x2048xf32, #tpu.memory_space<vmem>>, vector<1x16xf32>,
        %swap3A_595 = vector.shape_cast %swap3A_594 : vector<1x16xf32> to vector<16xf32>
        %swap3A_596 = vector.shape_cast %mul3A_591 : vector<16xf32> to vector<1x16xf32>
        tpu.vector_store %arg8[%swap3A_592, %swap3A_593], %swap3A_596 {strides = array<i32>} : memref<8x2048xf32, #tpu.memory_space<vmem>>, vector<1x16xf32>,
        %get3A_597 = arith.index_cast %scan3A_94 : i32 to index
        %get3A_598 = arith.constant 672 : index
        %get3A_599 = tpu.vector_load %arg6[%get3A_597, %get3A_598] {strides = array<i32>} : memref<8x2048xf32, #tpu.memory_space<vmem>>, vector<1x16xf32>,
        %get3A_600 = vector.shape_cast %get3A_599 : vector<1x16xf32> to vector<16xf32>
        %mul3A_601 = arith.constant 45.2548332 : f32
        %mul3A_602 = vector.broadcast %mul3A_601 : f32 to vector<16xf32>
        %mul3A_603 = arith.mulf %get3A_600, %mul3A_602 : vector<16xf32>
        %swap3A_604 = arith.index_cast %scan3A_94 : i32 to index
        %swap3A_605 = arith.constant 672 : index
        %swap3A_606 = tpu.vector_load %arg8[%swap3A_604, %swap3A_605] {strides = array<i32>} : memref<8x2048xf32, #tpu.memory_space<vmem>>, vector<1x16xf32>,
        %swap3A_607 = vector.shape_cast %swap3A_606 : vector<1x16xf32> to vector<16xf32>
        %swap3A_608 = vector.shape_cast %mul3A_603 : vector<16xf32> to vector<1x16xf32>
        tpu.vector_store %arg8[%swap3A_604, %swap3A_605], %swap3A_608 {strides = array<i32>} : memref<8x2048xf32, #tpu.memory_space<vmem>>, vector<1x16xf32>,
        %get3A_609 = arith.index_cast %scan3A_94 : i32 to index
        %get3A_610 = arith.constant 688 : index
        %get3A_611 = tpu.vector_load %arg6[%get3A_609, %get3A_610] {strides = array<i32>} : memref<8x2048xf32, #tpu.memory_space<vmem>>, vector<1x16xf32>,
        %get3A_612 = vector.shape_cast %get3A_611 : vector<1x16xf32> to vector<16xf32>
        %mul3A_613 = arith.constant 45.2548332 : f32
        %mul3A_614 = vector.broadcast %mul3A_613 : f32 to vector<16xf32>
        %mul3A_615 = arith.mulf %get3A_612, %mul3A_614 : vector<16xf32>
        %swap3A_616 = arith.index_cast %scan3A_94 : i32 to index
        %swap3A_617 = arith.constant 688 : index
        %swap3A_618 = tpu.vector_load %arg8[%swap3A_616, %swap3A_617] {strides = array<i32>} : memref<8x2048xf32, #tpu.memory_space<vmem>>, vector<1x16xf32>,
        %swap3A_619 = vector.shape_cast %swap3A_618 : vector<1x16xf32> to vector<16xf32>
        %swap3A_620 = vector.shape_cast %mul3A_615 : vector<16xf32> to vector<1x16xf32>
        tpu.vector_store %arg8[%swap3A_616, %swap3A_617], %swap3A_620 {strides = array<i32>} : memref<8x2048xf32, #tpu.memory_space<vmem>>, vector<1x16xf32>,
        %get3A_621 = arith.index_cast %scan3A_94 : i32 to index
        %get3A_622 = arith.constant 704 : index
        %get3A_623 = tpu.vector_load %arg6[%get3A_621, %get3A_622] {strides = array<i32>} : memref<8x2048xf32, #tpu.memory_space<vmem>>, vector<1x16xf32>,
        %get3A_624 = vector.shape_cast %get3A_623 : vector<1x16xf32> to vector<16xf32>
        %mul3A_625 = arith.constant 45.2548332 : f32
        %mul3A_626 = vector.broadcast %mul3A_625 : f32 to vector<16xf32>
        %mul3A_627 = arith.mulf %get3A_624, %mul3A_626 : vector<16xf32>
        %swap3A_628 = arith.index_cast %scan3A_94 : i32 to index
        %swap3A_629 = arith.constant 704 : index
        %swap3A_630 = tpu.vector_load %arg8[%swap3A_628, %swap3A_629] {strides = array<i32>} : memref<8x2048xf32, #tpu.memory_space<vmem>>, vector<1x16xf32>,
        %swap3A_631 = vector.shape_cast %swap3A_630 : vector<1x16xf32> to vector<16xf32>
        %swap3A_632 = vector.shape_cast %mul3A_627 : vector<16xf32> to vector<1x16xf32>
        tpu.vector_store %arg8[%swap3A_628, %swap3A_629], %swap3A_632 {strides = array<i32>} : memref<8x2048xf32, #tpu.memory_space<vmem>>, vector<1x16xf32>,
        %get3A_633 = arith.index_cast %scan3A_94 : i32 to index
        %get3A_634 = arith.constant 720 : index
        %get3A_635 = tpu.vector_load %arg6[%get3A_633, %get3A_634] {strides = array<i32>} : memref<8x2048xf32, #tpu.memory_space<vmem>>, vector<1x16xf32>,
        %get3A_636 = vector.shape_cast %get3A_635 : vector<1x16xf32> to vector<16xf32>
        %mul3A_637 = arith.constant 45.2548332 : f32
        %mul3A_638 = vector.broadcast %mul3A_637 : f32 to vector<16xf32>
        %mul3A_639 = arith.mulf %get3A_636, %mul3A_638 : vector<16xf32>
        %swap3A_640 = arith.index_cast %scan3A_94 : i32 to index
        %swap3A_641 = arith.constant 720 : index
        %swap3A_642 = tpu.vector_load %arg8[%swap3A_640, %swap3A_641] {strides = array<i32>} : memref<8x2048xf32, #tpu.memory_space<vmem>>, vector<1x16xf32>,
        %swap3A_643 = vector.shape_cast %swap3A_642 : vector<1x16xf32> to vector<16xf32>
        %swap3A_644 = vector.shape_cast %mul3A_639 : vector<16xf32> to vector<1x16xf32>
        tpu.vector_store %arg8[%swap3A_640, %swap3A_641], %swap3A_644 {strides = array<i32>} : memref<8x2048xf32, #tpu.memory_space<vmem>>, vector<1x16xf32>,
        %get3A_645 = arith.index_cast %scan3A_94 : i32 to index
        %get3A_646 = arith.constant 736 : index
        %get3A_647 = tpu.vector_load %arg6[%get3A_645, %get3A_646] {strides = array<i32>} : memref<8x2048xf32, #tpu.memory_space<vmem>>, vector<1x16xf32>,
        %get3A_648 = vector.shape_cast %get3A_647 : vector<1x16xf32> to vector<16xf32>
        %mul3A_649 = arith.constant 45.2548332 : f32
        %mul3A_650 = vector.broadcast %mul3A_649 : f32 to vector<16xf32>
        %mul3A_651 = arith.mulf %get3A_648, %mul3A_650 : vector<16xf32>
        %swap3A_652 = arith.index_cast %scan3A_94 : i32 to index
        %swap3A_653 = arith.constant 736 : index
        %swap3A_654 = tpu.vector_load %arg8[%swap3A_652, %swap3A_653] {strides = array<i32>} : memref<8x2048xf32, #tpu.memory_space<vmem>>, vector<1x16xf32>,
        %swap3A_655 = vector.shape_cast %swap3A_654 : vector<1x16xf32> to vector<16xf32>
        %swap3A_656 = vector.shape_cast %mul3A_651 : vector<16xf32> to vector<1x16xf32>
        tpu.vector_store %arg8[%swap3A_652, %swap3A_653], %swap3A_656 {strides = array<i32>} : memref<8x2048xf32, #tpu.memory_space<vmem>>, vector<1x16xf32>,
        %get3A_657 = arith.index_cast %scan3A_94 : i32 to index
        %get3A_658 = arith.constant 752 : index
        %get3A_659 = tpu.vector_load %arg6[%get3A_657, %get3A_658] {strides = array<i32>} : memref<8x2048xf32, #tpu.memory_space<vmem>>, vector<1x16xf32>,
        %get3A_660 = vector.shape_cast %get3A_659 : vector<1x16xf32> to vector<16xf32>
        %mul3A_661 = arith.constant 45.2548332 : f32
        %mul3A_662 = vector.broadcast %mul3A_661 : f32 to vector<16xf32>
        %mul3A_663 = arith.mulf %get3A_660, %mul3A_662 : vector<16xf32>
        %swap3A_664 = arith.index_cast %scan3A_94 : i32 to index
        %swap3A_665 = arith.constant 752 : index
        %swap3A_666 = tpu.vector_load %arg8[%swap3A_664, %swap3A_665] {strides = array<i32>} : memref<8x2048xf32, #tpu.memory_space<vmem>>, vector<1x16xf32>,
        %swap3A_667 = vector.shape_cast %swap3A_666 : vector<1x16xf32> to vector<16xf32>
        %swap3A_668 = vector.shape_cast %mul3A_663 : vector<16xf32> to vector<1x16xf32>
        tpu.vector_store %arg8[%swap3A_664, %swap3A_665], %swap3A_668 {strides = array<i32>} : memref<8x2048xf32, #tpu.memory_space<vmem>>, vector<1x16xf32>,
        %get3A_669 = arith.index_cast %scan3A_94 : i32 to index
        %get3A_670 = arith.constant 768 : index
        %get3A_671 = tpu.vector_load %arg6[%get3A_669, %get3A_670] {strides = array<i32>} : memref<8x2048xf32, #tpu.memory_space<vmem>>, vector<1x16xf32>,
        %get3A_672 = vector.shape_cast %get3A_671 : vector<1x16xf32> to vector<16xf32>
        %mul3A_673 = arith.constant 45.2548332 : f32
        %mul3A_674 = vector.broadcast %mul3A_673 : f32 to vector<16xf32>
        %mul3A_675 = arith.mulf %get3A_672, %mul3A_674 : vector<16xf32>
        %swap3A_676 = arith.index_cast %scan3A_94 : i32 to index
        %swap3A_677 = arith.constant 768 : index
        %swap3A_678 = tpu.vector_load %arg8[%swap3A_676, %swap3A_677] {strides = array<i32>} : memref<8x2048xf32, #tpu.memory_space<vmem>>, vector<1x16xf32>,
        %swap3A_679 = vector.shape_cast %swap3A_678 : vector<1x16xf32> to vector<16xf32>
        %swap3A_680 = vector.shape_cast %mul3A_675 : vector<16xf32> to vector<1x16xf32>
        tpu.vector_store %arg8[%swap3A_676, %swap3A_677], %swap3A_680 {strides = array<i32>} : memref<8x2048xf32, #tpu.memory_space<vmem>>, vector<1x16xf32>,
        %get3A_681 = arith.index_cast %scan3A_94 : i32 to index
        %get3A_682 = arith.constant 784 : index
        %get3A_683 = tpu.vector_load %arg6[%get3A_681, %get3A_682] {strides = array<i32>} : memref<8x2048xf32, #tpu.memory_space<vmem>>, vector<1x16xf32>,
        %get3A_684 = vector.shape_cast %get3A_683 : vector<1x16xf32> to vector<16xf32>
        %mul3A_685 = arith.constant 45.2548332 : f32
        %mul3A_686 = vector.broadcast %mul3A_685 : f32 to vector<16xf32>
        %mul3A_687 = arith.mulf %get3A_684, %mul3A_686 : vector<16xf32>
        %swap3A_688 = arith.index_cast %scan3A_94 : i32 to index
        %swap3A_689 = arith.constant 784 : index
        %swap3A_690 = tpu.vector_load %arg8[%swap3A_688, %swap3A_689] {strides = array<i32>} : memref<8x2048xf32, #tpu.memory_space<vmem>>, vector<1x16xf32>,
        %swap3A_691 = vector.shape_cast %swap3A_690 : vector<1x16xf32> to vector<16xf32>
        %swap3A_692 = vector.shape_cast %mul3A_687 : vector<16xf32> to vector<1x16xf32>
        tpu.vector_store %arg8[%swap3A_688, %swap3A_689], %swap3A_692 {strides = array<i32>} : memref<8x2048xf32, #tpu.memory_space<vmem>>, vector<1x16xf32>,
        %get3A_693 = arith.index_cast %scan3A_94 : i32 to index
        %get3A_694 = arith.constant 800 : index
        %get3A_695 = tpu.vector_load %arg6[%get3A_693, %get3A_694] {strides = array<i32>} : memref<8x2048xf32, #tpu.memory_space<vmem>>, vector<1x16xf32>,
        %get3A_696 = vector.shape_cast %get3A_695 : vector<1x16xf32> to vector<16xf32>
        %mul3A_697 = arith.constant 45.2548332 : f32
        %mul3A_698 = vector.broadcast %mul3A_697 : f32 to vector<16xf32>
        %mul3A_699 = arith.mulf %get3A_696, %mul3A_698 : vector<16xf32>
        %swap3A_700 = arith.index_cast %scan3A_94 : i32 to index
        %swap3A_701 = arith.constant 800 : index
        %swap3A_702 = tpu.vector_load %arg8[%swap3A_700, %swap3A_701] {strides = array<i32>} : memref<8x2048xf32, #tpu.memory_space<vmem>>, vector<1x16xf32>,
        %swap3A_703 = vector.shape_cast %swap3A_702 : vector<1x16xf32> to vector<16xf32>
        %swap3A_704 = vector.shape_cast %mul3A_699 : vector<16xf32> to vector<1x16xf32>
        tpu.vector_store %arg8[%swap3A_700, %swap3A_701], %swap3A_704 {strides = array<i32>} : memref<8x2048xf32, #tpu.memory_space<vmem>>, vector<1x16xf32>,
        %get3A_705 = arith.index_cast %scan3A_94 : i32 to index
        %get3A_706 = arith.constant 816 : index
        %get3A_707 = tpu.vector_load %arg6[%get3A_705, %get3A_706] {strides = array<i32>} : memref<8x2048xf32, #tpu.memory_space<vmem>>, vector<1x16xf32>,
        %get3A_708 = vector.shape_cast %get3A_707 : vector<1x16xf32> to vector<16xf32>
        %mul3A_709 = arith.constant 45.2548332 : f32
        %mul3A_710 = vector.broadcast %mul3A_709 : f32 to vector<16xf32>
        %mul3A_711 = arith.mulf %get3A_708, %mul3A_710 : vector<16xf32>
        %swap3A_712 = arith.index_cast %scan3A_94 : i32 to index
        %swap3A_713 = arith.constant 816 : index
        %swap3A_714 = tpu.vector_load %arg8[%swap3A_712, %swap3A_713] {strides = array<i32>} : memref<8x2048xf32, #tpu.memory_space<vmem>>, vector<1x16xf32>,
        %swap3A_715 = vector.shape_cast %swap3A_714 : vector<1x16xf32> to vector<16xf32>
        %swap3A_716 = vector.shape_cast %mul3A_711 : vector<16xf32> to vector<1x16xf32>
        tpu.vector_store %arg8[%swap3A_712, %swap3A_713], %swap3A_716 {strides = array<i32>} : memref<8x2048xf32, #tpu.memory_space<vmem>>, vector<1x16xf32>,
        %get3A_717 = arith.index_cast %scan3A_94 : i32 to index
        %get3A_718 = arith.constant 832 : index
        %get3A_719 = tpu.vector_load %arg6[%get3A_717, %get3A_718] {strides = array<i32>} : memref<8x2048xf32, #tpu.memory_space<vmem>>, vector<1x16xf32>,
        %get3A_720 = vector.shape_cast %get3A_719 : vector<1x16xf32> to vector<16xf32>
        %mul3A_721 = arith.constant 45.2548332 : f32
        %mul3A_722 = vector.broadcast %mul3A_721 : f32 to vector<16xf32>
        %mul3A_723 = arith.mulf %get3A_720, %mul3A_722 : vector<16xf32>
        %swap3A_724 = arith.index_cast %scan3A_94 : i32 to index
        %swap3A_725 = arith.constant 832 : index
        %swap3A_726 = tpu.vector_load %arg8[%swap3A_724, %swap3A_725] {strides = array<i32>} : memref<8x2048xf32, #tpu.memory_space<vmem>>, vector<1x16xf32>,
        %swap3A_727 = vector.shape_cast %swap3A_726 : vector<1x16xf32> to vector<16xf32>
        %swap3A_728 = vector.shape_cast %mul3A_723 : vector<16xf32> to vector<1x16xf32>
        tpu.vector_store %arg8[%swap3A_724, %swap3A_725], %swap3A_728 {strides = array<i32>} : memref<8x2048xf32, #tpu.memory_space<vmem>>, vector<1x16xf32>,
        %get3A_729 = arith.index_cast %scan3A_94 : i32 to index
        %get3A_730 = arith.constant 848 : index
        %get3A_731 = tpu.vector_load %arg6[%get3A_729, %get3A_730] {strides = array<i32>} : memref<8x2048xf32, #tpu.memory_space<vmem>>, vector<1x16xf32>,
        %get3A_732 = vector.shape_cast %get3A_731 : vector<1x16xf32> to vector<16xf32>
        %mul3A_733 = arith.constant 45.2548332 : f32
        %mul3A_734 = vector.broadcast %mul3A_733 : f32 to vector<16xf32>
        %mul3A_735 = arith.mulf %get3A_732, %mul3A_734 : vector<16xf32>
        %swap3A_736 = arith.index_cast %scan3A_94 : i32 to index
        %swap3A_737 = arith.constant 848 : index
        %swap3A_738 = tpu.vector_load %arg8[%swap3A_736, %swap3A_737] {strides = array<i32>} : memref<8x2048xf32, #tpu.memory_space<vmem>>, vector<1x16xf32>,
        %swap3A_739 = vector.shape_cast %swap3A_738 : vector<1x16xf32> to vector<16xf32>
        %swap3A_740 = vector.shape_cast %mul3A_735 : vector<16xf32> to vector<1x16xf32>
        tpu.vector_store %arg8[%swap3A_736, %swap3A_737], %swap3A_740 {strides = array<i32>} : memref<8x2048xf32, #tpu.memory_space<vmem>>, vector<1x16xf32>,
        %get3A_741 = arith.index_cast %scan3A_94 : i32 to index
        %get3A_742 = arith.constant 864 : index
        %get3A_743 = tpu.vector_load %arg6[%get3A_741, %get3A_742] {strides = array<i32>} : memref<8x2048xf32, #tpu.memory_space<vmem>>, vector<1x16xf32>,
        %get3A_744 = vector.shape_cast %get3A_743 : vector<1x16xf32> to vector<16xf32>
        %mul3A_745 = arith.constant 45.2548332 : f32
        %mul3A_746 = vector.broadcast %mul3A_745 : f32 to vector<16xf32>
        %mul3A_747 = arith.mulf %get3A_744, %mul3A_746 : vector<16xf32>
        %swap3A_748 = arith.index_cast %scan3A_94 : i32 to index
        %swap3A_749 = arith.constant 864 : index
        %swap3A_750 = tpu.vector_load %arg8[%swap3A_748, %swap3A_749] {strides = array<i32>} : memref<8x2048xf32, #tpu.memory_space<vmem>>, vector<1x16xf32>,
        %swap3A_751 = vector.shape_cast %swap3A_750 : vector<1x16xf32> to vector<16xf32>
        %swap3A_752 = vector.shape_cast %mul3A_747 : vector<16xf32> to vector<1x16xf32>
        tpu.vector_store %arg8[%swap3A_748, %swap3A_749], %swap3A_752 {strides = array<i32>} : memref<8x2048xf32, #tpu.memory_space<vmem>>, vector<1x16xf32>,
        %get3A_753 = arith.index_cast %scan3A_94 : i32 to index
        %get3A_754 = arith.constant 880 : index
        %get3A_755 = tpu.vector_load %arg6[%get3A_753, %get3A_754] {strides = array<i32>} : memref<8x2048xf32, #tpu.memory_space<vmem>>, vector<1x16xf32>,
        %get3A_756 = vector.shape_cast %get3A_755 : vector<1x16xf32> to vector<16xf32>
        %mul3A_757 = arith.constant 45.2548332 : f32
        %mul3A_758 = vector.broadcast %mul3A_757 : f32 to vector<16xf32>
        %mul3A_759 = arith.mulf %get3A_756, %mul3A_758 : vector<16xf32>
        %swap3A_760 = arith.index_cast %scan3A_94 : i32 to index
        %swap3A_761 = arith.constant 880 : index
        %swap3A_762 = tpu.vector_load %arg8[%swap3A_760, %swap3A_761] {strides = array<i32>} : memref<8x2048xf32, #tpu.memory_space<vmem>>, vector<1x16xf32>,
        %swap3A_763 = vector.shape_cast %swap3A_762 : vector<1x16xf32> to vector<16xf32>
        %swap3A_764 = vector.shape_cast %mul3A_759 : vector<16xf32> to vector<1x16xf32>
        tpu.vector_store %arg8[%swap3A_760, %swap3A_761], %swap3A_764 {strides = array<i32>} : memref<8x2048xf32, #tpu.memory_space<vmem>>, vector<1x16xf32>,
        %get3A_765 = arith.index_cast %scan3A_94 : i32 to index
        %get3A_766 = arith.constant 896 : index
        %get3A_767 = tpu.vector_load %arg6[%get3A_765, %get3A_766] {strides = array<i32>} : memref<8x2048xf32, #tpu.memory_space<vmem>>, vector<1x16xf32>,
        %get3A_768 = vector.shape_cast %get3A_767 : vector<1x16xf32> to vector<16xf32>
        %mul3A_769 = arith.constant 45.2548332 : f32
        %mul3A_770 = vector.broadcast %mul3A_769 : f32 to vector<16xf32>
        %mul3A_771 = arith.mulf %get3A_768, %mul3A_770 : vector<16xf32>
        %swap3A_772 = arith.index_cast %scan3A_94 : i32 to index
        %swap3A_773 = arith.constant 896 : index
        %swap3A_774 = tpu.vector_load %arg8[%swap3A_772, %swap3A_773] {strides = array<i32>} : memref<8x2048xf32, #tpu.memory_space<vmem>>, vector<1x16xf32>,
        %swap3A_775 = vector.shape_cast %swap3A_774 : vector<1x16xf32> to vector<16xf32>
        %swap3A_776 = vector.shape_cast %mul3A_771 : vector<16xf32> to vector<1x16xf32>
        tpu.vector_store %arg8[%swap3A_772, %swap3A_773], %swap3A_776 {strides = array<i32>} : memref<8x2048xf32, #tpu.memory_space<vmem>>, vector<1x16xf32>,
        %get3A_777 = arith.index_cast %scan3A_94 : i32 to index
        %get3A_778 = arith.constant 912 : index
        %get3A_779 = tpu.vector_load %arg6[%get3A_777, %get3A_778] {strides = array<i32>} : memref<8x2048xf32, #tpu.memory_space<vmem>>, vector<1x16xf32>,
        %get3A_780 = vector.shape_cast %get3A_779 : vector<1x16xf32> to vector<16xf32>
        %mul3A_781 = arith.constant 45.2548332 : f32
        %mul3A_782 = vector.broadcast %mul3A_781 : f32 to vector<16xf32>
        %mul3A_783 = arith.mulf %get3A_780, %mul3A_782 : vector<16xf32>
        %swap3A_784 = arith.index_cast %scan3A_94 : i32 to index
        %swap3A_785 = arith.constant 912 : index
        %swap3A_786 = tpu.vector_load %arg8[%swap3A_784, %swap3A_785] {strides = array<i32>} : memref<8x2048xf32, #tpu.memory_space<vmem>>, vector<1x16xf32>,
        %swap3A_787 = vector.shape_cast %swap3A_786 : vector<1x16xf32> to vector<16xf32>
        %swap3A_788 = vector.shape_cast %mul3A_783 : vector<16xf32> to vector<1x16xf32>
        tpu.vector_store %arg8[%swap3A_784, %swap3A_785], %swap3A_788 {strides = array<i32>} : memref<8x2048xf32, #tpu.memory_space<vmem>>, vector<1x16xf32>,
        %get3A_789 = arith.index_cast %scan3A_94 : i32 to index
        %get3A_790 = arith.constant 928 : index
        %get3A_791 = tpu.vector_load %arg6[%get3A_789, %get3A_790] {strides = array<i32>} : memref<8x2048xf32, #tpu.memory_space<vmem>>, vector<1x16xf32>,
        %get3A_792 = vector.shape_cast %get3A_791 : vector<1x16xf32> to vector<16xf32>
        %mul3A_793 = arith.constant 45.2548332 : f32
        %mul3A_794 = vector.broadcast %mul3A_793 : f32 to vector<16xf32>
        %mul3A_795 = arith.mulf %get3A_792, %mul3A_794 : vector<16xf32>
        %swap3A_796 = arith.index_cast %scan3A_94 : i32 to index
        %swap3A_797 = arith.constant 928 : index
        %swap3A_798 = tpu.vector_load %arg8[%swap3A_796, %swap3A_797] {strides = array<i32>} : memref<8x2048xf32, #tpu.memory_space<vmem>>, vector<1x16xf32>,
        %swap3A_799 = vector.shape_cast %swap3A_798 : vector<1x16xf32> to vector<16xf32>
        %swap3A_800 = vector.shape_cast %mul3A_795 : vector<16xf32> to vector<1x16xf32>
        tpu.vector_store %arg8[%swap3A_796, %swap3A_797], %swap3A_800 {strides = array<i32>} : memref<8x2048xf32, #tpu.memory_space<vmem>>, vector<1x16xf32>,
        %get3A_801 = arith.index_cast %scan3A_94 : i32 to index
        %get3A_802 = arith.constant 944 : index
        %get3A_803 = tpu.vector_load %arg6[%get3A_801, %get3A_802] {strides = array<i32>} : memref<8x2048xf32, #tpu.memory_space<vmem>>, vector<1x16xf32>,
        %get3A_804 = vector.shape_cast %get3A_803 : vector<1x16xf32> to vector<16xf32>
        %mul3A_805 = arith.constant 45.2548332 : f32
        %mul3A_806 = vector.broadcast %mul3A_805 : f32 to vector<16xf32>
        %mul3A_807 = arith.mulf %get3A_804, %mul3A_806 : vector<16xf32>
        %swap3A_808 = arith.index_cast %scan3A_94 : i32 to index
        %swap3A_809 = arith.constant 944 : index
        %swap3A_810 = tpu.vector_load %arg8[%swap3A_808, %swap3A_809] {strides = array<i32>} : memref<8x2048xf32, #tpu.memory_space<vmem>>, vector<1x16xf32>,
        %swap3A_811 = vector.shape_cast %swap3A_810 : vector<1x16xf32> to vector<16xf32>
        %swap3A_812 = vector.shape_cast %mul3A_807 : vector<16xf32> to vector<1x16xf32>
        tpu.vector_store %arg8[%swap3A_808, %swap3A_809], %swap3A_812 {strides = array<i32>} : memref<8x2048xf32, #tpu.memory_space<vmem>>, vector<1x16xf32>,
        %get3A_813 = arith.index_cast %scan3A_94 : i32 to index
        %get3A_814 = arith.constant 960 : index
        %get3A_815 = tpu.vector_load %arg6[%get3A_813, %get3A_814] {strides = array<i32>} : memref<8x2048xf32, #tpu.memory_space<vmem>>, vector<1x16xf32>,
        %get3A_816 = vector.shape_cast %get3A_815 : vector<1x16xf32> to vector<16xf32>
        %mul3A_817 = arith.constant 45.2548332 : f32
        %mul3A_818 = vector.broadcast %mul3A_817 : f32 to vector<16xf32>
        %mul3A_819 = arith.mulf %get3A_816, %mul3A_818 : vector<16xf32>
        %swap3A_820 = arith.index_cast %scan3A_94 : i32 to index
        %swap3A_821 = arith.constant 960 : index
        %swap3A_822 = tpu.vector_load %arg8[%swap3A_820, %swap3A_821] {strides = array<i32>} : memref<8x2048xf32, #tpu.memory_space<vmem>>, vector<1x16xf32>,
        %swap3A_823 = vector.shape_cast %swap3A_822 : vector<1x16xf32> to vector<16xf32>
        %swap3A_824 = vector.shape_cast %mul3A_819 : vector<16xf32> to vector<1x16xf32>
        tpu.vector_store %arg8[%swap3A_820, %swap3A_821], %swap3A_824 {strides = array<i32>} : memref<8x2048xf32, #tpu.memory_space<vmem>>, vector<1x16xf32>,
        %get3A_825 = arith.index_cast %scan3A_94 : i32 to index
        %get3A_826 = arith.constant 976 : index
        %get3A_827 = tpu.vector_load %arg6[%get3A_825, %get3A_826] {strides = array<i32>} : memref<8x2048xf32, #tpu.memory_space<vmem>>, vector<1x16xf32>,
        %get3A_828 = vector.shape_cast %get3A_827 : vector<1x16xf32> to vector<16xf32>
        %mul3A_829 = arith.constant 45.2548332 : f32
        %mul3A_830 = vector.broadcast %mul3A_829 : f32 to vector<16xf32>
        %mul3A_831 = arith.mulf %get3A_828, %mul3A_830 : vector<16xf32>
        %swap3A_832 = arith.index_cast %scan3A_94 : i32 to index
        %swap3A_833 = arith.constant 976 : index
        %swap3A_834 = tpu.vector_load %arg8[%swap3A_832, %swap3A_833] {strides = array<i32>} : memref<8x2048xf32, #tpu.memory_space<vmem>>, vector<1x16xf32>,
        %swap3A_835 = vector.shape_cast %swap3A_834 : vector<1x16xf32> to vector<16xf32>
        %swap3A_836 = vector.shape_cast %mul3A_831 : vector<16xf32> to vector<1x16xf32>
        tpu.vector_store %arg8[%swap3A_832, %swap3A_833], %swap3A_836 {strides = array<i32>} : memref<8x2048xf32, #tpu.memory_space<vmem>>, vector<1x16xf32>,
        %get3A_837 = arith.index_cast %scan3A_94 : i32 to index
        %get3A_838 = arith.constant 992 : index
        %get3A_839 = tpu.vector_load %arg6[%get3A_837, %get3A_838] {strides = array<i32>} : memref<8x2048xf32, #tpu.memory_space<vmem>>, vector<1x16xf32>,
        %get3A_840 = vector.shape_cast %get3A_839 : vector<1x16xf32> to vector<16xf32>
        %mul3A_841 = arith.constant 45.2548332 : f32
        %mul3A_842 = vector.broadcast %mul3A_841 : f32 to vector<16xf32>
        %mul3A_843 = arith.mulf %get3A_840, %mul3A_842 : vector<16xf32>
        %swap3A_844 = arith.index_cast %scan3A_94 : i32 to index
        %swap3A_845 = arith.constant 992 : index
        %swap3A_846 = tpu.vector_load %arg8[%swap3A_844, %swap3A_845] {strides = array<i32>} : memref<8x2048xf32, #tpu.memory_space<vmem>>, vector<1x16xf32>,
        %swap3A_847 = vector.shape_cast %swap3A_846 : vector<1x16xf32> to vector<16xf32>
        %swap3A_848 = vector.shape_cast %mul3A_843 : vector<16xf32> to vector<1x16xf32>
        tpu.vector_store %arg8[%swap3A_844, %swap3A_845], %swap3A_848 {strides = array<i32>} : memref<8x2048xf32, #tpu.memory_space<vmem>>, vector<1x16xf32>,
        %get3A_849 = arith.index_cast %scan3A_94 : i32 to index
        %get3A_850 = arith.constant 1008 : index
        %get3A_851 = tpu.vector_load %arg6[%get3A_849, %get3A_850] {strides = array<i32>} : memref<8x2048xf32, #tpu.memory_space<vmem>>, vector<1x16xf32>,
        %get3A_852 = vector.shape_cast %get3A_851 : vector<1x16xf32> to vector<16xf32>
        %mul3A_853 = arith.constant 45.2548332 : f32
        %mul3A_854 = vector.broadcast %mul3A_853 : f32 to vector<16xf32>
        %mul3A_855 = arith.mulf %get3A_852, %mul3A_854 : vector<16xf32>
        %swap3A_856 = arith.index_cast %scan3A_94 : i32 to index
        %swap3A_857 = arith.constant 1008 : index
        %swap3A_858 = tpu.vector_load %arg8[%swap3A_856, %swap3A_857] {strides = array<i32>} : memref<8x2048xf32, #tpu.memory_space<vmem>>, vector<1x16xf32>,
        %swap3A_859 = vector.shape_cast %swap3A_858 : vector<1x16xf32> to vector<16xf32>
        %swap3A_860 = vector.shape_cast %mul3A_855 : vector<16xf32> to vector<1x16xf32>
        tpu.vector_store %arg8[%swap3A_856, %swap3A_857], %swap3A_860 {strides = array<i32>} : memref<8x2048xf32, #tpu.memory_space<vmem>>, vector<1x16xf32>,
        %get3A_861 = arith.index_cast %scan3A_94 : i32 to index
        %get3A_862 = arith.constant 1024 : index
        %get3A_863 = tpu.vector_load %arg6[%get3A_861, %get3A_862] {strides = array<i32>} : memref<8x2048xf32, #tpu.memory_space<vmem>>, vector<1x16xf32>,
        %get3A_864 = vector.shape_cast %get3A_863 : vector<1x16xf32> to vector<16xf32>
        %mul3A_865 = arith.constant 45.2548332 : f32
        %mul3A_866 = vector.broadcast %mul3A_865 : f32 to vector<16xf32>
        %mul3A_867 = arith.mulf %get3A_864, %mul3A_866 : vector<16xf32>
        %swap3A_868 = arith.index_cast %scan3A_94 : i32 to index
        %swap3A_869 = arith.constant 1024 : index
        %swap3A_870 = tpu.vector_load %arg8[%swap3A_868, %swap3A_869] {strides = array<i32>} : memref<8x2048xf32, #tpu.memory_space<vmem>>, vector<1x16xf32>,
        %swap3A_871 = vector.shape_cast %swap3A_870 : vector<1x16xf32> to vector<16xf32>
        %swap3A_872 = vector.shape_cast %mul3A_867 : vector<16xf32> to vector<1x16xf32>
        tpu.vector_store %arg8[%swap3A_868, %swap3A_869], %swap3A_872 {strides = array<i32>} : memref<8x2048xf32, #tpu.memory_space<vmem>>, vector<1x16xf32>,
        %get3A_873 = arith.index_cast %scan3A_94 : i32 to index
        %get3A_874 = arith.constant 1040 : index
        %get3A_875 = tpu.vector_load %arg6[%get3A_873, %get3A_874] {strides = array<i32>} : memref<8x2048xf32, #tpu.memory_space<vmem>>, vector<1x16xf32>,
        %get3A_876 = vector.shape_cast %get3A_875 : vector<1x16xf32> to vector<16xf32>
        %mul3A_877 = arith.constant 45.2548332 : f32
        %mul3A_878 = vector.broadcast %mul3A_877 : f32 to vector<16xf32>
        %mul3A_879 = arith.mulf %get3A_876, %mul3A_878 : vector<16xf32>
        %swap3A_880 = arith.index_cast %scan3A_94 : i32 to index
        %swap3A_881 = arith.constant 1040 : index
        %swap3A_882 = tpu.vector_load %arg8[%swap3A_880, %swap3A_881] {strides = array<i32>} : memref<8x2048xf32, #tpu.memory_space<vmem>>, vector<1x16xf32>,
        %swap3A_883 = vector.shape_cast %swap3A_882 : vector<1x16xf32> to vector<16xf32>
        %swap3A_884 = vector.shape_cast %mul3A_879 : vector<16xf32> to vector<1x16xf32>
        tpu.vector_store %arg8[%swap3A_880, %swap3A_881], %swap3A_884 {strides = array<i32>} : memref<8x2048xf32, #tpu.memory_space<vmem>>, vector<1x16xf32>,
        %get3A_885 = arith.index_cast %scan3A_94 : i32 to index
        %get3A_886 = arith.constant 1056 : index
        %get3A_887 = tpu.vector_load %arg6[%get3A_885, %get3A_886] {strides = array<i32>} : memref<8x2048xf32, #tpu.memory_space<vmem>>, vector<1x16xf32>,
        %get3A_888 = vector.shape_cast %get3A_887 : vector<1x16xf32> to vector<16xf32>
        %mul3A_889 = arith.constant 45.2548332 : f32
        %mul3A_890 = vector.broadcast %mul3A_889 : f32 to vector<16xf32>
        %mul3A_891 = arith.mulf %get3A_888, %mul3A_890 : vector<16xf32>
        %swap3A_892 = arith.index_cast %scan3A_94 : i32 to index
        %swap3A_893 = arith.constant 1056 : index
        %swap3A_894 = tpu.vector_load %arg8[%swap3A_892, %swap3A_893] {strides = array<i32>} : memref<8x2048xf32, #tpu.memory_space<vmem>>, vector<1x16xf32>,
        %swap3A_895 = vector.shape_cast %swap3A_894 : vector<1x16xf32> to vector<16xf32>
        %swap3A_896 = vector.shape_cast %mul3A_891 : vector<16xf32> to vector<1x16xf32>
        tpu.vector_store %arg8[%swap3A_892, %swap3A_893], %swap3A_896 {strides = array<i32>} : memref<8x2048xf32, #tpu.memory_space<vmem>>, vector<1x16xf32>,
        %get3A_897 = arith.index_cast %scan3A_94 : i32 to index
        %get3A_898 = arith.constant 1072 : index
        %get3A_899 = tpu.vector_load %arg6[%get3A_897, %get3A_898] {strides = array<i32>} : memref<8x2048xf32, #tpu.memory_space<vmem>>, vector<1x16xf32>,
        %get3A_900 = vector.shape_cast %get3A_899 : vector<1x16xf32> to vector<16xf32>
        %mul3A_901 = arith.constant 45.2548332 : f32
        %mul3A_902 = vector.broadcast %mul3A_901 : f32 to vector<16xf32>
        %mul3A_903 = arith.mulf %get3A_900, %mul3A_902 : vector<16xf32>
        %swap3A_904 = arith.index_cast %scan3A_94 : i32 to index
        %swap3A_905 = arith.constant 1072 : index
        %swap3A_906 = tpu.vector_load %arg8[%swap3A_904, %swap3A_905] {strides = array<i32>} : memref<8x2048xf32, #tpu.memory_space<vmem>>, vector<1x16xf32>,
        %swap3A_907 = vector.shape_cast %swap3A_906 : vector<1x16xf32> to vector<16xf32>
        %swap3A_908 = vector.shape_cast %mul3A_903 : vector<16xf32> to vector<1x16xf32>
        tpu.vector_store %arg8[%swap3A_904, %swap3A_905], %swap3A_908 {strides = array<i32>} : memref<8x2048xf32, #tpu.memory_space<vmem>>, vector<1x16xf32>,
        %get3A_909 = arith.index_cast %scan3A_94 : i32 to index
        %get3A_910 = arith.constant 1088 : index
        %get3A_911 = tpu.vector_load %arg6[%get3A_909, %get3A_910] {strides = array<i32>} : memref<8x2048xf32, #tpu.memory_space<vmem>>, vector<1x16xf32>,
        %get3A_912 = vector.shape_cast %get3A_911 : vector<1x16xf32> to vector<16xf32>
        %mul3A_913 = arith.constant 45.2548332 : f32
        %mul3A_914 = vector.broadcast %mul3A_913 : f32 to vector<16xf32>
        %mul3A_915 = arith.mulf %get3A_912, %mul3A_914 : vector<16xf32>
        %swap3A_916 = arith.index_cast %scan3A_94 : i32 to index
        %swap3A_917 = arith.constant 1088 : index
        %swap3A_918 = tpu.vector_load %arg8[%swap3A_916, %swap3A_917] {strides = array<i32>} : memref<8x2048xf32, #tpu.memory_space<vmem>>, vector<1x16xf32>,
        %swap3A_919 = vector.shape_cast %swap3A_918 : vector<1x16xf32> to vector<16xf32>
        %swap3A_920 = vector.shape_cast %mul3A_915 : vector<16xf32> to vector<1x16xf32>
        tpu.vector_store %arg8[%swap3A_916, %swap3A_917], %swap3A_920 {strides = array<i32>} : memref<8x2048xf32, #tpu.memory_space<vmem>>, vector<1x16xf32>,
        %get3A_921 = arith.index_cast %scan3A_94 : i32 to index
        %get3A_922 = arith.constant 1104 : index
        %get3A_923 = tpu.vector_load %arg6[%get3A_921, %get3A_922] {strides = array<i32>} : memref<8x2048xf32, #tpu.memory_space<vmem>>, vector<1x16xf32>,
        %get3A_924 = vector.shape_cast %get3A_923 : vector<1x16xf32> to vector<16xf32>
        %mul3A_925 = arith.constant 45.2548332 : f32
        %mul3A_926 = vector.broadcast %mul3A_925 : f32 to vector<16xf32>
        %mul3A_927 = arith.mulf %get3A_924, %mul3A_926 : vector<16xf32>
        %swap3A_928 = arith.index_cast %scan3A_94 : i32 to index
        %swap3A_929 = arith.constant 1104 : index
        %swap3A_930 = tpu.vector_load %arg8[%swap3A_928, %swap3A_929] {strides = array<i32>} : memref<8x2048xf32, #tpu.memory_space<vmem>>, vector<1x16xf32>,
        %swap3A_931 = vector.shape_cast %swap3A_930 : vector<1x16xf32> to vector<16xf32>
        %swap3A_932 = vector.shape_cast %mul3A_927 : vector<16xf32> to vector<1x16xf32>
        tpu.vector_store %arg8[%swap3A_928, %swap3A_929], %swap3A_932 {strides = array<i32>} : memref<8x2048xf32, #tpu.memory_space<vmem>>, vector<1x16xf32>,
        %get3A_933 = arith.index_cast %scan3A_94 : i32 to index
        %get3A_934 = arith.constant 1120 : index
        %get3A_935 = tpu.vector_load %arg6[%get3A_933, %get3A_934] {strides = array<i32>} : memref<8x2048xf32, #tpu.memory_space<vmem>>, vector<1x16xf32>,
        %get3A_936 = vector.shape_cast %get3A_935 : vector<1x16xf32> to vector<16xf32>
        %mul3A_937 = arith.constant 45.2548332 : f32
        %mul3A_938 = vector.broadcast %mul3A_937 : f32 to vector<16xf32>
        %mul3A_939 = arith.mulf %get3A_936, %mul3A_938 : vector<16xf32>
        %swap3A_940 = arith.index_cast %scan3A_94 : i32 to index
        %swap3A_941 = arith.constant 1120 : index
        %swap3A_942 = tpu.vector_load %arg8[%swap3A_940, %swap3A_941] {strides = array<i32>} : memref<8x2048xf32, #tpu.memory_space<vmem>>, vector<1x16xf32>,
        %swap3A_943 = vector.shape_cast %swap3A_942 : vector<1x16xf32> to vector<16xf32>
        %swap3A_944 = vector.shape_cast %mul3A_939 : vector<16xf32> to vector<1x16xf32>
        tpu.vector_store %arg8[%swap3A_940, %swap3A_941], %swap3A_944 {strides = array<i32>} : memref<8x2048xf32, #tpu.memory_space<vmem>>, vector<1x16xf32>,
        %get3A_945 = arith.index_cast %scan3A_94 : i32 to index
        %get3A_946 = arith.constant 1136 : index
        %get3A_947 = tpu.vector_load %arg6[%get3A_945, %get3A_946] {strides = array<i32>} : memref<8x2048xf32, #tpu.memory_space<vmem>>, vector<1x16xf32>,
        %get3A_948 = vector.shape_cast %get3A_947 : vector<1x16xf32> to vector<16xf32>
        %mul3A_949 = arith.constant 45.2548332 : f32
        %mul3A_950 = vector.broadcast %mul3A_949 : f32 to vector<16xf32>
        %mul3A_951 = arith.mulf %get3A_948, %mul3A_950 : vector<16xf32>
        %swap3A_952 = arith.index_cast %scan3A_94 : i32 to index
        %swap3A_953 = arith.constant 1136 : index
        %swap3A_954 = tpu.vector_load %arg8[%swap3A_952, %swap3A_953] {strides = array<i32>} : memref<8x2048xf32, #tpu.memory_space<vmem>>, vector<1x16xf32>,
        %swap3A_955 = vector.shape_cast %swap3A_954 : vector<1x16xf32> to vector<16xf32>
        %swap3A_956 = vector.shape_cast %mul3A_951 : vector<16xf32> to vector<1x16xf32>
        tpu.vector_store %arg8[%swap3A_952, %swap3A_953], %swap3A_956 {strides = array<i32>} : memref<8x2048xf32, #tpu.memory_space<vmem>>, vector<1x16xf32>,
        %get3A_957 = arith.index_cast %scan3A_94 : i32 to index
        %get3A_958 = arith.constant 1152 : index
        %get3A_959 = tpu.vector_load %arg6[%get3A_957, %get3A_958] {strides = array<i32>} : memref<8x2048xf32, #tpu.memory_space<vmem>>, vector<1x16xf32>,
        %get3A_960 = vector.shape_cast %get3A_959 : vector<1x16xf32> to vector<16xf32>
        %mul3A_961 = arith.constant 45.2548332 : f32
        %mul3A_962 = vector.broadcast %mul3A_961 : f32 to vector<16xf32>
        %mul3A_963 = arith.mulf %get3A_960, %mul3A_962 : vector<16xf32>
        %swap3A_964 = arith.index_cast %scan3A_94 : i32 to index
        %swap3A_965 = arith.constant 1152 : index
        %swap3A_966 = tpu.vector_load %arg8[%swap3A_964, %swap3A_965] {strides = array<i32>} : memref<8x2048xf32, #tpu.memory_space<vmem>>, vector<1x16xf32>,
        %swap3A_967 = vector.shape_cast %swap3A_966 : vector<1x16xf32> to vector<16xf32>
        %swap3A_968 = vector.shape_cast %mul3A_963 : vector<16xf32> to vector<1x16xf32>
        tpu.vector_store %arg8[%swap3A_964, %swap3A_965], %swap3A_968 {strides = array<i32>} : memref<8x2048xf32, #tpu.memory_space<vmem>>, vector<1x16xf32>,
        %get3A_969 = arith.index_cast %scan3A_94 : i32 to index
        %get3A_970 = arith.constant 1168 : index
        %get3A_971 = tpu.vector_load %arg6[%get3A_969, %get3A_970] {strides = array<i32>} : memref<8x2048xf32, #tpu.memory_space<vmem>>, vector<1x16xf32>,
        %get3A_972 = vector.shape_cast %get3A_971 : vector<1x16xf32> to vector<16xf32>
        %mul3A_973 = arith.constant 45.2548332 : f32
        %mul3A_974 = vector.broadcast %mul3A_973 : f32 to vector<16xf32>
        %mul3A_975 = arith.mulf %get3A_972, %mul3A_974 : vector<16xf32>
        %swap3A_976 = arith.index_cast %scan3A_94 : i32 to index
        %swap3A_977 = arith.constant 1168 : index
        %swap3A_978 = tpu.vector_load %arg8[%swap3A_976, %swap3A_977] {strides = array<i32>} : memref<8x2048xf32, #tpu.memory_space<vmem>>, vector<1x16xf32>,
        %swap3A_979 = vector.shape_cast %swap3A_978 : vector<1x16xf32> to vector<16xf32>
        %swap3A_980 = vector.shape_cast %mul3A_975 : vector<16xf32> to vector<1x16xf32>
        tpu.vector_store %arg8[%swap3A_976, %swap3A_977], %swap3A_980 {strides = array<i32>} : memref<8x2048xf32, #tpu.memory_space<vmem>>, vector<1x16xf32>,
        %get3A_981 = arith.index_cast %scan3A_94 : i32 to index
        %get3A_982 = arith.constant 1184 : index
        %get3A_983 = tpu.vector_load %arg6[%get3A_981, %get3A_982] {strides = array<i32>} : memref<8x2048xf32, #tpu.memory_space<vmem>>, vector<1x16xf32>,
        %get3A_984 = vector.shape_cast %get3A_983 : vector<1x16xf32> to vector<16xf32>
        %mul3A_985 = arith.constant 45.2548332 : f32
        %mul3A_986 = vector.broadcast %mul3A_985 : f32 to vector<16xf32>
        %mul3A_987 = arith.mulf %get3A_984, %mul3A_986 : vector<16xf32>
        %swap3A_988 = arith.index_cast %scan3A_94 : i32 to index
        %swap3A_989 = arith.constant 1184 : index
        %swap3A_990 = tpu.vector_load %arg8[%swap3A_988, %swap3A_989] {strides = array<i32>} : memref<8x2048xf32, #tpu.memory_space<vmem>>, vector<1x16xf32>,
        %swap3A_991 = vector.shape_cast %swap3A_990 : vector<1x16xf32> to vector<16xf32>
        %swap3A_992 = vector.shape_cast %mul3A_987 : vector<16xf32> to vector<1x16xf32>
        tpu.vector_store %arg8[%swap3A_988, %swap3A_989], %swap3A_992 {strides = array<i32>} : memref<8x2048xf32, #tpu.memory_space<vmem>>, vector<1x16xf32>,
        %get3A_993 = arith.index_cast %scan3A_94 : i32 to index
        %get3A_994 = arith.constant 1200 : index
        %get3A_995 = tpu.vector_load %arg6[%get3A_993, %get3A_994] {strides = array<i32>} : memref<8x2048xf32, #tpu.memory_space<vmem>>, vector<1x16xf32>,
        %get3A_996 = vector.shape_cast %get3A_995 : vector<1x16xf32> to vector<16xf32>
        %mul3A_997 = arith.constant 45.2548332 : f32
        %mul3A_998 = vector.broadcast %mul3A_997 : f32 to vector<16xf32>
        %mul3A_999 = arith.mulf %get3A_996, %mul3A_998 : vector<16xf32>
        %swap3A_1000 = arith.index_cast %scan3A_94 : i32 to index
        %swap3A_1001 = arith.constant 1200 : index
        %swap3A_1002 = tpu.vector_load %arg8[%swap3A_1000, %swap3A_1001] {strides = array<i32>} : memref<8x2048xf32, #tpu.memory_space<vmem>>, vector<1x16xf32>,
        %swap3A_1003 = vector.shape_cast %swap3A_1002 : vector<1x16xf32> to vector<16xf32>
        %swap3A_1004 = vector.shape_cast %mul3A_999 : vector<16xf32> to vector<1x16xf32>
        tpu.vector_store %arg8[%swap3A_1000, %swap3A_1001], %swap3A_1004 {strides = array<i32>} : memref<8x2048xf32, #tpu.memory_space<vmem>>, vector<1x16xf32>,
        %get3A_1005 = arith.index_cast %scan3A_94 : i32 to index
        %get3A_1006 = arith.constant 1216 : index
        %get3A_1007 = tpu.vector_load %arg6[%get3A_1005, %get3A_1006] {strides = array<i32>} : memref<8x2048xf32, #tpu.memory_space<vmem>>, vector<1x16xf32>,
        %get3A_1008 = vector.shape_cast %get3A_1007 : vector<1x16xf32> to vector<16xf32>
        %mul3A_1009 = arith.constant 45.2548332 : f32
        %mul3A_1010 = vector.broadcast %mul3A_1009 : f32 to vector<16xf32>
        %mul3A_1011 = arith.mulf %get3A_1008, %mul3A_1010 : vector<16xf32>
        %swap3A_1012 = arith.index_cast %scan3A_94 : i32 to index
        %swap3A_1013 = arith.constant 1216 : index
        %swap3A_1014 = tpu.vector_load %arg8[%swap3A_1012, %swap3A_1013] {strides = array<i32>} : memref<8x2048xf32, #tpu.memory_space<vmem>>, vector<1x16xf32>,
        %swap3A_1015 = vector.shape_cast %swap3A_1014 : vector<1x16xf32> to vector<16xf32>
        %swap3A_1016 = vector.shape_cast %mul3A_1011 : vector<16xf32> to vector<1x16xf32>
        tpu.vector_store %arg8[%swap3A_1012, %swap3A_1013], %swap3A_1016 {strides = array<i32>} : memref<8x2048xf32, #tpu.memory_space<vmem>>, vector<1x16xf32>,
        %get3A_1017 = arith.index_cast %scan3A_94 : i32 to index
        %get3A_1018 = arith.constant 1232 : index
        %get3A_1019 = tpu.vector_load %arg6[%get3A_1017, %get3A_1018] {strides = array<i32>} : memref<8x2048xf32, #tpu.memory_space<vmem>>, vector<1x16xf32>,
        %get3A_1020 = vector.shape_cast %get3A_1019 : vector<1x16xf32> to vector<16xf32>
        %mul3A_1021 = arith.constant 45.2548332 : f32
        %mul3A_1022 = vector.broadcast %mul3A_1021 : f32 to vector<16xf32>
        %mul3A_1023 = arith.mulf %get3A_1020, %mul3A_1022 : vector<16xf32>
        %swap3A_1024 = arith.index_cast %scan3A_94 : i32 to index
        %swap3A_1025 = arith.constant 1232 : index
        %swap3A_1026 = tpu.vector_load %arg8[%swap3A_1024, %swap3A_1025] {strides = array<i32>} : memref<8x2048xf32, #tpu.memory_space<vmem>>, vector<1x16xf32>,
        %swap3A_1027 = vector.shape_cast %swap3A_1026 : vector<1x16xf32> to vector<16xf32>
        %swap3A_1028 = vector.shape_cast %mul3A_1023 : vector<16xf32> to vector<1x16xf32>
        tpu.vector_store %arg8[%swap3A_1024, %swap3A_1025], %swap3A_1028 {strides = array<i32>} : memref<8x2048xf32, #tpu.memory_space<vmem>>, vector<1x16xf32>,
        %get3A_1029 = arith.index_cast %scan3A_94 : i32 to index
        %get3A_1030 = arith.constant 1248 : index
        %get3A_1031 = tpu.vector_load %arg6[%get3A_1029, %get3A_1030] {strides = array<i32>} : memref<8x2048xf32, #tpu.memory_space<vmem>>, vector<1x16xf32>,
        %get3A_1032 = vector.shape_cast %get3A_1031 : vector<1x16xf32> to vector<16xf32>
        %mul3A_1033 = arith.constant 45.2548332 : f32
        %mul3A_1034 = vector.broadcast %mul3A_1033 : f32 to vector<16xf32>
        %mul3A_1035 = arith.mulf %get3A_1032, %mul3A_1034 : vector<16xf32>
        %swap3A_1036 = arith.index_cast %scan3A_94 : i32 to index
        %swap3A_1037 = arith.constant 1248 : index
        %swap3A_1038 = tpu.vector_load %arg8[%swap3A_1036, %swap3A_1037] {strides = array<i32>} : memref<8x2048xf32, #tpu.memory_space<vmem>>, vector<1x16xf32>,
        %swap3A_1039 = vector.shape_cast %swap3A_1038 : vector<1x16xf32> to vector<16xf32>
        %swap3A_1040 = vector.shape_cast %mul3A_1035 : vector<16xf32> to vector<1x16xf32>
        tpu.vector_store %arg8[%swap3A_1036, %swap3A_1037], %swap3A_1040 {strides = array<i32>} : memref<8x2048xf32, #tpu.memory_space<vmem>>, vector<1x16xf32>,
        %get3A_1041 = arith.index_cast %scan3A_94 : i32 to index
        %get3A_1042 = arith.constant 1264 : index
        %get3A_1043 = tpu.vector_load %arg6[%get3A_1041, %get3A_1042] {strides = array<i32>} : memref<8x2048xf32, #tpu.memory_space<vmem>>, vector<1x16xf32>,
        %get3A_1044 = vector.shape_cast %get3A_1043 : vector<1x16xf32> to vector<16xf32>
        %mul3A_1045 = arith.constant 45.2548332 : f32
        %mul3A_1046 = vector.broadcast %mul3A_1045 : f32 to vector<16xf32>
        %mul3A_1047 = arith.mulf %get3A_1044, %mul3A_1046 : vector<16xf32>
        %swap3A_1048 = arith.index_cast %scan3A_94 : i32 to index
        %swap3A_1049 = arith.constant 1264 : index
        %swap3A_1050 = tpu.vector_load %arg8[%swap3A_1048, %swap3A_1049] {strides = array<i32>} : memref<8x2048xf32, #tpu.memory_space<vmem>>, vector<1x16xf32>,
        %swap3A_1051 = vector.shape_cast %swap3A_1050 : vector<1x16xf32> to vector<16xf32>
        %swap3A_1052 = vector.shape_cast %mul3A_1047 : vector<16xf32> to vector<1x16xf32>
        tpu.vector_store %arg8[%swap3A_1048, %swap3A_1049], %swap3A_1052 {strides = array<i32>} : memref<8x2048xf32, #tpu.memory_space<vmem>>, vector<1x16xf32>,
        %get3A_1053 = arith.index_cast %scan3A_94 : i32 to index
        %get3A_1054 = arith.constant 1280 : index
        %get3A_1055 = tpu.vector_load %arg6[%get3A_1053, %get3A_1054] {strides = array<i32>} : memref<8x2048xf32, #tpu.memory_space<vmem>>, vector<1x16xf32>,
        %get3A_1056 = vector.shape_cast %get3A_1055 : vector<1x16xf32> to vector<16xf32>
        %mul3A_1057 = arith.constant 45.2548332 : f32
        %mul3A_1058 = vector.broadcast %mul3A_1057 : f32 to vector<16xf32>
        %mul3A_1059 = arith.mulf %get3A_1056, %mul3A_1058 : vector<16xf32>
        %swap3A_1060 = arith.index_cast %scan3A_94 : i32 to index
        %swap3A_1061 = arith.constant 1280 : index
        %swap3A_1062 = tpu.vector_load %arg8[%swap3A_1060, %swap3A_1061] {strides = array<i32>} : memref<8x2048xf32, #tpu.memory_space<vmem>>, vector<1x16xf32>,
        %swap3A_1063 = vector.shape_cast %swap3A_1062 : vector<1x16xf32> to vector<16xf32>
        %swap3A_1064 = vector.shape_cast %mul3A_1059 : vector<16xf32> to vector<1x16xf32>
        tpu.vector_store %arg8[%swap3A_1060, %swap3A_1061], %swap3A_1064 {strides = array<i32>} : memref<8x2048xf32, #tpu.memory_space<vmem>>, vector<1x16xf32>,
        %get3A_1065 = arith.index_cast %scan3A_94 : i32 to index
        %get3A_1066 = arith.constant 1296 : index
        %get3A_1067 = tpu.vector_load %arg6[%get3A_1065, %get3A_1066] {strides = array<i32>} : memref<8x2048xf32, #tpu.memory_space<vmem>>, vector<1x16xf32>,
        %get3A_1068 = vector.shape_cast %get3A_1067 : vector<1x16xf32> to vector<16xf32>
        %mul3A_1069 = arith.constant 45.2548332 : f32
        %mul3A_1070 = vector.broadcast %mul3A_1069 : f32 to vector<16xf32>
        %mul3A_1071 = arith.mulf %get3A_1068, %mul3A_1070 : vector<16xf32>
        %swap3A_1072 = arith.index_cast %scan3A_94 : i32 to index
        %swap3A_1073 = arith.constant 1296 : index
        %swap3A_1074 = tpu.vector_load %arg8[%swap3A_1072, %swap3A_1073] {strides = array<i32>} : memref<8x2048xf32, #tpu.memory_space<vmem>>, vector<1x16xf32>,
        %swap3A_1075 = vector.shape_cast %swap3A_1074 : vector<1x16xf32> to vector<16xf32>
        %swap3A_1076 = vector.shape_cast %mul3A_1071 : vector<16xf32> to vector<1x16xf32>
        tpu.vector_store %arg8[%swap3A_1072, %swap3A_1073], %swap3A_1076 {strides = array<i32>} : memref<8x2048xf32, #tpu.memory_space<vmem>>, vector<1x16xf32>,
        %get3A_1077 = arith.index_cast %scan3A_94 : i32 to index
        %get3A_1078 = arith.constant 1312 : index
        %get3A_1079 = tpu.vector_load %arg6[%get3A_1077, %get3A_1078] {strides = array<i32>} : memref<8x2048xf32, #tpu.memory_space<vmem>>, vector<1x16xf32>,
        %get3A_1080 = vector.shape_cast %get3A_1079 : vector<1x16xf32> to vector<16xf32>
        %mul3A_1081 = arith.constant 45.2548332 : f32
        %mul3A_1082 = vector.broadcast %mul3A_1081 : f32 to vector<16xf32>
        %mul3A_1083 = arith.mulf %get3A_1080, %mul3A_1082 : vector<16xf32>
        %swap3A_1084 = arith.index_cast %scan3A_94 : i32 to index
        %swap3A_1085 = arith.constant 1312 : index
        %swap3A_1086 = tpu.vector_load %arg8[%swap3A_1084, %swap3A_1085] {strides = array<i32>} : memref<8x2048xf32, #tpu.memory_space<vmem>>, vector<1x16xf32>,
        %swap3A_1087 = vector.shape_cast %swap3A_1086 : vector<1x16xf32> to vector<16xf32>
        %swap3A_1088 = vector.shape_cast %mul3A_1083 : vector<16xf32> to vector<1x16xf32>
        tpu.vector_store %arg8[%swap3A_1084, %swap3A_1085], %swap3A_1088 {strides = array<i32>} : memref<8x2048xf32, #tpu.memory_space<vmem>>, vector<1x16xf32>,
        %get3A_1089 = arith.index_cast %scan3A_94 : i32 to index
        %get3A_1090 = arith.constant 1328 : index
        %get3A_1091 = tpu.vector_load %arg6[%get3A_1089, %get3A_1090] {strides = array<i32>} : memref<8x2048xf32, #tpu.memory_space<vmem>>, vector<1x16xf32>,
        %get3A_1092 = vector.shape_cast %get3A_1091 : vector<1x16xf32> to vector<16xf32>
        %mul3A_1093 = arith.constant 45.2548332 : f32
        %mul3A_1094 = vector.broadcast %mul3A_1093 : f32 to vector<16xf32>
        %mul3A_1095 = arith.mulf %get3A_1092, %mul3A_1094 : vector<16xf32>
        %swap3A_1096 = arith.index_cast %scan3A_94 : i32 to index
        %swap3A_1097 = arith.constant 1328 : index
        %swap3A_1098 = tpu.vector_load %arg8[%swap3A_1096, %swap3A_1097] {strides = array<i32>} : memref<8x2048xf32, #tpu.memory_space<vmem>>, vector<1x16xf32>,
        %swap3A_1099 = vector.shape_cast %swap3A_1098 : vector<1x16xf32> to vector<16xf32>
        %swap3A_1100 = vector.shape_cast %mul3A_1095 : vector<16xf32> to vector<1x16xf32>
        tpu.vector_store %arg8[%swap3A_1096, %swap3A_1097], %swap3A_1100 {strides = array<i32>} : memref<8x2048xf32, #tpu.memory_space<vmem>>, vector<1x16xf32>,
        %get3A_1101 = arith.index_cast %scan3A_94 : i32 to index
        %get3A_1102 = arith.constant 1344 : index
        %get3A_1103 = tpu.vector_load %arg6[%get3A_1101, %get3A_1102] {strides = array<i32>} : memref<8x2048xf32, #tpu.memory_space<vmem>>, vector<1x16xf32>,
        %get3A_1104 = vector.shape_cast %get3A_1103 : vector<1x16xf32> to vector<16xf32>
        %mul3A_1105 = arith.constant 45.2548332 : f32
        %mul3A_1106 = vector.broadcast %mul3A_1105 : f32 to vector<16xf32>
        %mul3A_1107 = arith.mulf %get3A_1104, %mul3A_1106 : vector<16xf32>
        %swap3A_1108 = arith.index_cast %scan3A_94 : i32 to index
        %swap3A_1109 = arith.constant 1344 : index
        %swap3A_1110 = tpu.vector_load %arg8[%swap3A_1108, %swap3A_1109] {strides = array<i32>} : memref<8x2048xf32, #tpu.memory_space<vmem>>, vector<1x16xf32>,
        %swap3A_1111 = vector.shape_cast %swap3A_1110 : vector<1x16xf32> to vector<16xf32>
        %swap3A_1112 = vector.shape_cast %mul3A_1107 : vector<16xf32> to vector<1x16xf32>
        tpu.vector_store %arg8[%swap3A_1108, %swap3A_1109], %swap3A_1112 {strides = array<i32>} : memref<8x2048xf32, #tpu.memory_space<vmem>>, vector<1x16xf32>,
        %get3A_1113 = arith.index_cast %scan3A_94 : i32 to index
        %get3A_1114 = arith.constant 1360 : index
        %get3A_1115 = tpu.vector_load %arg6[%get3A_1113, %get3A_1114] {strides = array<i32>} : memref<8x2048xf32, #tpu.memory_space<vmem>>, vector<1x16xf32>,
        %get3A_1116 = vector.shape_cast %get3A_1115 : vector<1x16xf32> to vector<16xf32>
        %mul3A_1117 = arith.constant 45.2548332 : f32
        %mul3A_1118 = vector.broadcast %mul3A_1117 : f32 to vector<16xf32>
        %mul3A_1119 = arith.mulf %get3A_1116, %mul3A_1118 : vector<16xf32>
        %swap3A_1120 = arith.index_cast %scan3A_94 : i32 to index
        %swap3A_1121 = arith.constant 1360 : index
        %swap3A_1122 = tpu.vector_load %arg8[%swap3A_1120, %swap3A_1121] {strides = array<i32>} : memref<8x2048xf32, #tpu.memory_space<vmem>>, vector<1x16xf32>,
        %swap3A_1123 = vector.shape_cast %swap3A_1122 : vector<1x16xf32> to vector<16xf32>
        %swap3A_1124 = vector.shape_cast %mul3A_1119 : vector<16xf32> to vector<1x16xf32>
        tpu.vector_store %arg8[%swap3A_1120, %swap3A_1121], %swap3A_1124 {strides = array<i32>} : memref<8x2048xf32, #tpu.memory_space<vmem>>, vector<1x16xf32>,
        %get3A_1125 = arith.index_cast %scan3A_94 : i32 to index
        %get3A_1126 = arith.constant 1376 : index
        %get3A_1127 = tpu.vector_load %arg6[%get3A_1125, %get3A_1126] {strides = array<i32>} : memref<8x2048xf32, #tpu.memory_space<vmem>>, vector<1x16xf32>,
        %get3A_1128 = vector.shape_cast %get3A_1127 : vector<1x16xf32> to vector<16xf32>
        %mul3A_1129 = arith.constant 45.2548332 : f32
        %mul3A_1130 = vector.broadcast %mul3A_1129 : f32 to vector<16xf32>
        %mul3A_1131 = arith.mulf %get3A_1128, %mul3A_1130 : vector<16xf32>
        %swap3A_1132 = arith.index_cast %scan3A_94 : i32 to index
        %swap3A_1133 = arith.constant 1376 : index
        %swap3A_1134 = tpu.vector_load %arg8[%swap3A_1132, %swap3A_1133] {strides = array<i32>} : memref<8x2048xf32, #tpu.memory_space<vmem>>, vector<1x16xf32>,
        %swap3A_1135 = vector.shape_cast %swap3A_1134 : vector<1x16xf32> to vector<16xf32>
        %swap3A_1136 = vector.shape_cast %mul3A_1131 : vector<16xf32> to vector<1x16xf32>
        tpu.vector_store %arg8[%swap3A_1132, %swap3A_1133], %swap3A_1136 {strides = array<i32>} : memref<8x2048xf32, #tpu.memory_space<vmem>>, vector<1x16xf32>,
        %get3A_1137 = arith.index_cast %scan3A_94 : i32 to index
        %get3A_1138 = arith.constant 1392 : index
        %get3A_1139 = tpu.vector_load %arg6[%get3A_1137, %get3A_1138] {strides = array<i32>} : memref<8x2048xf32, #tpu.memory_space<vmem>>, vector<1x16xf32>,
        %get3A_1140 = vector.shape_cast %get3A_1139 : vector<1x16xf32> to vector<16xf32>
        %mul3A_1141 = arith.constant 45.2548332 : f32
        %mul3A_1142 = vector.broadcast %mul3A_1141 : f32 to vector<16xf32>
        %mul3A_1143 = arith.mulf %get3A_1140, %mul3A_1142 : vector<16xf32>
        %swap3A_1144 = arith.index_cast %scan3A_94 : i32 to index
        %swap3A_1145 = arith.constant 1392 : index
        %swap3A_1146 = tpu.vector_load %arg8[%swap3A_1144, %swap3A_1145] {strides = array<i32>} : memref<8x2048xf32, #tpu.memory_space<vmem>>, vector<1x16xf32>,
        %swap3A_1147 = vector.shape_cast %swap3A_1146 : vector<1x16xf32> to vector<16xf32>
        %swap3A_1148 = vector.shape_cast %mul3A_1143 : vector<16xf32> to vector<1x16xf32>
        tpu.vector_store %arg8[%swap3A_1144, %swap3A_1145], %swap3A_1148 {strides = array<i32>} : memref<8x2048xf32, #tpu.memory_space<vmem>>, vector<1x16xf32>,
        %get3A_1149 = arith.index_cast %scan3A_94 : i32 to index
        %get3A_1150 = arith.constant 1408 : index
        %get3A_1151 = tpu.vector_load %arg6[%get3A_1149, %get3A_1150] {strides = array<i32>} : memref<8x2048xf32, #tpu.memory_space<vmem>>, vector<1x16xf32>,
        %get3A_1152 = vector.shape_cast %get3A_1151 : vector<1x16xf32> to vector<16xf32>
        %mul3A_1153 = arith.constant 45.2548332 : f32
        %mul3A_1154 = vector.broadcast %mul3A_1153 : f32 to vector<16xf32>
        %mul3A_1155 = arith.mulf %get3A_1152, %mul3A_1154 : vector<16xf32>
        %swap3A_1156 = arith.index_cast %scan3A_94 : i32 to index
        %swap3A_1157 = arith.constant 1408 : index
        %swap3A_1158 = tpu.vector_load %arg8[%swap3A_1156, %swap3A_1157] {strides = array<i32>} : memref<8x2048xf32, #tpu.memory_space<vmem>>, vector<1x16xf32>,
        %swap3A_1159 = vector.shape_cast %swap3A_1158 : vector<1x16xf32> to vector<16xf32>
        %swap3A_1160 = vector.shape_cast %mul3A_1155 : vector<16xf32> to vector<1x16xf32>
        tpu.vector_store %arg8[%swap3A_1156, %swap3A_1157], %swap3A_1160 {strides = array<i32>} : memref<8x2048xf32, #tpu.memory_space<vmem>>, vector<1x16xf32>,
        %get3A_1161 = arith.index_cast %scan3A_94 : i32 to index
        %get3A_1162 = arith.constant 1424 : index
        %get3A_1163 = tpu.vector_load %arg6[%get3A_1161, %get3A_1162] {strides = array<i32>} : memref<8x2048xf32, #tpu.memory_space<vmem>>, vector<1x16xf32>,
        %get3A_1164 = vector.shape_cast %get3A_1163 : vector<1x16xf32> to vector<16xf32>
        %mul3A_1165 = arith.constant 45.2548332 : f32
        %mul3A_1166 = vector.broadcast %mul3A_1165 : f32 to vector<16xf32>
        %mul3A_1167 = arith.mulf %get3A_1164, %mul3A_1166 : vector<16xf32>
        %swap3A_1168 = arith.index_cast %scan3A_94 : i32 to index
        %swap3A_1169 = arith.constant 1424 : index
        %swap3A_1170 = tpu.vector_load %arg8[%swap3A_1168, %swap3A_1169] {strides = array<i32>} : memref<8x2048xf32, #tpu.memory_space<vmem>>, vector<1x16xf32>,
        %swap3A_1171 = vector.shape_cast %swap3A_1170 : vector<1x16xf32> to vector<16xf32>
        %swap3A_1172 = vector.shape_cast %mul3A_1167 : vector<16xf32> to vector<1x16xf32>
        tpu.vector_store %arg8[%swap3A_1168, %swap3A_1169], %swap3A_1172 {strides = array<i32>} : memref<8x2048xf32, #tpu.memory_space<vmem>>, vector<1x16xf32>,
        %get3A_1173 = arith.index_cast %scan3A_94 : i32 to index
        %get3A_1174 = arith.constant 1440 : index
        %get3A_1175 = tpu.vector_load %arg6[%get3A_1173, %get3A_1174] {strides = array<i32>} : memref<8x2048xf32, #tpu.memory_space<vmem>>, vector<1x16xf32>,
        %get3A_1176 = vector.shape_cast %get3A_1175 : vector<1x16xf32> to vector<16xf32>
        %mul3A_1177 = arith.constant 45.2548332 : f32
        %mul3A_1178 = vector.broadcast %mul3A_1177 : f32 to vector<16xf32>
        %mul3A_1179 = arith.mulf %get3A_1176, %mul3A_1178 : vector<16xf32>
        %swap3A_1180 = arith.index_cast %scan3A_94 : i32 to index
        %swap3A_1181 = arith.constant 1440 : index
        %swap3A_1182 = tpu.vector_load %arg8[%swap3A_1180, %swap3A_1181] {strides = array<i32>} : memref<8x2048xf32, #tpu.memory_space<vmem>>, vector<1x16xf32>,
        %swap3A_1183 = vector.shape_cast %swap3A_1182 : vector<1x16xf32> to vector<16xf32>
        %swap3A_1184 = vector.shape_cast %mul3A_1179 : vector<16xf32> to vector<1x16xf32>
        tpu.vector_store %arg8[%swap3A_1180, %swap3A_1181], %swap3A_1184 {strides = array<i32>} : memref<8x2048xf32, #tpu.memory_space<vmem>>, vector<1x16xf32>,
        %get3A_1185 = arith.index_cast %scan3A_94 : i32 to index
        %get3A_1186 = arith.constant 1456 : index
        %get3A_1187 = tpu.vector_load %arg6[%get3A_1185, %get3A_1186] {strides = array<i32>} : memref<8x2048xf32, #tpu.memory_space<vmem>>, vector<1x16xf32>,
        %get3A_1188 = vector.shape_cast %get3A_1187 : vector<1x16xf32> to vector<16xf32>
        %mul3A_1189 = arith.constant 45.2548332 : f32
        %mul3A_1190 = vector.broadcast %mul3A_1189 : f32 to vector<16xf32>
        %mul3A_1191 = arith.mulf %get3A_1188, %mul3A_1190 : vector<16xf32>
        %swap3A_1192 = arith.index_cast %scan3A_94 : i32 to index
        %swap3A_1193 = arith.constant 1456 : index
        %swap3A_1194 = tpu.vector_load %arg8[%swap3A_1192, %swap3A_1193] {strides = array<i32>} : memref<8x2048xf32, #tpu.memory_space<vmem>>, vector<1x16xf32>,
        %swap3A_1195 = vector.shape_cast %swap3A_1194 : vector<1x16xf32> to vector<16xf32>
        %swap3A_1196 = vector.shape_cast %mul3A_1191 : vector<16xf32> to vector<1x16xf32>
        tpu.vector_store %arg8[%swap3A_1192, %swap3A_1193], %swap3A_1196 {strides = array<i32>} : memref<8x2048xf32, #tpu.memory_space<vmem>>, vector<1x16xf32>,
        %get3A_1197 = arith.index_cast %scan3A_94 : i32 to index
        %get3A_1198 = arith.constant 1472 : index
        %get3A_1199 = tpu.vector_load %arg6[%get3A_1197, %get3A_1198] {strides = array<i32>} : memref<8x2048xf32, #tpu.memory_space<vmem>>, vector<1x16xf32>,
        %get3A_1200 = vector.shape_cast %get3A_1199 : vector<1x16xf32> to vector<16xf32>
        %mul3A_1201 = arith.constant 45.2548332 : f32
        %mul3A_1202 = vector.broadcast %mul3A_1201 : f32 to vector<16xf32>
        %mul3A_1203 = arith.mulf %get3A_1200, %mul3A_1202 : vector<16xf32>
        %swap3A_1204 = arith.index_cast %scan3A_94 : i32 to index
        %swap3A_1205 = arith.constant 1472 : index
        %swap3A_1206 = tpu.vector_load %arg8[%swap3A_1204, %swap3A_1205] {strides = array<i32>} : memref<8x2048xf32, #tpu.memory_space<vmem>>, vector<1x16xf32>,
        %swap3A_1207 = vector.shape_cast %swap3A_1206 : vector<1x16xf32> to vector<16xf32>
        %swap3A_1208 = vector.shape_cast %mul3A_1203 : vector<16xf32> to vector<1x16xf32>
        tpu.vector_store %arg8[%swap3A_1204, %swap3A_1205], %swap3A_1208 {strides = array<i32>} : memref<8x2048xf32, #tpu.memory_space<vmem>>, vector<1x16xf32>,
        %get3A_1209 = arith.index_cast %scan3A_94 : i32 to index
        %get3A_1210 = arith.constant 1488 : index
        %get3A_1211 = tpu.vector_load %arg6[%get3A_1209, %get3A_1210] {strides = array<i32>} : memref<8x2048xf32, #tpu.memory_space<vmem>>, vector<1x16xf32>,
        %get3A_1212 = vector.shape_cast %get3A_1211 : vector<1x16xf32> to vector<16xf32>
        %mul3A_1213 = arith.constant 45.2548332 : f32
        %mul3A_1214 = vector.broadcast %mul3A_1213 : f32 to vector<16xf32>
        %mul3A_1215 = arith.mulf %get3A_1212, %mul3A_1214 : vector<16xf32>
        %swap3A_1216 = arith.index_cast %scan3A_94 : i32 to index
        %swap3A_1217 = arith.constant 1488 : index
        %swap3A_1218 = tpu.vector_load %arg8[%swap3A_1216, %swap3A_1217] {strides = array<i32>} : memref<8x2048xf32, #tpu.memory_space<vmem>>, vector<1x16xf32>,
        %swap3A_1219 = vector.shape_cast %swap3A_1218 : vector<1x16xf32> to vector<16xf32>
        %swap3A_1220 = vector.shape_cast %mul3A_1215 : vector<16xf32> to vector<1x16xf32>
        tpu.vector_store %arg8[%swap3A_1216, %swap3A_1217], %swap3A_1220 {strides = array<i32>} : memref<8x2048xf32, #tpu.memory_space<vmem>>, vector<1x16xf32>,
        %get3A_1221 = arith.index_cast %scan3A_94 : i32 to index
        %get3A_1222 = arith.constant 1504 : index
        %get3A_1223 = tpu.vector_load %arg6[%get3A_1221, %get3A_1222] {strides = array<i32>} : memref<8x2048xf32, #tpu.memory_space<vmem>>, vector<1x16xf32>,
        %get3A_1224 = vector.shape_cast %get3A_1223 : vector<1x16xf32> to vector<16xf32>
        %mul3A_1225 = arith.constant 45.2548332 : f32
        %mul3A_1226 = vector.broadcast %mul3A_1225 : f32 to vector<16xf32>
        %mul3A_1227 = arith.mulf %get3A_1224, %mul3A_1226 : vector<16xf32>
        %swap3A_1228 = arith.index_cast %scan3A_94 : i32 to index
        %swap3A_1229 = arith.constant 1504 : index
        %swap3A_1230 = tpu.vector_load %arg8[%swap3A_1228, %swap3A_1229] {strides = array<i32>} : memref<8x2048xf32, #tpu.memory_space<vmem>>, vector<1x16xf32>,
        %swap3A_1231 = vector.shape_cast %swap3A_1230 : vector<1x16xf32> to vector<16xf32>
        %swap3A_1232 = vector.shape_cast %mul3A_1227 : vector<16xf32> to vector<1x16xf32>
        tpu.vector_store %arg8[%swap3A_1228, %swap3A_1229], %swap3A_1232 {strides = array<i32>} : memref<8x2048xf32, #tpu.memory_space<vmem>>, vector<1x16xf32>,
        %get3A_1233 = arith.index_cast %scan3A_94 : i32 to index
        %get3A_1234 = arith.constant 1520 : index
        %get3A_1235 = tpu.vector_load %arg6[%get3A_1233, %get3A_1234] {strides = array<i32>} : memref<8x2048xf32, #tpu.memory_space<vmem>>, vector<1x16xf32>,
        %get3A_1236 = vector.shape_cast %get3A_1235 : vector<1x16xf32> to vector<16xf32>
        %mul3A_1237 = arith.constant 45.2548332 : f32
        %mul3A_1238 = vector.broadcast %mul3A_1237 : f32 to vector<16xf32>
        %mul3A_1239 = arith.mulf %get3A_1236, %mul3A_1238 : vector<16xf32>
        %swap3A_1240 = arith.index_cast %scan3A_94 : i32 to index
        %swap3A_1241 = arith.constant 1520 : index
        %swap3A_1242 = tpu.vector_load %arg8[%swap3A_1240, %swap3A_1241] {strides = array<i32>} : memref<8x2048xf32, #tpu.memory_space<vmem>>, vector<1x16xf32>,
        %swap3A_1243 = vector.shape_cast %swap3A_1242 : vector<1x16xf32> to vector<16xf32>
        %swap3A_1244 = vector.shape_cast %mul3A_1239 : vector<16xf32> to vector<1x16xf32>
        tpu.vector_store %arg8[%swap3A_1240, %swap3A_1241], %swap3A_1244 {strides = array<i32>} : memref<8x2048xf32, #tpu.memory_space<vmem>>, vector<1x16xf32>,
        %get3A_1245 = arith.index_cast %scan3A_94 : i32 to index
        %get3A_1246 = arith.constant 1536 : index
        %get3A_1247 = tpu.vector_load %arg6[%get3A_1245, %get3A_1246] {strides = array<i32>} : memref<8x2048xf32, #tpu.memory_space<vmem>>, vector<1x16xf32>,
        %get3A_1248 = vector.shape_cast %get3A_1247 : vector<1x16xf32> to vector<16xf32>
        %mul3A_1249 = arith.constant 45.2548332 : f32
        %mul3A_1250 = vector.broadcast %mul3A_1249 : f32 to vector<16xf32>
        %mul3A_1251 = arith.mulf %get3A_1248, %mul3A_1250 : vector<16xf32>
        %swap3A_1252 = arith.index_cast %scan3A_94 : i32 to index
        %swap3A_1253 = arith.constant 1536 : index
        %swap3A_1254 = tpu.vector_load %arg8[%swap3A_1252, %swap3A_1253] {strides = array<i32>} : memref<8x2048xf32, #tpu.memory_space<vmem>>, vector<1x16xf32>,
        %swap3A_1255 = vector.shape_cast %swap3A_1254 : vector<1x16xf32> to vector<16xf32>
        %swap3A_1256 = vector.shape_cast %mul3A_1251 : vector<16xf32> to vector<1x16xf32>
        tpu.vector_store %arg8[%swap3A_1252, %swap3A_1253], %swap3A_1256 {strides = array<i32>} : memref<8x2048xf32, #tpu.memory_space<vmem>>, vector<1x16xf32>,
        %get3A_1257 = arith.index_cast %scan3A_94 : i32 to index
        %get3A_1258 = arith.constant 1552 : index
        %get3A_1259 = tpu.vector_load %arg6[%get3A_1257, %get3A_1258] {strides = array<i32>} : memref<8x2048xf32, #tpu.memory_space<vmem>>, vector<1x16xf32>,
        %get3A_1260 = vector.shape_cast %get3A_1259 : vector<1x16xf32> to vector<16xf32>
        %mul3A_1261 = arith.constant 45.2548332 : f32
        %mul3A_1262 = vector.broadcast %mul3A_1261 : f32 to vector<16xf32>
        %mul3A_1263 = arith.mulf %get3A_1260, %mul3A_1262 : vector<16xf32>
        %swap3A_1264 = arith.index_cast %scan3A_94 : i32 to index
        %swap3A_1265 = arith.constant 1552 : index
        %swap3A_1266 = tpu.vector_load %arg8[%swap3A_1264, %swap3A_1265] {strides = array<i32>} : memref<8x2048xf32, #tpu.memory_space<vmem>>, vector<1x16xf32>,
        %swap3A_1267 = vector.shape_cast %swap3A_1266 : vector<1x16xf32> to vector<16xf32>
        %swap3A_1268 = vector.shape_cast %mul3A_1263 : vector<16xf32> to vector<1x16xf32>
        tpu.vector_store %arg8[%swap3A_1264, %swap3A_1265], %swap3A_1268 {strides = array<i32>} : memref<8x2048xf32, #tpu.memory_space<vmem>>, vector<1x16xf32>,
        %get3A_1269 = arith.index_cast %scan3A_94 : i32 to index
        %get3A_1270 = arith.constant 1568 : index
        %get3A_1271 = tpu.vector_load %arg6[%get3A_1269, %get3A_1270] {strides = array<i32>} : memref<8x2048xf32, #tpu.memory_space<vmem>>, vector<1x16xf32>,
        %get3A_1272 = vector.shape_cast %get3A_1271 : vector<1x16xf32> to vector<16xf32>
        %mul3A_1273 = arith.constant 45.2548332 : f32
        %mul3A_1274 = vector.broadcast %mul3A_1273 : f32 to vector<16xf32>
        %mul3A_1275 = arith.mulf %get3A_1272, %mul3A_1274 : vector<16xf32>
        %swap3A_1276 = arith.index_cast %scan3A_94 : i32 to index
        %swap3A_1277 = arith.constant 1568 : index
        %swap3A_1278 = tpu.vector_load %arg8[%swap3A_1276, %swap3A_1277] {strides = array<i32>} : memref<8x2048xf32, #tpu.memory_space<vmem>>, vector<1x16xf32>,
        %swap3A_1279 = vector.shape_cast %swap3A_1278 : vector<1x16xf32> to vector<16xf32>
        %swap3A_1280 = vector.shape_cast %mul3A_1275 : vector<16xf32> to vector<1x16xf32>
        tpu.vector_store %arg8[%swap3A_1276, %swap3A_1277], %swap3A_1280 {strides = array<i32>} : memref<8x2048xf32, #tpu.memory_space<vmem>>, vector<1x16xf32>,
        %get3A_1281 = arith.index_cast %scan3A_94 : i32 to index
        %get3A_1282 = arith.constant 1584 : index
        %get3A_1283 = tpu.vector_load %arg6[%get3A_1281, %get3A_1282] {strides = array<i32>} : memref<8x2048xf32, #tpu.memory_space<vmem>>, vector<1x16xf32>,
        %get3A_1284 = vector.shape_cast %get3A_1283 : vector<1x16xf32> to vector<16xf32>
        %mul3A_1285 = arith.constant 45.2548332 : f32
        %mul3A_1286 = vector.broadcast %mul3A_1285 : f32 to vector<16xf32>
        %mul3A_1287 = arith.mulf %get3A_1284, %mul3A_1286 : vector<16xf32>
        %swap3A_1288 = arith.index_cast %scan3A_94 : i32 to index
        %swap3A_1289 = arith.constant 1584 : index
        %swap3A_1290 = tpu.vector_load %arg8[%swap3A_1288, %swap3A_1289] {strides = array<i32>} : memref<8x2048xf32, #tpu.memory_space<vmem>>, vector<1x16xf32>,
        %swap3A_1291 = vector.shape_cast %swap3A_1290 : vector<1x16xf32> to vector<16xf32>
        %swap3A_1292 = vector.shape_cast %mul3A_1287 : vector<16xf32> to vector<1x16xf32>
        tpu.vector_store %arg8[%swap3A_1288, %swap3A_1289], %swap3A_1292 {strides = array<i32>} : memref<8x2048xf32, #tpu.memory_space<vmem>>, vector<1x16xf32>,
        %get3A_1293 = arith.index_cast %scan3A_94 : i32 to index
        %get3A_1294 = arith.constant 1600 : index
        %get3A_1295 = tpu.vector_load %arg6[%get3A_1293, %get3A_1294] {strides = array<i32>} : memref<8x2048xf32, #tpu.memory_space<vmem>>, vector<1x16xf32>,
        %get3A_1296 = vector.shape_cast %get3A_1295 : vector<1x16xf32> to vector<16xf32>
        %mul3A_1297 = arith.constant 45.2548332 : f32
        %mul3A_1298 = vector.broadcast %mul3A_1297 : f32 to vector<16xf32>
        %mul3A_1299 = arith.mulf %get3A_1296, %mul3A_1298 : vector<16xf32>
        %swap3A_1300 = arith.index_cast %scan3A_94 : i32 to index
        %swap3A_1301 = arith.constant 1600 : index
        %swap3A_1302 = tpu.vector_load %arg8[%swap3A_1300, %swap3A_1301] {strides = array<i32>} : memref<8x2048xf32, #tpu.memory_space<vmem>>, vector<1x16xf32>,
        %swap3A_1303 = vector.shape_cast %swap3A_1302 : vector<1x16xf32> to vector<16xf32>
        %swap3A_1304 = vector.shape_cast %mul3A_1299 : vector<16xf32> to vector<1x16xf32>
        tpu.vector_store %arg8[%swap3A_1300, %swap3A_1301], %swap3A_1304 {strides = array<i32>} : memref<8x2048xf32, #tpu.memory_space<vmem>>, vector<1x16xf32>,
        %get3A_1305 = arith.index_cast %scan3A_94 : i32 to index
        %get3A_1306 = arith.constant 1616 : index
        %get3A_1307 = tpu.vector_load %arg6[%get3A_1305, %get3A_1306] {strides = array<i32>} : memref<8x2048xf32, #tpu.memory_space<vmem>>, vector<1x16xf32>,
        %get3A_1308 = vector.shape_cast %get3A_1307 : vector<1x16xf32> to vector<16xf32>
        %mul3A_1309 = arith.constant 45.2548332 : f32
        %mul3A_1310 = vector.broadcast %mul3A_1309 : f32 to vector<16xf32>
        %mul3A_1311 = arith.mulf %get3A_1308, %mul3A_1310 : vector<16xf32>
        %swap3A_1312 = arith.index_cast %scan3A_94 : i32 to index
        %swap3A_1313 = arith.constant 1616 : index
        %swap3A_1314 = tpu.vector_load %arg8[%swap3A_1312, %swap3A_1313] {strides = array<i32>} : memref<8x2048xf32, #tpu.memory_space<vmem>>, vector<1x16xf32>,
        %swap3A_1315 = vector.shape_cast %swap3A_1314 : vector<1x16xf32> to vector<16xf32>
        %swap3A_1316 = vector.shape_cast %mul3A_1311 : vector<16xf32> to vector<1x16xf32>
        tpu.vector_store %arg8[%swap3A_1312, %swap3A_1313], %swap3A_1316 {strides = array<i32>} : memref<8x2048xf32, #tpu.memory_space<vmem>>, vector<1x16xf32>,
        %get3A_1317 = arith.index_cast %scan3A_94 : i32 to index
        %get3A_1318 = arith.constant 1632 : index
        %get3A_1319 = tpu.vector_load %arg6[%get3A_1317, %get3A_1318] {strides = array<i32>} : memref<8x2048xf32, #tpu.memory_space<vmem>>, vector<1x16xf32>,
        %get3A_1320 = vector.shape_cast %get3A_1319 : vector<1x16xf32> to vector<16xf32>
        %mul3A_1321 = arith.constant 45.2548332 : f32
        %mul3A_1322 = vector.broadcast %mul3A_1321 : f32 to vector<16xf32>
        %mul3A_1323 = arith.mulf %get3A_1320, %mul3A_1322 : vector<16xf32>
        %swap3A_1324 = arith.index_cast %scan3A_94 : i32 to index
        %swap3A_1325 = arith.constant 1632 : index
        %swap3A_1326 = tpu.vector_load %arg8[%swap3A_1324, %swap3A_1325] {strides = array<i32>} : memref<8x2048xf32, #tpu.memory_space<vmem>>, vector<1x16xf32>,
        %swap3A_1327 = vector.shape_cast %swap3A_1326 : vector<1x16xf32> to vector<16xf32>
        %swap3A_1328 = vector.shape_cast %mul3A_1323 : vector<16xf32> to vector<1x16xf32>
        tpu.vector_store %arg8[%swap3A_1324, %swap3A_1325], %swap3A_1328 {strides = array<i32>} : memref<8x2048xf32, #tpu.memory_space<vmem>>, vector<1x16xf32>,
        %get3A_1329 = arith.index_cast %scan3A_94 : i32 to index
        %get3A_1330 = arith.constant 1648 : index
        %get3A_1331 = tpu.vector_load %arg6[%get3A_1329, %get3A_1330] {strides = array<i32>} : memref<8x2048xf32, #tpu.memory_space<vmem>>, vector<1x16xf32>,
        %get3A_1332 = vector.shape_cast %get3A_1331 : vector<1x16xf32> to vector<16xf32>
        %mul3A_1333 = arith.constant 45.2548332 : f32
        %mul3A_1334 = vector.broadcast %mul3A_1333 : f32 to vector<16xf32>
        %mul3A_1335 = arith.mulf %get3A_1332, %mul3A_1334 : vector<16xf32>
        %swap3A_1336 = arith.index_cast %scan3A_94 : i32 to index
        %swap3A_1337 = arith.constant 1648 : index
        %swap3A_1338 = tpu.vector_load %arg8[%swap3A_1336, %swap3A_1337] {strides = array<i32>} : memref<8x2048xf32, #tpu.memory_space<vmem>>, vector<1x16xf32>,
        %swap3A_1339 = vector.shape_cast %swap3A_1338 : vector<1x16xf32> to vector<16xf32>
        %swap3A_1340 = vector.shape_cast %mul3A_1335 : vector<16xf32> to vector<1x16xf32>
        tpu.vector_store %arg8[%swap3A_1336, %swap3A_1337], %swap3A_1340 {strides = array<i32>} : memref<8x2048xf32, #tpu.memory_space<vmem>>, vector<1x16xf32>,
        %get3A_1341 = arith.index_cast %scan3A_94 : i32 to index
        %get3A_1342 = arith.constant 1664 : index
        %get3A_1343 = tpu.vector_load %arg6[%get3A_1341, %get3A_1342] {strides = array<i32>} : memref<8x2048xf32, #tpu.memory_space<vmem>>, vector<1x16xf32>,
        %get3A_1344 = vector.shape_cast %get3A_1343 : vector<1x16xf32> to vector<16xf32>
        %mul3A_1345 = arith.constant 45.2548332 : f32
        %mul3A_1346 = vector.broadcast %mul3A_1345 : f32 to vector<16xf32>
        %mul3A_1347 = arith.mulf %get3A_1344, %mul3A_1346 : vector<16xf32>
        %swap3A_1348 = arith.index_cast %scan3A_94 : i32 to index
        %swap3A_1349 = arith.constant 1664 : index
        %swap3A_1350 = tpu.vector_load %arg8[%swap3A_1348, %swap3A_1349] {strides = array<i32>} : memref<8x2048xf32, #tpu.memory_space<vmem>>, vector<1x16xf32>,
        %swap3A_1351 = vector.shape_cast %swap3A_1350 : vector<1x16xf32> to vector<16xf32>
        %swap3A_1352 = vector.shape_cast %mul3A_1347 : vector<16xf32> to vector<1x16xf32>
        tpu.vector_store %arg8[%swap3A_1348, %swap3A_1349], %swap3A_1352 {strides = array<i32>} : memref<8x2048xf32, #tpu.memory_space<vmem>>, vector<1x16xf32>,
        %get3A_1353 = arith.index_cast %scan3A_94 : i32 to index
        %get3A_1354 = arith.constant 1680 : index
        %get3A_1355 = tpu.vector_load %arg6[%get3A_1353, %get3A_1354] {strides = array<i32>} : memref<8x2048xf32, #tpu.memory_space<vmem>>, vector<1x16xf32>,
        %get3A_1356 = vector.shape_cast %get3A_1355 : vector<1x16xf32> to vector<16xf32>
        %mul3A_1357 = arith.constant 45.2548332 : f32
        %mul3A_1358 = vector.broadcast %mul3A_1357 : f32 to vector<16xf32>
        %mul3A_1359 = arith.mulf %get3A_1356, %mul3A_1358 : vector<16xf32>
        %swap3A_1360 = arith.index_cast %scan3A_94 : i32 to index
        %swap3A_1361 = arith.constant 1680 : index
        %swap3A_1362 = tpu.vector_load %arg8[%swap3A_1360, %swap3A_1361] {strides = array<i32>} : memref<8x2048xf32, #tpu.memory_space<vmem>>, vector<1x16xf32>,
        %swap3A_1363 = vector.shape_cast %swap3A_1362 : vector<1x16xf32> to vector<16xf32>
        %swap3A_1364 = vector.shape_cast %mul3A_1359 : vector<16xf32> to vector<1x16xf32>
        tpu.vector_store %arg8[%swap3A_1360, %swap3A_1361], %swap3A_1364 {strides = array<i32>} : memref<8x2048xf32, #tpu.memory_space<vmem>>, vector<1x16xf32>,
        %get3A_1365 = arith.index_cast %scan3A_94 : i32 to index
        %get3A_1366 = arith.constant 1696 : index
        %get3A_1367 = tpu.vector_load %arg6[%get3A_1365, %get3A_1366] {strides = array<i32>} : memref<8x2048xf32, #tpu.memory_space<vmem>>, vector<1x16xf32>,
        %get3A_1368 = vector.shape_cast %get3A_1367 : vector<1x16xf32> to vector<16xf32>
        %mul3A_1369 = arith.constant 45.2548332 : f32
        %mul3A_1370 = vector.broadcast %mul3A_1369 : f32 to vector<16xf32>
        %mul3A_1371 = arith.mulf %get3A_1368, %mul3A_1370 : vector<16xf32>
        %swap3A_1372 = arith.index_cast %scan3A_94 : i32 to index
        %swap3A_1373 = arith.constant 1696 : index
        %swap3A_1374 = tpu.vector_load %arg8[%swap3A_1372, %swap3A_1373] {strides = array<i32>} : memref<8x2048xf32, #tpu.memory_space<vmem>>, vector<1x16xf32>,
        %swap3A_1375 = vector.shape_cast %swap3A_1374 : vector<1x16xf32> to vector<16xf32>
        %swap3A_1376 = vector.shape_cast %mul3A_1371 : vector<16xf32> to vector<1x16xf32>
        tpu.vector_store %arg8[%swap3A_1372, %swap3A_1373], %swap3A_1376 {strides = array<i32>} : memref<8x2048xf32, #tpu.memory_space<vmem>>, vector<1x16xf32>,
        %get3A_1377 = arith.index_cast %scan3A_94 : i32 to index
        %get3A_1378 = arith.constant 1712 : index
        %get3A_1379 = tpu.vector_load %arg6[%get3A_1377, %get3A_1378] {strides = array<i32>} : memref<8x2048xf32, #tpu.memory_space<vmem>>, vector<1x16xf32>,
        %get3A_1380 = vector.shape_cast %get3A_1379 : vector<1x16xf32> to vector<16xf32>
        %mul3A_1381 = arith.constant 45.2548332 : f32
        %mul3A_1382 = vector.broadcast %mul3A_1381 : f32 to vector<16xf32>
        %mul3A_1383 = arith.mulf %get3A_1380, %mul3A_1382 : vector<16xf32>
        %swap3A_1384 = arith.index_cast %scan3A_94 : i32 to index
        %swap3A_1385 = arith.constant 1712 : index
        %swap3A_1386 = tpu.vector_load %arg8[%swap3A_1384, %swap3A_1385] {strides = array<i32>} : memref<8x2048xf32, #tpu.memory_space<vmem>>, vector<1x16xf32>,
        %swap3A_1387 = vector.shape_cast %swap3A_1386 : vector<1x16xf32> to vector<16xf32>
        %swap3A_1388 = vector.shape_cast %mul3A_1383 : vector<16xf32> to vector<1x16xf32>
        tpu.vector_store %arg8[%swap3A_1384, %swap3A_1385], %swap3A_1388 {strides = array<i32>} : memref<8x2048xf32, #tpu.memory_space<vmem>>, vector<1x16xf32>,
        %get3A_1389 = arith.index_cast %scan3A_94 : i32 to index
        %get3A_1390 = arith.constant 1728 : index
        %get3A_1391 = tpu.vector_load %arg6[%get3A_1389, %get3A_1390] {strides = array<i32>} : memref<8x2048xf32, #tpu.memory_space<vmem>>, vector<1x16xf32>,
        %get3A_1392 = vector.shape_cast %get3A_1391 : vector<1x16xf32> to vector<16xf32>
        %mul3A_1393 = arith.constant 45.2548332 : f32
        %mul3A_1394 = vector.broadcast %mul3A_1393 : f32 to vector<16xf32>
        %mul3A_1395 = arith.mulf %get3A_1392, %mul3A_1394 : vector<16xf32>
        %swap3A_1396 = arith.index_cast %scan3A_94 : i32 to index
        %swap3A_1397 = arith.constant 1728 : index
        %swap3A_1398 = tpu.vector_load %arg8[%swap3A_1396, %swap3A_1397] {strides = array<i32>} : memref<8x2048xf32, #tpu.memory_space<vmem>>, vector<1x16xf32>,
        %swap3A_1399 = vector.shape_cast %swap3A_1398 : vector<1x16xf32> to vector<16xf32>
        %swap3A_1400 = vector.shape_cast %mul3A_1395 : vector<16xf32> to vector<1x16xf32>
        tpu.vector_store %arg8[%swap3A_1396, %swap3A_1397], %swap3A_1400 {strides = array<i32>} : memref<8x2048xf32, #tpu.memory_space<vmem>>, vector<1x16xf32>,
        %get3A_1401 = arith.index_cast %scan3A_94 : i32 to index
        %get3A_1402 = arith.constant 1744 : index
        %get3A_1403 = tpu.vector_load %arg6[%get3A_1401, %get3A_1402] {strides = array<i32>} : memref<8x2048xf32, #tpu.memory_space<vmem>>, vector<1x16xf32>,
        %get3A_1404 = vector.shape_cast %get3A_1403 : vector<1x16xf32> to vector<16xf32>
        %mul3A_1405 = arith.constant 45.2548332 : f32
        %mul3A_1406 = vector.broadcast %mul3A_1405 : f32 to vector<16xf32>
        %mul3A_1407 = arith.mulf %get3A_1404, %mul3A_1406 : vector<16xf32>
        %swap3A_1408 = arith.index_cast %scan3A_94 : i32 to index
        %swap3A_1409 = arith.constant 1744 : index
        %swap3A_1410 = tpu.vector_load %arg8[%swap3A_1408, %swap3A_1409] {strides = array<i32>} : memref<8x2048xf32, #tpu.memory_space<vmem>>, vector<1x16xf32>,
        %swap3A_1411 = vector.shape_cast %swap3A_1410 : vector<1x16xf32> to vector<16xf32>
        %swap3A_1412 = vector.shape_cast %mul3A_1407 : vector<16xf32> to vector<1x16xf32>
        tpu.vector_store %arg8[%swap3A_1408, %swap3A_1409], %swap3A_1412 {strides = array<i32>} : memref<8x2048xf32, #tpu.memory_space<vmem>>, vector<1x16xf32>,
        %get3A_1413 = arith.index_cast %scan3A_94 : i32 to index
        %get3A_1414 = arith.constant 1760 : index
        %get3A_1415 = tpu.vector_load %arg6[%get3A_1413, %get3A_1414] {strides = array<i32>} : memref<8x2048xf32, #tpu.memory_space<vmem>>, vector<1x16xf32>,
        %get3A_1416 = vector.shape_cast %get3A_1415 : vector<1x16xf32> to vector<16xf32>
        %mul3A_1417 = arith.constant 45.2548332 : f32
        %mul3A_1418 = vector.broadcast %mul3A_1417 : f32 to vector<16xf32>
        %mul3A_1419 = arith.mulf %get3A_1416, %mul3A_1418 : vector<16xf32>
        %swap3A_1420 = arith.index_cast %scan3A_94 : i32 to index
        %swap3A_1421 = arith.constant 1760 : index
        %swap3A_1422 = tpu.vector_load %arg8[%swap3A_1420, %swap3A_1421] {strides = array<i32>} : memref<8x2048xf32, #tpu.memory_space<vmem>>, vector<1x16xf32>,
        %swap3A_1423 = vector.shape_cast %swap3A_1422 : vector<1x16xf32> to vector<16xf32>
        %swap3A_1424 = vector.shape_cast %mul3A_1419 : vector<16xf32> to vector<1x16xf32>
        tpu.vector_store %arg8[%swap3A_1420, %swap3A_1421], %swap3A_1424 {strides = array<i32>} : memref<8x2048xf32, #tpu.memory_space<vmem>>, vector<1x16xf32>,
        %get3A_1425 = arith.index_cast %scan3A_94 : i32 to index
        %get3A_1426 = arith.constant 1776 : index
        %get3A_1427 = tpu.vector_load %arg6[%get3A_1425, %get3A_1426] {strides = array<i32>} : memref<8x2048xf32, #tpu.memory_space<vmem>>, vector<1x16xf32>,
        %get3A_1428 = vector.shape_cast %get3A_1427 : vector<1x16xf32> to vector<16xf32>
        %mul3A_1429 = arith.constant 45.2548332 : f32
        %mul3A_1430 = vector.broadcast %mul3A_1429 : f32 to vector<16xf32>
        %mul3A_1431 = arith.mulf %get3A_1428, %mul3A_1430 : vector<16xf32>
        %swap3A_1432 = arith.index_cast %scan3A_94 : i32 to index
        %swap3A_1433 = arith.constant 1776 : index
        %swap3A_1434 = tpu.vector_load %arg8[%swap3A_1432, %swap3A_1433] {strides = array<i32>} : memref<8x2048xf32, #tpu.memory_space<vmem>>, vector<1x16xf32>,
        %swap3A_1435 = vector.shape_cast %swap3A_1434 : vector<1x16xf32> to vector<16xf32>
        %swap3A_1436 = vector.shape_cast %mul3A_1431 : vector<16xf32> to vector<1x16xf32>
        tpu.vector_store %arg8[%swap3A_1432, %swap3A_1433], %swap3A_1436 {strides = array<i32>} : memref<8x2048xf32, #tpu.memory_space<vmem>>, vector<1x16xf32>,
        %get3A_1437 = arith.index_cast %scan3A_94 : i32 to index
        %get3A_1438 = arith.constant 1792 : index
        %get3A_1439 = tpu.vector_load %arg6[%get3A_1437, %get3A_1438] {strides = array<i32>} : memref<8x2048xf32, #tpu.memory_space<vmem>>, vector<1x16xf32>,
        %get3A_1440 = vector.shape_cast %get3A_1439 : vector<1x16xf32> to vector<16xf32>
        %mul3A_1441 = arith.constant 45.2548332 : f32
        %mul3A_1442 = vector.broadcast %mul3A_1441 : f32 to vector<16xf32>
        %mul3A_1443 = arith.mulf %get3A_1440, %mul3A_1442 : vector<16xf32>
        %swap3A_1444 = arith.index_cast %scan3A_94 : i32 to index
        %swap3A_1445 = arith.constant 1792 : index
        %swap3A_1446 = tpu.vector_load %arg8[%swap3A_1444, %swap3A_1445] {strides = array<i32>} : memref<8x2048xf32, #tpu.memory_space<vmem>>, vector<1x16xf32>,
        %swap3A_1447 = vector.shape_cast %swap3A_1446 : vector<1x16xf32> to vector<16xf32>
        %swap3A_1448 = vector.shape_cast %mul3A_1443 : vector<16xf32> to vector<1x16xf32>
        tpu.vector_store %arg8[%swap3A_1444, %swap3A_1445], %swap3A_1448 {strides = array<i32>} : memref<8x2048xf32, #tpu.memory_space<vmem>>, vector<1x16xf32>,
        %get3A_1449 = arith.index_cast %scan3A_94 : i32 to index
        %get3A_1450 = arith.constant 1808 : index
        %get3A_1451 = tpu.vector_load %arg6[%get3A_1449, %get3A_1450] {strides = array<i32>} : memref<8x2048xf32, #tpu.memory_space<vmem>>, vector<1x16xf32>,
        %get3A_1452 = vector.shape_cast %get3A_1451 : vector<1x16xf32> to vector<16xf32>
        %mul3A_1453 = arith.constant 45.2548332 : f32
        %mul3A_1454 = vector.broadcast %mul3A_1453 : f32 to vector<16xf32>
        %mul3A_1455 = arith.mulf %get3A_1452, %mul3A_1454 : vector<16xf32>
        %swap3A_1456 = arith.index_cast %scan3A_94 : i32 to index
        %swap3A_1457 = arith.constant 1808 : index
        %swap3A_1458 = tpu.vector_load %arg8[%swap3A_1456, %swap3A_1457] {strides = array<i32>} : memref<8x2048xf32, #tpu.memory_space<vmem>>, vector<1x16xf32>,
        %swap3A_1459 = vector.shape_cast %swap3A_1458 : vector<1x16xf32> to vector<16xf32>
        %swap3A_1460 = vector.shape_cast %mul3A_1455 : vector<16xf32> to vector<1x16xf32>
        tpu.vector_store %arg8[%swap3A_1456, %swap3A_1457], %swap3A_1460 {strides = array<i32>} : memref<8x2048xf32, #tpu.memory_space<vmem>>, vector<1x16xf32>,
        %get3A_1461 = arith.index_cast %scan3A_94 : i32 to index
        %get3A_1462 = arith.constant 1824 : index
        %get3A_1463 = tpu.vector_load %arg6[%get3A_1461, %get3A_1462] {strides = array<i32>} : memref<8x2048xf32, #tpu.memory_space<vmem>>, vector<1x16xf32>,
        %get3A_1464 = vector.shape_cast %get3A_1463 : vector<1x16xf32> to vector<16xf32>
        %mul3A_1465 = arith.constant 45.2548332 : f32
        %mul3A_1466 = vector.broadcast %mul3A_1465 : f32 to vector<16xf32>
        %mul3A_1467 = arith.mulf %get3A_1464, %mul3A_1466 : vector<16xf32>
        %swap3A_1468 = arith.index_cast %scan3A_94 : i32 to index
        %swap3A_1469 = arith.constant 1824 : index
        %swap3A_1470 = tpu.vector_load %arg8[%swap3A_1468, %swap3A_1469] {strides = array<i32>} : memref<8x2048xf32, #tpu.memory_space<vmem>>, vector<1x16xf32>,
        %swap3A_1471 = vector.shape_cast %swap3A_1470 : vector<1x16xf32> to vector<16xf32>
        %swap3A_1472 = vector.shape_cast %mul3A_1467 : vector<16xf32> to vector<1x16xf32>
        tpu.vector_store %arg8[%swap3A_1468, %swap3A_1469], %swap3A_1472 {strides = array<i32>} : memref<8x2048xf32, #tpu.memory_space<vmem>>, vector<1x16xf32>,
        %get3A_1473 = arith.index_cast %scan3A_94 : i32 to index
        %get3A_1474 = arith.constant 1840 : index
        %get3A_1475 = tpu.vector_load %arg6[%get3A_1473, %get3A_1474] {strides = array<i32>} : memref<8x2048xf32, #tpu.memory_space<vmem>>, vector<1x16xf32>,
        %get3A_1476 = vector.shape_cast %get3A_1475 : vector<1x16xf32> to vector<16xf32>
        %mul3A_1477 = arith.constant 45.2548332 : f32
        %mul3A_1478 = vector.broadcast %mul3A_1477 : f32 to vector<16xf32>
        %mul3A_1479 = arith.mulf %get3A_1476, %mul3A_1478 : vector<16xf32>
        %swap3A_1480 = arith.index_cast %scan3A_94 : i32 to index
        %swap3A_1481 = arith.constant 1840 : index
        %swap3A_1482 = tpu.vector_load %arg8[%swap3A_1480, %swap3A_1481] {strides = array<i32>} : memref<8x2048xf32, #tpu.memory_space<vmem>>, vector<1x16xf32>,
        %swap3A_1483 = vector.shape_cast %swap3A_1482 : vector<1x16xf32> to vector<16xf32>
        %swap3A_1484 = vector.shape_cast %mul3A_1479 : vector<16xf32> to vector<1x16xf32>
        tpu.vector_store %arg8[%swap3A_1480, %swap3A_1481], %swap3A_1484 {strides = array<i32>} : memref<8x2048xf32, #tpu.memory_space<vmem>>, vector<1x16xf32>,
        %get3A_1485 = arith.index_cast %scan3A_94 : i32 to index
        %get3A_1486 = arith.constant 1856 : index
        %get3A_1487 = tpu.vector_load %arg6[%get3A_1485, %get3A_1486] {strides = array<i32>} : memref<8x2048xf32, #tpu.memory_space<vmem>>, vector<1x16xf32>,
        %get3A_1488 = vector.shape_cast %get3A_1487 : vector<1x16xf32> to vector<16xf32>
        %mul3A_1489 = arith.constant 45.2548332 : f32
        %mul3A_1490 = vector.broadcast %mul3A_1489 : f32 to vector<16xf32>
        %mul3A_1491 = arith.mulf %get3A_1488, %mul3A_1490 : vector<16xf32>
        %swap3A_1492 = arith.index_cast %scan3A_94 : i32 to index
        %swap3A_1493 = arith.constant 1856 : index
        %swap3A_1494 = tpu.vector_load %arg8[%swap3A_1492, %swap3A_1493] {strides = array<i32>} : memref<8x2048xf32, #tpu.memory_space<vmem>>, vector<1x16xf32>,
        %swap3A_1495 = vector.shape_cast %swap3A_1494 : vector<1x16xf32> to vector<16xf32>
        %swap3A_1496 = vector.shape_cast %mul3A_1491 : vector<16xf32> to vector<1x16xf32>
        tpu.vector_store %arg8[%swap3A_1492, %swap3A_1493], %swap3A_1496 {strides = array<i32>} : memref<8x2048xf32, #tpu.memory_space<vmem>>, vector<1x16xf32>,
        %get3A_1497 = arith.index_cast %scan3A_94 : i32 to index
        %get3A_1498 = arith.constant 1872 : index
        %get3A_1499 = tpu.vector_load %arg6[%get3A_1497, %get3A_1498] {strides = array<i32>} : memref<8x2048xf32, #tpu.memory_space<vmem>>, vector<1x16xf32>,
        %get3A_1500 = vector.shape_cast %get3A_1499 : vector<1x16xf32> to vector<16xf32>
        %mul3A_1501 = arith.constant 45.2548332 : f32
        %mul3A_1502 = vector.broadcast %mul3A_1501 : f32 to vector<16xf32>
        %mul3A_1503 = arith.mulf %get3A_1500, %mul3A_1502 : vector<16xf32>
        %swap3A_1504 = arith.index_cast %scan3A_94 : i32 to index
        %swap3A_1505 = arith.constant 1872 : index
        %swap3A_1506 = tpu.vector_load %arg8[%swap3A_1504, %swap3A_1505] {strides = array<i32>} : memref<8x2048xf32, #tpu.memory_space<vmem>>, vector<1x16xf32>,
        %swap3A_1507 = vector.shape_cast %swap3A_1506 : vector<1x16xf32> to vector<16xf32>
        %swap3A_1508 = vector.shape_cast %mul3A_1503 : vector<16xf32> to vector<1x16xf32>
        tpu.vector_store %arg8[%swap3A_1504, %swap3A_1505], %swap3A_1508 {strides = array<i32>} : memref<8x2048xf32, #tpu.memory_space<vmem>>, vector<1x16xf32>,
        %get3A_1509 = arith.index_cast %scan3A_94 : i32 to index
        %get3A_1510 = arith.constant 1888 : index
        %get3A_1511 = tpu.vector_load %arg6[%get3A_1509, %get3A_1510] {strides = array<i32>} : memref<8x2048xf32, #tpu.memory_space<vmem>>, vector<1x16xf32>,
        %get3A_1512 = vector.shape_cast %get3A_1511 : vector<1x16xf32> to vector<16xf32>
        %mul3A_1513 = arith.constant 45.2548332 : f32
        %mul3A_1514 = vector.broadcast %mul3A_1513 : f32 to vector<16xf32>
        %mul3A_1515 = arith.mulf %get3A_1512, %mul3A_1514 : vector<16xf32>
        %swap3A_1516 = arith.index_cast %scan3A_94 : i32 to index
        %swap3A_1517 = arith.constant 1888 : index
        %swap3A_1518 = tpu.vector_load %arg8[%swap3A_1516, %swap3A_1517] {strides = array<i32>} : memref<8x2048xf32, #tpu.memory_space<vmem>>, vector<1x16xf32>,
        %swap3A_1519 = vector.shape_cast %swap3A_1518 : vector<1x16xf32> to vector<16xf32>
        %swap3A_1520 = vector.shape_cast %mul3A_1515 : vector<16xf32> to vector<1x16xf32>
        tpu.vector_store %arg8[%swap3A_1516, %swap3A_1517], %swap3A_1520 {strides = array<i32>} : memref<8x2048xf32, #tpu.memory_space<vmem>>, vector<1x16xf32>,
        %get3A_1521 = arith.index_cast %scan3A_94 : i32 to index
        %get3A_1522 = arith.constant 1904 : index
        %get3A_1523 = tpu.vector_load %arg6[%get3A_1521, %get3A_1522] {strides = array<i32>} : memref<8x2048xf32, #tpu.memory_space<vmem>>, vector<1x16xf32>,
        %get3A_1524 = vector.shape_cast %get3A_1523 : vector<1x16xf32> to vector<16xf32>
        %mul3A_1525 = arith.constant 45.2548332 : f32
        %mul3A_1526 = vector.broadcast %mul3A_1525 : f32 to vector<16xf32>
        %mul3A_1527 = arith.mulf %get3A_1524, %mul3A_1526 : vector<16xf32>
        %swap3A_1528 = arith.index_cast %scan3A_94 : i32 to index
        %swap3A_1529 = arith.constant 1904 : index
        %swap3A_1530 = tpu.vector_load %arg8[%swap3A_1528, %swap3A_1529] {strides = array<i32>} : memref<8x2048xf32, #tpu.memory_space<vmem>>, vector<1x16xf32>,
        %swap3A_1531 = vector.shape_cast %swap3A_1530 : vector<1x16xf32> to vector<16xf32>
        %swap3A_1532 = vector.shape_cast %mul3A_1527 : vector<16xf32> to vector<1x16xf32>
        tpu.vector_store %arg8[%swap3A_1528, %swap3A_1529], %swap3A_1532 {strides = array<i32>} : memref<8x2048xf32, #tpu.memory_space<vmem>>, vector<1x16xf32>,
        %get3A_1533 = arith.index_cast %scan3A_94 : i32 to index
        %get3A_1534 = arith.constant 1920 : index
        %get3A_1535 = tpu.vector_load %arg6[%get3A_1533, %get3A_1534] {strides = array<i32>} : memref<8x2048xf32, #tpu.memory_space<vmem>>, vector<1x16xf32>,
        %get3A_1536 = vector.shape_cast %get3A_1535 : vector<1x16xf32> to vector<16xf32>
        %mul3A_1537 = arith.constant 45.2548332 : f32
        %mul3A_1538 = vector.broadcast %mul3A_1537 : f32 to vector<16xf32>
        %mul3A_1539 = arith.mulf %get3A_1536, %mul3A_1538 : vector<16xf32>
        %swap3A_1540 = arith.index_cast %scan3A_94 : i32 to index
        %swap3A_1541 = arith.constant 1920 : index
        %swap3A_1542 = tpu.vector_load %arg8[%swap3A_1540, %swap3A_1541] {strides = array<i32>} : memref<8x2048xf32, #tpu.memory_space<vmem>>, vector<1x16xf32>,
        %swap3A_1543 = vector.shape_cast %swap3A_1542 : vector<1x16xf32> to vector<16xf32>
        %swap3A_1544 = vector.shape_cast %mul3A_1539 : vector<16xf32> to vector<1x16xf32>
        tpu.vector_store %arg8[%swap3A_1540, %swap3A_1541], %swap3A_1544 {strides = array<i32>} : memref<8x2048xf32, #tpu.memory_space<vmem>>, vector<1x16xf32>,
        %get3A_1545 = arith.index_cast %scan3A_94 : i32 to index
        %get3A_1546 = arith.constant 1936 : index
        %get3A_1547 = tpu.vector_load %arg6[%get3A_1545, %get3A_1546] {strides = array<i32>} : memref<8x2048xf32, #tpu.memory_space<vmem>>, vector<1x16xf32>,
        %get3A_1548 = vector.shape_cast %get3A_1547 : vector<1x16xf32> to vector<16xf32>
        %mul3A_1549 = arith.constant 45.2548332 : f32
        %mul3A_1550 = vector.broadcast %mul3A_1549 : f32 to vector<16xf32>
        %mul3A_1551 = arith.mulf %get3A_1548, %mul3A_1550 : vector<16xf32>
        %swap3A_1552 = arith.index_cast %scan3A_94 : i32 to index
        %swap3A_1553 = arith.constant 1936 : index
        %swap3A_1554 = tpu.vector_load %arg8[%swap3A_1552, %swap3A_1553] {strides = array<i32>} : memref<8x2048xf32, #tpu.memory_space<vmem>>, vector<1x16xf32>,
        %swap3A_1555 = vector.shape_cast %swap3A_1554 : vector<1x16xf32> to vector<16xf32>
        %swap3A_1556 = vector.shape_cast %mul3A_1551 : vector<16xf32> to vector<1x16xf32>
        tpu.vector_store %arg8[%swap3A_1552, %swap3A_1553], %swap3A_1556 {strides = array<i32>} : memref<8x2048xf32, #tpu.memory_space<vmem>>, vector<1x16xf32>,
        %get3A_1557 = arith.index_cast %scan3A_94 : i32 to index
        %get3A_1558 = arith.constant 1952 : index
        %get3A_1559 = tpu.vector_load %arg6[%get3A_1557, %get3A_1558] {strides = array<i32>} : memref<8x2048xf32, #tpu.memory_space<vmem>>, vector<1x16xf32>,
        %get3A_1560 = vector.shape_cast %get3A_1559 : vector<1x16xf32> to vector<16xf32>
        %mul3A_1561 = arith.constant 45.2548332 : f32
        %mul3A_1562 = vector.broadcast %mul3A_1561 : f32 to vector<16xf32>
        %mul3A_1563 = arith.mulf %get3A_1560, %mul3A_1562 : vector<16xf32>
        %swap3A_1564 = arith.index_cast %scan3A_94 : i32 to index
        %swap3A_1565 = arith.constant 1952 : index
        %swap3A_1566 = tpu.vector_load %arg8[%swap3A_1564, %swap3A_1565] {strides = array<i32>} : memref<8x2048xf32, #tpu.memory_space<vmem>>, vector<1x16xf32>,
        %swap3A_1567 = vector.shape_cast %swap3A_1566 : vector<1x16xf32> to vector<16xf32>
        %swap3A_1568 = vector.shape_cast %mul3A_1563 : vector<16xf32> to vector<1x16xf32>
        tpu.vector_store %arg8[%swap3A_1564, %swap3A_1565], %swap3A_1568 {strides = array<i32>} : memref<8x2048xf32, #tpu.memory_space<vmem>>, vector<1x16xf32>,
        %get3A_1569 = arith.index_cast %scan3A_94 : i32 to index
        %get3A_1570 = arith.constant 1968 : index
        %get3A_1571 = tpu.vector_load %arg6[%get3A_1569, %get3A_1570] {strides = array<i32>} : memref<8x2048xf32, #tpu.memory_space<vmem>>, vector<1x16xf32>,
        %get3A_1572 = vector.shape_cast %get3A_1571 : vector<1x16xf32> to vector<16xf32>
        %mul3A_1573 = arith.constant 45.2548332 : f32
        %mul3A_1574 = vector.broadcast %mul3A_1573 : f32 to vector<16xf32>
        %mul3A_1575 = arith.mulf %get3A_1572, %mul3A_1574 : vector<16xf32>
        %swap3A_1576 = arith.index_cast %scan3A_94 : i32 to index
        %swap3A_1577 = arith.constant 1968 : index
        %swap3A_1578 = tpu.vector_load %arg8[%swap3A_1576, %swap3A_1577] {strides = array<i32>} : memref<8x2048xf32, #tpu.memory_space<vmem>>, vector<1x16xf32>,
        %swap3A_1579 = vector.shape_cast %swap3A_1578 : vector<1x16xf32> to vector<16xf32>
        %swap3A_1580 = vector.shape_cast %mul3A_1575 : vector<16xf32> to vector<1x16xf32>
        tpu.vector_store %arg8[%swap3A_1576, %swap3A_1577], %swap3A_1580 {strides = array<i32>} : memref<8x2048xf32, #tpu.memory_space<vmem>>, vector<1x16xf32>,
        %get3A_1581 = arith.index_cast %scan3A_94 : i32 to index
        %get3A_1582 = arith.constant 1984 : index
        %get3A_1583 = tpu.vector_load %arg6[%get3A_1581, %get3A_1582] {strides = array<i32>} : memref<8x2048xf32, #tpu.memory_space<vmem>>, vector<1x16xf32>,
        %get3A_1584 = vector.shape_cast %get3A_1583 : vector<1x16xf32> to vector<16xf32>
        %mul3A_1585 = arith.constant 45.2548332 : f32
        %mul3A_1586 = vector.broadcast %mul3A_1585 : f32 to vector<16xf32>
        %mul3A_1587 = arith.mulf %get3A_1584, %mul3A_1586 : vector<16xf32>
        %swap3A_1588 = arith.index_cast %scan3A_94 : i32 to index
        %swap3A_1589 = arith.constant 1984 : index
        %swap3A_1590 = tpu.vector_load %arg8[%swap3A_1588, %swap3A_1589] {strides = array<i32>} : memref<8x2048xf32, #tpu.memory_space<vmem>>, vector<1x16xf32>,
        %swap3A_1591 = vector.shape_cast %swap3A_1590 : vector<1x16xf32> to vector<16xf32>
        %swap3A_1592 = vector.shape_cast %mul3A_1587 : vector<16xf32> to vector<1x16xf32>
        tpu.vector_store %arg8[%swap3A_1588, %swap3A_1589], %swap3A_1592 {strides = array<i32>} : memref<8x2048xf32, #tpu.memory_space<vmem>>, vector<1x16xf32>,
        %get3A_1593 = arith.index_cast %scan3A_94 : i32 to index
        %get3A_1594 = arith.constant 2000 : index
        %get3A_1595 = tpu.vector_load %arg6[%get3A_1593, %get3A_1594] {strides = array<i32>} : memref<8x2048xf32, #tpu.memory_space<vmem>>, vector<1x16xf32>,
        %get3A_1596 = vector.shape_cast %get3A_1595 : vector<1x16xf32> to vector<16xf32>
        %mul3A_1597 = arith.constant 45.2548332 : f32
        %mul3A_1598 = vector.broadcast %mul3A_1597 : f32 to vector<16xf32>
        %mul3A_1599 = arith.mulf %get3A_1596, %mul3A_1598 : vector<16xf32>
        %swap3A_1600 = arith.index_cast %scan3A_94 : i32 to index
        %swap3A_1601 = arith.constant 2000 : index
        %swap3A_1602 = tpu.vector_load %arg8[%swap3A_1600, %swap3A_1601] {strides = array<i32>} : memref<8x2048xf32, #tpu.memory_space<vmem>>, vector<1x16xf32>,
        %swap3A_1603 = vector.shape_cast %swap3A_1602 : vector<1x16xf32> to vector<16xf32>
        %swap3A_1604 = vector.shape_cast %mul3A_1599 : vector<16xf32> to vector<1x16xf32>
        tpu.vector_store %arg8[%swap3A_1600, %swap3A_1601], %swap3A_1604 {strides = array<i32>} : memref<8x2048xf32, #tpu.memory_space<vmem>>, vector<1x16xf32>,
        %get3A_1605 = arith.index_cast %scan3A_94 : i32 to index
        %get3A_1606 = arith.constant 2016 : index
        %get3A_1607 = tpu.vector_load %arg6[%get3A_1605, %get3A_1606] {strides = array<i32>} : memref<8x2048xf32, #tpu.memory_space<vmem>>, vector<1x16xf32>,
        %get3A_1608 = vector.shape_cast %get3A_1607 : vector<1x16xf32> to vector<16xf32>
        %mul3A_1609 = arith.constant 45.2548332 : f32
        %mul3A_1610 = vector.broadcast %mul3A_1609 : f32 to vector<16xf32>
        %mul3A_1611 = arith.mulf %get3A_1608, %mul3A_1610 : vector<16xf32>
        %swap3A_1612 = arith.index_cast %scan3A_94 : i32 to index
        %swap3A_1613 = arith.constant 2016 : index
        %swap3A_1614 = tpu.vector_load %arg8[%swap3A_1612, %swap3A_1613] {strides = array<i32>} : memref<8x2048xf32, #tpu.memory_space<vmem>>, vector<1x16xf32>,
        %swap3A_1615 = vector.shape_cast %swap3A_1614 : vector<1x16xf32> to vector<16xf32>
        %swap3A_1616 = vector.shape_cast %mul3A_1611 : vector<16xf32> to vector<1x16xf32>
        tpu.vector_store %arg8[%swap3A_1612, %swap3A_1613], %swap3A_1616 {strides = array<i32>} : memref<8x2048xf32, #tpu.memory_space<vmem>>, vector<1x16xf32>,
        %get3A_1617 = arith.index_cast %scan3A_94 : i32 to index
        %get3A_1618 = arith.constant 2032 : index
        %get3A_1619 = tpu.vector_load %arg6[%get3A_1617, %get3A_1618] {strides = array<i32>} : memref<8x2048xf32, #tpu.memory_space<vmem>>, vector<1x16xf32>,
        %get3A_1620 = vector.shape_cast %get3A_1619 : vector<1x16xf32> to vector<16xf32>
        %mul3A_1621 = arith.constant 45.2548332 : f32
        %mul3A_1622 = vector.broadcast %mul3A_1621 : f32 to vector<16xf32>
        %mul3A_1623 = arith.mulf %get3A_1620, %mul3A_1622 : vector<16xf32>
        %swap3A_1624 = arith.index_cast %scan3A_94 : i32 to index
        %swap3A_1625 = arith.constant 2032 : index
        %swap3A_1626 = tpu.vector_load %arg8[%swap3A_1624, %swap3A_1625] {strides = array<i32>} : memref<8x2048xf32, #tpu.memory_space<vmem>>, vector<1x16xf32>,
        %swap3A_1627 = vector.shape_cast %swap3A_1626 : vector<1x16xf32> to vector<16xf32>
        %swap3A_1628 = vector.shape_cast %mul3A_1623 : vector<16xf32> to vector<1x16xf32>
        tpu.vector_store %arg8[%swap3A_1624, %swap3A_1625], %swap3A_1628 {strides = array<i32>} : memref<8x2048xf32, #tpu.memory_space<vmem>>, vector<1x16xf32>,
      }
      %scan3A_47 = arith.constant 8 : i32
      %add3A_48 = arith.constant 2 : i32
      %add3A_49 = arith.addi %add3A_33, %add3A_48 : i32
      %lt3A = arith.constant 64 : i32
      %lt3A_50 = arith.cmpi slt, %add3A_49, %lt3A : i32
      %convert_element_type3A_51 = arith.extui %lt3A_50 : i1 to i32
      %cond3A_52 = arith.constant 0 : i32
      %cond3A_53 = arith.cmpi ne, %convert_element_type3A_51, %cond3A_52 : i32
      scf.if %cond3A_53 {
        %add3A_94 = arith.constant 2 : i32
        %add3A_95 = arith.addi %add3A_33, %add3A_94 : i32
        %mul3A_96 = arith.constant 8 : i32
        %mul3A_97 = arith.muli %add3A_95, %mul3A_96 : i32
        %dma_start3A_98 = tpu.memref_slice %arg5[%mul3A_97] : memref<512xi32, #tpu.memory_space<vmem>> -> memref<8xi32, #tpu.memory_space<vmem>>
        %dma_start3A_99 = arith.constant 0 : i32
        %dma_start3A_100 = arith.constant 0 : i32
        %dma_start3A_101 = tpu.memref_slice %arg3[%dma_start3A_99, %dma_start3A_100] : memref<100000x2048xf32, #tpu.memory_space<hbm>> -> memref<100000x2048xf32, #tpu.memory_space<hbm>>
        tpu.enqueue_indirect_dma source(%dma_start3A_101 : memref<100000x2048xf32, #tpu.memory_space<hbm>>) target(%arg6 : memref<8x2048xf32, #tpu.memory_space<vmem>>) offsets(%dma_start3A_98 : memref<8xi32, #tpu.memory_space<vmem>>) semaphore(%arg10 : memref<!tpu.dma_semaphore, #tpu.memory_space<semaphore_mem>>)
      } else {
      }
      %mul3A_54 = arith.constant 8 : i32
      %mul3A_55 = arith.muli %add3A_33, %mul3A_54 : i32
      %add3A_56 = arith.addi %mul3A_2, %mul3A_55 : i32
      %dma_start3A_57 = arith.constant 0 : i32
      %dma_start3A_58 = tpu.memref_slice %arg4[%add3A_56, %dma_start3A_57] : memref<16384x2048xf32, #tpu.memory_space<hbm>> -> memref<8x2048xf32, #tpu.memory_space<hbm>>
      %dma_start3A_59 = arith.constant 0 : i32
      %dma_start3A_60 = tpu.memref_slice %arg4[%add3A_56, %dma_start3A_59] : memref<16384x2048xf32, #tpu.memory_space<hbm>> -> memref<8x2048xf32, #tpu.memory_space<hbm>>
      tpu.enqueue_dma source(%arg8 : memref<8x2048xf32, #tpu.memory_space<vmem>>) target(%dma_start3A_60 : memref<8x2048xf32, #tpu.memory_space<hbm>>) target_semaphore(%arg12 : memref<!tpu.dma_semaphore, #tpu.memory_space<semaphore_mem>>)
      %add3A_61 = arith.constant 1 : i32
      %add3A_62 = arith.addi %add3A_31, %add3A_61 : i32
      %mul3A_63 = arith.constant 8 : i32
      %mul3A_64 = arith.muli %add3A_62, %mul3A_63 : i32
      %dma_wait3A_65 = tpu.memref_slice %arg5[%mul3A_64] : memref<512xi32, #tpu.memory_space<vmem>> -> memref<8xi32, #tpu.memory_space<vmem>>
      %dma_wait3A_66 = arith.constant 0 : i32
      %dma_wait3A_67 = arith.constant 0 : i32
      %dma_wait3A_68 = tpu.memref_slice %arg3[%dma_wait3A_66, %dma_wait3A_67] : memref<100000x2048xf32, #tpu.memory_space<hbm>> -> memref<100000x2048xf32, #tpu.memory_space<hbm>>
      tpu.wait_indirect_dma semaphore(%arg11 : memref<!tpu.dma_semaphore, #tpu.memory_space<semaphore_mem>>) src(%dma_wait3A_68 : memref<100000x2048xf32, #tpu.memory_space<hbm>>) dst(%arg7 : memref<8x2048xf32, #tpu.memory_space<vmem>>)
      %ge3A_69 = arith.constant 2 : i32
      %ge3A_70 = arith.cmpi sge, %add3A_62, %ge3A_69 : i32
      %convert_element_type3A_71 = arith.extui %ge3A_70 : i1 to i32
      %cond3A_72 = arith.constant 0 : i32
      %cond3A_73 = arith.cmpi ne, %convert_element_type3A_71, %cond3A_72 : i32
      scf.if %cond3A_73 {
        %mul3A_94 = arith.constant 8 : i32
        %mul3A_95 = arith.muli %add3A_62, %mul3A_94 : i32
        %add3A_96 = arith.addi %mul3A_2, %mul3A_95 : i32
        %dma_wait3A_97 = arith.constant 0 : i32
        %dma_wait3A_98 = tpu.memref_slice %arg4[%add3A_96, %dma_wait3A_97] : memref<16384x2048xf32, #tpu.memory_space<hbm>> -> memref<8x2048xf32, #tpu.memory_space<hbm>>
        %dma_wait3A_99 = arith.constant 0 : i32
        %dma_wait3A_100 = tpu.memref_slice %arg4[%add3A_96, %dma_wait3A_99] : memref<16384x2048xf32, #tpu.memory_space<hbm>> -> memref<8x2048xf32, #tpu.memory_space<hbm>>
        tpu.wait_dma2 semaphore(%arg13 : memref<!tpu.dma_semaphore, #tpu.memory_space<semaphore_mem>>) src(%arg9 : memref<8x2048xf32, #tpu.memory_space<vmem>>) dst(%dma_wait3A_100 : memref<8x2048xf32, #tpu.memory_space<hbm>>)
      } else {
      }
      %scan3A_74 = arith.constant 0 : i32
      %scan3A_75 = arith.constant 0 : i32
      %scan3A_76 = arith.constant 8 : i32
      %scan3A_77 = arith.addi %scan3A_75, %scan3A_76 : i32
      %scan3A_78 = arith.constant 1 : i32
      scf.for %scan3A_94 = %scan3A_75 to %scan3A_77 step %scan3A_78  : i32 {
        %get3A = arith.index_cast %scan3A_94 : i32 to index
        %get3A_95 = arith.constant 0 : index
        %get3A_96 = tpu.vector_load %arg7[%get3A, %get3A_95] {strides = array<i32>} : memref<8x2048xf32, #tpu.memory_space<vmem>>, vector<1x16xf32>,
        %get3A_97 = vector.shape_cast %get3A_96 : vector<1x16xf32> to vector<16xf32>
        %mul3A_98 = arith.constant 45.2548332 : f32
        %mul3A_99 = vector.broadcast %mul3A_98 : f32 to vector<16xf32>
        %mul3A_100 = arith.mulf %get3A_97, %mul3A_99 : vector<16xf32>
        %swap3A = arith.index_cast %scan3A_94 : i32 to index
        %swap3A_101 = arith.constant 0 : index
        %swap3A_102 = tpu.vector_load %arg9[%swap3A, %swap3A_101] {strides = array<i32>} : memref<8x2048xf32, #tpu.memory_space<vmem>>, vector<1x16xf32>,
        %swap3A_103 = vector.shape_cast %swap3A_102 : vector<1x16xf32> to vector<16xf32>
        %swap3A_104 = vector.shape_cast %mul3A_100 : vector<16xf32> to vector<1x16xf32>
        tpu.vector_store %arg9[%swap3A, %swap3A_101], %swap3A_104 {strides = array<i32>} : memref<8x2048xf32, #tpu.memory_space<vmem>>, vector<1x16xf32>,
        %get3A_105 = arith.index_cast %scan3A_94 : i32 to index
        %get3A_106 = arith.constant 16 : index
        %get3A_107 = tpu.vector_load %arg7[%get3A_105, %get3A_106] {strides = array<i32>} : memref<8x2048xf32, #tpu.memory_space<vmem>>, vector<1x16xf32>,
        %get3A_108 = vector.shape_cast %get3A_107 : vector<1x16xf32> to vector<16xf32>
        %mul3A_109 = arith.constant 45.2548332 : f32
        %mul3A_110 = vector.broadcast %mul3A_109 : f32 to vector<16xf32>
        %mul3A_111 = arith.mulf %get3A_108, %mul3A_110 : vector<16xf32>
        %swap3A_112 = arith.index_cast %scan3A_94 : i32 to index
        %swap3A_113 = arith.constant 16 : index
        %swap3A_114 = tpu.vector_load %arg9[%swap3A_112, %swap3A_113] {strides = array<i32>} : memref<8x2048xf32, #tpu.memory_space<vmem>>, vector<1x16xf32>,
        %swap3A_115 = vector.shape_cast %swap3A_114 : vector<1x16xf32> to vector<16xf32>
        %swap3A_116 = vector.shape_cast %mul3A_111 : vector<16xf32> to vector<1x16xf32>
        tpu.vector_store %arg9[%swap3A_112, %swap3A_113], %swap3A_116 {strides = array<i32>} : memref<8x2048xf32, #tpu.memory_space<vmem>>, vector<1x16xf32>,
        %get3A_117 = arith.index_cast %scan3A_94 : i32 to index
        %get3A_118 = arith.constant 32 : index
        %get3A_119 = tpu.vector_load %arg7[%get3A_117, %get3A_118] {strides = array<i32>} : memref<8x2048xf32, #tpu.memory_space<vmem>>, vector<1x16xf32>,
        %get3A_120 = vector.shape_cast %get3A_119 : vector<1x16xf32> to vector<16xf32>
        %mul3A_121 = arith.constant 45.2548332 : f32
        %mul3A_122 = vector.broadcast %mul3A_121 : f32 to vector<16xf32>
        %mul3A_123 = arith.mulf %get3A_120, %mul3A_122 : vector<16xf32>
        %swap3A_124 = arith.index_cast %scan3A_94 : i32 to index
        %swap3A_125 = arith.constant 32 : index
        %swap3A_126 = tpu.vector_load %arg9[%swap3A_124, %swap3A_125] {strides = array<i32>} : memref<8x2048xf32, #tpu.memory_space<vmem>>, vector<1x16xf32>,
        %swap3A_127 = vector.shape_cast %swap3A_126 : vector<1x16xf32> to vector<16xf32>
        %swap3A_128 = vector.shape_cast %mul3A_123 : vector<16xf32> to vector<1x16xf32>
        tpu.vector_store %arg9[%swap3A_124, %swap3A_125], %swap3A_128 {strides = array<i32>} : memref<8x2048xf32, #tpu.memory_space<vmem>>, vector<1x16xf32>,
        %get3A_129 = arith.index_cast %scan3A_94 : i32 to index
        %get3A_130 = arith.constant 48 : index
        %get3A_131 = tpu.vector_load %arg7[%get3A_129, %get3A_130] {strides = array<i32>} : memref<8x2048xf32, #tpu.memory_space<vmem>>, vector<1x16xf32>,
        %get3A_132 = vector.shape_cast %get3A_131 : vector<1x16xf32> to vector<16xf32>
        %mul3A_133 = arith.constant 45.2548332 : f32
        %mul3A_134 = vector.broadcast %mul3A_133 : f32 to vector<16xf32>
        %mul3A_135 = arith.mulf %get3A_132, %mul3A_134 : vector<16xf32>
        %swap3A_136 = arith.index_cast %scan3A_94 : i32 to index
        %swap3A_137 = arith.constant 48 : index
        %swap3A_138 = tpu.vector_load %arg9[%swap3A_136, %swap3A_137] {strides = array<i32>} : memref<8x2048xf32, #tpu.memory_space<vmem>>, vector<1x16xf32>,
        %swap3A_139 = vector.shape_cast %swap3A_138 : vector<1x16xf32> to vector<16xf32>
        %swap3A_140 = vector.shape_cast %mul3A_135 : vector<16xf32> to vector<1x16xf32>
        tpu.vector_store %arg9[%swap3A_136, %swap3A_137], %swap3A_140 {strides = array<i32>} : memref<8x2048xf32, #tpu.memory_space<vmem>>, vector<1x16xf32>,
        %get3A_141 = arith.index_cast %scan3A_94 : i32 to index
        %get3A_142 = arith.constant 64 : index
        %get3A_143 = tpu.vector_load %arg7[%get3A_141, %get3A_142] {strides = array<i32>} : memref<8x2048xf32, #tpu.memory_space<vmem>>, vector<1x16xf32>,
        %get3A_144 = vector.shape_cast %get3A_143 : vector<1x16xf32> to vector<16xf32>
        %mul3A_145 = arith.constant 45.2548332 : f32
        %mul3A_146 = vector.broadcast %mul3A_145 : f32 to vector<16xf32>
        %mul3A_147 = arith.mulf %get3A_144, %mul3A_146 : vector<16xf32>
        %swap3A_148 = arith.index_cast %scan3A_94 : i32 to index
        %swap3A_149 = arith.constant 64 : index
        %swap3A_150 = tpu.vector_load %arg9[%swap3A_148, %swap3A_149] {strides = array<i32>} : memref<8x2048xf32, #tpu.memory_space<vmem>>, vector<1x16xf32>,
        %swap3A_151 = vector.shape_cast %swap3A_150 : vector<1x16xf32> to vector<16xf32>
        %swap3A_152 = vector.shape_cast %mul3A_147 : vector<16xf32> to vector<1x16xf32>
        tpu.vector_store %arg9[%swap3A_148, %swap3A_149], %swap3A_152 {strides = array<i32>} : memref<8x2048xf32, #tpu.memory_space<vmem>>, vector<1x16xf32>,
        %get3A_153 = arith.index_cast %scan3A_94 : i32 to index
        %get3A_154 = arith.constant 80 : index
        %get3A_155 = tpu.vector_load %arg7[%get3A_153, %get3A_154] {strides = array<i32>} : memref<8x2048xf32, #tpu.memory_space<vmem>>, vector<1x16xf32>,
        %get3A_156 = vector.shape_cast %get3A_155 : vector<1x16xf32> to vector<16xf32>
        %mul3A_157 = arith.constant 45.2548332 : f32
        %mul3A_158 = vector.broadcast %mul3A_157 : f32 to vector<16xf32>
        %mul3A_159 = arith.mulf %get3A_156, %mul3A_158 : vector<16xf32>
        %swap3A_160 = arith.index_cast %scan3A_94 : i32 to index
        %swap3A_161 = arith.constant 80 : index
        %swap3A_162 = tpu.vector_load %arg9[%swap3A_160, %swap3A_161] {strides = array<i32>} : memref<8x2048xf32, #tpu.memory_space<vmem>>, vector<1x16xf32>,
        %swap3A_163 = vector.shape_cast %swap3A_162 : vector<1x16xf32> to vector<16xf32>
        %swap3A_164 = vector.shape_cast %mul3A_159 : vector<16xf32> to vector<1x16xf32>
        tpu.vector_store %arg9[%swap3A_160, %swap3A_161], %swap3A_164 {strides = array<i32>} : memref<8x2048xf32, #tpu.memory_space<vmem>>, vector<1x16xf32>,
        %get3A_165 = arith.index_cast %scan3A_94 : i32 to index
        %get3A_166 = arith.constant 96 : index
        %get3A_167 = tpu.vector_load %arg7[%get3A_165, %get3A_166] {strides = array<i32>} : memref<8x2048xf32, #tpu.memory_space<vmem>>, vector<1x16xf32>,
        %get3A_168 = vector.shape_cast %get3A_167 : vector<1x16xf32> to vector<16xf32>
        %mul3A_169 = arith.constant 45.2548332 : f32
        %mul3A_170 = vector.broadcast %mul3A_169 : f32 to vector<16xf32>
        %mul3A_171 = arith.mulf %get3A_168, %mul3A_170 : vector<16xf32>
        %swap3A_172 = arith.index_cast %scan3A_94 : i32 to index
        %swap3A_173 = arith.constant 96 : index
        %swap3A_174 = tpu.vector_load %arg9[%swap3A_172, %swap3A_173] {strides = array<i32>} : memref<8x2048xf32, #tpu.memory_space<vmem>>, vector<1x16xf32>,
        %swap3A_175 = vector.shape_cast %swap3A_174 : vector<1x16xf32> to vector<16xf32>
        %swap3A_176 = vector.shape_cast %mul3A_171 : vector<16xf32> to vector<1x16xf32>
        tpu.vector_store %arg9[%swap3A_172, %swap3A_173], %swap3A_176 {strides = array<i32>} : memref<8x2048xf32, #tpu.memory_space<vmem>>, vector<1x16xf32>,
        %get3A_177 = arith.index_cast %scan3A_94 : i32 to index
        %get3A_178 = arith.constant 112 : index
        %get3A_179 = tpu.vector_load %arg7[%get3A_177, %get3A_178] {strides = array<i32>} : memref<8x2048xf32, #tpu.memory_space<vmem>>, vector<1x16xf32>,
        %get3A_180 = vector.shape_cast %get3A_179 : vector<1x16xf32> to vector<16xf32>
        %mul3A_181 = arith.constant 45.2548332 : f32
        %mul3A_182 = vector.broadcast %mul3A_181 : f32 to vector<16xf32>
        %mul3A_183 = arith.mulf %get3A_180, %mul3A_182 : vector<16xf32>
        %swap3A_184 = arith.index_cast %scan3A_94 : i32 to index
        %swap3A_185 = arith.constant 112 : index
        %swap3A_186 = tpu.vector_load %arg9[%swap3A_184, %swap3A_185] {strides = array<i32>} : memref<8x2048xf32, #tpu.memory_space<vmem>>, vector<1x16xf32>,
        %swap3A_187 = vector.shape_cast %swap3A_186 : vector<1x16xf32> to vector<16xf32>
        %swap3A_188 = vector.shape_cast %mul3A_183 : vector<16xf32> to vector<1x16xf32>
        tpu.vector_store %arg9[%swap3A_184, %swap3A_185], %swap3A_188 {strides = array<i32>} : memref<8x2048xf32, #tpu.memory_space<vmem>>, vector<1x16xf32>,
        %get3A_189 = arith.index_cast %scan3A_94 : i32 to index
        %get3A_190 = arith.constant 128 : index
        %get3A_191 = tpu.vector_load %arg7[%get3A_189, %get3A_190] {strides = array<i32>} : memref<8x2048xf32, #tpu.memory_space<vmem>>, vector<1x16xf32>,
        %get3A_192 = vector.shape_cast %get3A_191 : vector<1x16xf32> to vector<16xf32>
        %mul3A_193 = arith.constant 45.2548332 : f32
        %mul3A_194 = vector.broadcast %mul3A_193 : f32 to vector<16xf32>
        %mul3A_195 = arith.mulf %get3A_192, %mul3A_194 : vector<16xf32>
        %swap3A_196 = arith.index_cast %scan3A_94 : i32 to index
        %swap3A_197 = arith.constant 128 : index
        %swap3A_198 = tpu.vector_load %arg9[%swap3A_196, %swap3A_197] {strides = array<i32>} : memref<8x2048xf32, #tpu.memory_space<vmem>>, vector<1x16xf32>,
        %swap3A_199 = vector.shape_cast %swap3A_198 : vector<1x16xf32> to vector<16xf32>
        %swap3A_200 = vector.shape_cast %mul3A_195 : vector<16xf32> to vector<1x16xf32>
        tpu.vector_store %arg9[%swap3A_196, %swap3A_197], %swap3A_200 {strides = array<i32>} : memref<8x2048xf32, #tpu.memory_space<vmem>>, vector<1x16xf32>,
        %get3A_201 = arith.index_cast %scan3A_94 : i32 to index
        %get3A_202 = arith.constant 144 : index
        %get3A_203 = tpu.vector_load %arg7[%get3A_201, %get3A_202] {strides = array<i32>} : memref<8x2048xf32, #tpu.memory_space<vmem>>, vector<1x16xf32>,
        %get3A_204 = vector.shape_cast %get3A_203 : vector<1x16xf32> to vector<16xf32>
        %mul3A_205 = arith.constant 45.2548332 : f32
        %mul3A_206 = vector.broadcast %mul3A_205 : f32 to vector<16xf32>
        %mul3A_207 = arith.mulf %get3A_204, %mul3A_206 : vector<16xf32>
        %swap3A_208 = arith.index_cast %scan3A_94 : i32 to index
        %swap3A_209 = arith.constant 144 : index
        %swap3A_210 = tpu.vector_load %arg9[%swap3A_208, %swap3A_209] {strides = array<i32>} : memref<8x2048xf32, #tpu.memory_space<vmem>>, vector<1x16xf32>,
        %swap3A_211 = vector.shape_cast %swap3A_210 : vector<1x16xf32> to vector<16xf32>
        %swap3A_212 = vector.shape_cast %mul3A_207 : vector<16xf32> to vector<1x16xf32>
        tpu.vector_store %arg9[%swap3A_208, %swap3A_209], %swap3A_212 {strides = array<i32>} : memref<8x2048xf32, #tpu.memory_space<vmem>>, vector<1x16xf32>,
        %get3A_213 = arith.index_cast %scan3A_94 : i32 to index
        %get3A_214 = arith.constant 160 : index
        %get3A_215 = tpu.vector_load %arg7[%get3A_213, %get3A_214] {strides = array<i32>} : memref<8x2048xf32, #tpu.memory_space<vmem>>, vector<1x16xf32>,
        %get3A_216 = vector.shape_cast %get3A_215 : vector<1x16xf32> to vector<16xf32>
        %mul3A_217 = arith.constant 45.2548332 : f32
        %mul3A_218 = vector.broadcast %mul3A_217 : f32 to vector<16xf32>
        %mul3A_219 = arith.mulf %get3A_216, %mul3A_218 : vector<16xf32>
        %swap3A_220 = arith.index_cast %scan3A_94 : i32 to index
        %swap3A_221 = arith.constant 160 : index
        %swap3A_222 = tpu.vector_load %arg9[%swap3A_220, %swap3A_221] {strides = array<i32>} : memref<8x2048xf32, #tpu.memory_space<vmem>>, vector<1x16xf32>,
        %swap3A_223 = vector.shape_cast %swap3A_222 : vector<1x16xf32> to vector<16xf32>
        %swap3A_224 = vector.shape_cast %mul3A_219 : vector<16xf32> to vector<1x16xf32>
        tpu.vector_store %arg9[%swap3A_220, %swap3A_221], %swap3A_224 {strides = array<i32>} : memref<8x2048xf32, #tpu.memory_space<vmem>>, vector<1x16xf32>,
        %get3A_225 = arith.index_cast %scan3A_94 : i32 to index
        %get3A_226 = arith.constant 176 : index
        %get3A_227 = tpu.vector_load %arg7[%get3A_225, %get3A_226] {strides = array<i32>} : memref<8x2048xf32, #tpu.memory_space<vmem>>, vector<1x16xf32>,
        %get3A_228 = vector.shape_cast %get3A_227 : vector<1x16xf32> to vector<16xf32>
        %mul3A_229 = arith.constant 45.2548332 : f32
        %mul3A_230 = vector.broadcast %mul3A_229 : f32 to vector<16xf32>
        %mul3A_231 = arith.mulf %get3A_228, %mul3A_230 : vector<16xf32>
        %swap3A_232 = arith.index_cast %scan3A_94 : i32 to index
        %swap3A_233 = arith.constant 176 : index
        %swap3A_234 = tpu.vector_load %arg9[%swap3A_232, %swap3A_233] {strides = array<i32>} : memref<8x2048xf32, #tpu.memory_space<vmem>>, vector<1x16xf32>,
        %swap3A_235 = vector.shape_cast %swap3A_234 : vector<1x16xf32> to vector<16xf32>
        %swap3A_236 = vector.shape_cast %mul3A_231 : vector<16xf32> to vector<1x16xf32>
        tpu.vector_store %arg9[%swap3A_232, %swap3A_233], %swap3A_236 {strides = array<i32>} : memref<8x2048xf32, #tpu.memory_space<vmem>>, vector<1x16xf32>,
        %get3A_237 = arith.index_cast %scan3A_94 : i32 to index
        %get3A_238 = arith.constant 192 : index
        %get3A_239 = tpu.vector_load %arg7[%get3A_237, %get3A_238] {strides = array<i32>} : memref<8x2048xf32, #tpu.memory_space<vmem>>, vector<1x16xf32>,
        %get3A_240 = vector.shape_cast %get3A_239 : vector<1x16xf32> to vector<16xf32>
        %mul3A_241 = arith.constant 45.2548332 : f32
        %mul3A_242 = vector.broadcast %mul3A_241 : f32 to vector<16xf32>
        %mul3A_243 = arith.mulf %get3A_240, %mul3A_242 : vector<16xf32>
        %swap3A_244 = arith.index_cast %scan3A_94 : i32 to index
        %swap3A_245 = arith.constant 192 : index
        %swap3A_246 = tpu.vector_load %arg9[%swap3A_244, %swap3A_245] {strides = array<i32>} : memref<8x2048xf32, #tpu.memory_space<vmem>>, vector<1x16xf32>,
        %swap3A_247 = vector.shape_cast %swap3A_246 : vector<1x16xf32> to vector<16xf32>
        %swap3A_248 = vector.shape_cast %mul3A_243 : vector<16xf32> to vector<1x16xf32>
        tpu.vector_store %arg9[%swap3A_244, %swap3A_245], %swap3A_248 {strides = array<i32>} : memref<8x2048xf32, #tpu.memory_space<vmem>>, vector<1x16xf32>,
        %get3A_249 = arith.index_cast %scan3A_94 : i32 to index
        %get3A_250 = arith.constant 208 : index
        %get3A_251 = tpu.vector_load %arg7[%get3A_249, %get3A_250] {strides = array<i32>} : memref<8x2048xf32, #tpu.memory_space<vmem>>, vector<1x16xf32>,
        %get3A_252 = vector.shape_cast %get3A_251 : vector<1x16xf32> to vector<16xf32>
        %mul3A_253 = arith.constant 45.2548332 : f32
        %mul3A_254 = vector.broadcast %mul3A_253 : f32 to vector<16xf32>
        %mul3A_255 = arith.mulf %get3A_252, %mul3A_254 : vector<16xf32>
        %swap3A_256 = arith.index_cast %scan3A_94 : i32 to index
        %swap3A_257 = arith.constant 208 : index
        %swap3A_258 = tpu.vector_load %arg9[%swap3A_256, %swap3A_257] {strides = array<i32>} : memref<8x2048xf32, #tpu.memory_space<vmem>>, vector<1x16xf32>,
        %swap3A_259 = vector.shape_cast %swap3A_258 : vector<1x16xf32> to vector<16xf32>
        %swap3A_260 = vector.shape_cast %mul3A_255 : vector<16xf32> to vector<1x16xf32>
        tpu.vector_store %arg9[%swap3A_256, %swap3A_257], %swap3A_260 {strides = array<i32>} : memref<8x2048xf32, #tpu.memory_space<vmem>>, vector<1x16xf32>,
        %get3A_261 = arith.index_cast %scan3A_94 : i32 to index
        %get3A_262 = arith.constant 224 : index
        %get3A_263 = tpu.vector_load %arg7[%get3A_261, %get3A_262] {strides = array<i32>} : memref<8x2048xf32, #tpu.memory_space<vmem>>, vector<1x16xf32>,
        %get3A_264 = vector.shape_cast %get3A_263 : vector<1x16xf32> to vector<16xf32>
        %mul3A_265 = arith.constant 45.2548332 : f32
        %mul3A_266 = vector.broadcast %mul3A_265 : f32 to vector<16xf32>
        %mul3A_267 = arith.mulf %get3A_264, %mul3A_266 : vector<16xf32>
        %swap3A_268 = arith.index_cast %scan3A_94 : i32 to index
        %swap3A_269 = arith.constant 224 : index
        %swap3A_270 = tpu.vector_load %arg9[%swap3A_268, %swap3A_269] {strides = array<i32>} : memref<8x2048xf32, #tpu.memory_space<vmem>>, vector<1x16xf32>,
        %swap3A_271 = vector.shape_cast %swap3A_270 : vector<1x16xf32> to vector<16xf32>
        %swap3A_272 = vector.shape_cast %mul3A_267 : vector<16xf32> to vector<1x16xf32>
        tpu.vector_store %arg9[%swap3A_268, %swap3A_269], %swap3A_272 {strides = array<i32>} : memref<8x2048xf32, #tpu.memory_space<vmem>>, vector<1x16xf32>,
        %get3A_273 = arith.index_cast %scan3A_94 : i32 to index
        %get3A_274 = arith.constant 240 : index
        %get3A_275 = tpu.vector_load %arg7[%get3A_273, %get3A_274] {strides = array<i32>} : memref<8x2048xf32, #tpu.memory_space<vmem>>, vector<1x16xf32>,
        %get3A_276 = vector.shape_cast %get3A_275 : vector<1x16xf32> to vector<16xf32>
        %mul3A_277 = arith.constant 45.2548332 : f32
        %mul3A_278 = vector.broadcast %mul3A_277 : f32 to vector<16xf32>
        %mul3A_279 = arith.mulf %get3A_276, %mul3A_278 : vector<16xf32>
        %swap3A_280 = arith.index_cast %scan3A_94 : i32 to index
        %swap3A_281 = arith.constant 240 : index
        %swap3A_282 = tpu.vector_load %arg9[%swap3A_280, %swap3A_281] {strides = array<i32>} : memref<8x2048xf32, #tpu.memory_space<vmem>>, vector<1x16xf32>,
        %swap3A_283 = vector.shape_cast %swap3A_282 : vector<1x16xf32> to vector<16xf32>
        %swap3A_284 = vector.shape_cast %mul3A_279 : vector<16xf32> to vector<1x16xf32>
        tpu.vector_store %arg9[%swap3A_280, %swap3A_281], %swap3A_284 {strides = array<i32>} : memref<8x2048xf32, #tpu.memory_space<vmem>>, vector<1x16xf32>,
        %get3A_285 = arith.index_cast %scan3A_94 : i32 to index
        %get3A_286 = arith.constant 256 : index
        %get3A_287 = tpu.vector_load %arg7[%get3A_285, %get3A_286] {strides = array<i32>} : memref<8x2048xf32, #tpu.memory_space<vmem>>, vector<1x16xf32>,
        %get3A_288 = vector.shape_cast %get3A_287 : vector<1x16xf32> to vector<16xf32>
        %mul3A_289 = arith.constant 45.2548332 : f32
        %mul3A_290 = vector.broadcast %mul3A_289 : f32 to vector<16xf32>
        %mul3A_291 = arith.mulf %get3A_288, %mul3A_290 : vector<16xf32>
        %swap3A_292 = arith.index_cast %scan3A_94 : i32 to index
        %swap3A_293 = arith.constant 256 : index
        %swap3A_294 = tpu.vector_load %arg9[%swap3A_292, %swap3A_293] {strides = array<i32>} : memref<8x2048xf32, #tpu.memory_space<vmem>>, vector<1x16xf32>,
        %swap3A_295 = vector.shape_cast %swap3A_294 : vector<1x16xf32> to vector<16xf32>
        %swap3A_296 = vector.shape_cast %mul3A_291 : vector<16xf32> to vector<1x16xf32>
        tpu.vector_store %arg9[%swap3A_292, %swap3A_293], %swap3A_296 {strides = array<i32>} : memref<8x2048xf32, #tpu.memory_space<vmem>>, vector<1x16xf32>,
        %get3A_297 = arith.index_cast %scan3A_94 : i32 to index
        %get3A_298 = arith.constant 272 : index
        %get3A_299 = tpu.vector_load %arg7[%get3A_297, %get3A_298] {strides = array<i32>} : memref<8x2048xf32, #tpu.memory_space<vmem>>, vector<1x16xf32>,
        %get3A_300 = vector.shape_cast %get3A_299 : vector<1x16xf32> to vector<16xf32>
        %mul3A_301 = arith.constant 45.2548332 : f32
        %mul3A_302 = vector.broadcast %mul3A_301 : f32 to vector<16xf32>
        %mul3A_303 = arith.mulf %get3A_300, %mul3A_302 : vector<16xf32>
        %swap3A_304 = arith.index_cast %scan3A_94 : i32 to index
        %swap3A_305 = arith.constant 272 : index
        %swap3A_306 = tpu.vector_load %arg9[%swap3A_304, %swap3A_305] {strides = array<i32>} : memref<8x2048xf32, #tpu.memory_space<vmem>>, vector<1x16xf32>,
        %swap3A_307 = vector.shape_cast %swap3A_306 : vector<1x16xf32> to vector<16xf32>
        %swap3A_308 = vector.shape_cast %mul3A_303 : vector<16xf32> to vector<1x16xf32>
        tpu.vector_store %arg9[%swap3A_304, %swap3A_305], %swap3A_308 {strides = array<i32>} : memref<8x2048xf32, #tpu.memory_space<vmem>>, vector<1x16xf32>,
        %get3A_309 = arith.index_cast %scan3A_94 : i32 to index
        %get3A_310 = arith.constant 288 : index
        %get3A_311 = tpu.vector_load %arg7[%get3A_309, %get3A_310] {strides = array<i32>} : memref<8x2048xf32, #tpu.memory_space<vmem>>, vector<1x16xf32>,
        %get3A_312 = vector.shape_cast %get3A_311 : vector<1x16xf32> to vector<16xf32>
        %mul3A_313 = arith.constant 45.2548332 : f32
        %mul3A_314 = vector.broadcast %mul3A_313 : f32 to vector<16xf32>
        %mul3A_315 = arith.mulf %get3A_312, %mul3A_314 : vector<16xf32>
        %swap3A_316 = arith.index_cast %scan3A_94 : i32 to index
        %swap3A_317 = arith.constant 288 : index
        %swap3A_318 = tpu.vector_load %arg9[%swap3A_316, %swap3A_317] {strides = array<i32>} : memref<8x2048xf32, #tpu.memory_space<vmem>>, vector<1x16xf32>,
        %swap3A_319 = vector.shape_cast %swap3A_318 : vector<1x16xf32> to vector<16xf32>
        %swap3A_320 = vector.shape_cast %mul3A_315 : vector<16xf32> to vector<1x16xf32>
        tpu.vector_store %arg9[%swap3A_316, %swap3A_317], %swap3A_320 {strides = array<i32>} : memref<8x2048xf32, #tpu.memory_space<vmem>>, vector<1x16xf32>,
        %get3A_321 = arith.index_cast %scan3A_94 : i32 to index
        %get3A_322 = arith.constant 304 : index
        %get3A_323 = tpu.vector_load %arg7[%get3A_321, %get3A_322] {strides = array<i32>} : memref<8x2048xf32, #tpu.memory_space<vmem>>, vector<1x16xf32>,
        %get3A_324 = vector.shape_cast %get3A_323 : vector<1x16xf32> to vector<16xf32>
        %mul3A_325 = arith.constant 45.2548332 : f32
        %mul3A_326 = vector.broadcast %mul3A_325 : f32 to vector<16xf32>
        %mul3A_327 = arith.mulf %get3A_324, %mul3A_326 : vector<16xf32>
        %swap3A_328 = arith.index_cast %scan3A_94 : i32 to index
        %swap3A_329 = arith.constant 304 : index
        %swap3A_330 = tpu.vector_load %arg9[%swap3A_328, %swap3A_329] {strides = array<i32>} : memref<8x2048xf32, #tpu.memory_space<vmem>>, vector<1x16xf32>,
        %swap3A_331 = vector.shape_cast %swap3A_330 : vector<1x16xf32> to vector<16xf32>
        %swap3A_332 = vector.shape_cast %mul3A_327 : vector<16xf32> to vector<1x16xf32>
        tpu.vector_store %arg9[%swap3A_328, %swap3A_329], %swap3A_332 {strides = array<i32>} : memref<8x2048xf32, #tpu.memory_space<vmem>>, vector<1x16xf32>,
        %get3A_333 = arith.index_cast %scan3A_94 : i32 to index
        %get3A_334 = arith.constant 320 : index
        %get3A_335 = tpu.vector_load %arg7[%get3A_333, %get3A_334] {strides = array<i32>} : memref<8x2048xf32, #tpu.memory_space<vmem>>, vector<1x16xf32>,
        %get3A_336 = vector.shape_cast %get3A_335 : vector<1x16xf32> to vector<16xf32>
        %mul3A_337 = arith.constant 45.2548332 : f32
        %mul3A_338 = vector.broadcast %mul3A_337 : f32 to vector<16xf32>
        %mul3A_339 = arith.mulf %get3A_336, %mul3A_338 : vector<16xf32>
        %swap3A_340 = arith.index_cast %scan3A_94 : i32 to index
        %swap3A_341 = arith.constant 320 : index
        %swap3A_342 = tpu.vector_load %arg9[%swap3A_340, %swap3A_341] {strides = array<i32>} : memref<8x2048xf32, #tpu.memory_space<vmem>>, vector<1x16xf32>,
        %swap3A_343 = vector.shape_cast %swap3A_342 : vector<1x16xf32> to vector<16xf32>
        %swap3A_344 = vector.shape_cast %mul3A_339 : vector<16xf32> to vector<1x16xf32>
        tpu.vector_store %arg9[%swap3A_340, %swap3A_341], %swap3A_344 {strides = array<i32>} : memref<8x2048xf32, #tpu.memory_space<vmem>>, vector<1x16xf32>,
        %get3A_345 = arith.index_cast %scan3A_94 : i32 to index
        %get3A_346 = arith.constant 336 : index
        %get3A_347 = tpu.vector_load %arg7[%get3A_345, %get3A_346] {strides = array<i32>} : memref<8x2048xf32, #tpu.memory_space<vmem>>, vector<1x16xf32>,
        %get3A_348 = vector.shape_cast %get3A_347 : vector<1x16xf32> to vector<16xf32>
        %mul3A_349 = arith.constant 45.2548332 : f32
        %mul3A_350 = vector.broadcast %mul3A_349 : f32 to vector<16xf32>
        %mul3A_351 = arith.mulf %get3A_348, %mul3A_350 : vector<16xf32>
        %swap3A_352 = arith.index_cast %scan3A_94 : i32 to index
        %swap3A_353 = arith.constant 336 : index
        %swap3A_354 = tpu.vector_load %arg9[%swap3A_352, %swap3A_353] {strides = array<i32>} : memref<8x2048xf32, #tpu.memory_space<vmem>>, vector<1x16xf32>,
        %swap3A_355 = vector.shape_cast %swap3A_354 : vector<1x16xf32> to vector<16xf32>
        %swap3A_356 = vector.shape_cast %mul3A_351 : vector<16xf32> to vector<1x16xf32>
        tpu.vector_store %arg9[%swap3A_352, %swap3A_353], %swap3A_356 {strides = array<i32>} : memref<8x2048xf32, #tpu.memory_space<vmem>>, vector<1x16xf32>,
        %get3A_357 = arith.index_cast %scan3A_94 : i32 to index
        %get3A_358 = arith.constant 352 : index
        %get3A_359 = tpu.vector_load %arg7[%get3A_357, %get3A_358] {strides = array<i32>} : memref<8x2048xf32, #tpu.memory_space<vmem>>, vector<1x16xf32>,
        %get3A_360 = vector.shape_cast %get3A_359 : vector<1x16xf32> to vector<16xf32>
        %mul3A_361 = arith.constant 45.2548332 : f32
        %mul3A_362 = vector.broadcast %mul3A_361 : f32 to vector<16xf32>
        %mul3A_363 = arith.mulf %get3A_360, %mul3A_362 : vector<16xf32>
        %swap3A_364 = arith.index_cast %scan3A_94 : i32 to index
        %swap3A_365 = arith.constant 352 : index
        %swap3A_366 = tpu.vector_load %arg9[%swap3A_364, %swap3A_365] {strides = array<i32>} : memref<8x2048xf32, #tpu.memory_space<vmem>>, vector<1x16xf32>,
        %swap3A_367 = vector.shape_cast %swap3A_366 : vector<1x16xf32> to vector<16xf32>
        %swap3A_368 = vector.shape_cast %mul3A_363 : vector<16xf32> to vector<1x16xf32>
        tpu.vector_store %arg9[%swap3A_364, %swap3A_365], %swap3A_368 {strides = array<i32>} : memref<8x2048xf32, #tpu.memory_space<vmem>>, vector<1x16xf32>,
        %get3A_369 = arith.index_cast %scan3A_94 : i32 to index
        %get3A_370 = arith.constant 368 : index
        %get3A_371 = tpu.vector_load %arg7[%get3A_369, %get3A_370] {strides = array<i32>} : memref<8x2048xf32, #tpu.memory_space<vmem>>, vector<1x16xf32>,
        %get3A_372 = vector.shape_cast %get3A_371 : vector<1x16xf32> to vector<16xf32>
        %mul3A_373 = arith.constant 45.2548332 : f32
        %mul3A_374 = vector.broadcast %mul3A_373 : f32 to vector<16xf32>
        %mul3A_375 = arith.mulf %get3A_372, %mul3A_374 : vector<16xf32>
        %swap3A_376 = arith.index_cast %scan3A_94 : i32 to index
        %swap3A_377 = arith.constant 368 : index
        %swap3A_378 = tpu.vector_load %arg9[%swap3A_376, %swap3A_377] {strides = array<i32>} : memref<8x2048xf32, #tpu.memory_space<vmem>>, vector<1x16xf32>,
        %swap3A_379 = vector.shape_cast %swap3A_378 : vector<1x16xf32> to vector<16xf32>
        %swap3A_380 = vector.shape_cast %mul3A_375 : vector<16xf32> to vector<1x16xf32>
        tpu.vector_store %arg9[%swap3A_376, %swap3A_377], %swap3A_380 {strides = array<i32>} : memref<8x2048xf32, #tpu.memory_space<vmem>>, vector<1x16xf32>,
        %get3A_381 = arith.index_cast %scan3A_94 : i32 to index
        %get3A_382 = arith.constant 384 : index
        %get3A_383 = tpu.vector_load %arg7[%get3A_381, %get3A_382] {strides = array<i32>} : memref<8x2048xf32, #tpu.memory_space<vmem>>, vector<1x16xf32>,
        %get3A_384 = vector.shape_cast %get3A_383 : vector<1x16xf32> to vector<16xf32>
        %mul3A_385 = arith.constant 45.2548332 : f32
        %mul3A_386 = vector.broadcast %mul3A_385 : f32 to vector<16xf32>
        %mul3A_387 = arith.mulf %get3A_384, %mul3A_386 : vector<16xf32>
        %swap3A_388 = arith.index_cast %scan3A_94 : i32 to index
        %swap3A_389 = arith.constant 384 : index
        %swap3A_390 = tpu.vector_load %arg9[%swap3A_388, %swap3A_389] {strides = array<i32>} : memref<8x2048xf32, #tpu.memory_space<vmem>>, vector<1x16xf32>,
        %swap3A_391 = vector.shape_cast %swap3A_390 : vector<1x16xf32> to vector<16xf32>
        %swap3A_392 = vector.shape_cast %mul3A_387 : vector<16xf32> to vector<1x16xf32>
        tpu.vector_store %arg9[%swap3A_388, %swap3A_389], %swap3A_392 {strides = array<i32>} : memref<8x2048xf32, #tpu.memory_space<vmem>>, vector<1x16xf32>,
        %get3A_393 = arith.index_cast %scan3A_94 : i32 to index
        %get3A_394 = arith.constant 400 : index
        %get3A_395 = tpu.vector_load %arg7[%get3A_393, %get3A_394] {strides = array<i32>} : memref<8x2048xf32, #tpu.memory_space<vmem>>, vector<1x16xf32>,
        %get3A_396 = vector.shape_cast %get3A_395 : vector<1x16xf32> to vector<16xf32>
        %mul3A_397 = arith.constant 45.2548332 : f32
        %mul3A_398 = vector.broadcast %mul3A_397 : f32 to vector<16xf32>
        %mul3A_399 = arith.mulf %get3A_396, %mul3A_398 : vector<16xf32>
        %swap3A_400 = arith.index_cast %scan3A_94 : i32 to index
        %swap3A_401 = arith.constant 400 : index
        %swap3A_402 = tpu.vector_load %arg9[%swap3A_400, %swap3A_401] {strides = array<i32>} : memref<8x2048xf32, #tpu.memory_space<vmem>>, vector<1x16xf32>,
        %swap3A_403 = vector.shape_cast %swap3A_402 : vector<1x16xf32> to vector<16xf32>
        %swap3A_404 = vector.shape_cast %mul3A_399 : vector<16xf32> to vector<1x16xf32>
        tpu.vector_store %arg9[%swap3A_400, %swap3A_401], %swap3A_404 {strides = array<i32>} : memref<8x2048xf32, #tpu.memory_space<vmem>>, vector<1x16xf32>,
        %get3A_405 = arith.index_cast %scan3A_94 : i32 to index
        %get3A_406 = arith.constant 416 : index
        %get3A_407 = tpu.vector_load %arg7[%get3A_405, %get3A_406] {strides = array<i32>} : memref<8x2048xf32, #tpu.memory_space<vmem>>, vector<1x16xf32>,
        %get3A_408 = vector.shape_cast %get3A_407 : vector<1x16xf32> to vector<16xf32>
        %mul3A_409 = arith.constant 45.2548332 : f32
        %mul3A_410 = vector.broadcast %mul3A_409 : f32 to vector<16xf32>
        %mul3A_411 = arith.mulf %get3A_408, %mul3A_410 : vector<16xf32>
        %swap3A_412 = arith.index_cast %scan3A_94 : i32 to index
        %swap3A_413 = arith.constant 416 : index
        %swap3A_414 = tpu.vector_load %arg9[%swap3A_412, %swap3A_413] {strides = array<i32>} : memref<8x2048xf32, #tpu.memory_space<vmem>>, vector<1x16xf32>,
        %swap3A_415 = vector.shape_cast %swap3A_414 : vector<1x16xf32> to vector<16xf32>
        %swap3A_416 = vector.shape_cast %mul3A_411 : vector<16xf32> to vector<1x16xf32>
        tpu.vector_store %arg9[%swap3A_412, %swap3A_413], %swap3A_416 {strides = array<i32>} : memref<8x2048xf32, #tpu.memory_space<vmem>>, vector<1x16xf32>,
        %get3A_417 = arith.index_cast %scan3A_94 : i32 to index
        %get3A_418 = arith.constant 432 : index
        %get3A_419 = tpu.vector_load %arg7[%get3A_417, %get3A_418] {strides = array<i32>} : memref<8x2048xf32, #tpu.memory_space<vmem>>, vector<1x16xf32>,
        %get3A_420 = vector.shape_cast %get3A_419 : vector<1x16xf32> to vector<16xf32>
        %mul3A_421 = arith.constant 45.2548332 : f32
        %mul3A_422 = vector.broadcast %mul3A_421 : f32 to vector<16xf32>
        %mul3A_423 = arith.mulf %get3A_420, %mul3A_422 : vector<16xf32>
        %swap3A_424 = arith.index_cast %scan3A_94 : i32 to index
        %swap3A_425 = arith.constant 432 : index
        %swap3A_426 = tpu.vector_load %arg9[%swap3A_424, %swap3A_425] {strides = array<i32>} : memref<8x2048xf32, #tpu.memory_space<vmem>>, vector<1x16xf32>,
        %swap3A_427 = vector.shape_cast %swap3A_426 : vector<1x16xf32> to vector<16xf32>
        %swap3A_428 = vector.shape_cast %mul3A_423 : vector<16xf32> to vector<1x16xf32>
        tpu.vector_store %arg9[%swap3A_424, %swap3A_425], %swap3A_428 {strides = array<i32>} : memref<8x2048xf32, #tpu.memory_space<vmem>>, vector<1x16xf32>,
        %get3A_429 = arith.index_cast %scan3A_94 : i32 to index
        %get3A_430 = arith.constant 448 : index
        %get3A_431 = tpu.vector_load %arg7[%get3A_429, %get3A_430] {strides = array<i32>} : memref<8x2048xf32, #tpu.memory_space<vmem>>, vector<1x16xf32>,
        %get3A_432 = vector.shape_cast %get3A_431 : vector<1x16xf32> to vector<16xf32>
        %mul3A_433 = arith.constant 45.2548332 : f32
        %mul3A_434 = vector.broadcast %mul3A_433 : f32 to vector<16xf32>
        %mul3A_435 = arith.mulf %get3A_432, %mul3A_434 : vector<16xf32>
        %swap3A_436 = arith.index_cast %scan3A_94 : i32 to index
        %swap3A_437 = arith.constant 448 : index
        %swap3A_438 = tpu.vector_load %arg9[%swap3A_436, %swap3A_437] {strides = array<i32>} : memref<8x2048xf32, #tpu.memory_space<vmem>>, vector<1x16xf32>,
        %swap3A_439 = vector.shape_cast %swap3A_438 : vector<1x16xf32> to vector<16xf32>
        %swap3A_440 = vector.shape_cast %mul3A_435 : vector<16xf32> to vector<1x16xf32>
        tpu.vector_store %arg9[%swap3A_436, %swap3A_437], %swap3A_440 {strides = array<i32>} : memref<8x2048xf32, #tpu.memory_space<vmem>>, vector<1x16xf32>,
        %get3A_441 = arith.index_cast %scan3A_94 : i32 to index
        %get3A_442 = arith.constant 464 : index
        %get3A_443 = tpu.vector_load %arg7[%get3A_441, %get3A_442] {strides = array<i32>} : memref<8x2048xf32, #tpu.memory_space<vmem>>, vector<1x16xf32>,
        %get3A_444 = vector.shape_cast %get3A_443 : vector<1x16xf32> to vector<16xf32>
        %mul3A_445 = arith.constant 45.2548332 : f32
        %mul3A_446 = vector.broadcast %mul3A_445 : f32 to vector<16xf32>
        %mul3A_447 = arith.mulf %get3A_444, %mul3A_446 : vector<16xf32>
        %swap3A_448 = arith.index_cast %scan3A_94 : i32 to index
        %swap3A_449 = arith.constant 464 : index
        %swap3A_450 = tpu.vector_load %arg9[%swap3A_448, %swap3A_449] {strides = array<i32>} : memref<8x2048xf32, #tpu.memory_space<vmem>>, vector<1x16xf32>,
        %swap3A_451 = vector.shape_cast %swap3A_450 : vector<1x16xf32> to vector<16xf32>
        %swap3A_452 = vector.shape_cast %mul3A_447 : vector<16xf32> to vector<1x16xf32>
        tpu.vector_store %arg9[%swap3A_448, %swap3A_449], %swap3A_452 {strides = array<i32>} : memref<8x2048xf32, #tpu.memory_space<vmem>>, vector<1x16xf32>,
        %get3A_453 = arith.index_cast %scan3A_94 : i32 to index
        %get3A_454 = arith.constant 480 : index
        %get3A_455 = tpu.vector_load %arg7[%get3A_453, %get3A_454] {strides = array<i32>} : memref<8x2048xf32, #tpu.memory_space<vmem>>, vector<1x16xf32>,
        %get3A_456 = vector.shape_cast %get3A_455 : vector<1x16xf32> to vector<16xf32>
        %mul3A_457 = arith.constant 45.2548332 : f32
        %mul3A_458 = vector.broadcast %mul3A_457 : f32 to vector<16xf32>
        %mul3A_459 = arith.mulf %get3A_456, %mul3A_458 : vector<16xf32>
        %swap3A_460 = arith.index_cast %scan3A_94 : i32 to index
        %swap3A_461 = arith.constant 480 : index
        %swap3A_462 = tpu.vector_load %arg9[%swap3A_460, %swap3A_461] {strides = array<i32>} : memref<8x2048xf32, #tpu.memory_space<vmem>>, vector<1x16xf32>,
        %swap3A_463 = vector.shape_cast %swap3A_462 : vector<1x16xf32> to vector<16xf32>
        %swap3A_464 = vector.shape_cast %mul3A_459 : vector<16xf32> to vector<1x16xf32>
        tpu.vector_store %arg9[%swap3A_460, %swap3A_461], %swap3A_464 {strides = array<i32>} : memref<8x2048xf32, #tpu.memory_space<vmem>>, vector<1x16xf32>,
        %get3A_465 = arith.index_cast %scan3A_94 : i32 to index
        %get3A_466 = arith.constant 496 : index
        %get3A_467 = tpu.vector_load %arg7[%get3A_465, %get3A_466] {strides = array<i32>} : memref<8x2048xf32, #tpu.memory_space<vmem>>, vector<1x16xf32>,
        %get3A_468 = vector.shape_cast %get3A_467 : vector<1x16xf32> to vector<16xf32>
        %mul3A_469 = arith.constant 45.2548332 : f32
        %mul3A_470 = vector.broadcast %mul3A_469 : f32 to vector<16xf32>
        %mul3A_471 = arith.mulf %get3A_468, %mul3A_470 : vector<16xf32>
        %swap3A_472 = arith.index_cast %scan3A_94 : i32 to index
        %swap3A_473 = arith.constant 496 : index
        %swap3A_474 = tpu.vector_load %arg9[%swap3A_472, %swap3A_473] {strides = array<i32>} : memref<8x2048xf32, #tpu.memory_space<vmem>>, vector<1x16xf32>,
        %swap3A_475 = vector.shape_cast %swap3A_474 : vector<1x16xf32> to vector<16xf32>
        %swap3A_476 = vector.shape_cast %mul3A_471 : vector<16xf32> to vector<1x16xf32>
        tpu.vector_store %arg9[%swap3A_472, %swap3A_473], %swap3A_476 {strides = array<i32>} : memref<8x2048xf32, #tpu.memory_space<vmem>>, vector<1x16xf32>,
        %get3A_477 = arith.index_cast %scan3A_94 : i32 to index
        %get3A_478 = arith.constant 512 : index
        %get3A_479 = tpu.vector_load %arg7[%get3A_477, %get3A_478] {strides = array<i32>} : memref<8x2048xf32, #tpu.memory_space<vmem>>, vector<1x16xf32>,
        %get3A_480 = vector.shape_cast %get3A_479 : vector<1x16xf32> to vector<16xf32>
        %mul3A_481 = arith.constant 45.2548332 : f32
        %mul3A_482 = vector.broadcast %mul3A_481 : f32 to vector<16xf32>
        %mul3A_483 = arith.mulf %get3A_480, %mul3A_482 : vector<16xf32>
        %swap3A_484 = arith.index_cast %scan3A_94 : i32 to index
        %swap3A_485 = arith.constant 512 : index
        %swap3A_486 = tpu.vector_load %arg9[%swap3A_484, %swap3A_485] {strides = array<i32>} : memref<8x2048xf32, #tpu.memory_space<vmem>>, vector<1x16xf32>,
        %swap3A_487 = vector.shape_cast %swap3A_486 : vector<1x16xf32> to vector<16xf32>
        %swap3A_488 = vector.shape_cast %mul3A_483 : vector<16xf32> to vector<1x16xf32>
        tpu.vector_store %arg9[%swap3A_484, %swap3A_485], %swap3A_488 {strides = array<i32>} : memref<8x2048xf32, #tpu.memory_space<vmem>>, vector<1x16xf32>,
        %get3A_489 = arith.index_cast %scan3A_94 : i32 to index
        %get3A_490 = arith.constant 528 : index
        %get3A_491 = tpu.vector_load %arg7[%get3A_489, %get3A_490] {strides = array<i32>} : memref<8x2048xf32, #tpu.memory_space<vmem>>, vector<1x16xf32>,
        %get3A_492 = vector.shape_cast %get3A_491 : vector<1x16xf32> to vector<16xf32>
        %mul3A_493 = arith.constant 45.2548332 : f32
        %mul3A_494 = vector.broadcast %mul3A_493 : f32 to vector<16xf32>
        %mul3A_495 = arith.mulf %get3A_492, %mul3A_494 : vector<16xf32>
        %swap3A_496 = arith.index_cast %scan3A_94 : i32 to index
        %swap3A_497 = arith.constant 528 : index
        %swap3A_498 = tpu.vector_load %arg9[%swap3A_496, %swap3A_497] {strides = array<i32>} : memref<8x2048xf32, #tpu.memory_space<vmem>>, vector<1x16xf32>,
        %swap3A_499 = vector.shape_cast %swap3A_498 : vector<1x16xf32> to vector<16xf32>
        %swap3A_500 = vector.shape_cast %mul3A_495 : vector<16xf32> to vector<1x16xf32>
        tpu.vector_store %arg9[%swap3A_496, %swap3A_497], %swap3A_500 {strides = array<i32>} : memref<8x2048xf32, #tpu.memory_space<vmem>>, vector<1x16xf32>,
        %get3A_501 = arith.index_cast %scan3A_94 : i32 to index
        %get3A_502 = arith.constant 544 : index
        %get3A_503 = tpu.vector_load %arg7[%get3A_501, %get3A_502] {strides = array<i32>} : memref<8x2048xf32, #tpu.memory_space<vmem>>, vector<1x16xf32>,
        %get3A_504 = vector.shape_cast %get3A_503 : vector<1x16xf32> to vector<16xf32>
        %mul3A_505 = arith.constant 45.2548332 : f32
        %mul3A_506 = vector.broadcast %mul3A_505 : f32 to vector<16xf32>
        %mul3A_507 = arith.mulf %get3A_504, %mul3A_506 : vector<16xf32>
        %swap3A_508 = arith.index_cast %scan3A_94 : i32 to index
        %swap3A_509 = arith.constant 544 : index
        %swap3A_510 = tpu.vector_load %arg9[%swap3A_508, %swap3A_509] {strides = array<i32>} : memref<8x2048xf32, #tpu.memory_space<vmem>>, vector<1x16xf32>,
        %swap3A_511 = vector.shape_cast %swap3A_510 : vector<1x16xf32> to vector<16xf32>
        %swap3A_512 = vector.shape_cast %mul3A_507 : vector<16xf32> to vector<1x16xf32>
        tpu.vector_store %arg9[%swap3A_508, %swap3A_509], %swap3A_512 {strides = array<i32>} : memref<8x2048xf32, #tpu.memory_space<vmem>>, vector<1x16xf32>,
        %get3A_513 = arith.index_cast %scan3A_94 : i32 to index
        %get3A_514 = arith.constant 560 : index
        %get3A_515 = tpu.vector_load %arg7[%get3A_513, %get3A_514] {strides = array<i32>} : memref<8x2048xf32, #tpu.memory_space<vmem>>, vector<1x16xf32>,
        %get3A_516 = vector.shape_cast %get3A_515 : vector<1x16xf32> to vector<16xf32>
        %mul3A_517 = arith.constant 45.2548332 : f32
        %mul3A_518 = vector.broadcast %mul3A_517 : f32 to vector<16xf32>
        %mul3A_519 = arith.mulf %get3A_516, %mul3A_518 : vector<16xf32>
        %swap3A_520 = arith.index_cast %scan3A_94 : i32 to index
        %swap3A_521 = arith.constant 560 : index
        %swap3A_522 = tpu.vector_load %arg9[%swap3A_520, %swap3A_521] {strides = array<i32>} : memref<8x2048xf32, #tpu.memory_space<vmem>>, vector<1x16xf32>,
        %swap3A_523 = vector.shape_cast %swap3A_522 : vector<1x16xf32> to vector<16xf32>
        %swap3A_524 = vector.shape_cast %mul3A_519 : vector<16xf32> to vector<1x16xf32>
        tpu.vector_store %arg9[%swap3A_520, %swap3A_521], %swap3A_524 {strides = array<i32>} : memref<8x2048xf32, #tpu.memory_space<vmem>>, vector<1x16xf32>,
        %get3A_525 = arith.index_cast %scan3A_94 : i32 to index
        %get3A_526 = arith.constant 576 : index
        %get3A_527 = tpu.vector_load %arg7[%get3A_525, %get3A_526] {strides = array<i32>} : memref<8x2048xf32, #tpu.memory_space<vmem>>, vector<1x16xf32>,
        %get3A_528 = vector.shape_cast %get3A_527 : vector<1x16xf32> to vector<16xf32>
        %mul3A_529 = arith.constant 45.2548332 : f32
        %mul3A_530 = vector.broadcast %mul3A_529 : f32 to vector<16xf32>
        %mul3A_531 = arith.mulf %get3A_528, %mul3A_530 : vector<16xf32>
        %swap3A_532 = arith.index_cast %scan3A_94 : i32 to index
        %swap3A_533 = arith.constant 576 : index
        %swap3A_534 = tpu.vector_load %arg9[%swap3A_532, %swap3A_533] {strides = array<i32>} : memref<8x2048xf32, #tpu.memory_space<vmem>>, vector<1x16xf32>,
        %swap3A_535 = vector.shape_cast %swap3A_534 : vector<1x16xf32> to vector<16xf32>
        %swap3A_536 = vector.shape_cast %mul3A_531 : vector<16xf32> to vector<1x16xf32>
        tpu.vector_store %arg9[%swap3A_532, %swap3A_533], %swap3A_536 {strides = array<i32>} : memref<8x2048xf32, #tpu.memory_space<vmem>>, vector<1x16xf32>,
        %get3A_537 = arith.index_cast %scan3A_94 : i32 to index
        %get3A_538 = arith.constant 592 : index
        %get3A_539 = tpu.vector_load %arg7[%get3A_537, %get3A_538] {strides = array<i32>} : memref<8x2048xf32, #tpu.memory_space<vmem>>, vector<1x16xf32>,
        %get3A_540 = vector.shape_cast %get3A_539 : vector<1x16xf32> to vector<16xf32>
        %mul3A_541 = arith.constant 45.2548332 : f32
        %mul3A_542 = vector.broadcast %mul3A_541 : f32 to vector<16xf32>
        %mul3A_543 = arith.mulf %get3A_540, %mul3A_542 : vector<16xf32>
        %swap3A_544 = arith.index_cast %scan3A_94 : i32 to index
        %swap3A_545 = arith.constant 592 : index
        %swap3A_546 = tpu.vector_load %arg9[%swap3A_544, %swap3A_545] {strides = array<i32>} : memref<8x2048xf32, #tpu.memory_space<vmem>>, vector<1x16xf32>,
        %swap3A_547 = vector.shape_cast %swap3A_546 : vector<1x16xf32> to vector<16xf32>
        %swap3A_548 = vector.shape_cast %mul3A_543 : vector<16xf32> to vector<1x16xf32>
        tpu.vector_store %arg9[%swap3A_544, %swap3A_545], %swap3A_548 {strides = array<i32>} : memref<8x2048xf32, #tpu.memory_space<vmem>>, vector<1x16xf32>,
        %get3A_549 = arith.index_cast %scan3A_94 : i32 to index
        %get3A_550 = arith.constant 608 : index
        %get3A_551 = tpu.vector_load %arg7[%get3A_549, %get3A_550] {strides = array<i32>} : memref<8x2048xf32, #tpu.memory_space<vmem>>, vector<1x16xf32>,
        %get3A_552 = vector.shape_cast %get3A_551 : vector<1x16xf32> to vector<16xf32>
        %mul3A_553 = arith.constant 45.2548332 : f32
        %mul3A_554 = vector.broadcast %mul3A_553 : f32 to vector<16xf32>
        %mul3A_555 = arith.mulf %get3A_552, %mul3A_554 : vector<16xf32>
        %swap3A_556 = arith.index_cast %scan3A_94 : i32 to index
        %swap3A_557 = arith.constant 608 : index
        %swap3A_558 = tpu.vector_load %arg9[%swap3A_556, %swap3A_557] {strides = array<i32>} : memref<8x2048xf32, #tpu.memory_space<vmem>>, vector<1x16xf32>,
        %swap3A_559 = vector.shape_cast %swap3A_558 : vector<1x16xf32> to vector<16xf32>
        %swap3A_560 = vector.shape_cast %mul3A_555 : vector<16xf32> to vector<1x16xf32>
        tpu.vector_store %arg9[%swap3A_556, %swap3A_557], %swap3A_560 {strides = array<i32>} : memref<8x2048xf32, #tpu.memory_space<vmem>>, vector<1x16xf32>,
        %get3A_561 = arith.index_cast %scan3A_94 : i32 to index
        %get3A_562 = arith.constant 624 : index
        %get3A_563 = tpu.vector_load %arg7[%get3A_561, %get3A_562] {strides = array<i32>} : memref<8x2048xf32, #tpu.memory_space<vmem>>, vector<1x16xf32>,
        %get3A_564 = vector.shape_cast %get3A_563 : vector<1x16xf32> to vector<16xf32>
        %mul3A_565 = arith.constant 45.2548332 : f32
        %mul3A_566 = vector.broadcast %mul3A_565 : f32 to vector<16xf32>
        %mul3A_567 = arith.mulf %get3A_564, %mul3A_566 : vector<16xf32>
        %swap3A_568 = arith.index_cast %scan3A_94 : i32 to index
        %swap3A_569 = arith.constant 624 : index
        %swap3A_570 = tpu.vector_load %arg9[%swap3A_568, %swap3A_569] {strides = array<i32>} : memref<8x2048xf32, #tpu.memory_space<vmem>>, vector<1x16xf32>,
        %swap3A_571 = vector.shape_cast %swap3A_570 : vector<1x16xf32> to vector<16xf32>
        %swap3A_572 = vector.shape_cast %mul3A_567 : vector<16xf32> to vector<1x16xf32>
        tpu.vector_store %arg9[%swap3A_568, %swap3A_569], %swap3A_572 {strides = array<i32>} : memref<8x2048xf32, #tpu.memory_space<vmem>>, vector<1x16xf32>,
        %get3A_573 = arith.index_cast %scan3A_94 : i32 to index
        %get3A_574 = arith.constant 640 : index
        %get3A_575 = tpu.vector_load %arg7[%get3A_573, %get3A_574] {strides = array<i32>} : memref<8x2048xf32, #tpu.memory_space<vmem>>, vector<1x16xf32>,
        %get3A_576 = vector.shape_cast %get3A_575 : vector<1x16xf32> to vector<16xf32>
        %mul3A_577 = arith.constant 45.2548332 : f32
        %mul3A_578 = vector.broadcast %mul3A_577 : f32 to vector<16xf32>
        %mul3A_579 = arith.mulf %get3A_576, %mul3A_578 : vector<16xf32>
        %swap3A_580 = arith.index_cast %scan3A_94 : i32 to index
        %swap3A_581 = arith.constant 640 : index
        %swap3A_582 = tpu.vector_load %arg9[%swap3A_580, %swap3A_581] {strides = array<i32>} : memref<8x2048xf32, #tpu.memory_space<vmem>>, vector<1x16xf32>,
        %swap3A_583 = vector.shape_cast %swap3A_582 : vector<1x16xf32> to vector<16xf32>
        %swap3A_584 = vector.shape_cast %mul3A_579 : vector<16xf32> to vector<1x16xf32>
        tpu.vector_store %arg9[%swap3A_580, %swap3A_581], %swap3A_584 {strides = array<i32>} : memref<8x2048xf32, #tpu.memory_space<vmem>>, vector<1x16xf32>,
        %get3A_585 = arith.index_cast %scan3A_94 : i32 to index
        %get3A_586 = arith.constant 656 : index
        %get3A_587 = tpu.vector_load %arg7[%get3A_585, %get3A_586] {strides = array<i32>} : memref<8x2048xf32, #tpu.memory_space<vmem>>, vector<1x16xf32>,
        %get3A_588 = vector.shape_cast %get3A_587 : vector<1x16xf32> to vector<16xf32>
        %mul3A_589 = arith.constant 45.2548332 : f32
        %mul3A_590 = vector.broadcast %mul3A_589 : f32 to vector<16xf32>
        %mul3A_591 = arith.mulf %get3A_588, %mul3A_590 : vector<16xf32>
        %swap3A_592 = arith.index_cast %scan3A_94 : i32 to index
        %swap3A_593 = arith.constant 656 : index
        %swap3A_594 = tpu.vector_load %arg9[%swap3A_592, %swap3A_593] {strides = array<i32>} : memref<8x2048xf32, #tpu.memory_space<vmem>>, vector<1x16xf32>,
        %swap3A_595 = vector.shape_cast %swap3A_594 : vector<1x16xf32> to vector<16xf32>
        %swap3A_596 = vector.shape_cast %mul3A_591 : vector<16xf32> to vector<1x16xf32>
        tpu.vector_store %arg9[%swap3A_592, %swap3A_593], %swap3A_596 {strides = array<i32>} : memref<8x2048xf32, #tpu.memory_space<vmem>>, vector<1x16xf32>,
        %get3A_597 = arith.index_cast %scan3A_94 : i32 to index
        %get3A_598 = arith.constant 672 : index
        %get3A_599 = tpu.vector_load %arg7[%get3A_597, %get3A_598] {strides = array<i32>} : memref<8x2048xf32, #tpu.memory_space<vmem>>, vector<1x16xf32>,
        %get3A_600 = vector.shape_cast %get3A_599 : vector<1x16xf32> to vector<16xf32>
        %mul3A_601 = arith.constant 45.2548332 : f32
        %mul3A_602 = vector.broadcast %mul3A_601 : f32 to vector<16xf32>
        %mul3A_603 = arith.mulf %get3A_600, %mul3A_602 : vector<16xf32>
        %swap3A_604 = arith.index_cast %scan3A_94 : i32 to index
        %swap3A_605 = arith.constant 672 : index
        %swap3A_606 = tpu.vector_load %arg9[%swap3A_604, %swap3A_605] {strides = array<i32>} : memref<8x2048xf32, #tpu.memory_space<vmem>>, vector<1x16xf32>,
        %swap3A_607 = vector.shape_cast %swap3A_606 : vector<1x16xf32> to vector<16xf32>
        %swap3A_608 = vector.shape_cast %mul3A_603 : vector<16xf32> to vector<1x16xf32>
        tpu.vector_store %arg9[%swap3A_604, %swap3A_605], %swap3A_608 {strides = array<i32>} : memref<8x2048xf32, #tpu.memory_space<vmem>>, vector<1x16xf32>,
        %get3A_609 = arith.index_cast %scan3A_94 : i32 to index
        %get3A_610 = arith.constant 688 : index
        %get3A_611 = tpu.vector_load %arg7[%get3A_609, %get3A_610] {strides = array<i32>} : memref<8x2048xf32, #tpu.memory_space<vmem>>, vector<1x16xf32>,
        %get3A_612 = vector.shape_cast %get3A_611 : vector<1x16xf32> to vector<16xf32>
        %mul3A_613 = arith.constant 45.2548332 : f32
        %mul3A_614 = vector.broadcast %mul3A_613 : f32 to vector<16xf32>
        %mul3A_615 = arith.mulf %get3A_612, %mul3A_614 : vector<16xf32>
        %swap3A_616 = arith.index_cast %scan3A_94 : i32 to index
        %swap3A_617 = arith.constant 688 : index
        %swap3A_618 = tpu.vector_load %arg9[%swap3A_616, %swap3A_617] {strides = array<i32>} : memref<8x2048xf32, #tpu.memory_space<vmem>>, vector<1x16xf32>,
        %swap3A_619 = vector.shape_cast %swap3A_618 : vector<1x16xf32> to vector<16xf32>
        %swap3A_620 = vector.shape_cast %mul3A_615 : vector<16xf32> to vector<1x16xf32>
        tpu.vector_store %arg9[%swap3A_616, %swap3A_617], %swap3A_620 {strides = array<i32>} : memref<8x2048xf32, #tpu.memory_space<vmem>>, vector<1x16xf32>,
        %get3A_621 = arith.index_cast %scan3A_94 : i32 to index
        %get3A_622 = arith.constant 704 : index
        %get3A_623 = tpu.vector_load %arg7[%get3A_621, %get3A_622] {strides = array<i32>} : memref<8x2048xf32, #tpu.memory_space<vmem>>, vector<1x16xf32>,
        %get3A_624 = vector.shape_cast %get3A_623 : vector<1x16xf32> to vector<16xf32>
        %mul3A_625 = arith.constant 45.2548332 : f32
        %mul3A_626 = vector.broadcast %mul3A_625 : f32 to vector<16xf32>
        %mul3A_627 = arith.mulf %get3A_624, %mul3A_626 : vector<16xf32>
        %swap3A_628 = arith.index_cast %scan3A_94 : i32 to index
        %swap3A_629 = arith.constant 704 : index
        %swap3A_630 = tpu.vector_load %arg9[%swap3A_628, %swap3A_629] {strides = array<i32>} : memref<8x2048xf32, #tpu.memory_space<vmem>>, vector<1x16xf32>,
        %swap3A_631 = vector.shape_cast %swap3A_630 : vector<1x16xf32> to vector<16xf32>
        %swap3A_632 = vector.shape_cast %mul3A_627 : vector<16xf32> to vector<1x16xf32>
        tpu.vector_store %arg9[%swap3A_628, %swap3A_629], %swap3A_632 {strides = array<i32>} : memref<8x2048xf32, #tpu.memory_space<vmem>>, vector<1x16xf32>,
        %get3A_633 = arith.index_cast %scan3A_94 : i32 to index
        %get3A_634 = arith.constant 720 : index
        %get3A_635 = tpu.vector_load %arg7[%get3A_633, %get3A_634] {strides = array<i32>} : memref<8x2048xf32, #tpu.memory_space<vmem>>, vector<1x16xf32>,
        %get3A_636 = vector.shape_cast %get3A_635 : vector<1x16xf32> to vector<16xf32>
        %mul3A_637 = arith.constant 45.2548332 : f32
        %mul3A_638 = vector.broadcast %mul3A_637 : f32 to vector<16xf32>
        %mul3A_639 = arith.mulf %get3A_636, %mul3A_638 : vector<16xf32>
        %swap3A_640 = arith.index_cast %scan3A_94 : i32 to index
        %swap3A_641 = arith.constant 720 : index
        %swap3A_642 = tpu.vector_load %arg9[%swap3A_640, %swap3A_641] {strides = array<i32>} : memref<8x2048xf32, #tpu.memory_space<vmem>>, vector<1x16xf32>,
        %swap3A_643 = vector.shape_cast %swap3A_642 : vector<1x16xf32> to vector<16xf32>
        %swap3A_644 = vector.shape_cast %mul3A_639 : vector<16xf32> to vector<1x16xf32>
        tpu.vector_store %arg9[%swap3A_640, %swap3A_641], %swap3A_644 {strides = array<i32>} : memref<8x2048xf32, #tpu.memory_space<vmem>>, vector<1x16xf32>,
        %get3A_645 = arith.index_cast %scan3A_94 : i32 to index
        %get3A_646 = arith.constant 736 : index
        %get3A_647 = tpu.vector_load %arg7[%get3A_645, %get3A_646] {strides = array<i32>} : memref<8x2048xf32, #tpu.memory_space<vmem>>, vector<1x16xf32>,
        %get3A_648 = vector.shape_cast %get3A_647 : vector<1x16xf32> to vector<16xf32>
        %mul3A_649 = arith.constant 45.2548332 : f32
        %mul3A_650 = vector.broadcast %mul3A_649 : f32 to vector<16xf32>
        %mul3A_651 = arith.mulf %get3A_648, %mul3A_650 : vector<16xf32>
        %swap3A_652 = arith.index_cast %scan3A_94 : i32 to index
        %swap3A_653 = arith.constant 736 : index
        %swap3A_654 = tpu.vector_load %arg9[%swap3A_652, %swap3A_653] {strides = array<i32>} : memref<8x2048xf32, #tpu.memory_space<vmem>>, vector<1x16xf32>,
        %swap3A_655 = vector.shape_cast %swap3A_654 : vector<1x16xf32> to vector<16xf32>
        %swap3A_656 = vector.shape_cast %mul3A_651 : vector<16xf32> to vector<1x16xf32>
        tpu.vector_store %arg9[%swap3A_652, %swap3A_653], %swap3A_656 {strides = array<i32>} : memref<8x2048xf32, #tpu.memory_space<vmem>>, vector<1x16xf32>,
        %get3A_657 = arith.index_cast %scan3A_94 : i32 to index
        %get3A_658 = arith.constant 752 : index
        %get3A_659 = tpu.vector_load %arg7[%get3A_657, %get3A_658] {strides = array<i32>} : memref<8x2048xf32, #tpu.memory_space<vmem>>, vector<1x16xf32>,
        %get3A_660 = vector.shape_cast %get3A_659 : vector<1x16xf32> to vector<16xf32>
        %mul3A_661 = arith.constant 45.2548332 : f32
        %mul3A_662 = vector.broadcast %mul3A_661 : f32 to vector<16xf32>
        %mul3A_663 = arith.mulf %get3A_660, %mul3A_662 : vector<16xf32>
        %swap3A_664 = arith.index_cast %scan3A_94 : i32 to index
        %swap3A_665 = arith.constant 752 : index
        %swap3A_666 = tpu.vector_load %arg9[%swap3A_664, %swap3A_665] {strides = array<i32>} : memref<8x2048xf32, #tpu.memory_space<vmem>>, vector<1x16xf32>,
        %swap3A_667 = vector.shape_cast %swap3A_666 : vector<1x16xf32> to vector<16xf32>
        %swap3A_668 = vector.shape_cast %mul3A_663 : vector<16xf32> to vector<1x16xf32>
        tpu.vector_store %arg9[%swap3A_664, %swap3A_665], %swap3A_668 {strides = array<i32>} : memref<8x2048xf32, #tpu.memory_space<vmem>>, vector<1x16xf32>,
        %get3A_669 = arith.index_cast %scan3A_94 : i32 to index
        %get3A_670 = arith.constant 768 : index
        %get3A_671 = tpu.vector_load %arg7[%get3A_669, %get3A_670] {strides = array<i32>} : memref<8x2048xf32, #tpu.memory_space<vmem>>, vector<1x16xf32>,
        %get3A_672 = vector.shape_cast %get3A_671 : vector<1x16xf32> to vector<16xf32>
        %mul3A_673 = arith.constant 45.2548332 : f32
        %mul3A_674 = vector.broadcast %mul3A_673 : f32 to vector<16xf32>
        %mul3A_675 = arith.mulf %get3A_672, %mul3A_674 : vector<16xf32>
        %swap3A_676 = arith.index_cast %scan3A_94 : i32 to index
        %swap3A_677 = arith.constant 768 : index
        %swap3A_678 = tpu.vector_load %arg9[%swap3A_676, %swap3A_677] {strides = array<i32>} : memref<8x2048xf32, #tpu.memory_space<vmem>>, vector<1x16xf32>,
        %swap3A_679 = vector.shape_cast %swap3A_678 : vector<1x16xf32> to vector<16xf32>
        %swap3A_680 = vector.shape_cast %mul3A_675 : vector<16xf32> to vector<1x16xf32>
        tpu.vector_store %arg9[%swap3A_676, %swap3A_677], %swap3A_680 {strides = array<i32>} : memref<8x2048xf32, #tpu.memory_space<vmem>>, vector<1x16xf32>,
        %get3A_681 = arith.index_cast %scan3A_94 : i32 to index
        %get3A_682 = arith.constant 784 : index
        %get3A_683 = tpu.vector_load %arg7[%get3A_681, %get3A_682] {strides = array<i32>} : memref<8x2048xf32, #tpu.memory_space<vmem>>, vector<1x16xf32>,
        %get3A_684 = vector.shape_cast %get3A_683 : vector<1x16xf32> to vector<16xf32>
        %mul3A_685 = arith.constant 45.2548332 : f32
        %mul3A_686 = vector.broadcast %mul3A_685 : f32 to vector<16xf32>
        %mul3A_687 = arith.mulf %get3A_684, %mul3A_686 : vector<16xf32>
        %swap3A_688 = arith.index_cast %scan3A_94 : i32 to index
        %swap3A_689 = arith.constant 784 : index
        %swap3A_690 = tpu.vector_load %arg9[%swap3A_688, %swap3A_689] {strides = array<i32>} : memref<8x2048xf32, #tpu.memory_space<vmem>>, vector<1x16xf32>,
        %swap3A_691 = vector.shape_cast %swap3A_690 : vector<1x16xf32> to vector<16xf32>
        %swap3A_692 = vector.shape_cast %mul3A_687 : vector<16xf32> to vector<1x16xf32>
        tpu.vector_store %arg9[%swap3A_688, %swap3A_689], %swap3A_692 {strides = array<i32>} : memref<8x2048xf32, #tpu.memory_space<vmem>>, vector<1x16xf32>,
        %get3A_693 = arith.index_cast %scan3A_94 : i32 to index
        %get3A_694 = arith.constant 800 : index
        %get3A_695 = tpu.vector_load %arg7[%get3A_693, %get3A_694] {strides = array<i32>} : memref<8x2048xf32, #tpu.memory_space<vmem>>, vector<1x16xf32>,
        %get3A_696 = vector.shape_cast %get3A_695 : vector<1x16xf32> to vector<16xf32>
        %mul3A_697 = arith.constant 45.2548332 : f32
        %mul3A_698 = vector.broadcast %mul3A_697 : f32 to vector<16xf32>
        %mul3A_699 = arith.mulf %get3A_696, %mul3A_698 : vector<16xf32>
        %swap3A_700 = arith.index_cast %scan3A_94 : i32 to index
        %swap3A_701 = arith.constant 800 : index
        %swap3A_702 = tpu.vector_load %arg9[%swap3A_700, %swap3A_701] {strides = array<i32>} : memref<8x2048xf32, #tpu.memory_space<vmem>>, vector<1x16xf32>,
        %swap3A_703 = vector.shape_cast %swap3A_702 : vector<1x16xf32> to vector<16xf32>
        %swap3A_704 = vector.shape_cast %mul3A_699 : vector<16xf32> to vector<1x16xf32>
        tpu.vector_store %arg9[%swap3A_700, %swap3A_701], %swap3A_704 {strides = array<i32>} : memref<8x2048xf32, #tpu.memory_space<vmem>>, vector<1x16xf32>,
        %get3A_705 = arith.index_cast %scan3A_94 : i32 to index
        %get3A_706 = arith.constant 816 : index
        %get3A_707 = tpu.vector_load %arg7[%get3A_705, %get3A_706] {strides = array<i32>} : memref<8x2048xf32, #tpu.memory_space<vmem>>, vector<1x16xf32>,
        %get3A_708 = vector.shape_cast %get3A_707 : vector<1x16xf32> to vector<16xf32>
        %mul3A_709 = arith.constant 45.2548332 : f32
        %mul3A_710 = vector.broadcast %mul3A_709 : f32 to vector<16xf32>
        %mul3A_711 = arith.mulf %get3A_708, %mul3A_710 : vector<16xf32>
        %swap3A_712 = arith.index_cast %scan3A_94 : i32 to index
        %swap3A_713 = arith.constant 816 : index
        %swap3A_714 = tpu.vector_load %arg9[%swap3A_712, %swap3A_713] {strides = array<i32>} : memref<8x2048xf32, #tpu.memory_space<vmem>>, vector<1x16xf32>,
        %swap3A_715 = vector.shape_cast %swap3A_714 : vector<1x16xf32> to vector<16xf32>
        %swap3A_716 = vector.shape_cast %mul3A_711 : vector<16xf32> to vector<1x16xf32>
        tpu.vector_store %arg9[%swap3A_712, %swap3A_713], %swap3A_716 {strides = array<i32>} : memref<8x2048xf32, #tpu.memory_space<vmem>>, vector<1x16xf32>,
        %get3A_717 = arith.index_cast %scan3A_94 : i32 to index
        %get3A_718 = arith.constant 832 : index
        %get3A_719 = tpu.vector_load %arg7[%get3A_717, %get3A_718] {strides = array<i32>} : memref<8x2048xf32, #tpu.memory_space<vmem>>, vector<1x16xf32>,
        %get3A_720 = vector.shape_cast %get3A_719 : vector<1x16xf32> to vector<16xf32>
        %mul3A_721 = arith.constant 45.2548332 : f32
        %mul3A_722 = vector.broadcast %mul3A_721 : f32 to vector<16xf32>
        %mul3A_723 = arith.mulf %get3A_720, %mul3A_722 : vector<16xf32>
        %swap3A_724 = arith.index_cast %scan3A_94 : i32 to index
        %swap3A_725 = arith.constant 832 : index
        %swap3A_726 = tpu.vector_load %arg9[%swap3A_724, %swap3A_725] {strides = array<i32>} : memref<8x2048xf32, #tpu.memory_space<vmem>>, vector<1x16xf32>,
        %swap3A_727 = vector.shape_cast %swap3A_726 : vector<1x16xf32> to vector<16xf32>
        %swap3A_728 = vector.shape_cast %mul3A_723 : vector<16xf32> to vector<1x16xf32>
        tpu.vector_store %arg9[%swap3A_724, %swap3A_725], %swap3A_728 {strides = array<i32>} : memref<8x2048xf32, #tpu.memory_space<vmem>>, vector<1x16xf32>,
        %get3A_729 = arith.index_cast %scan3A_94 : i32 to index
        %get3A_730 = arith.constant 848 : index
        %get3A_731 = tpu.vector_load %arg7[%get3A_729, %get3A_730] {strides = array<i32>} : memref<8x2048xf32, #tpu.memory_space<vmem>>, vector<1x16xf32>,
        %get3A_732 = vector.shape_cast %get3A_731 : vector<1x16xf32> to vector<16xf32>
        %mul3A_733 = arith.constant 45.2548332 : f32
        %mul3A_734 = vector.broadcast %mul3A_733 : f32 to vector<16xf32>
        %mul3A_735 = arith.mulf %get3A_732, %mul3A_734 : vector<16xf32>
        %swap3A_736 = arith.index_cast %scan3A_94 : i32 to index
        %swap3A_737 = arith.constant 848 : index
        %swap3A_738 = tpu.vector_load %arg9[%swap3A_736, %swap3A_737] {strides = array<i32>} : memref<8x2048xf32, #tpu.memory_space<vmem>>, vector<1x16xf32>,
        %swap3A_739 = vector.shape_cast %swap3A_738 : vector<1x16xf32> to vector<16xf32>
        %swap3A_740 = vector.shape_cast %mul3A_735 : vector<16xf32> to vector<1x16xf32>
        tpu.vector_store %arg9[%swap3A_736, %swap3A_737], %swap3A_740 {strides = array<i32>} : memref<8x2048xf32, #tpu.memory_space<vmem>>, vector<1x16xf32>,
        %get3A_741 = arith.index_cast %scan3A_94 : i32 to index
        %get3A_742 = arith.constant 864 : index
        %get3A_743 = tpu.vector_load %arg7[%get3A_741, %get3A_742] {strides = array<i32>} : memref<8x2048xf32, #tpu.memory_space<vmem>>, vector<1x16xf32>,
        %get3A_744 = vector.shape_cast %get3A_743 : vector<1x16xf32> to vector<16xf32>
        %mul3A_745 = arith.constant 45.2548332 : f32
        %mul3A_746 = vector.broadcast %mul3A_745 : f32 to vector<16xf32>
        %mul3A_747 = arith.mulf %get3A_744, %mul3A_746 : vector<16xf32>
        %swap3A_748 = arith.index_cast %scan3A_94 : i32 to index
        %swap3A_749 = arith.constant 864 : index
        %swap3A_750 = tpu.vector_load %arg9[%swap3A_748, %swap3A_749] {strides = array<i32>} : memref<8x2048xf32, #tpu.memory_space<vmem>>, vector<1x16xf32>,
        %swap3A_751 = vector.shape_cast %swap3A_750 : vector<1x16xf32> to vector<16xf32>
        %swap3A_752 = vector.shape_cast %mul3A_747 : vector<16xf32> to vector<1x16xf32>
        tpu.vector_store %arg9[%swap3A_748, %swap3A_749], %swap3A_752 {strides = array<i32>} : memref<8x2048xf32, #tpu.memory_space<vmem>>, vector<1x16xf32>,
        %get3A_753 = arith.index_cast %scan3A_94 : i32 to index
        %get3A_754 = arith.constant 880 : index
        %get3A_755 = tpu.vector_load %arg7[%get3A_753, %get3A_754] {strides = array<i32>} : memref<8x2048xf32, #tpu.memory_space<vmem>>, vector<1x16xf32>,
        %get3A_756 = vector.shape_cast %get3A_755 : vector<1x16xf32> to vector<16xf32>
        %mul3A_757 = arith.constant 45.2548332 : f32
        %mul3A_758 = vector.broadcast %mul3A_757 : f32 to vector<16xf32>
        %mul3A_759 = arith.mulf %get3A_756, %mul3A_758 : vector<16xf32>
        %swap3A_760 = arith.index_cast %scan3A_94 : i32 to index
        %swap3A_761 = arith.constant 880 : index
        %swap3A_762 = tpu.vector_load %arg9[%swap3A_760, %swap3A_761] {strides = array<i32>} : memref<8x2048xf32, #tpu.memory_space<vmem>>, vector<1x16xf32>,
        %swap3A_763 = vector.shape_cast %swap3A_762 : vector<1x16xf32> to vector<16xf32>
        %swap3A_764 = vector.shape_cast %mul3A_759 : vector<16xf32> to vector<1x16xf32>
        tpu.vector_store %arg9[%swap3A_760, %swap3A_761], %swap3A_764 {strides = array<i32>} : memref<8x2048xf32, #tpu.memory_space<vmem>>, vector<1x16xf32>,
        %get3A_765 = arith.index_cast %scan3A_94 : i32 to index
        %get3A_766 = arith.constant 896 : index
        %get3A_767 = tpu.vector_load %arg7[%get3A_765, %get3A_766] {strides = array<i32>} : memref<8x2048xf32, #tpu.memory_space<vmem>>, vector<1x16xf32>,
        %get3A_768 = vector.shape_cast %get3A_767 : vector<1x16xf32> to vector<16xf32>
        %mul3A_769 = arith.constant 45.2548332 : f32
        %mul3A_770 = vector.broadcast %mul3A_769 : f32 to vector<16xf32>
        %mul3A_771 = arith.mulf %get3A_768, %mul3A_770 : vector<16xf32>
        %swap3A_772 = arith.index_cast %scan3A_94 : i32 to index
        %swap3A_773 = arith.constant 896 : index
        %swap3A_774 = tpu.vector_load %arg9[%swap3A_772, %swap3A_773] {strides = array<i32>} : memref<8x2048xf32, #tpu.memory_space<vmem>>, vector<1x16xf32>,
        %swap3A_775 = vector.shape_cast %swap3A_774 : vector<1x16xf32> to vector<16xf32>
        %swap3A_776 = vector.shape_cast %mul3A_771 : vector<16xf32> to vector<1x16xf32>
        tpu.vector_store %arg9[%swap3A_772, %swap3A_773], %swap3A_776 {strides = array<i32>} : memref<8x2048xf32, #tpu.memory_space<vmem>>, vector<1x16xf32>,
        %get3A_777 = arith.index_cast %scan3A_94 : i32 to index
        %get3A_778 = arith.constant 912 : index
        %get3A_779 = tpu.vector_load %arg7[%get3A_777, %get3A_778] {strides = array<i32>} : memref<8x2048xf32, #tpu.memory_space<vmem>>, vector<1x16xf32>,
        %get3A_780 = vector.shape_cast %get3A_779 : vector<1x16xf32> to vector<16xf32>
        %mul3A_781 = arith.constant 45.2548332 : f32
        %mul3A_782 = vector.broadcast %mul3A_781 : f32 to vector<16xf32>
        %mul3A_783 = arith.mulf %get3A_780, %mul3A_782 : vector<16xf32>
        %swap3A_784 = arith.index_cast %scan3A_94 : i32 to index
        %swap3A_785 = arith.constant 912 : index
        %swap3A_786 = tpu.vector_load %arg9[%swap3A_784, %swap3A_785] {strides = array<i32>} : memref<8x2048xf32, #tpu.memory_space<vmem>>, vector<1x16xf32>,
        %swap3A_787 = vector.shape_cast %swap3A_786 : vector<1x16xf32> to vector<16xf32>
        %swap3A_788 = vector.shape_cast %mul3A_783 : vector<16xf32> to vector<1x16xf32>
        tpu.vector_store %arg9[%swap3A_784, %swap3A_785], %swap3A_788 {strides = array<i32>} : memref<8x2048xf32, #tpu.memory_space<vmem>>, vector<1x16xf32>,
        %get3A_789 = arith.index_cast %scan3A_94 : i32 to index
        %get3A_790 = arith.constant 928 : index
        %get3A_791 = tpu.vector_load %arg7[%get3A_789, %get3A_790] {strides = array<i32>} : memref<8x2048xf32, #tpu.memory_space<vmem>>, vector<1x16xf32>,
        %get3A_792 = vector.shape_cast %get3A_791 : vector<1x16xf32> to vector<16xf32>
        %mul3A_793 = arith.constant 45.2548332 : f32
        %mul3A_794 = vector.broadcast %mul3A_793 : f32 to vector<16xf32>
        %mul3A_795 = arith.mulf %get3A_792, %mul3A_794 : vector<16xf32>
        %swap3A_796 = arith.index_cast %scan3A_94 : i32 to index
        %swap3A_797 = arith.constant 928 : index
        %swap3A_798 = tpu.vector_load %arg9[%swap3A_796, %swap3A_797] {strides = array<i32>} : memref<8x2048xf32, #tpu.memory_space<vmem>>, vector<1x16xf32>,
        %swap3A_799 = vector.shape_cast %swap3A_798 : vector<1x16xf32> to vector<16xf32>
        %swap3A_800 = vector.shape_cast %mul3A_795 : vector<16xf32> to vector<1x16xf32>
        tpu.vector_store %arg9[%swap3A_796, %swap3A_797], %swap3A_800 {strides = array<i32>} : memref<8x2048xf32, #tpu.memory_space<vmem>>, vector<1x16xf32>,
        %get3A_801 = arith.index_cast %scan3A_94 : i32 to index
        %get3A_802 = arith.constant 944 : index
        %get3A_803 = tpu.vector_load %arg7[%get3A_801, %get3A_802] {strides = array<i32>} : memref<8x2048xf32, #tpu.memory_space<vmem>>, vector<1x16xf32>,
        %get3A_804 = vector.shape_cast %get3A_803 : vector<1x16xf32> to vector<16xf32>
        %mul3A_805 = arith.constant 45.2548332 : f32
        %mul3A_806 = vector.broadcast %mul3A_805 : f32 to vector<16xf32>
        %mul3A_807 = arith.mulf %get3A_804, %mul3A_806 : vector<16xf32>
        %swap3A_808 = arith.index_cast %scan3A_94 : i32 to index
        %swap3A_809 = arith.constant 944 : index
        %swap3A_810 = tpu.vector_load %arg9[%swap3A_808, %swap3A_809] {strides = array<i32>} : memref<8x2048xf32, #tpu.memory_space<vmem>>, vector<1x16xf32>,
        %swap3A_811 = vector.shape_cast %swap3A_810 : vector<1x16xf32> to vector<16xf32>
        %swap3A_812 = vector.shape_cast %mul3A_807 : vector<16xf32> to vector<1x16xf32>
        tpu.vector_store %arg9[%swap3A_808, %swap3A_809], %swap3A_812 {strides = array<i32>} : memref<8x2048xf32, #tpu.memory_space<vmem>>, vector<1x16xf32>,
        %get3A_813 = arith.index_cast %scan3A_94 : i32 to index
        %get3A_814 = arith.constant 960 : index
        %get3A_815 = tpu.vector_load %arg7[%get3A_813, %get3A_814] {strides = array<i32>} : memref<8x2048xf32, #tpu.memory_space<vmem>>, vector<1x16xf32>,
        %get3A_816 = vector.shape_cast %get3A_815 : vector<1x16xf32> to vector<16xf32>
        %mul3A_817 = arith.constant 45.2548332 : f32
        %mul3A_818 = vector.broadcast %mul3A_817 : f32 to vector<16xf32>
        %mul3A_819 = arith.mulf %get3A_816, %mul3A_818 : vector<16xf32>
        %swap3A_820 = arith.index_cast %scan3A_94 : i32 to index
        %swap3A_821 = arith.constant 960 : index
        %swap3A_822 = tpu.vector_load %arg9[%swap3A_820, %swap3A_821] {strides = array<i32>} : memref<8x2048xf32, #tpu.memory_space<vmem>>, vector<1x16xf32>,
        %swap3A_823 = vector.shape_cast %swap3A_822 : vector<1x16xf32> to vector<16xf32>
        %swap3A_824 = vector.shape_cast %mul3A_819 : vector<16xf32> to vector<1x16xf32>
        tpu.vector_store %arg9[%swap3A_820, %swap3A_821], %swap3A_824 {strides = array<i32>} : memref<8x2048xf32, #tpu.memory_space<vmem>>, vector<1x16xf32>,
        %get3A_825 = arith.index_cast %scan3A_94 : i32 to index
        %get3A_826 = arith.constant 976 : index
        %get3A_827 = tpu.vector_load %arg7[%get3A_825, %get3A_826] {strides = array<i32>} : memref<8x2048xf32, #tpu.memory_space<vmem>>, vector<1x16xf32>,
        %get3A_828 = vector.shape_cast %get3A_827 : vector<1x16xf32> to vector<16xf32>
        %mul3A_829 = arith.constant 45.2548332 : f32
        %mul3A_830 = vector.broadcast %mul3A_829 : f32 to vector<16xf32>
        %mul3A_831 = arith.mulf %get3A_828, %mul3A_830 : vector<16xf32>
        %swap3A_832 = arith.index_cast %scan3A_94 : i32 to index
        %swap3A_833 = arith.constant 976 : index
        %swap3A_834 = tpu.vector_load %arg9[%swap3A_832, %swap3A_833] {strides = array<i32>} : memref<8x2048xf32, #tpu.memory_space<vmem>>, vector<1x16xf32>,
        %swap3A_835 = vector.shape_cast %swap3A_834 : vector<1x16xf32> to vector<16xf32>
        %swap3A_836 = vector.shape_cast %mul3A_831 : vector<16xf32> to vector<1x16xf32>
        tpu.vector_store %arg9[%swap3A_832, %swap3A_833], %swap3A_836 {strides = array<i32>} : memref<8x2048xf32, #tpu.memory_space<vmem>>, vector<1x16xf32>,
        %get3A_837 = arith.index_cast %scan3A_94 : i32 to index
        %get3A_838 = arith.constant 992 : index
        %get3A_839 = tpu.vector_load %arg7[%get3A_837, %get3A_838] {strides = array<i32>} : memref<8x2048xf32, #tpu.memory_space<vmem>>, vector<1x16xf32>,
        %get3A_840 = vector.shape_cast %get3A_839 : vector<1x16xf32> to vector<16xf32>
        %mul3A_841 = arith.constant 45.2548332 : f32
        %mul3A_842 = vector.broadcast %mul3A_841 : f32 to vector<16xf32>
        %mul3A_843 = arith.mulf %get3A_840, %mul3A_842 : vector<16xf32>
        %swap3A_844 = arith.index_cast %scan3A_94 : i32 to index
        %swap3A_845 = arith.constant 992 : index
        %swap3A_846 = tpu.vector_load %arg9[%swap3A_844, %swap3A_845] {strides = array<i32>} : memref<8x2048xf32, #tpu.memory_space<vmem>>, vector<1x16xf32>,
        %swap3A_847 = vector.shape_cast %swap3A_846 : vector<1x16xf32> to vector<16xf32>
        %swap3A_848 = vector.shape_cast %mul3A_843 : vector<16xf32> to vector<1x16xf32>
        tpu.vector_store %arg9[%swap3A_844, %swap3A_845], %swap3A_848 {strides = array<i32>} : memref<8x2048xf32, #tpu.memory_space<vmem>>, vector<1x16xf32>,
        %get3A_849 = arith.index_cast %scan3A_94 : i32 to index
        %get3A_850 = arith.constant 1008 : index
        %get3A_851 = tpu.vector_load %arg7[%get3A_849, %get3A_850] {strides = array<i32>} : memref<8x2048xf32, #tpu.memory_space<vmem>>, vector<1x16xf32>,
        %get3A_852 = vector.shape_cast %get3A_851 : vector<1x16xf32> to vector<16xf32>
        %mul3A_853 = arith.constant 45.2548332 : f32
        %mul3A_854 = vector.broadcast %mul3A_853 : f32 to vector<16xf32>
        %mul3A_855 = arith.mulf %get3A_852, %mul3A_854 : vector<16xf32>
        %swap3A_856 = arith.index_cast %scan3A_94 : i32 to index
        %swap3A_857 = arith.constant 1008 : index
        %swap3A_858 = tpu.vector_load %arg9[%swap3A_856, %swap3A_857] {strides = array<i32>} : memref<8x2048xf32, #tpu.memory_space<vmem>>, vector<1x16xf32>,
        %swap3A_859 = vector.shape_cast %swap3A_858 : vector<1x16xf32> to vector<16xf32>
        %swap3A_860 = vector.shape_cast %mul3A_855 : vector<16xf32> to vector<1x16xf32>
        tpu.vector_store %arg9[%swap3A_856, %swap3A_857], %swap3A_860 {strides = array<i32>} : memref<8x2048xf32, #tpu.memory_space<vmem>>, vector<1x16xf32>,
        %get3A_861 = arith.index_cast %scan3A_94 : i32 to index
        %get3A_862 = arith.constant 1024 : index
        %get3A_863 = tpu.vector_load %arg7[%get3A_861, %get3A_862] {strides = array<i32>} : memref<8x2048xf32, #tpu.memory_space<vmem>>, vector<1x16xf32>,
        %get3A_864 = vector.shape_cast %get3A_863 : vector<1x16xf32> to vector<16xf32>
        %mul3A_865 = arith.constant 45.2548332 : f32
        %mul3A_866 = vector.broadcast %mul3A_865 : f32 to vector<16xf32>
        %mul3A_867 = arith.mulf %get3A_864, %mul3A_866 : vector<16xf32>
        %swap3A_868 = arith.index_cast %scan3A_94 : i32 to index
        %swap3A_869 = arith.constant 1024 : index
        %swap3A_870 = tpu.vector_load %arg9[%swap3A_868, %swap3A_869] {strides = array<i32>} : memref<8x2048xf32, #tpu.memory_space<vmem>>, vector<1x16xf32>,
        %swap3A_871 = vector.shape_cast %swap3A_870 : vector<1x16xf32> to vector<16xf32>
        %swap3A_872 = vector.shape_cast %mul3A_867 : vector<16xf32> to vector<1x16xf32>
        tpu.vector_store %arg9[%swap3A_868, %swap3A_869], %swap3A_872 {strides = array<i32>} : memref<8x2048xf32, #tpu.memory_space<vmem>>, vector<1x16xf32>,
        %get3A_873 = arith.index_cast %scan3A_94 : i32 to index
        %get3A_874 = arith.constant 1040 : index
        %get3A_875 = tpu.vector_load %arg7[%get3A_873, %get3A_874] {strides = array<i32>} : memref<8x2048xf32, #tpu.memory_space<vmem>>, vector<1x16xf32>,
        %get3A_876 = vector.shape_cast %get3A_875 : vector<1x16xf32> to vector<16xf32>
        %mul3A_877 = arith.constant 45.2548332 : f32
        %mul3A_878 = vector.broadcast %mul3A_877 : f32 to vector<16xf32>
        %mul3A_879 = arith.mulf %get3A_876, %mul3A_878 : vector<16xf32>
        %swap3A_880 = arith.index_cast %scan3A_94 : i32 to index
        %swap3A_881 = arith.constant 1040 : index
        %swap3A_882 = tpu.vector_load %arg9[%swap3A_880, %swap3A_881] {strides = array<i32>} : memref<8x2048xf32, #tpu.memory_space<vmem>>, vector<1x16xf32>,
        %swap3A_883 = vector.shape_cast %swap3A_882 : vector<1x16xf32> to vector<16xf32>
        %swap3A_884 = vector.shape_cast %mul3A_879 : vector<16xf32> to vector<1x16xf32>
        tpu.vector_store %arg9[%swap3A_880, %swap3A_881], %swap3A_884 {strides = array<i32>} : memref<8x2048xf32, #tpu.memory_space<vmem>>, vector<1x16xf32>,
        %get3A_885 = arith.index_cast %scan3A_94 : i32 to index
        %get3A_886 = arith.constant 1056 : index
        %get3A_887 = tpu.vector_load %arg7[%get3A_885, %get3A_886] {strides = array<i32>} : memref<8x2048xf32, #tpu.memory_space<vmem>>, vector<1x16xf32>,
        %get3A_888 = vector.shape_cast %get3A_887 : vector<1x16xf32> to vector<16xf32>
        %mul3A_889 = arith.constant 45.2548332 : f32
        %mul3A_890 = vector.broadcast %mul3A_889 : f32 to vector<16xf32>
        %mul3A_891 = arith.mulf %get3A_888, %mul3A_890 : vector<16xf32>
        %swap3A_892 = arith.index_cast %scan3A_94 : i32 to index
        %swap3A_893 = arith.constant 1056 : index
        %swap3A_894 = tpu.vector_load %arg9[%swap3A_892, %swap3A_893] {strides = array<i32>} : memref<8x2048xf32, #tpu.memory_space<vmem>>, vector<1x16xf32>,
        %swap3A_895 = vector.shape_cast %swap3A_894 : vector<1x16xf32> to vector<16xf32>
        %swap3A_896 = vector.shape_cast %mul3A_891 : vector<16xf32> to vector<1x16xf32>
        tpu.vector_store %arg9[%swap3A_892, %swap3A_893], %swap3A_896 {strides = array<i32>} : memref<8x2048xf32, #tpu.memory_space<vmem>>, vector<1x16xf32>,
        %get3A_897 = arith.index_cast %scan3A_94 : i32 to index
        %get3A_898 = arith.constant 1072 : index
        %get3A_899 = tpu.vector_load %arg7[%get3A_897, %get3A_898] {strides = array<i32>} : memref<8x2048xf32, #tpu.memory_space<vmem>>, vector<1x16xf32>,
        %get3A_900 = vector.shape_cast %get3A_899 : vector<1x16xf32> to vector<16xf32>
        %mul3A_901 = arith.constant 45.2548332 : f32
        %mul3A_902 = vector.broadcast %mul3A_901 : f32 to vector<16xf32>
        %mul3A_903 = arith.mulf %get3A_900, %mul3A_902 : vector<16xf32>
        %swap3A_904 = arith.index_cast %scan3A_94 : i32 to index
        %swap3A_905 = arith.constant 1072 : index
        %swap3A_906 = tpu.vector_load %arg9[%swap3A_904, %swap3A_905] {strides = array<i32>} : memref<8x2048xf32, #tpu.memory_space<vmem>>, vector<1x16xf32>,
        %swap3A_907 = vector.shape_cast %swap3A_906 : vector<1x16xf32> to vector<16xf32>
        %swap3A_908 = vector.shape_cast %mul3A_903 : vector<16xf32> to vector<1x16xf32>
        tpu.vector_store %arg9[%swap3A_904, %swap3A_905], %swap3A_908 {strides = array<i32>} : memref<8x2048xf32, #tpu.memory_space<vmem>>, vector<1x16xf32>,
        %get3A_909 = arith.index_cast %scan3A_94 : i32 to index
        %get3A_910 = arith.constant 1088 : index
        %get3A_911 = tpu.vector_load %arg7[%get3A_909, %get3A_910] {strides = array<i32>} : memref<8x2048xf32, #tpu.memory_space<vmem>>, vector<1x16xf32>,
        %get3A_912 = vector.shape_cast %get3A_911 : vector<1x16xf32> to vector<16xf32>
        %mul3A_913 = arith.constant 45.2548332 : f32
        %mul3A_914 = vector.broadcast %mul3A_913 : f32 to vector<16xf32>
        %mul3A_915 = arith.mulf %get3A_912, %mul3A_914 : vector<16xf32>
        %swap3A_916 = arith.index_cast %scan3A_94 : i32 to index
        %swap3A_917 = arith.constant 1088 : index
        %swap3A_918 = tpu.vector_load %arg9[%swap3A_916, %swap3A_917] {strides = array<i32>} : memref<8x2048xf32, #tpu.memory_space<vmem>>, vector<1x16xf32>,
        %swap3A_919 = vector.shape_cast %swap3A_918 : vector<1x16xf32> to vector<16xf32>
        %swap3A_920 = vector.shape_cast %mul3A_915 : vector<16xf32> to vector<1x16xf32>
        tpu.vector_store %arg9[%swap3A_916, %swap3A_917], %swap3A_920 {strides = array<i32>} : memref<8x2048xf32, #tpu.memory_space<vmem>>, vector<1x16xf32>,
        %get3A_921 = arith.index_cast %scan3A_94 : i32 to index
        %get3A_922 = arith.constant 1104 : index
        %get3A_923 = tpu.vector_load %arg7[%get3A_921, %get3A_922] {strides = array<i32>} : memref<8x2048xf32, #tpu.memory_space<vmem>>, vector<1x16xf32>,
        %get3A_924 = vector.shape_cast %get3A_923 : vector<1x16xf32> to vector<16xf32>
        %mul3A_925 = arith.constant 45.2548332 : f32
        %mul3A_926 = vector.broadcast %mul3A_925 : f32 to vector<16xf32>
        %mul3A_927 = arith.mulf %get3A_924, %mul3A_926 : vector<16xf32>
        %swap3A_928 = arith.index_cast %scan3A_94 : i32 to index
        %swap3A_929 = arith.constant 1104 : index
        %swap3A_930 = tpu.vector_load %arg9[%swap3A_928, %swap3A_929] {strides = array<i32>} : memref<8x2048xf32, #tpu.memory_space<vmem>>, vector<1x16xf32>,
        %swap3A_931 = vector.shape_cast %swap3A_930 : vector<1x16xf32> to vector<16xf32>
        %swap3A_932 = vector.shape_cast %mul3A_927 : vector<16xf32> to vector<1x16xf32>
        tpu.vector_store %arg9[%swap3A_928, %swap3A_929], %swap3A_932 {strides = array<i32>} : memref<8x2048xf32, #tpu.memory_space<vmem>>, vector<1x16xf32>,
        %get3A_933 = arith.index_cast %scan3A_94 : i32 to index
        %get3A_934 = arith.constant 1120 : index
        %get3A_935 = tpu.vector_load %arg7[%get3A_933, %get3A_934] {strides = array<i32>} : memref<8x2048xf32, #tpu.memory_space<vmem>>, vector<1x16xf32>,
        %get3A_936 = vector.shape_cast %get3A_935 : vector<1x16xf32> to vector<16xf32>
        %mul3A_937 = arith.constant 45.2548332 : f32
        %mul3A_938 = vector.broadcast %mul3A_937 : f32 to vector<16xf32>
        %mul3A_939 = arith.mulf %get3A_936, %mul3A_938 : vector<16xf32>
        %swap3A_940 = arith.index_cast %scan3A_94 : i32 to index
        %swap3A_941 = arith.constant 1120 : index
        %swap3A_942 = tpu.vector_load %arg9[%swap3A_940, %swap3A_941] {strides = array<i32>} : memref<8x2048xf32, #tpu.memory_space<vmem>>, vector<1x16xf32>,
        %swap3A_943 = vector.shape_cast %swap3A_942 : vector<1x16xf32> to vector<16xf32>
        %swap3A_944 = vector.shape_cast %mul3A_939 : vector<16xf32> to vector<1x16xf32>
        tpu.vector_store %arg9[%swap3A_940, %swap3A_941], %swap3A_944 {strides = array<i32>} : memref<8x2048xf32, #tpu.memory_space<vmem>>, vector<1x16xf32>,
        %get3A_945 = arith.index_cast %scan3A_94 : i32 to index
        %get3A_946 = arith.constant 1136 : index
        %get3A_947 = tpu.vector_load %arg7[%get3A_945, %get3A_946] {strides = array<i32>} : memref<8x2048xf32, #tpu.memory_space<vmem>>, vector<1x16xf32>,
        %get3A_948 = vector.shape_cast %get3A_947 : vector<1x16xf32> to vector<16xf32>
        %mul3A_949 = arith.constant 45.2548332 : f32
        %mul3A_950 = vector.broadcast %mul3A_949 : f32 to vector<16xf32>
        %mul3A_951 = arith.mulf %get3A_948, %mul3A_950 : vector<16xf32>
        %swap3A_952 = arith.index_cast %scan3A_94 : i32 to index
        %swap3A_953 = arith.constant 1136 : index
        %swap3A_954 = tpu.vector_load %arg9[%swap3A_952, %swap3A_953] {strides = array<i32>} : memref<8x2048xf32, #tpu.memory_space<vmem>>, vector<1x16xf32>,
        %swap3A_955 = vector.shape_cast %swap3A_954 : vector<1x16xf32> to vector<16xf32>
        %swap3A_956 = vector.shape_cast %mul3A_951 : vector<16xf32> to vector<1x16xf32>
        tpu.vector_store %arg9[%swap3A_952, %swap3A_953], %swap3A_956 {strides = array<i32>} : memref<8x2048xf32, #tpu.memory_space<vmem>>, vector<1x16xf32>,
        %get3A_957 = arith.index_cast %scan3A_94 : i32 to index
        %get3A_958 = arith.constant 1152 : index
        %get3A_959 = tpu.vector_load %arg7[%get3A_957, %get3A_958] {strides = array<i32>} : memref<8x2048xf32, #tpu.memory_space<vmem>>, vector<1x16xf32>,
        %get3A_960 = vector.shape_cast %get3A_959 : vector<1x16xf32> to vector<16xf32>
        %mul3A_961 = arith.constant 45.2548332 : f32
        %mul3A_962 = vector.broadcast %mul3A_961 : f32 to vector<16xf32>
        %mul3A_963 = arith.mulf %get3A_960, %mul3A_962 : vector<16xf32>
        %swap3A_964 = arith.index_cast %scan3A_94 : i32 to index
        %swap3A_965 = arith.constant 1152 : index
        %swap3A_966 = tpu.vector_load %arg9[%swap3A_964, %swap3A_965] {strides = array<i32>} : memref<8x2048xf32, #tpu.memory_space<vmem>>, vector<1x16xf32>,
        %swap3A_967 = vector.shape_cast %swap3A_966 : vector<1x16xf32> to vector<16xf32>
        %swap3A_968 = vector.shape_cast %mul3A_963 : vector<16xf32> to vector<1x16xf32>
        tpu.vector_store %arg9[%swap3A_964, %swap3A_965], %swap3A_968 {strides = array<i32>} : memref<8x2048xf32, #tpu.memory_space<vmem>>, vector<1x16xf32>,
        %get3A_969 = arith.index_cast %scan3A_94 : i32 to index
        %get3A_970 = arith.constant 1168 : index
        %get3A_971 = tpu.vector_load %arg7[%get3A_969, %get3A_970] {strides = array<i32>} : memref<8x2048xf32, #tpu.memory_space<vmem>>, vector<1x16xf32>,
        %get3A_972 = vector.shape_cast %get3A_971 : vector<1x16xf32> to vector<16xf32>
        %mul3A_973 = arith.constant 45.2548332 : f32
        %mul3A_974 = vector.broadcast %mul3A_973 : f32 to vector<16xf32>
        %mul3A_975 = arith.mulf %get3A_972, %mul3A_974 : vector<16xf32>
        %swap3A_976 = arith.index_cast %scan3A_94 : i32 to index
        %swap3A_977 = arith.constant 1168 : index
        %swap3A_978 = tpu.vector_load %arg9[%swap3A_976, %swap3A_977] {strides = array<i32>} : memref<8x2048xf32, #tpu.memory_space<vmem>>, vector<1x16xf32>,
        %swap3A_979 = vector.shape_cast %swap3A_978 : vector<1x16xf32> to vector<16xf32>
        %swap3A_980 = vector.shape_cast %mul3A_975 : vector<16xf32> to vector<1x16xf32>
        tpu.vector_store %arg9[%swap3A_976, %swap3A_977], %swap3A_980 {strides = array<i32>} : memref<8x2048xf32, #tpu.memory_space<vmem>>, vector<1x16xf32>,
        %get3A_981 = arith.index_cast %scan3A_94 : i32 to index
        %get3A_982 = arith.constant 1184 : index
        %get3A_983 = tpu.vector_load %arg7[%get3A_981, %get3A_982] {strides = array<i32>} : memref<8x2048xf32, #tpu.memory_space<vmem>>, vector<1x16xf32>,
        %get3A_984 = vector.shape_cast %get3A_983 : vector<1x16xf32> to vector<16xf32>
        %mul3A_985 = arith.constant 45.2548332 : f32
        %mul3A_986 = vector.broadcast %mul3A_985 : f32 to vector<16xf32>
        %mul3A_987 = arith.mulf %get3A_984, %mul3A_986 : vector<16xf32>
        %swap3A_988 = arith.index_cast %scan3A_94 : i32 to index
        %swap3A_989 = arith.constant 1184 : index
        %swap3A_990 = tpu.vector_load %arg9[%swap3A_988, %swap3A_989] {strides = array<i32>} : memref<8x2048xf32, #tpu.memory_space<vmem>>, vector<1x16xf32>,
        %swap3A_991 = vector.shape_cast %swap3A_990 : vector<1x16xf32> to vector<16xf32>
        %swap3A_992 = vector.shape_cast %mul3A_987 : vector<16xf32> to vector<1x16xf32>
        tpu.vector_store %arg9[%swap3A_988, %swap3A_989], %swap3A_992 {strides = array<i32>} : memref<8x2048xf32, #tpu.memory_space<vmem>>, vector<1x16xf32>,
        %get3A_993 = arith.index_cast %scan3A_94 : i32 to index
        %get3A_994 = arith.constant 1200 : index
        %get3A_995 = tpu.vector_load %arg7[%get3A_993, %get3A_994] {strides = array<i32>} : memref<8x2048xf32, #tpu.memory_space<vmem>>, vector<1x16xf32>,
        %get3A_996 = vector.shape_cast %get3A_995 : vector<1x16xf32> to vector<16xf32>
        %mul3A_997 = arith.constant 45.2548332 : f32
        %mul3A_998 = vector.broadcast %mul3A_997 : f32 to vector<16xf32>
        %mul3A_999 = arith.mulf %get3A_996, %mul3A_998 : vector<16xf32>
        %swap3A_1000 = arith.index_cast %scan3A_94 : i32 to index
        %swap3A_1001 = arith.constant 1200 : index
        %swap3A_1002 = tpu.vector_load %arg9[%swap3A_1000, %swap3A_1001] {strides = array<i32>} : memref<8x2048xf32, #tpu.memory_space<vmem>>, vector<1x16xf32>,
        %swap3A_1003 = vector.shape_cast %swap3A_1002 : vector<1x16xf32> to vector<16xf32>
        %swap3A_1004 = vector.shape_cast %mul3A_999 : vector<16xf32> to vector<1x16xf32>
        tpu.vector_store %arg9[%swap3A_1000, %swap3A_1001], %swap3A_1004 {strides = array<i32>} : memref<8x2048xf32, #tpu.memory_space<vmem>>, vector<1x16xf32>,
        %get3A_1005 = arith.index_cast %scan3A_94 : i32 to index
        %get3A_1006 = arith.constant 1216 : index
        %get3A_1007 = tpu.vector_load %arg7[%get3A_1005, %get3A_1006] {strides = array<i32>} : memref<8x2048xf32, #tpu.memory_space<vmem>>, vector<1x16xf32>,
        %get3A_1008 = vector.shape_cast %get3A_1007 : vector<1x16xf32> to vector<16xf32>
        %mul3A_1009 = arith.constant 45.2548332 : f32
        %mul3A_1010 = vector.broadcast %mul3A_1009 : f32 to vector<16xf32>
        %mul3A_1011 = arith.mulf %get3A_1008, %mul3A_1010 : vector<16xf32>
        %swap3A_1012 = arith.index_cast %scan3A_94 : i32 to index
        %swap3A_1013 = arith.constant 1216 : index
        %swap3A_1014 = tpu.vector_load %arg9[%swap3A_1012, %swap3A_1013] {strides = array<i32>} : memref<8x2048xf32, #tpu.memory_space<vmem>>, vector<1x16xf32>,
        %swap3A_1015 = vector.shape_cast %swap3A_1014 : vector<1x16xf32> to vector<16xf32>
        %swap3A_1016 = vector.shape_cast %mul3A_1011 : vector<16xf32> to vector<1x16xf32>
        tpu.vector_store %arg9[%swap3A_1012, %swap3A_1013], %swap3A_1016 {strides = array<i32>} : memref<8x2048xf32, #tpu.memory_space<vmem>>, vector<1x16xf32>,
        %get3A_1017 = arith.index_cast %scan3A_94 : i32 to index
        %get3A_1018 = arith.constant 1232 : index
        %get3A_1019 = tpu.vector_load %arg7[%get3A_1017, %get3A_1018] {strides = array<i32>} : memref<8x2048xf32, #tpu.memory_space<vmem>>, vector<1x16xf32>,
        %get3A_1020 = vector.shape_cast %get3A_1019 : vector<1x16xf32> to vector<16xf32>
        %mul3A_1021 = arith.constant 45.2548332 : f32
        %mul3A_1022 = vector.broadcast %mul3A_1021 : f32 to vector<16xf32>
        %mul3A_1023 = arith.mulf %get3A_1020, %mul3A_1022 : vector<16xf32>
        %swap3A_1024 = arith.index_cast %scan3A_94 : i32 to index
        %swap3A_1025 = arith.constant 1232 : index
        %swap3A_1026 = tpu.vector_load %arg9[%swap3A_1024, %swap3A_1025] {strides = array<i32>} : memref<8x2048xf32, #tpu.memory_space<vmem>>, vector<1x16xf32>,
        %swap3A_1027 = vector.shape_cast %swap3A_1026 : vector<1x16xf32> to vector<16xf32>
        %swap3A_1028 = vector.shape_cast %mul3A_1023 : vector<16xf32> to vector<1x16xf32>
        tpu.vector_store %arg9[%swap3A_1024, %swap3A_1025], %swap3A_1028 {strides = array<i32>} : memref<8x2048xf32, #tpu.memory_space<vmem>>, vector<1x16xf32>,
        %get3A_1029 = arith.index_cast %scan3A_94 : i32 to index
        %get3A_1030 = arith.constant 1248 : index
        %get3A_1031 = tpu.vector_load %arg7[%get3A_1029, %get3A_1030] {strides = array<i32>} : memref<8x2048xf32, #tpu.memory_space<vmem>>, vector<1x16xf32>,
        %get3A_1032 = vector.shape_cast %get3A_1031 : vector<1x16xf32> to vector<16xf32>
        %mul3A_1033 = arith.constant 45.2548332 : f32
        %mul3A_1034 = vector.broadcast %mul3A_1033 : f32 to vector<16xf32>
        %mul3A_1035 = arith.mulf %get3A_1032, %mul3A_1034 : vector<16xf32>
        %swap3A_1036 = arith.index_cast %scan3A_94 : i32 to index
        %swap3A_1037 = arith.constant 1248 : index
        %swap3A_1038 = tpu.vector_load %arg9[%swap3A_1036, %swap3A_1037] {strides = array<i32>} : memref<8x2048xf32, #tpu.memory_space<vmem>>, vector<1x16xf32>,
        %swap3A_1039 = vector.shape_cast %swap3A_1038 : vector<1x16xf32> to vector<16xf32>
        %swap3A_1040 = vector.shape_cast %mul3A_1035 : vector<16xf32> to vector<1x16xf32>
        tpu.vector_store %arg9[%swap3A_1036, %swap3A_1037], %swap3A_1040 {strides = array<i32>} : memref<8x2048xf32, #tpu.memory_space<vmem>>, vector<1x16xf32>,
        %get3A_1041 = arith.index_cast %scan3A_94 : i32 to index
        %get3A_1042 = arith.constant 1264 : index
        %get3A_1043 = tpu.vector_load %arg7[%get3A_1041, %get3A_1042] {strides = array<i32>} : memref<8x2048xf32, #tpu.memory_space<vmem>>, vector<1x16xf32>,
        %get3A_1044 = vector.shape_cast %get3A_1043 : vector<1x16xf32> to vector<16xf32>
        %mul3A_1045 = arith.constant 45.2548332 : f32
        %mul3A_1046 = vector.broadcast %mul3A_1045 : f32 to vector<16xf32>
        %mul3A_1047 = arith.mulf %get3A_1044, %mul3A_1046 : vector<16xf32>
        %swap3A_1048 = arith.index_cast %scan3A_94 : i32 to index
        %swap3A_1049 = arith.constant 1264 : index
        %swap3A_1050 = tpu.vector_load %arg9[%swap3A_1048, %swap3A_1049] {strides = array<i32>} : memref<8x2048xf32, #tpu.memory_space<vmem>>, vector<1x16xf32>,
        %swap3A_1051 = vector.shape_cast %swap3A_1050 : vector<1x16xf32> to vector<16xf32>
        %swap3A_1052 = vector.shape_cast %mul3A_1047 : vector<16xf32> to vector<1x16xf32>
        tpu.vector_store %arg9[%swap3A_1048, %swap3A_1049], %swap3A_1052 {strides = array<i32>} : memref<8x2048xf32, #tpu.memory_space<vmem>>, vector<1x16xf32>,
        %get3A_1053 = arith.index_cast %scan3A_94 : i32 to index
        %get3A_1054 = arith.constant 1280 : index
        %get3A_1055 = tpu.vector_load %arg7[%get3A_1053, %get3A_1054] {strides = array<i32>} : memref<8x2048xf32, #tpu.memory_space<vmem>>, vector<1x16xf32>,
        %get3A_1056 = vector.shape_cast %get3A_1055 : vector<1x16xf32> to vector<16xf32>
        %mul3A_1057 = arith.constant 45.2548332 : f32
        %mul3A_1058 = vector.broadcast %mul3A_1057 : f32 to vector<16xf32>
        %mul3A_1059 = arith.mulf %get3A_1056, %mul3A_1058 : vector<16xf32>
        %swap3A_1060 = arith.index_cast %scan3A_94 : i32 to index
        %swap3A_1061 = arith.constant 1280 : index
        %swap3A_1062 = tpu.vector_load %arg9[%swap3A_1060, %swap3A_1061] {strides = array<i32>} : memref<8x2048xf32, #tpu.memory_space<vmem>>, vector<1x16xf32>,
        %swap3A_1063 = vector.shape_cast %swap3A_1062 : vector<1x16xf32> to vector<16xf32>
        %swap3A_1064 = vector.shape_cast %mul3A_1059 : vector<16xf32> to vector<1x16xf32>
        tpu.vector_store %arg9[%swap3A_1060, %swap3A_1061], %swap3A_1064 {strides = array<i32>} : memref<8x2048xf32, #tpu.memory_space<vmem>>, vector<1x16xf32>,
        %get3A_1065 = arith.index_cast %scan3A_94 : i32 to index
        %get3A_1066 = arith.constant 1296 : index
        %get3A_1067 = tpu.vector_load %arg7[%get3A_1065, %get3A_1066] {strides = array<i32>} : memref<8x2048xf32, #tpu.memory_space<vmem>>, vector<1x16xf32>,
        %get3A_1068 = vector.shape_cast %get3A_1067 : vector<1x16xf32> to vector<16xf32>
        %mul3A_1069 = arith.constant 45.2548332 : f32
        %mul3A_1070 = vector.broadcast %mul3A_1069 : f32 to vector<16xf32>
        %mul3A_1071 = arith.mulf %get3A_1068, %mul3A_1070 : vector<16xf32>
        %swap3A_1072 = arith.index_cast %scan3A_94 : i32 to index
        %swap3A_1073 = arith.constant 1296 : index
        %swap3A_1074 = tpu.vector_load %arg9[%swap3A_1072, %swap3A_1073] {strides = array<i32>} : memref<8x2048xf32, #tpu.memory_space<vmem>>, vector<1x16xf32>,
        %swap3A_1075 = vector.shape_cast %swap3A_1074 : vector<1x16xf32> to vector<16xf32>
        %swap3A_1076 = vector.shape_cast %mul3A_1071 : vector<16xf32> to vector<1x16xf32>
        tpu.vector_store %arg9[%swap3A_1072, %swap3A_1073], %swap3A_1076 {strides = array<i32>} : memref<8x2048xf32, #tpu.memory_space<vmem>>, vector<1x16xf32>,
        %get3A_1077 = arith.index_cast %scan3A_94 : i32 to index
        %get3A_1078 = arith.constant 1312 : index
        %get3A_1079 = tpu.vector_load %arg7[%get3A_1077, %get3A_1078] {strides = array<i32>} : memref<8x2048xf32, #tpu.memory_space<vmem>>, vector<1x16xf32>,
        %get3A_1080 = vector.shape_cast %get3A_1079 : vector<1x16xf32> to vector<16xf32>
        %mul3A_1081 = arith.constant 45.2548332 : f32
        %mul3A_1082 = vector.broadcast %mul3A_1081 : f32 to vector<16xf32>
        %mul3A_1083 = arith.mulf %get3A_1080, %mul3A_1082 : vector<16xf32>
        %swap3A_1084 = arith.index_cast %scan3A_94 : i32 to index
        %swap3A_1085 = arith.constant 1312 : index
        %swap3A_1086 = tpu.vector_load %arg9[%swap3A_1084, %swap3A_1085] {strides = array<i32>} : memref<8x2048xf32, #tpu.memory_space<vmem>>, vector<1x16xf32>,
        %swap3A_1087 = vector.shape_cast %swap3A_1086 : vector<1x16xf32> to vector<16xf32>
        %swap3A_1088 = vector.shape_cast %mul3A_1083 : vector<16xf32> to vector<1x16xf32>
        tpu.vector_store %arg9[%swap3A_1084, %swap3A_1085], %swap3A_1088 {strides = array<i32>} : memref<8x2048xf32, #tpu.memory_space<vmem>>, vector<1x16xf32>,
        %get3A_1089 = arith.index_cast %scan3A_94 : i32 to index
        %get3A_1090 = arith.constant 1328 : index
        %get3A_1091 = tpu.vector_load %arg7[%get3A_1089, %get3A_1090] {strides = array<i32>} : memref<8x2048xf32, #tpu.memory_space<vmem>>, vector<1x16xf32>,
        %get3A_1092 = vector.shape_cast %get3A_1091 : vector<1x16xf32> to vector<16xf32>
        %mul3A_1093 = arith.constant 45.2548332 : f32
        %mul3A_1094 = vector.broadcast %mul3A_1093 : f32 to vector<16xf32>
        %mul3A_1095 = arith.mulf %get3A_1092, %mul3A_1094 : vector<16xf32>
        %swap3A_1096 = arith.index_cast %scan3A_94 : i32 to index
        %swap3A_1097 = arith.constant 1328 : index
        %swap3A_1098 = tpu.vector_load %arg9[%swap3A_1096, %swap3A_1097] {strides = array<i32>} : memref<8x2048xf32, #tpu.memory_space<vmem>>, vector<1x16xf32>,
        %swap3A_1099 = vector.shape_cast %swap3A_1098 : vector<1x16xf32> to vector<16xf32>
        %swap3A_1100 = vector.shape_cast %mul3A_1095 : vector<16xf32> to vector<1x16xf32>
        tpu.vector_store %arg9[%swap3A_1096, %swap3A_1097], %swap3A_1100 {strides = array<i32>} : memref<8x2048xf32, #tpu.memory_space<vmem>>, vector<1x16xf32>,
        %get3A_1101 = arith.index_cast %scan3A_94 : i32 to index
        %get3A_1102 = arith.constant 1344 : index
        %get3A_1103 = tpu.vector_load %arg7[%get3A_1101, %get3A_1102] {strides = array<i32>} : memref<8x2048xf32, #tpu.memory_space<vmem>>, vector<1x16xf32>,
        %get3A_1104 = vector.shape_cast %get3A_1103 : vector<1x16xf32> to vector<16xf32>
        %mul3A_1105 = arith.constant 45.2548332 : f32
        %mul3A_1106 = vector.broadcast %mul3A_1105 : f32 to vector<16xf32>
        %mul3A_1107 = arith.mulf %get3A_1104, %mul3A_1106 : vector<16xf32>
        %swap3A_1108 = arith.index_cast %scan3A_94 : i32 to index
        %swap3A_1109 = arith.constant 1344 : index
        %swap3A_1110 = tpu.vector_load %arg9[%swap3A_1108, %swap3A_1109] {strides = array<i32>} : memref<8x2048xf32, #tpu.memory_space<vmem>>, vector<1x16xf32>,
        %swap3A_1111 = vector.shape_cast %swap3A_1110 : vector<1x16xf32> to vector<16xf32>
        %swap3A_1112 = vector.shape_cast %mul3A_1107 : vector<16xf32> to vector<1x16xf32>
        tpu.vector_store %arg9[%swap3A_1108, %swap3A_1109], %swap3A_1112 {strides = array<i32>} : memref<8x2048xf32, #tpu.memory_space<vmem>>, vector<1x16xf32>,
        %get3A_1113 = arith.index_cast %scan3A_94 : i32 to index
        %get3A_1114 = arith.constant 1360 : index
        %get3A_1115 = tpu.vector_load %arg7[%get3A_1113, %get3A_1114] {strides = array<i32>} : memref<8x2048xf32, #tpu.memory_space<vmem>>, vector<1x16xf32>,
        %get3A_1116 = vector.shape_cast %get3A_1115 : vector<1x16xf32> to vector<16xf32>
        %mul3A_1117 = arith.constant 45.2548332 : f32
        %mul3A_1118 = vector.broadcast %mul3A_1117 : f32 to vector<16xf32>
        %mul3A_1119 = arith.mulf %get3A_1116, %mul3A_1118 : vector<16xf32>
        %swap3A_1120 = arith.index_cast %scan3A_94 : i32 to index
        %swap3A_1121 = arith.constant 1360 : index
        %swap3A_1122 = tpu.vector_load %arg9[%swap3A_1120, %swap3A_1121] {strides = array<i32>} : memref<8x2048xf32, #tpu.memory_space<vmem>>, vector<1x16xf32>,
        %swap3A_1123 = vector.shape_cast %swap3A_1122 : vector<1x16xf32> to vector<16xf32>
        %swap3A_1124 = vector.shape_cast %mul3A_1119 : vector<16xf32> to vector<1x16xf32>
        tpu.vector_store %arg9[%swap3A_1120, %swap3A_1121], %swap3A_1124 {strides = array<i32>} : memref<8x2048xf32, #tpu.memory_space<vmem>>, vector<1x16xf32>,
        %get3A_1125 = arith.index_cast %scan3A_94 : i32 to index
        %get3A_1126 = arith.constant 1376 : index
        %get3A_1127 = tpu.vector_load %arg7[%get3A_1125, %get3A_1126] {strides = array<i32>} : memref<8x2048xf32, #tpu.memory_space<vmem>>, vector<1x16xf32>,
        %get3A_1128 = vector.shape_cast %get3A_1127 : vector<1x16xf32> to vector<16xf32>
        %mul3A_1129 = arith.constant 45.2548332 : f32
        %mul3A_1130 = vector.broadcast %mul3A_1129 : f32 to vector<16xf32>
        %mul3A_1131 = arith.mulf %get3A_1128, %mul3A_1130 : vector<16xf32>
        %swap3A_1132 = arith.index_cast %scan3A_94 : i32 to index
        %swap3A_1133 = arith.constant 1376 : index
        %swap3A_1134 = tpu.vector_load %arg9[%swap3A_1132, %swap3A_1133] {strides = array<i32>} : memref<8x2048xf32, #tpu.memory_space<vmem>>, vector<1x16xf32>,
        %swap3A_1135 = vector.shape_cast %swap3A_1134 : vector<1x16xf32> to vector<16xf32>
        %swap3A_1136 = vector.shape_cast %mul3A_1131 : vector<16xf32> to vector<1x16xf32>
        tpu.vector_store %arg9[%swap3A_1132, %swap3A_1133], %swap3A_1136 {strides = array<i32>} : memref<8x2048xf32, #tpu.memory_space<vmem>>, vector<1x16xf32>,
        %get3A_1137 = arith.index_cast %scan3A_94 : i32 to index
        %get3A_1138 = arith.constant 1392 : index
        %get3A_1139 = tpu.vector_load %arg7[%get3A_1137, %get3A_1138] {strides = array<i32>} : memref<8x2048xf32, #tpu.memory_space<vmem>>, vector<1x16xf32>,
        %get3A_1140 = vector.shape_cast %get3A_1139 : vector<1x16xf32> to vector<16xf32>
        %mul3A_1141 = arith.constant 45.2548332 : f32
        %mul3A_1142 = vector.broadcast %mul3A_1141 : f32 to vector<16xf32>
        %mul3A_1143 = arith.mulf %get3A_1140, %mul3A_1142 : vector<16xf32>
        %swap3A_1144 = arith.index_cast %scan3A_94 : i32 to index
        %swap3A_1145 = arith.constant 1392 : index
        %swap3A_1146 = tpu.vector_load %arg9[%swap3A_1144, %swap3A_1145] {strides = array<i32>} : memref<8x2048xf32, #tpu.memory_space<vmem>>, vector<1x16xf32>,
        %swap3A_1147 = vector.shape_cast %swap3A_1146 : vector<1x16xf32> to vector<16xf32>
        %swap3A_1148 = vector.shape_cast %mul3A_1143 : vector<16xf32> to vector<1x16xf32>
        tpu.vector_store %arg9[%swap3A_1144, %swap3A_1145], %swap3A_1148 {strides = array<i32>} : memref<8x2048xf32, #tpu.memory_space<vmem>>, vector<1x16xf32>,
        %get3A_1149 = arith.index_cast %scan3A_94 : i32 to index
        %get3A_1150 = arith.constant 1408 : index
        %get3A_1151 = tpu.vector_load %arg7[%get3A_1149, %get3A_1150] {strides = array<i32>} : memref<8x2048xf32, #tpu.memory_space<vmem>>, vector<1x16xf32>,
        %get3A_1152 = vector.shape_cast %get3A_1151 : vector<1x16xf32> to vector<16xf32>
        %mul3A_1153 = arith.constant 45.2548332 : f32
        %mul3A_1154 = vector.broadcast %mul3A_1153 : f32 to vector<16xf32>
        %mul3A_1155 = arith.mulf %get3A_1152, %mul3A_1154 : vector<16xf32>
        %swap3A_1156 = arith.index_cast %scan3A_94 : i32 to index
        %swap3A_1157 = arith.constant 1408 : index
        %swap3A_1158 = tpu.vector_load %arg9[%swap3A_1156, %swap3A_1157] {strides = array<i32>} : memref<8x2048xf32, #tpu.memory_space<vmem>>, vector<1x16xf32>,
        %swap3A_1159 = vector.shape_cast %swap3A_1158 : vector<1x16xf32> to vector<16xf32>
        %swap3A_1160 = vector.shape_cast %mul3A_1155 : vector<16xf32> to vector<1x16xf32>
        tpu.vector_store %arg9[%swap3A_1156, %swap3A_1157], %swap3A_1160 {strides = array<i32>} : memref<8x2048xf32, #tpu.memory_space<vmem>>, vector<1x16xf32>,
        %get3A_1161 = arith.index_cast %scan3A_94 : i32 to index
        %get3A_1162 = arith.constant 1424 : index
        %get3A_1163 = tpu.vector_load %arg7[%get3A_1161, %get3A_1162] {strides = array<i32>} : memref<8x2048xf32, #tpu.memory_space<vmem>>, vector<1x16xf32>,
        %get3A_1164 = vector.shape_cast %get3A_1163 : vector<1x16xf32> to vector<16xf32>
        %mul3A_1165 = arith.constant 45.2548332 : f32
        %mul3A_1166 = vector.broadcast %mul3A_1165 : f32 to vector<16xf32>
        %mul3A_1167 = arith.mulf %get3A_1164, %mul3A_1166 : vector<16xf32>
        %swap3A_1168 = arith.index_cast %scan3A_94 : i32 to index
        %swap3A_1169 = arith.constant 1424 : index
        %swap3A_1170 = tpu.vector_load %arg9[%swap3A_1168, %swap3A_1169] {strides = array<i32>} : memref<8x2048xf32, #tpu.memory_space<vmem>>, vector<1x16xf32>,
        %swap3A_1171 = vector.shape_cast %swap3A_1170 : vector<1x16xf32> to vector<16xf32>
        %swap3A_1172 = vector.shape_cast %mul3A_1167 : vector<16xf32> to vector<1x16xf32>
        tpu.vector_store %arg9[%swap3A_1168, %swap3A_1169], %swap3A_1172 {strides = array<i32>} : memref<8x2048xf32, #tpu.memory_space<vmem>>, vector<1x16xf32>,
        %get3A_1173 = arith.index_cast %scan3A_94 : i32 to index
        %get3A_1174 = arith.constant 1440 : index
        %get3A_1175 = tpu.vector_load %arg7[%get3A_1173, %get3A_1174] {strides = array<i32>} : memref<8x2048xf32, #tpu.memory_space<vmem>>, vector<1x16xf32>,
        %get3A_1176 = vector.shape_cast %get3A_1175 : vector<1x16xf32> to vector<16xf32>
        %mul3A_1177 = arith.constant 45.2548332 : f32
        %mul3A_1178 = vector.broadcast %mul3A_1177 : f32 to vector<16xf32>
        %mul3A_1179 = arith.mulf %get3A_1176, %mul3A_1178 : vector<16xf32>
        %swap3A_1180 = arith.index_cast %scan3A_94 : i32 to index
        %swap3A_1181 = arith.constant 1440 : index
        %swap3A_1182 = tpu.vector_load %arg9[%swap3A_1180, %swap3A_1181] {strides = array<i32>} : memref<8x2048xf32, #tpu.memory_space<vmem>>, vector<1x16xf32>,
        %swap3A_1183 = vector.shape_cast %swap3A_1182 : vector<1x16xf32> to vector<16xf32>
        %swap3A_1184 = vector.shape_cast %mul3A_1179 : vector<16xf32> to vector<1x16xf32>
        tpu.vector_store %arg9[%swap3A_1180, %swap3A_1181], %swap3A_1184 {strides = array<i32>} : memref<8x2048xf32, #tpu.memory_space<vmem>>, vector<1x16xf32>,
        %get3A_1185 = arith.index_cast %scan3A_94 : i32 to index
        %get3A_1186 = arith.constant 1456 : index
        %get3A_1187 = tpu.vector_load %arg7[%get3A_1185, %get3A_1186] {strides = array<i32>} : memref<8x2048xf32, #tpu.memory_space<vmem>>, vector<1x16xf32>,
        %get3A_1188 = vector.shape_cast %get3A_1187 : vector<1x16xf32> to vector<16xf32>
        %mul3A_1189 = arith.constant 45.2548332 : f32
        %mul3A_1190 = vector.broadcast %mul3A_1189 : f32 to vector<16xf32>
        %mul3A_1191 = arith.mulf %get3A_1188, %mul3A_1190 : vector<16xf32>
        %swap3A_1192 = arith.index_cast %scan3A_94 : i32 to index
        %swap3A_1193 = arith.constant 1456 : index
        %swap3A_1194 = tpu.vector_load %arg9[%swap3A_1192, %swap3A_1193] {strides = array<i32>} : memref<8x2048xf32, #tpu.memory_space<vmem>>, vector<1x16xf32>,
        %swap3A_1195 = vector.shape_cast %swap3A_1194 : vector<1x16xf32> to vector<16xf32>
        %swap3A_1196 = vector.shape_cast %mul3A_1191 : vector<16xf32> to vector<1x16xf32>
        tpu.vector_store %arg9[%swap3A_1192, %swap3A_1193], %swap3A_1196 {strides = array<i32>} : memref<8x2048xf32, #tpu.memory_space<vmem>>, vector<1x16xf32>,
        %get3A_1197 = arith.index_cast %scan3A_94 : i32 to index
        %get3A_1198 = arith.constant 1472 : index
        %get3A_1199 = tpu.vector_load %arg7[%get3A_1197, %get3A_1198] {strides = array<i32>} : memref<8x2048xf32, #tpu.memory_space<vmem>>, vector<1x16xf32>,
        %get3A_1200 = vector.shape_cast %get3A_1199 : vector<1x16xf32> to vector<16xf32>
        %mul3A_1201 = arith.constant 45.2548332 : f32
        %mul3A_1202 = vector.broadcast %mul3A_1201 : f32 to vector<16xf32>
        %mul3A_1203 = arith.mulf %get3A_1200, %mul3A_1202 : vector<16xf32>
        %swap3A_1204 = arith.index_cast %scan3A_94 : i32 to index
        %swap3A_1205 = arith.constant 1472 : index
        %swap3A_1206 = tpu.vector_load %arg9[%swap3A_1204, %swap3A_1205] {strides = array<i32>} : memref<8x2048xf32, #tpu.memory_space<vmem>>, vector<1x16xf32>,
        %swap3A_1207 = vector.shape_cast %swap3A_1206 : vector<1x16xf32> to vector<16xf32>
        %swap3A_1208 = vector.shape_cast %mul3A_1203 : vector<16xf32> to vector<1x16xf32>
        tpu.vector_store %arg9[%swap3A_1204, %swap3A_1205], %swap3A_1208 {strides = array<i32>} : memref<8x2048xf32, #tpu.memory_space<vmem>>, vector<1x16xf32>,
        %get3A_1209 = arith.index_cast %scan3A_94 : i32 to index
        %get3A_1210 = arith.constant 1488 : index
        %get3A_1211 = tpu.vector_load %arg7[%get3A_1209, %get3A_1210] {strides = array<i32>} : memref<8x2048xf32, #tpu.memory_space<vmem>>, vector<1x16xf32>,
        %get3A_1212 = vector.shape_cast %get3A_1211 : vector<1x16xf32> to vector<16xf32>
        %mul3A_1213 = arith.constant 45.2548332 : f32
        %mul3A_1214 = vector.broadcast %mul3A_1213 : f32 to vector<16xf32>
        %mul3A_1215 = arith.mulf %get3A_1212, %mul3A_1214 : vector<16xf32>
        %swap3A_1216 = arith.index_cast %scan3A_94 : i32 to index
        %swap3A_1217 = arith.constant 1488 : index
        %swap3A_1218 = tpu.vector_load %arg9[%swap3A_1216, %swap3A_1217] {strides = array<i32>} : memref<8x2048xf32, #tpu.memory_space<vmem>>, vector<1x16xf32>,
        %swap3A_1219 = vector.shape_cast %swap3A_1218 : vector<1x16xf32> to vector<16xf32>
        %swap3A_1220 = vector.shape_cast %mul3A_1215 : vector<16xf32> to vector<1x16xf32>
        tpu.vector_store %arg9[%swap3A_1216, %swap3A_1217], %swap3A_1220 {strides = array<i32>} : memref<8x2048xf32, #tpu.memory_space<vmem>>, vector<1x16xf32>,
        %get3A_1221 = arith.index_cast %scan3A_94 : i32 to index
        %get3A_1222 = arith.constant 1504 : index
        %get3A_1223 = tpu.vector_load %arg7[%get3A_1221, %get3A_1222] {strides = array<i32>} : memref<8x2048xf32, #tpu.memory_space<vmem>>, vector<1x16xf32>,
        %get3A_1224 = vector.shape_cast %get3A_1223 : vector<1x16xf32> to vector<16xf32>
        %mul3A_1225 = arith.constant 45.2548332 : f32
        %mul3A_1226 = vector.broadcast %mul3A_1225 : f32 to vector<16xf32>
        %mul3A_1227 = arith.mulf %get3A_1224, %mul3A_1226 : vector<16xf32>
        %swap3A_1228 = arith.index_cast %scan3A_94 : i32 to index
        %swap3A_1229 = arith.constant 1504 : index
        %swap3A_1230 = tpu.vector_load %arg9[%swap3A_1228, %swap3A_1229] {strides = array<i32>} : memref<8x2048xf32, #tpu.memory_space<vmem>>, vector<1x16xf32>,
        %swap3A_1231 = vector.shape_cast %swap3A_1230 : vector<1x16xf32> to vector<16xf32>
        %swap3A_1232 = vector.shape_cast %mul3A_1227 : vector<16xf32> to vector<1x16xf32>
        tpu.vector_store %arg9[%swap3A_1228, %swap3A_1229], %swap3A_1232 {strides = array<i32>} : memref<8x2048xf32, #tpu.memory_space<vmem>>, vector<1x16xf32>,
        %get3A_1233 = arith.index_cast %scan3A_94 : i32 to index
        %get3A_1234 = arith.constant 1520 : index
        %get3A_1235 = tpu.vector_load %arg7[%get3A_1233, %get3A_1234] {strides = array<i32>} : memref<8x2048xf32, #tpu.memory_space<vmem>>, vector<1x16xf32>,
        %get3A_1236 = vector.shape_cast %get3A_1235 : vector<1x16xf32> to vector<16xf32>
        %mul3A_1237 = arith.constant 45.2548332 : f32
        %mul3A_1238 = vector.broadcast %mul3A_1237 : f32 to vector<16xf32>
        %mul3A_1239 = arith.mulf %get3A_1236, %mul3A_1238 : vector<16xf32>
        %swap3A_1240 = arith.index_cast %scan3A_94 : i32 to index
        %swap3A_1241 = arith.constant 1520 : index
        %swap3A_1242 = tpu.vector_load %arg9[%swap3A_1240, %swap3A_1241] {strides = array<i32>} : memref<8x2048xf32, #tpu.memory_space<vmem>>, vector<1x16xf32>,
        %swap3A_1243 = vector.shape_cast %swap3A_1242 : vector<1x16xf32> to vector<16xf32>
        %swap3A_1244 = vector.shape_cast %mul3A_1239 : vector<16xf32> to vector<1x16xf32>
        tpu.vector_store %arg9[%swap3A_1240, %swap3A_1241], %swap3A_1244 {strides = array<i32>} : memref<8x2048xf32, #tpu.memory_space<vmem>>, vector<1x16xf32>,
        %get3A_1245 = arith.index_cast %scan3A_94 : i32 to index
        %get3A_1246 = arith.constant 1536 : index
        %get3A_1247 = tpu.vector_load %arg7[%get3A_1245, %get3A_1246] {strides = array<i32>} : memref<8x2048xf32, #tpu.memory_space<vmem>>, vector<1x16xf32>,
        %get3A_1248 = vector.shape_cast %get3A_1247 : vector<1x16xf32> to vector<16xf32>
        %mul3A_1249 = arith.constant 45.2548332 : f32
        %mul3A_1250 = vector.broadcast %mul3A_1249 : f32 to vector<16xf32>
        %mul3A_1251 = arith.mulf %get3A_1248, %mul3A_1250 : vector<16xf32>
        %swap3A_1252 = arith.index_cast %scan3A_94 : i32 to index
        %swap3A_1253 = arith.constant 1536 : index
        %swap3A_1254 = tpu.vector_load %arg9[%swap3A_1252, %swap3A_1253] {strides = array<i32>} : memref<8x2048xf32, #tpu.memory_space<vmem>>, vector<1x16xf32>,
        %swap3A_1255 = vector.shape_cast %swap3A_1254 : vector<1x16xf32> to vector<16xf32>
        %swap3A_1256 = vector.shape_cast %mul3A_1251 : vector<16xf32> to vector<1x16xf32>
        tpu.vector_store %arg9[%swap3A_1252, %swap3A_1253], %swap3A_1256 {strides = array<i32>} : memref<8x2048xf32, #tpu.memory_space<vmem>>, vector<1x16xf32>,
        %get3A_1257 = arith.index_cast %scan3A_94 : i32 to index
        %get3A_1258 = arith.constant 1552 : index
        %get3A_1259 = tpu.vector_load %arg7[%get3A_1257, %get3A_1258] {strides = array<i32>} : memref<8x2048xf32, #tpu.memory_space<vmem>>, vector<1x16xf32>,
        %get3A_1260 = vector.shape_cast %get3A_1259 : vector<1x16xf32> to vector<16xf32>
        %mul3A_1261 = arith.constant 45.2548332 : f32
        %mul3A_1262 = vector.broadcast %mul3A_1261 : f32 to vector<16xf32>
        %mul3A_1263 = arith.mulf %get3A_1260, %mul3A_1262 : vector<16xf32>
        %swap3A_1264 = arith.index_cast %scan3A_94 : i32 to index
        %swap3A_1265 = arith.constant 1552 : index
        %swap3A_1266 = tpu.vector_load %arg9[%swap3A_1264, %swap3A_1265] {strides = array<i32>} : memref<8x2048xf32, #tpu.memory_space<vmem>>, vector<1x16xf32>,
        %swap3A_1267 = vector.shape_cast %swap3A_1266 : vector<1x16xf32> to vector<16xf32>
        %swap3A_1268 = vector.shape_cast %mul3A_1263 : vector<16xf32> to vector<1x16xf32>
        tpu.vector_store %arg9[%swap3A_1264, %swap3A_1265], %swap3A_1268 {strides = array<i32>} : memref<8x2048xf32, #tpu.memory_space<vmem>>, vector<1x16xf32>,
        %get3A_1269 = arith.index_cast %scan3A_94 : i32 to index
        %get3A_1270 = arith.constant 1568 : index
        %get3A_1271 = tpu.vector_load %arg7[%get3A_1269, %get3A_1270] {strides = array<i32>} : memref<8x2048xf32, #tpu.memory_space<vmem>>, vector<1x16xf32>,
        %get3A_1272 = vector.shape_cast %get3A_1271 : vector<1x16xf32> to vector<16xf32>
        %mul3A_1273 = arith.constant 45.2548332 : f32
        %mul3A_1274 = vector.broadcast %mul3A_1273 : f32 to vector<16xf32>
        %mul3A_1275 = arith.mulf %get3A_1272, %mul3A_1274 : vector<16xf32>
        %swap3A_1276 = arith.index_cast %scan3A_94 : i32 to index
        %swap3A_1277 = arith.constant 1568 : index
        %swap3A_1278 = tpu.vector_load %arg9[%swap3A_1276, %swap3A_1277] {strides = array<i32>} : memref<8x2048xf32, #tpu.memory_space<vmem>>, vector<1x16xf32>,
        %swap3A_1279 = vector.shape_cast %swap3A_1278 : vector<1x16xf32> to vector<16xf32>
        %swap3A_1280 = vector.shape_cast %mul3A_1275 : vector<16xf32> to vector<1x16xf32>
        tpu.vector_store %arg9[%swap3A_1276, %swap3A_1277], %swap3A_1280 {strides = array<i32>} : memref<8x2048xf32, #tpu.memory_space<vmem>>, vector<1x16xf32>,
        %get3A_1281 = arith.index_cast %scan3A_94 : i32 to index
        %get3A_1282 = arith.constant 1584 : index
        %get3A_1283 = tpu.vector_load %arg7[%get3A_1281, %get3A_1282] {strides = array<i32>} : memref<8x2048xf32, #tpu.memory_space<vmem>>, vector<1x16xf32>,
        %get3A_1284 = vector.shape_cast %get3A_1283 : vector<1x16xf32> to vector<16xf32>
        %mul3A_1285 = arith.constant 45.2548332 : f32
        %mul3A_1286 = vector.broadcast %mul3A_1285 : f32 to vector<16xf32>
        %mul3A_1287 = arith.mulf %get3A_1284, %mul3A_1286 : vector<16xf32>
        %swap3A_1288 = arith.index_cast %scan3A_94 : i32 to index
        %swap3A_1289 = arith.constant 1584 : index
        %swap3A_1290 = tpu.vector_load %arg9[%swap3A_1288, %swap3A_1289] {strides = array<i32>} : memref<8x2048xf32, #tpu.memory_space<vmem>>, vector<1x16xf32>,
        %swap3A_1291 = vector.shape_cast %swap3A_1290 : vector<1x16xf32> to vector<16xf32>
        %swap3A_1292 = vector.shape_cast %mul3A_1287 : vector<16xf32> to vector<1x16xf32>
        tpu.vector_store %arg9[%swap3A_1288, %swap3A_1289], %swap3A_1292 {strides = array<i32>} : memref<8x2048xf32, #tpu.memory_space<vmem>>, vector<1x16xf32>,
        %get3A_1293 = arith.index_cast %scan3A_94 : i32 to index
        %get3A_1294 = arith.constant 1600 : index
        %get3A_1295 = tpu.vector_load %arg7[%get3A_1293, %get3A_1294] {strides = array<i32>} : memref<8x2048xf32, #tpu.memory_space<vmem>>, vector<1x16xf32>,
        %get3A_1296 = vector.shape_cast %get3A_1295 : vector<1x16xf32> to vector<16xf32>
        %mul3A_1297 = arith.constant 45.2548332 : f32
        %mul3A_1298 = vector.broadcast %mul3A_1297 : f32 to vector<16xf32>
        %mul3A_1299 = arith.mulf %get3A_1296, %mul3A_1298 : vector<16xf32>
        %swap3A_1300 = arith.index_cast %scan3A_94 : i32 to index
        %swap3A_1301 = arith.constant 1600 : index
        %swap3A_1302 = tpu.vector_load %arg9[%swap3A_1300, %swap3A_1301] {strides = array<i32>} : memref<8x2048xf32, #tpu.memory_space<vmem>>, vector<1x16xf32>,
        %swap3A_1303 = vector.shape_cast %swap3A_1302 : vector<1x16xf32> to vector<16xf32>
        %swap3A_1304 = vector.shape_cast %mul3A_1299 : vector<16xf32> to vector<1x16xf32>
        tpu.vector_store %arg9[%swap3A_1300, %swap3A_1301], %swap3A_1304 {strides = array<i32>} : memref<8x2048xf32, #tpu.memory_space<vmem>>, vector<1x16xf32>,
        %get3A_1305 = arith.index_cast %scan3A_94 : i32 to index
        %get3A_1306 = arith.constant 1616 : index
        %get3A_1307 = tpu.vector_load %arg7[%get3A_1305, %get3A_1306] {strides = array<i32>} : memref<8x2048xf32, #tpu.memory_space<vmem>>, vector<1x16xf32>,
        %get3A_1308 = vector.shape_cast %get3A_1307 : vector<1x16xf32> to vector<16xf32>
        %mul3A_1309 = arith.constant 45.2548332 : f32
        %mul3A_1310 = vector.broadcast %mul3A_1309 : f32 to vector<16xf32>
        %mul3A_1311 = arith.mulf %get3A_1308, %mul3A_1310 : vector<16xf32>
        %swap3A_1312 = arith.index_cast %scan3A_94 : i32 to index
        %swap3A_1313 = arith.constant 1616 : index
        %swap3A_1314 = tpu.vector_load %arg9[%swap3A_1312, %swap3A_1313] {strides = array<i32>} : memref<8x2048xf32, #tpu.memory_space<vmem>>, vector<1x16xf32>,
        %swap3A_1315 = vector.shape_cast %swap3A_1314 : vector<1x16xf32> to vector<16xf32>
        %swap3A_1316 = vector.shape_cast %mul3A_1311 : vector<16xf32> to vector<1x16xf32>
        tpu.vector_store %arg9[%swap3A_1312, %swap3A_1313], %swap3A_1316 {strides = array<i32>} : memref<8x2048xf32, #tpu.memory_space<vmem>>, vector<1x16xf32>,
        %get3A_1317 = arith.index_cast %scan3A_94 : i32 to index
        %get3A_1318 = arith.constant 1632 : index
        %get3A_1319 = tpu.vector_load %arg7[%get3A_1317, %get3A_1318] {strides = array<i32>} : memref<8x2048xf32, #tpu.memory_space<vmem>>, vector<1x16xf32>,
        %get3A_1320 = vector.shape_cast %get3A_1319 : vector<1x16xf32> to vector<16xf32>
        %mul3A_1321 = arith.constant 45.2548332 : f32
        %mul3A_1322 = vector.broadcast %mul3A_1321 : f32 to vector<16xf32>
        %mul3A_1323 = arith.mulf %get3A_1320, %mul3A_1322 : vector<16xf32>
        %swap3A_1324 = arith.index_cast %scan3A_94 : i32 to index
        %swap3A_1325 = arith.constant 1632 : index
        %swap3A_1326 = tpu.vector_load %arg9[%swap3A_1324, %swap3A_1325] {strides = array<i32>} : memref<8x2048xf32, #tpu.memory_space<vmem>>, vector<1x16xf32>,
        %swap3A_1327 = vector.shape_cast %swap3A_1326 : vector<1x16xf32> to vector<16xf32>
        %swap3A_1328 = vector.shape_cast %mul3A_1323 : vector<16xf32> to vector<1x16xf32>
        tpu.vector_store %arg9[%swap3A_1324, %swap3A_1325], %swap3A_1328 {strides = array<i32>} : memref<8x2048xf32, #tpu.memory_space<vmem>>, vector<1x16xf32>,
        %get3A_1329 = arith.index_cast %scan3A_94 : i32 to index
        %get3A_1330 = arith.constant 1648 : index
        %get3A_1331 = tpu.vector_load %arg7[%get3A_1329, %get3A_1330] {strides = array<i32>} : memref<8x2048xf32, #tpu.memory_space<vmem>>, vector<1x16xf32>,
        %get3A_1332 = vector.shape_cast %get3A_1331 : vector<1x16xf32> to vector<16xf32>
        %mul3A_1333 = arith.constant 45.2548332 : f32
        %mul3A_1334 = vector.broadcast %mul3A_1333 : f32 to vector<16xf32>
        %mul3A_1335 = arith.mulf %get3A_1332, %mul3A_1334 : vector<16xf32>
        %swap3A_1336 = arith.index_cast %scan3A_94 : i32 to index
        %swap3A_1337 = arith.constant 1648 : index
        %swap3A_1338 = tpu.vector_load %arg9[%swap3A_1336, %swap3A_1337] {strides = array<i32>} : memref<8x2048xf32, #tpu.memory_space<vmem>>, vector<1x16xf32>,
        %swap3A_1339 = vector.shape_cast %swap3A_1338 : vector<1x16xf32> to vector<16xf32>
        %swap3A_1340 = vector.shape_cast %mul3A_1335 : vector<16xf32> to vector<1x16xf32>
        tpu.vector_store %arg9[%swap3A_1336, %swap3A_1337], %swap3A_1340 {strides = array<i32>} : memref<8x2048xf32, #tpu.memory_space<vmem>>, vector<1x16xf32>,
        %get3A_1341 = arith.index_cast %scan3A_94 : i32 to index
        %get3A_1342 = arith.constant 1664 : index
        %get3A_1343 = tpu.vector_load %arg7[%get3A_1341, %get3A_1342] {strides = array<i32>} : memref<8x2048xf32, #tpu.memory_space<vmem>>, vector<1x16xf32>,
        %get3A_1344 = vector.shape_cast %get3A_1343 : vector<1x16xf32> to vector<16xf32>
        %mul3A_1345 = arith.constant 45.2548332 : f32
        %mul3A_1346 = vector.broadcast %mul3A_1345 : f32 to vector<16xf32>
        %mul3A_1347 = arith.mulf %get3A_1344, %mul3A_1346 : vector<16xf32>
        %swap3A_1348 = arith.index_cast %scan3A_94 : i32 to index
        %swap3A_1349 = arith.constant 1664 : index
        %swap3A_1350 = tpu.vector_load %arg9[%swap3A_1348, %swap3A_1349] {strides = array<i32>} : memref<8x2048xf32, #tpu.memory_space<vmem>>, vector<1x16xf32>,
        %swap3A_1351 = vector.shape_cast %swap3A_1350 : vector<1x16xf32> to vector<16xf32>
        %swap3A_1352 = vector.shape_cast %mul3A_1347 : vector<16xf32> to vector<1x16xf32>
        tpu.vector_store %arg9[%swap3A_1348, %swap3A_1349], %swap3A_1352 {strides = array<i32>} : memref<8x2048xf32, #tpu.memory_space<vmem>>, vector<1x16xf32>,
        %get3A_1353 = arith.index_cast %scan3A_94 : i32 to index
        %get3A_1354 = arith.constant 1680 : index
        %get3A_1355 = tpu.vector_load %arg7[%get3A_1353, %get3A_1354] {strides = array<i32>} : memref<8x2048xf32, #tpu.memory_space<vmem>>, vector<1x16xf32>,
        %get3A_1356 = vector.shape_cast %get3A_1355 : vector<1x16xf32> to vector<16xf32>
        %mul3A_1357 = arith.constant 45.2548332 : f32
        %mul3A_1358 = vector.broadcast %mul3A_1357 : f32 to vector<16xf32>
        %mul3A_1359 = arith.mulf %get3A_1356, %mul3A_1358 : vector<16xf32>
        %swap3A_1360 = arith.index_cast %scan3A_94 : i32 to index
        %swap3A_1361 = arith.constant 1680 : index
        %swap3A_1362 = tpu.vector_load %arg9[%swap3A_1360, %swap3A_1361] {strides = array<i32>} : memref<8x2048xf32, #tpu.memory_space<vmem>>, vector<1x16xf32>,
        %swap3A_1363 = vector.shape_cast %swap3A_1362 : vector<1x16xf32> to vector<16xf32>
        %swap3A_1364 = vector.shape_cast %mul3A_1359 : vector<16xf32> to vector<1x16xf32>
        tpu.vector_store %arg9[%swap3A_1360, %swap3A_1361], %swap3A_1364 {strides = array<i32>} : memref<8x2048xf32, #tpu.memory_space<vmem>>, vector<1x16xf32>,
        %get3A_1365 = arith.index_cast %scan3A_94 : i32 to index
        %get3A_1366 = arith.constant 1696 : index
        %get3A_1367 = tpu.vector_load %arg7[%get3A_1365, %get3A_1366] {strides = array<i32>} : memref<8x2048xf32, #tpu.memory_space<vmem>>, vector<1x16xf32>,
        %get3A_1368 = vector.shape_cast %get3A_1367 : vector<1x16xf32> to vector<16xf32>
        %mul3A_1369 = arith.constant 45.2548332 : f32
        %mul3A_1370 = vector.broadcast %mul3A_1369 : f32 to vector<16xf32>
        %mul3A_1371 = arith.mulf %get3A_1368, %mul3A_1370 : vector<16xf32>
        %swap3A_1372 = arith.index_cast %scan3A_94 : i32 to index
        %swap3A_1373 = arith.constant 1696 : index
        %swap3A_1374 = tpu.vector_load %arg9[%swap3A_1372, %swap3A_1373] {strides = array<i32>} : memref<8x2048xf32, #tpu.memory_space<vmem>>, vector<1x16xf32>,
        %swap3A_1375 = vector.shape_cast %swap3A_1374 : vector<1x16xf32> to vector<16xf32>
        %swap3A_1376 = vector.shape_cast %mul3A_1371 : vector<16xf32> to vector<1x16xf32>
        tpu.vector_store %arg9[%swap3A_1372, %swap3A_1373], %swap3A_1376 {strides = array<i32>} : memref<8x2048xf32, #tpu.memory_space<vmem>>, vector<1x16xf32>,
        %get3A_1377 = arith.index_cast %scan3A_94 : i32 to index
        %get3A_1378 = arith.constant 1712 : index
        %get3A_1379 = tpu.vector_load %arg7[%get3A_1377, %get3A_1378] {strides = array<i32>} : memref<8x2048xf32, #tpu.memory_space<vmem>>, vector<1x16xf32>,
        %get3A_1380 = vector.shape_cast %get3A_1379 : vector<1x16xf32> to vector<16xf32>
        %mul3A_1381 = arith.constant 45.2548332 : f32
        %mul3A_1382 = vector.broadcast %mul3A_1381 : f32 to vector<16xf32>
        %mul3A_1383 = arith.mulf %get3A_1380, %mul3A_1382 : vector<16xf32>
        %swap3A_1384 = arith.index_cast %scan3A_94 : i32 to index
        %swap3A_1385 = arith.constant 1712 : index
        %swap3A_1386 = tpu.vector_load %arg9[%swap3A_1384, %swap3A_1385] {strides = array<i32>} : memref<8x2048xf32, #tpu.memory_space<vmem>>, vector<1x16xf32>,
        %swap3A_1387 = vector.shape_cast %swap3A_1386 : vector<1x16xf32> to vector<16xf32>
        %swap3A_1388 = vector.shape_cast %mul3A_1383 : vector<16xf32> to vector<1x16xf32>
        tpu.vector_store %arg9[%swap3A_1384, %swap3A_1385], %swap3A_1388 {strides = array<i32>} : memref<8x2048xf32, #tpu.memory_space<vmem>>, vector<1x16xf32>,
        %get3A_1389 = arith.index_cast %scan3A_94 : i32 to index
        %get3A_1390 = arith.constant 1728 : index
        %get3A_1391 = tpu.vector_load %arg7[%get3A_1389, %get3A_1390] {strides = array<i32>} : memref<8x2048xf32, #tpu.memory_space<vmem>>, vector<1x16xf32>,
        %get3A_1392 = vector.shape_cast %get3A_1391 : vector<1x16xf32> to vector<16xf32>
        %mul3A_1393 = arith.constant 45.2548332 : f32
        %mul3A_1394 = vector.broadcast %mul3A_1393 : f32 to vector<16xf32>
        %mul3A_1395 = arith.mulf %get3A_1392, %mul3A_1394 : vector<16xf32>
        %swap3A_1396 = arith.index_cast %scan3A_94 : i32 to index
        %swap3A_1397 = arith.constant 1728 : index
        %swap3A_1398 = tpu.vector_load %arg9[%swap3A_1396, %swap3A_1397] {strides = array<i32>} : memref<8x2048xf32, #tpu.memory_space<vmem>>, vector<1x16xf32>,
        %swap3A_1399 = vector.shape_cast %swap3A_1398 : vector<1x16xf32> to vector<16xf32>
        %swap3A_1400 = vector.shape_cast %mul3A_1395 : vector<16xf32> to vector<1x16xf32>
        tpu.vector_store %arg9[%swap3A_1396, %swap3A_1397], %swap3A_1400 {strides = array<i32>} : memref<8x2048xf32, #tpu.memory_space<vmem>>, vector<1x16xf32>,
        %get3A_1401 = arith.index_cast %scan3A_94 : i32 to index
        %get3A_1402 = arith.constant 1744 : index
        %get3A_1403 = tpu.vector_load %arg7[%get3A_1401, %get3A_1402] {strides = array<i32>} : memref<8x2048xf32, #tpu.memory_space<vmem>>, vector<1x16xf32>,
        %get3A_1404 = vector.shape_cast %get3A_1403 : vector<1x16xf32> to vector<16xf32>
        %mul3A_1405 = arith.constant 45.2548332 : f32
        %mul3A_1406 = vector.broadcast %mul3A_1405 : f32 to vector<16xf32>
        %mul3A_1407 = arith.mulf %get3A_1404, %mul3A_1406 : vector<16xf32>
        %swap3A_1408 = arith.index_cast %scan3A_94 : i32 to index
        %swap3A_1409 = arith.constant 1744 : index
        %swap3A_1410 = tpu.vector_load %arg9[%swap3A_1408, %swap3A_1409] {strides = array<i32>} : memref<8x2048xf32, #tpu.memory_space<vmem>>, vector<1x16xf32>,
        %swap3A_1411 = vector.shape_cast %swap3A_1410 : vector<1x16xf32> to vector<16xf32>
        %swap3A_1412 = vector.shape_cast %mul3A_1407 : vector<16xf32> to vector<1x16xf32>
        tpu.vector_store %arg9[%swap3A_1408, %swap3A_1409], %swap3A_1412 {strides = array<i32>} : memref<8x2048xf32, #tpu.memory_space<vmem>>, vector<1x16xf32>,
        %get3A_1413 = arith.index_cast %scan3A_94 : i32 to index
        %get3A_1414 = arith.constant 1760 : index
        %get3A_1415 = tpu.vector_load %arg7[%get3A_1413, %get3A_1414] {strides = array<i32>} : memref<8x2048xf32, #tpu.memory_space<vmem>>, vector<1x16xf32>,
        %get3A_1416 = vector.shape_cast %get3A_1415 : vector<1x16xf32> to vector<16xf32>
        %mul3A_1417 = arith.constant 45.2548332 : f32
        %mul3A_1418 = vector.broadcast %mul3A_1417 : f32 to vector<16xf32>
        %mul3A_1419 = arith.mulf %get3A_1416, %mul3A_1418 : vector<16xf32>
        %swap3A_1420 = arith.index_cast %scan3A_94 : i32 to index
        %swap3A_1421 = arith.constant 1760 : index
        %swap3A_1422 = tpu.vector_load %arg9[%swap3A_1420, %swap3A_1421] {strides = array<i32>} : memref<8x2048xf32, #tpu.memory_space<vmem>>, vector<1x16xf32>,
        %swap3A_1423 = vector.shape_cast %swap3A_1422 : vector<1x16xf32> to vector<16xf32>
        %swap3A_1424 = vector.shape_cast %mul3A_1419 : vector<16xf32> to vector<1x16xf32>
        tpu.vector_store %arg9[%swap3A_1420, %swap3A_1421], %swap3A_1424 {strides = array<i32>} : memref<8x2048xf32, #tpu.memory_space<vmem>>, vector<1x16xf32>,
        %get3A_1425 = arith.index_cast %scan3A_94 : i32 to index
        %get3A_1426 = arith.constant 1776 : index
        %get3A_1427 = tpu.vector_load %arg7[%get3A_1425, %get3A_1426] {strides = array<i32>} : memref<8x2048xf32, #tpu.memory_space<vmem>>, vector<1x16xf32>,
        %get3A_1428 = vector.shape_cast %get3A_1427 : vector<1x16xf32> to vector<16xf32>
        %mul3A_1429 = arith.constant 45.2548332 : f32
        %mul3A_1430 = vector.broadcast %mul3A_1429 : f32 to vector<16xf32>
        %mul3A_1431 = arith.mulf %get3A_1428, %mul3A_1430 : vector<16xf32>
        %swap3A_1432 = arith.index_cast %scan3A_94 : i32 to index
        %swap3A_1433 = arith.constant 1776 : index
        %swap3A_1434 = tpu.vector_load %arg9[%swap3A_1432, %swap3A_1433] {strides = array<i32>} : memref<8x2048xf32, #tpu.memory_space<vmem>>, vector<1x16xf32>,
        %swap3A_1435 = vector.shape_cast %swap3A_1434 : vector<1x16xf32> to vector<16xf32>
        %swap3A_1436 = vector.shape_cast %mul3A_1431 : vector<16xf32> to vector<1x16xf32>
        tpu.vector_store %arg9[%swap3A_1432, %swap3A_1433], %swap3A_1436 {strides = array<i32>} : memref<8x2048xf32, #tpu.memory_space<vmem>>, vector<1x16xf32>,
        %get3A_1437 = arith.index_cast %scan3A_94 : i32 to index
        %get3A_1438 = arith.constant 1792 : index
        %get3A_1439 = tpu.vector_load %arg7[%get3A_1437, %get3A_1438] {strides = array<i32>} : memref<8x2048xf32, #tpu.memory_space<vmem>>, vector<1x16xf32>,
        %get3A_1440 = vector.shape_cast %get3A_1439 : vector<1x16xf32> to vector<16xf32>
        %mul3A_1441 = arith.constant 45.2548332 : f32
        %mul3A_1442 = vector.broadcast %mul3A_1441 : f32 to vector<16xf32>
        %mul3A_1443 = arith.mulf %get3A_1440, %mul3A_1442 : vector<16xf32>
        %swap3A_1444 = arith.index_cast %scan3A_94 : i32 to index
        %swap3A_1445 = arith.constant 1792 : index
        %swap3A_1446 = tpu.vector_load %arg9[%swap3A_1444, %swap3A_1445] {strides = array<i32>} : memref<8x2048xf32, #tpu.memory_space<vmem>>, vector<1x16xf32>,
        %swap3A_1447 = vector.shape_cast %swap3A_1446 : vector<1x16xf32> to vector<16xf32>
        %swap3A_1448 = vector.shape_cast %mul3A_1443 : vector<16xf32> to vector<1x16xf32>
        tpu.vector_store %arg9[%swap3A_1444, %swap3A_1445], %swap3A_1448 {strides = array<i32>} : memref<8x2048xf32, #tpu.memory_space<vmem>>, vector<1x16xf32>,
        %get3A_1449 = arith.index_cast %scan3A_94 : i32 to index
        %get3A_1450 = arith.constant 1808 : index
        %get3A_1451 = tpu.vector_load %arg7[%get3A_1449, %get3A_1450] {strides = array<i32>} : memref<8x2048xf32, #tpu.memory_space<vmem>>, vector<1x16xf32>,
        %get3A_1452 = vector.shape_cast %get3A_1451 : vector<1x16xf32> to vector<16xf32>
        %mul3A_1453 = arith.constant 45.2548332 : f32
        %mul3A_1454 = vector.broadcast %mul3A_1453 : f32 to vector<16xf32>
        %mul3A_1455 = arith.mulf %get3A_1452, %mul3A_1454 : vector<16xf32>
        %swap3A_1456 = arith.index_cast %scan3A_94 : i32 to index
        %swap3A_1457 = arith.constant 1808 : index
        %swap3A_1458 = tpu.vector_load %arg9[%swap3A_1456, %swap3A_1457] {strides = array<i32>} : memref<8x2048xf32, #tpu.memory_space<vmem>>, vector<1x16xf32>,
        %swap3A_1459 = vector.shape_cast %swap3A_1458 : vector<1x16xf32> to vector<16xf32>
        %swap3A_1460 = vector.shape_cast %mul3A_1455 : vector<16xf32> to vector<1x16xf32>
        tpu.vector_store %arg9[%swap3A_1456, %swap3A_1457], %swap3A_1460 {strides = array<i32>} : memref<8x2048xf32, #tpu.memory_space<vmem>>, vector<1x16xf32>,
        %get3A_1461 = arith.index_cast %scan3A_94 : i32 to index
        %get3A_1462 = arith.constant 1824 : index
        %get3A_1463 = tpu.vector_load %arg7[%get3A_1461, %get3A_1462] {strides = array<i32>} : memref<8x2048xf32, #tpu.memory_space<vmem>>, vector<1x16xf32>,
        %get3A_1464 = vector.shape_cast %get3A_1463 : vector<1x16xf32> to vector<16xf32>
        %mul3A_1465 = arith.constant 45.2548332 : f32
        %mul3A_1466 = vector.broadcast %mul3A_1465 : f32 to vector<16xf32>
        %mul3A_1467 = arith.mulf %get3A_1464, %mul3A_1466 : vector<16xf32>
        %swap3A_1468 = arith.index_cast %scan3A_94 : i32 to index
        %swap3A_1469 = arith.constant 1824 : index
        %swap3A_1470 = tpu.vector_load %arg9[%swap3A_1468, %swap3A_1469] {strides = array<i32>} : memref<8x2048xf32, #tpu.memory_space<vmem>>, vector<1x16xf32>,
        %swap3A_1471 = vector.shape_cast %swap3A_1470 : vector<1x16xf32> to vector<16xf32>
        %swap3A_1472 = vector.shape_cast %mul3A_1467 : vector<16xf32> to vector<1x16xf32>
        tpu.vector_store %arg9[%swap3A_1468, %swap3A_1469], %swap3A_1472 {strides = array<i32>} : memref<8x2048xf32, #tpu.memory_space<vmem>>, vector<1x16xf32>,
        %get3A_1473 = arith.index_cast %scan3A_94 : i32 to index
        %get3A_1474 = arith.constant 1840 : index
        %get3A_1475 = tpu.vector_load %arg7[%get3A_1473, %get3A_1474] {strides = array<i32>} : memref<8x2048xf32, #tpu.memory_space<vmem>>, vector<1x16xf32>,
        %get3A_1476 = vector.shape_cast %get3A_1475 : vector<1x16xf32> to vector<16xf32>
        %mul3A_1477 = arith.constant 45.2548332 : f32
        %mul3A_1478 = vector.broadcast %mul3A_1477 : f32 to vector<16xf32>
        %mul3A_1479 = arith.mulf %get3A_1476, %mul3A_1478 : vector<16xf32>
        %swap3A_1480 = arith.index_cast %scan3A_94 : i32 to index
        %swap3A_1481 = arith.constant 1840 : index
        %swap3A_1482 = tpu.vector_load %arg9[%swap3A_1480, %swap3A_1481] {strides = array<i32>} : memref<8x2048xf32, #tpu.memory_space<vmem>>, vector<1x16xf32>,
        %swap3A_1483 = vector.shape_cast %swap3A_1482 : vector<1x16xf32> to vector<16xf32>
        %swap3A_1484 = vector.shape_cast %mul3A_1479 : vector<16xf32> to vector<1x16xf32>
        tpu.vector_store %arg9[%swap3A_1480, %swap3A_1481], %swap3A_1484 {strides = array<i32>} : memref<8x2048xf32, #tpu.memory_space<vmem>>, vector<1x16xf32>,
        %get3A_1485 = arith.index_cast %scan3A_94 : i32 to index
        %get3A_1486 = arith.constant 1856 : index
        %get3A_1487 = tpu.vector_load %arg7[%get3A_1485, %get3A_1486] {strides = array<i32>} : memref<8x2048xf32, #tpu.memory_space<vmem>>, vector<1x16xf32>,
        %get3A_1488 = vector.shape_cast %get3A_1487 : vector<1x16xf32> to vector<16xf32>
        %mul3A_1489 = arith.constant 45.2548332 : f32
        %mul3A_1490 = vector.broadcast %mul3A_1489 : f32 to vector<16xf32>
        %mul3A_1491 = arith.mulf %get3A_1488, %mul3A_1490 : vector<16xf32>
        %swap3A_1492 = arith.index_cast %scan3A_94 : i32 to index
        %swap3A_1493 = arith.constant 1856 : index
        %swap3A_1494 = tpu.vector_load %arg9[%swap3A_1492, %swap3A_1493] {strides = array<i32>} : memref<8x2048xf32, #tpu.memory_space<vmem>>, vector<1x16xf32>,
        %swap3A_1495 = vector.shape_cast %swap3A_1494 : vector<1x16xf32> to vector<16xf32>
        %swap3A_1496 = vector.shape_cast %mul3A_1491 : vector<16xf32> to vector<1x16xf32>
        tpu.vector_store %arg9[%swap3A_1492, %swap3A_1493], %swap3A_1496 {strides = array<i32>} : memref<8x2048xf32, #tpu.memory_space<vmem>>, vector<1x16xf32>,
        %get3A_1497 = arith.index_cast %scan3A_94 : i32 to index
        %get3A_1498 = arith.constant 1872 : index
        %get3A_1499 = tpu.vector_load %arg7[%get3A_1497, %get3A_1498] {strides = array<i32>} : memref<8x2048xf32, #tpu.memory_space<vmem>>, vector<1x16xf32>,
        %get3A_1500 = vector.shape_cast %get3A_1499 : vector<1x16xf32> to vector<16xf32>
        %mul3A_1501 = arith.constant 45.2548332 : f32
        %mul3A_1502 = vector.broadcast %mul3A_1501 : f32 to vector<16xf32>
        %mul3A_1503 = arith.mulf %get3A_1500, %mul3A_1502 : vector<16xf32>
        %swap3A_1504 = arith.index_cast %scan3A_94 : i32 to index
        %swap3A_1505 = arith.constant 1872 : index
        %swap3A_1506 = tpu.vector_load %arg9[%swap3A_1504, %swap3A_1505] {strides = array<i32>} : memref<8x2048xf32, #tpu.memory_space<vmem>>, vector<1x16xf32>,
        %swap3A_1507 = vector.shape_cast %swap3A_1506 : vector<1x16xf32> to vector<16xf32>
        %swap3A_1508 = vector.shape_cast %mul3A_1503 : vector<16xf32> to vector<1x16xf32>
        tpu.vector_store %arg9[%swap3A_1504, %swap3A_1505], %swap3A_1508 {strides = array<i32>} : memref<8x2048xf32, #tpu.memory_space<vmem>>, vector<1x16xf32>,
        %get3A_1509 = arith.index_cast %scan3A_94 : i32 to index
        %get3A_1510 = arith.constant 1888 : index
        %get3A_1511 = tpu.vector_load %arg7[%get3A_1509, %get3A_1510] {strides = array<i32>} : memref<8x2048xf32, #tpu.memory_space<vmem>>, vector<1x16xf32>,
        %get3A_1512 = vector.shape_cast %get3A_1511 : vector<1x16xf32> to vector<16xf32>
        %mul3A_1513 = arith.constant 45.2548332 : f32
        %mul3A_1514 = vector.broadcast %mul3A_1513 : f32 to vector<16xf32>
        %mul3A_1515 = arith.mulf %get3A_1512, %mul3A_1514 : vector<16xf32>
        %swap3A_1516 = arith.index_cast %scan3A_94 : i32 to index
        %swap3A_1517 = arith.constant 1888 : index
        %swap3A_1518 = tpu.vector_load %arg9[%swap3A_1516, %swap3A_1517] {strides = array<i32>} : memref<8x2048xf32, #tpu.memory_space<vmem>>, vector<1x16xf32>,
        %swap3A_1519 = vector.shape_cast %swap3A_1518 : vector<1x16xf32> to vector<16xf32>
        %swap3A_1520 = vector.shape_cast %mul3A_1515 : vector<16xf32> to vector<1x16xf32>
        tpu.vector_store %arg9[%swap3A_1516, %swap3A_1517], %swap3A_1520 {strides = array<i32>} : memref<8x2048xf32, #tpu.memory_space<vmem>>, vector<1x16xf32>,
        %get3A_1521 = arith.index_cast %scan3A_94 : i32 to index
        %get3A_1522 = arith.constant 1904 : index
        %get3A_1523 = tpu.vector_load %arg7[%get3A_1521, %get3A_1522] {strides = array<i32>} : memref<8x2048xf32, #tpu.memory_space<vmem>>, vector<1x16xf32>,
        %get3A_1524 = vector.shape_cast %get3A_1523 : vector<1x16xf32> to vector<16xf32>
        %mul3A_1525 = arith.constant 45.2548332 : f32
        %mul3A_1526 = vector.broadcast %mul3A_1525 : f32 to vector<16xf32>
        %mul3A_1527 = arith.mulf %get3A_1524, %mul3A_1526 : vector<16xf32>
        %swap3A_1528 = arith.index_cast %scan3A_94 : i32 to index
        %swap3A_1529 = arith.constant 1904 : index
        %swap3A_1530 = tpu.vector_load %arg9[%swap3A_1528, %swap3A_1529] {strides = array<i32>} : memref<8x2048xf32, #tpu.memory_space<vmem>>, vector<1x16xf32>,
        %swap3A_1531 = vector.shape_cast %swap3A_1530 : vector<1x16xf32> to vector<16xf32>
        %swap3A_1532 = vector.shape_cast %mul3A_1527 : vector<16xf32> to vector<1x16xf32>
        tpu.vector_store %arg9[%swap3A_1528, %swap3A_1529], %swap3A_1532 {strides = array<i32>} : memref<8x2048xf32, #tpu.memory_space<vmem>>, vector<1x16xf32>,
        %get3A_1533 = arith.index_cast %scan3A_94 : i32 to index
        %get3A_1534 = arith.constant 1920 : index
        %get3A_1535 = tpu.vector_load %arg7[%get3A_1533, %get3A_1534] {strides = array<i32>} : memref<8x2048xf32, #tpu.memory_space<vmem>>, vector<1x16xf32>,
        %get3A_1536 = vector.shape_cast %get3A_1535 : vector<1x16xf32> to vector<16xf32>
        %mul3A_1537 = arith.constant 45.2548332 : f32
        %mul3A_1538 = vector.broadcast %mul3A_1537 : f32 to vector<16xf32>
        %mul3A_1539 = arith.mulf %get3A_1536, %mul3A_1538 : vector<16xf32>
        %swap3A_1540 = arith.index_cast %scan3A_94 : i32 to index
        %swap3A_1541 = arith.constant 1920 : index
        %swap3A_1542 = tpu.vector_load %arg9[%swap3A_1540, %swap3A_1541] {strides = array<i32>} : memref<8x2048xf32, #tpu.memory_space<vmem>>, vector<1x16xf32>,
        %swap3A_1543 = vector.shape_cast %swap3A_1542 : vector<1x16xf32> to vector<16xf32>
        %swap3A_1544 = vector.shape_cast %mul3A_1539 : vector<16xf32> to vector<1x16xf32>
        tpu.vector_store %arg9[%swap3A_1540, %swap3A_1541], %swap3A_1544 {strides = array<i32>} : memref<8x2048xf32, #tpu.memory_space<vmem>>, vector<1x16xf32>,
        %get3A_1545 = arith.index_cast %scan3A_94 : i32 to index
        %get3A_1546 = arith.constant 1936 : index
        %get3A_1547 = tpu.vector_load %arg7[%get3A_1545, %get3A_1546] {strides = array<i32>} : memref<8x2048xf32, #tpu.memory_space<vmem>>, vector<1x16xf32>,
        %get3A_1548 = vector.shape_cast %get3A_1547 : vector<1x16xf32> to vector<16xf32>
        %mul3A_1549 = arith.constant 45.2548332 : f32
        %mul3A_1550 = vector.broadcast %mul3A_1549 : f32 to vector<16xf32>
        %mul3A_1551 = arith.mulf %get3A_1548, %mul3A_1550 : vector<16xf32>
        %swap3A_1552 = arith.index_cast %scan3A_94 : i32 to index
        %swap3A_1553 = arith.constant 1936 : index
        %swap3A_1554 = tpu.vector_load %arg9[%swap3A_1552, %swap3A_1553] {strides = array<i32>} : memref<8x2048xf32, #tpu.memory_space<vmem>>, vector<1x16xf32>,
        %swap3A_1555 = vector.shape_cast %swap3A_1554 : vector<1x16xf32> to vector<16xf32>
        %swap3A_1556 = vector.shape_cast %mul3A_1551 : vector<16xf32> to vector<1x16xf32>
        tpu.vector_store %arg9[%swap3A_1552, %swap3A_1553], %swap3A_1556 {strides = array<i32>} : memref<8x2048xf32, #tpu.memory_space<vmem>>, vector<1x16xf32>,
        %get3A_1557 = arith.index_cast %scan3A_94 : i32 to index
        %get3A_1558 = arith.constant 1952 : index
        %get3A_1559 = tpu.vector_load %arg7[%get3A_1557, %get3A_1558] {strides = array<i32>} : memref<8x2048xf32, #tpu.memory_space<vmem>>, vector<1x16xf32>,
        %get3A_1560 = vector.shape_cast %get3A_1559 : vector<1x16xf32> to vector<16xf32>
        %mul3A_1561 = arith.constant 45.2548332 : f32
        %mul3A_1562 = vector.broadcast %mul3A_1561 : f32 to vector<16xf32>
        %mul3A_1563 = arith.mulf %get3A_1560, %mul3A_1562 : vector<16xf32>
        %swap3A_1564 = arith.index_cast %scan3A_94 : i32 to index
        %swap3A_1565 = arith.constant 1952 : index
        %swap3A_1566 = tpu.vector_load %arg9[%swap3A_1564, %swap3A_1565] {strides = array<i32>} : memref<8x2048xf32, #tpu.memory_space<vmem>>, vector<1x16xf32>,
        %swap3A_1567 = vector.shape_cast %swap3A_1566 : vector<1x16xf32> to vector<16xf32>
        %swap3A_1568 = vector.shape_cast %mul3A_1563 : vector<16xf32> to vector<1x16xf32>
        tpu.vector_store %arg9[%swap3A_1564, %swap3A_1565], %swap3A_1568 {strides = array<i32>} : memref<8x2048xf32, #tpu.memory_space<vmem>>, vector<1x16xf32>,
        %get3A_1569 = arith.index_cast %scan3A_94 : i32 to index
        %get3A_1570 = arith.constant 1968 : index
        %get3A_1571 = tpu.vector_load %arg7[%get3A_1569, %get3A_1570] {strides = array<i32>} : memref<8x2048xf32, #tpu.memory_space<vmem>>, vector<1x16xf32>,
        %get3A_1572 = vector.shape_cast %get3A_1571 : vector<1x16xf32> to vector<16xf32>
        %mul3A_1573 = arith.constant 45.2548332 : f32
        %mul3A_1574 = vector.broadcast %mul3A_1573 : f32 to vector<16xf32>
        %mul3A_1575 = arith.mulf %get3A_1572, %mul3A_1574 : vector<16xf32>
        %swap3A_1576 = arith.index_cast %scan3A_94 : i32 to index
        %swap3A_1577 = arith.constant 1968 : index
        %swap3A_1578 = tpu.vector_load %arg9[%swap3A_1576, %swap3A_1577] {strides = array<i32>} : memref<8x2048xf32, #tpu.memory_space<vmem>>, vector<1x16xf32>,
        %swap3A_1579 = vector.shape_cast %swap3A_1578 : vector<1x16xf32> to vector<16xf32>
        %swap3A_1580 = vector.shape_cast %mul3A_1575 : vector<16xf32> to vector<1x16xf32>
        tpu.vector_store %arg9[%swap3A_1576, %swap3A_1577], %swap3A_1580 {strides = array<i32>} : memref<8x2048xf32, #tpu.memory_space<vmem>>, vector<1x16xf32>,
        %get3A_1581 = arith.index_cast %scan3A_94 : i32 to index
        %get3A_1582 = arith.constant 1984 : index
        %get3A_1583 = tpu.vector_load %arg7[%get3A_1581, %get3A_1582] {strides = array<i32>} : memref<8x2048xf32, #tpu.memory_space<vmem>>, vector<1x16xf32>,
        %get3A_1584 = vector.shape_cast %get3A_1583 : vector<1x16xf32> to vector<16xf32>
        %mul3A_1585 = arith.constant 45.2548332 : f32
        %mul3A_1586 = vector.broadcast %mul3A_1585 : f32 to vector<16xf32>
        %mul3A_1587 = arith.mulf %get3A_1584, %mul3A_1586 : vector<16xf32>
        %swap3A_1588 = arith.index_cast %scan3A_94 : i32 to index
        %swap3A_1589 = arith.constant 1984 : index
        %swap3A_1590 = tpu.vector_load %arg9[%swap3A_1588, %swap3A_1589] {strides = array<i32>} : memref<8x2048xf32, #tpu.memory_space<vmem>>, vector<1x16xf32>,
        %swap3A_1591 = vector.shape_cast %swap3A_1590 : vector<1x16xf32> to vector<16xf32>
        %swap3A_1592 = vector.shape_cast %mul3A_1587 : vector<16xf32> to vector<1x16xf32>
        tpu.vector_store %arg9[%swap3A_1588, %swap3A_1589], %swap3A_1592 {strides = array<i32>} : memref<8x2048xf32, #tpu.memory_space<vmem>>, vector<1x16xf32>,
        %get3A_1593 = arith.index_cast %scan3A_94 : i32 to index
        %get3A_1594 = arith.constant 2000 : index
        %get3A_1595 = tpu.vector_load %arg7[%get3A_1593, %get3A_1594] {strides = array<i32>} : memref<8x2048xf32, #tpu.memory_space<vmem>>, vector<1x16xf32>,
        %get3A_1596 = vector.shape_cast %get3A_1595 : vector<1x16xf32> to vector<16xf32>
        %mul3A_1597 = arith.constant 45.2548332 : f32
        %mul3A_1598 = vector.broadcast %mul3A_1597 : f32 to vector<16xf32>
        %mul3A_1599 = arith.mulf %get3A_1596, %mul3A_1598 : vector<16xf32>
        %swap3A_1600 = arith.index_cast %scan3A_94 : i32 to index
        %swap3A_1601 = arith.constant 2000 : index
        %swap3A_1602 = tpu.vector_load %arg9[%swap3A_1600, %swap3A_1601] {strides = array<i32>} : memref<8x2048xf32, #tpu.memory_space<vmem>>, vector<1x16xf32>,
        %swap3A_1603 = vector.shape_cast %swap3A_1602 : vector<1x16xf32> to vector<16xf32>
        %swap3A_1604 = vector.shape_cast %mul3A_1599 : vector<16xf32> to vector<1x16xf32>
        tpu.vector_store %arg9[%swap3A_1600, %swap3A_1601], %swap3A_1604 {strides = array<i32>} : memref<8x2048xf32, #tpu.memory_space<vmem>>, vector<1x16xf32>,
        %get3A_1605 = arith.index_cast %scan3A_94 : i32 to index
        %get3A_1606 = arith.constant 2016 : index
        %get3A_1607 = tpu.vector_load %arg7[%get3A_1605, %get3A_1606] {strides = array<i32>} : memref<8x2048xf32, #tpu.memory_space<vmem>>, vector<1x16xf32>,
        %get3A_1608 = vector.shape_cast %get3A_1607 : vector<1x16xf32> to vector<16xf32>
        %mul3A_1609 = arith.constant 45.2548332 : f32
        %mul3A_1610 = vector.broadcast %mul3A_1609 : f32 to vector<16xf32>
        %mul3A_1611 = arith.mulf %get3A_1608, %mul3A_1610 : vector<16xf32>
        %swap3A_1612 = arith.index_cast %scan3A_94 : i32 to index
        %swap3A_1613 = arith.constant 2016 : index
        %swap3A_1614 = tpu.vector_load %arg9[%swap3A_1612, %swap3A_1613] {strides = array<i32>} : memref<8x2048xf32, #tpu.memory_space<vmem>>, vector<1x16xf32>,
        %swap3A_1615 = vector.shape_cast %swap3A_1614 : vector<1x16xf32> to vector<16xf32>
        %swap3A_1616 = vector.shape_cast %mul3A_1611 : vector<16xf32> to vector<1x16xf32>
        tpu.vector_store %arg9[%swap3A_1612, %swap3A_1613], %swap3A_1616 {strides = array<i32>} : memref<8x2048xf32, #tpu.memory_space<vmem>>, vector<1x16xf32>,
        %get3A_1617 = arith.index_cast %scan3A_94 : i32 to index
        %get3A_1618 = arith.constant 2032 : index
        %get3A_1619 = tpu.vector_load %arg7[%get3A_1617, %get3A_1618] {strides = array<i32>} : memref<8x2048xf32, #tpu.memory_space<vmem>>, vector<1x16xf32>,
        %get3A_1620 = vector.shape_cast %get3A_1619 : vector<1x16xf32> to vector<16xf32>
        %mul3A_1621 = arith.constant 45.2548332 : f32
        %mul3A_1622 = vector.broadcast %mul3A_1621 : f32 to vector<16xf32>
        %mul3A_1623 = arith.mulf %get3A_1620, %mul3A_1622 : vector<16xf32>
        %swap3A_1624 = arith.index_cast %scan3A_94 : i32 to index
        %swap3A_1625 = arith.constant 2032 : index
        %swap3A_1626 = tpu.vector_load %arg9[%swap3A_1624, %swap3A_1625] {strides = array<i32>} : memref<8x2048xf32, #tpu.memory_space<vmem>>, vector<1x16xf32>,
        %swap3A_1627 = vector.shape_cast %swap3A_1626 : vector<1x16xf32> to vector<16xf32>
        %swap3A_1628 = vector.shape_cast %mul3A_1623 : vector<16xf32> to vector<1x16xf32>
        tpu.vector_store %arg9[%swap3A_1624, %swap3A_1625], %swap3A_1628 {strides = array<i32>} : memref<8x2048xf32, #tpu.memory_space<vmem>>, vector<1x16xf32>,
      }
      %scan3A_79 = arith.constant 8 : i32
      %add3A_80 = arith.constant 2 : i32
      %add3A_81 = arith.addi %add3A_62, %add3A_80 : i32
      %lt3A_82 = arith.constant 64 : i32
      %lt3A_83 = arith.cmpi slt, %add3A_81, %lt3A_82 : i32
      %convert_element_type3A_84 = arith.extui %lt3A_83 : i1 to i32
      %cond3A_85 = arith.constant 0 : i32
      %cond3A_86 = arith.cmpi ne, %convert_element_type3A_84, %cond3A_85 : i32
      scf.if %cond3A_86 {
        %add3A_94 = arith.constant 2 : i32
        %add3A_95 = arith.addi %add3A_62, %add3A_94 : i32
        %mul3A_96 = arith.constant 8 : i32
        %mul3A_97 = arith.muli %add3A_95, %mul3A_96 : i32
        %dma_start3A_98 = tpu.memref_slice %arg5[%mul3A_97] : memref<512xi32, #tpu.memory_space<vmem>> -> memref<8xi32, #tpu.memory_space<vmem>>
        %dma_start3A_99 = arith.constant 0 : i32
        %dma_start3A_100 = arith.constant 0 : i32
        %dma_start3A_101 = tpu.memref_slice %arg3[%dma_start3A_99, %dma_start3A_100] : memref<100000x2048xf32, #tpu.memory_space<hbm>> -> memref<100000x2048xf32, #tpu.memory_space<hbm>>
        tpu.enqueue_indirect_dma source(%dma_start3A_101 : memref<100000x2048xf32, #tpu.memory_space<hbm>>) target(%arg7 : memref<8x2048xf32, #tpu.memory_space<vmem>>) offsets(%dma_start3A_98 : memref<8xi32, #tpu.memory_space<vmem>>) semaphore(%arg11 : memref<!tpu.dma_semaphore, #tpu.memory_space<semaphore_mem>>)
      } else {
      }
      %mul3A_87 = arith.constant 8 : i32
      %mul3A_88 = arith.muli %add3A_62, %mul3A_87 : i32
      %add3A_89 = arith.addi %mul3A_2, %mul3A_88 : i32
      %dma_start3A_90 = arith.constant 0 : i32
      %dma_start3A_91 = tpu.memref_slice %arg4[%add3A_89, %dma_start3A_90] : memref<16384x2048xf32, #tpu.memory_space<hbm>> -> memref<8x2048xf32, #tpu.memory_space<hbm>>
      %dma_start3A_92 = arith.constant 0 : i32
      %dma_start3A_93 = tpu.memref_slice %arg4[%add3A_89, %dma_start3A_92] : memref<16384x2048xf32, #tpu.memory_space<hbm>> -> memref<8x2048xf32, #tpu.memory_space<hbm>>
      tpu.enqueue_dma source(%arg9 : memref<8x2048xf32, #tpu.memory_space<vmem>>) target(%dma_start3A_93 : memref<8x2048xf32, #tpu.memory_space<hbm>>) target_semaphore(%arg13 : memref<!tpu.dma_semaphore, #tpu.memory_space<semaphore_mem>>)
    }
    %scan3A_15 = arith.constant 32 : i32
    %add3A_16 = arith.constant 496 : i32
    %add3A_17 = arith.addi %mul3A_2, %add3A_16 : i32
    %dma_wait3A = arith.constant 0 : i32
    %dma_wait3A_18 = tpu.memref_slice %arg4[%add3A_17, %dma_wait3A] : memref<16384x2048xf32, #tpu.memory_space<hbm>> -> memref<8x2048xf32, #tpu.memory_space<hbm>>
    %dma_wait3A_19 = arith.constant 0 : i32
    %dma_wait3A_20 = tpu.memref_slice %arg4[%add3A_17, %dma_wait3A_19] : memref<16384x2048xf32, #tpu.memory_space<hbm>> -> memref<8x2048xf32, #tpu.memory_space<hbm>>
    tpu.wait_dma2 semaphore(%arg12 : memref<!tpu.dma_semaphore, #tpu.memory_space<semaphore_mem>>) src(%arg8 : memref<8x2048xf32, #tpu.memory_space<vmem>>) dst(%dma_wait3A_20 : memref<8x2048xf32, #tpu.memory_space<hbm>>)
    %add3A_21 = arith.constant 504 : i32
    %add3A_22 = arith.addi %mul3A_2, %add3A_21 : i32
    %dma_wait3A_23 = arith.constant 0 : i32
    %dma_wait3A_24 = tpu.memref_slice %arg4[%add3A_22, %dma_wait3A_23] : memref<16384x2048xf32, #tpu.memory_space<hbm>> -> memref<8x2048xf32, #tpu.memory_space<hbm>>
    %dma_wait3A_25 = arith.constant 0 : i32
    %dma_wait3A_26 = tpu.memref_slice %arg4[%add3A_22, %dma_wait3A_25] : memref<16384x2048xf32, #tpu.memory_space<hbm>> -> memref<8x2048xf32, #tpu.memory_space<hbm>>
    tpu.wait_dma2 semaphore(%arg13 : memref<!tpu.dma_semaphore, #tpu.memory_space<semaphore_mem>>) src(%arg9 : memref<8x2048xf32, #tpu.memory_space<vmem>>) dst(%dma_wait3A_26 : memref<8x2048xf32, #tpu.memory_space<hbm>>)
    return
  }
}

module attributes {stable_mosaic.version = 14 : i64} {
  func.func @_rope_body(%arg0: memref<4096x1xi32, #tpu.memory_space<vmem>>, %arg1: memref<4096x128xf32, #tpu.memory_space<vmem>>, %arg2: memref<4096x128xf32, #tpu.memory_space<vmem>>) attributes {dimension_semantics = [], scalar_prefetch = 0 : i64, scratch_operands = 0 : i64, tpu.core_type = #tpu.core_type<tc>} {
    %get3A = arith.constant 0 : index
    %get3A_0 = arith.constant 0 : index
    %get3A_1 = vector.load %arg0[%get3A, %get3A_0] : memref<4096x1xi32, #tpu.memory_space<vmem>>, vector<4096x1xi32>
    %convert_element_type3A = arith.sitofp %get3A_1 : vector<4096x1xi32> to vector<4096x1xf32>
    %iota3A = tpu.iota {dimensions = array<i32: 1>} : vector<1x64xi32>
    %convert_element_type3A_2 = arith.sitofp %iota3A : vector<1x64xi32> to vector<1x64xf32>
    %mul3A = arith.constant -0.14391157 : f32
    %mul3A_3 = vector.broadcast %mul3A : f32 to vector<1x64xf32>
    %mul3A_4 = arith.mulf %convert_element_type3A_2, %mul3A_3 : vector<1x64xf32>
    %exp3A = math.exp %mul3A_4 : vector<1x64xf32>
    %mul3A_5 = vector.broadcast %convert_element_type3A : vector<4096x1xf32> to vector<4096x64xf32>
    %mul3A_6 = vector.broadcast %exp3A : vector<1x64xf32> to vector<4096x64xf32>
    %mul3A_7 = arith.mulf %mul3A_5, %mul3A_6 : vector<4096x64xf32>
    %concatenate3A = tpu.concatenate %mul3A_7, %mul3A_7 in 1 : vector<4096x64xf32>, vector<4096x64xf32> -> vector<4096x128xf32>
    %cos3A = math.cos %concatenate3A : vector<4096x128xf32>
    %swap3A = arith.constant 0 : index
    %swap3A_8 = arith.constant 0 : index
    %swap3A_9 = vector.load %arg1[%swap3A, %swap3A_8] : memref<4096x128xf32, #tpu.memory_space<vmem>>, vector<4096x128xf32>
    tpu.vector_store %arg1[%swap3A, %swap3A_8], %cos3A {strides = array<i32>} : memref<4096x128xf32, #tpu.memory_space<vmem>>, vector<4096x128xf32>,
    %sin3A = math.sin %concatenate3A : vector<4096x128xf32>
    %swap3A_10 = arith.constant 0 : index
    %swap3A_11 = arith.constant 0 : index
    %swap3A_12 = vector.load %arg2[%swap3A_10, %swap3A_11] : memref<4096x128xf32, #tpu.memory_space<vmem>>, vector<4096x128xf32>
    tpu.vector_store %arg2[%swap3A_10, %swap3A_11], %sin3A {strides = array<i32>} : memref<4096x128xf32, #tpu.memory_space<vmem>>, vector<4096x128xf32>,
    return
  }
}

module attributes {stable_mosaic.version = 14 : i64} {
  func.func @_mask_body(%arg0: i32, %arg1: i32, %arg2: memref<1x1x4096xi32, #tpu.memory_space<vmem>>, %arg3: memref<1x512x4096xf32, #tpu.memory_space<vmem>>) attributes {dimension_semantics = [#tpu.dimension_semantics<arbitrary>, #tpu.dimension_semantics<arbitrary>], iteration_bounds = array<i64: 4, 8>, scalar_prefetch = 0 : i64, scratch_operands = 0 : i64, tpu.core_type = #tpu.core_type<tc>, window_params = [{transform_indices = @transform_0, window_bounds = array<i64: 1, 1, 4096>}, {transform_indices = @transform_1, window_bounds = array<i64: 1, 512, 4096>}]} {
    %iota3A = tpu.iota {dimensions = array<i32: 0>} : vector<512x4096xi32>
    %mul3A = arith.constant 512 : i32
    %mul3A_0 = arith.muli %arg1, %mul3A : i32
    %add3A = vector.broadcast %mul3A_0 : i32 to vector<512x4096xi32>
    %add3A_1 = arith.addi %iota3A, %add3A : vector<512x4096xi32>
    %iota3A_2 = tpu.iota {dimensions = array<i32: 1>} : vector<512x4096xi32>
    %gt3A = arith.cmpi sgt, %iota3A_2, %add3A_1 : vector<512x4096xi32>
    %get3A = arith.constant 0 : index
    %get3A_3 = arith.constant 0 : index
    %get3A_4 = arith.constant 0 : index
    %get3A_5 = vector.load %arg2[%get3A, %get3A_3, %get3A_4] : memref<1x1x4096xi32, #tpu.memory_space<vmem>>, vector<1x1x4096xi32>
    %get3A_6 = vector.shape_cast %get3A_5 : vector<1x1x4096xi32> to vector<1x4096xi32>
    %eq3A = arith.constant 0 : i32
    %eq3A_7 = vector.broadcast %eq3A : i32 to vector<1x4096xi32>
    %eq3A_8 = arith.cmpi eq, %get3A_6, %eq3A_7 : vector<1x4096xi32>
    %or3A = vector.broadcast %eq3A_8 : vector<1x4096xi1> to vector<512x4096xi1>
    %or3A_9 = arith.ori %gt3A, %or3A : vector<512x4096xi1>
    %jit3A = arith.constant -3.40282347E+38 : f32
    %jit3A_10 = arith.constant 0.000000e+00 : f32
    %broadcast_in_dim3A = vector.broadcast %jit3A : f32 to vector<512x4096xf32>
    %broadcast_in_dim3A_11 = vector.broadcast %jit3A_10 : f32 to vector<512x4096xf32>
    %select_n3A = arith.select %or3A_9, %broadcast_in_dim3A, %broadcast_in_dim3A_11 : vector<512x4096xi1>, vector<512x4096xf32>
    %swap3A = arith.constant 0 : index
    %swap3A_12 = arith.constant 0 : index
    %swap3A_13 = arith.constant 0 : index
    %swap3A_14 = vector.load %arg3[%swap3A, %swap3A_12, %swap3A_13] : memref<1x512x4096xf32, #tpu.memory_space<vmem>>, vector<1x512x4096xf32>
    %swap3A_15 = vector.shape_cast %swap3A_14 : vector<1x512x4096xf32> to vector<512x4096xf32>
    %swap3A_16 = vector.shape_cast %select_n3A : vector<512x4096xf32> to vector<1x512x4096xf32>
    tpu.vector_store %arg3[%swap3A, %swap3A_12, %swap3A_13], %swap3A_16 {strides = array<i32>} : memref<1x512x4096xf32, #tpu.memory_space<vmem>>, vector<1x512x4096xf32>,
    return
  }
  func.func @transform_0(%arg0: i32, %arg1: i32) -> (i32, i32, i32) {
    %c0_i32 = arith.constant 0 : i32
    %c0_i32_0 = arith.constant 0 : i32
    %c0_i32_1 = arith.constant 0 : i32
    return %arg0, %c0_i32, %c0_i32_0 : i32, i32, i32
  }
  func.func @transform_1(%arg0: i32, %arg1: i32) -> (i32, i32, i32) {
    %c0_i32 = arith.constant 0 : i32
    %c0_i32_0 = arith.constant 0 : i32
    return %arg0, %arg1, %c0_i32 : i32, i32, i32
  }
}

</mosaic_0001>

<sc_bundles>
// kernel: kernel.5.cloned.1.call-start
scs
__scs_entry_jumppad:
0x0: {  	(pc) =	sbr.rel $0x88, $3  }
0x1: {  	(tag) =	ssettag $0x0;
	lr =	simm.s32 $0x1  }
0x2: {  	[smem:$0x3F9B] =	sst lr;
	_ =	strace $0xD0000000  }
0x3: {  	_ = 	snop  }
0x4: {  	_ = 	snop  }
0x5: {  	_ = 	snop  }
0x6: {  	_ = 	snop  }
0x7: {  	_ = 	snop  }
__scs_overlays_trampoline_lowered:
0x8: {  	[smem:$0x3FAA] =	sst s0  }
0x9: {  	[smem:$0x3FAB] =	sst s1  }
0xa: {  	[smem:$0x3FAC] =	sst s2  }
0xb: {  	[smem:$0x3FAD] =	sst s3  }
0xc: {  	[smem:$0x3FAE] =	sst s4  }
0xd: {  	[smem:$0x3FAF] =	sst s5  }
0xe: {  	[smem:$0x3FB0] =	sst s6  }
0xf: {  	[smem:$0x3FB1] =	sst s7  }
0x10: {  	[smem:$0x3FB2] =	sst s8  }
0x11: {  	[smem:$0x3FB3] =	sst s9;
	s0 =	simm.s32 @!p0 $0x0  }
0x12: {  	s1 =	sld [smem:$0x3F99];
	s0 =	simm.s32 @p0 $0x1  }
0x13: {  	[smem:$0x3FB4] =	sst s0;
	s0 =	simm.s32 @!p1 $0x0  }
0x14: {  	s2 =	sld [smem:$0x3F98];
	s0 =	simm.s32 @p1 $0x1  }
0x15: {  	[smem:$0x3FB5] =	sst s0;
	s0 =	simm.s32 @!p2 $0x0  }
0x16: {  	s3 =	sld [smem:$0x3FDB];
	s0 =	simm.s32 @p2 $0x1  }
0x17: {  	s4 =	simm.s32 $0x1BF5;
	[smem:$0x3FB7] =	sst s0  }
0x18: {  	s0 =	sld [smem:$0x3F9A];
	_ =	swait.ge [sflag:s4], $0x0  }
0x19: {  	s7 =	sld [smem:$0x3F9B]  }
0x1a: {  	s8 =	sadd.s32 $0xFFFFE003, lr  }
0x1b: {  	s9 =	sadd.s32 $0xFFFFFEF7, lr;
	s5 =	simm.s32 $0xFFFFFFFF;
	p2 =	slt.u32 s8, $0xFFFFF086  }
0x1c: {  	p1 =	slt.u32 s9, $0xF7A;
	s5 =	simm.s32 @!p2 $0x0  }
0x1d: {  	s5 =	simm.s32 @p1 $0x1;
	p0 =	seq.s32 s7, s2  }
0x1e: {  	s7 =	smul.u32 @!p0 $0xF7A, s2;
	p2 =	seq.s32 @!p0 s5, $0x0  }
0x1f: {  	s9 =	smul.u32 $0xF7A, s1;
	s8 =	simm.s32 @!p0 $0x1BF5;
	p2 =	por !p2, p0  }
0x20: {  	[sflag:s8] =	ssyncset.s32 @!p0 $0xFFFFF086;
	s6 =	sadd.s32 @!p0 s3, s7;
	s7 =	simm.s32 @!p0 $0x108  }
0x21: {  	s3 =	sadd.s32 s3, s9;
	s6 =	sadd.s32 @!p0 $0x88, s6;
	s7 =	simm.s32 @p2 $0x1082  }
0x22: {  	[simem:s7], [sflag:s8] =	dma.local @!p0 [hbm:s6], $0xF7A  }
0x23: {  	s9 =	sor.u32 $0xD0000000, s2;
	s6 =	simm.s32 $0x108;
	_ =	swait.ge @!p0 [sflag:s8], $0x0  }
0x24: {  	s3 =	sadd.s32 $0x88, s3;
	s6 =	simm.s32 @!p1 $0x1082;
	[sflag:s4] =	ssyncset.s32 $0xFFFFF086  }
0x25: {  	[simem:s6], [sflag:s4] =	dma.local [hbm:s3], $0xF7A  }
0x26: {  	[smem:$0x3F9B] =	sst s1;
	(tag) =	ssettag s2;
	_ =	strace s9  }
0x27: {  	s1 =	sld [smem:$0x3FAB]  }
0x28: {  	s2 =	sld [smem:$0x3FAC]  }
0x29: {  	s4 =	sld [smem:$0x3FAE]  }
0x2a: {  	p0 =	seq.s32 s5, $0x0;
	s5 =	sld [smem:$0x3FAF]  }
0x2b: {  	s6 =	sld [smem:$0x3FB0]  }
0x2c: {  	s7 =	sld [smem:$0x3FB1]  }
0x2d: {  	s3 =	simm.s32 $0x108;
	s8 =	sld [smem:$0x3FB2]  }
0x2e: {  	s3 =	simm.s32 @!p0 $0x1082;
	s9 =	sld [smem:$0x3FB3]  }
0x2f: {  	lr =	sadd.s32 s0, s3;
	s0 =	sld [smem:$0x3FAA]  }
0x30: {  	s3 =	sld [smem:$0x3FAD]  }
0x31: {  	[smem:$0x3FB6] =	sst s10  }
0x32: {  	s10 =	sld [smem:$0x3FB4];
	_ =	sdelay $0x3  }
0x33: {  	p0 =	seq.s32 s10, $0x1;
	s10 =	sld [smem:$0x3FB6];
	_ =	sdelay $0x3  }
0x34: {  	[smem:$0x3FB6] =	sst s10  }
0x35: {  	s10 =	sld [smem:$0x3FB5];
	_ =	sdelay $0x3  }
0x36: {  	p1 =	seq.s32 s10, $0x1;
	s10 =	sld [smem:$0x3FB6];
	_ =	sdelay $0x3  }
0x37: {  	[smem:$0x3FB6] =	sst s10  }
0x38: {  	s10 =	sld [smem:$0x3FB7]  }
0x39: {  	_ = 	snop;
	(pc) =	sbr.ind lr, $3  }
0x3a: {  	_ = 	snop  }
0x3b: {  	_ = 	snop  }
0x3c: {  	p2 =	seq.s32 s10, $0x1;
	s10 =	sld [smem:$0x3FB6]  }
0x3d: {  	_ =	shalt  }
0x3e: {  	_ =	shalt  }
0x3f: {  	_ =	shalt  }
0x40: {  	_ =	shalt  }
0x41: {  	_ =	shalt  }
0x42: {  	_ =	shalt  }
0x43: {  	_ =	shalt  }
0x44: {  	_ =	shalt  }
0x45: {  	_ =	shalt  }
0x46: {  	_ =	shalt  }
0x47: {  	_ =	shalt  }
0x48: {  	_ =	shalt  }
0x49: {  	_ =	shalt  }
0x4a: {  	_ =	shalt  }
0x4b: {  	_ =	shalt  }
0x4c: {  	_ =	shalt  }
0x4d: {  	_ =	shalt  }
0x4e: {  	_ =	shalt  }
0x4f: {  	_ =	shalt  }
0x50: {  	_ =	shalt  }
0x51: {  	_ =	shalt  }
0x52: {  	_ =	shalt  }
0x53: {  	_ =	shalt  }
0x54: {  	_ =	shalt  }
0x55: {  	_ =	shalt  }
0x56: {  	_ =	shalt  }
0x57: {  	_ =	shalt  }
0x58: {  	_ =	shalt  }
0x59: {  	_ =	shalt  }
0x5a: {  	_ =	shalt  }
0x5b: {  	_ =	shalt  }
0x5c: {  	_ =	shalt  }
0x5d: {  	_ =	shalt  }
0x5e: {  	_ =	shalt  }
0x5f: {  	_ =	shalt  }
0x60: {  	_ =	shalt  }
0x61: {  	_ =	shalt  }
0x62: {  	_ =	shalt  }
0x63: {  	_ =	shalt  }
0x64: {  	_ =	shalt  }
0x65: {  	_ =	shalt  }
0x66: {  	_ =	shalt  }
0x67: {  	_ =	shalt  }
0x68: {  	_ =	shalt  }
0x69: {  	_ =	shalt  }
0x6a: {  	_ =	shalt  }
0x6b: {  	_ =	shalt  }
0x6c: {  	_ =	shalt  }
0x6d: {  	_ =	shalt  }
0x6e: {  	_ =	shalt  }
0x6f: {  	_ =	shalt  }
0x70: {  	_ =	shalt  }
0x71: {  	_ =	shalt  }
0x72: {  	_ =	shalt  }
0x73: {  	_ =	shalt  }
0x74: {  	_ =	shalt  }
0x75: {  	_ =	shalt  }
0x76: {  	_ =	shalt  }
0x77: {  	_ =	shalt  }
0x78: {  	_ =	shalt  }
0x79: {  	_ =	shalt  }
0x7a: {  	_ =	shalt  }
0x7b: {  	_ =	shalt  }
0x7c: {  	_ =	shalt  }
0x7d: {  	_ =	shalt  }
0x7e: {  	_ =	shalt  }
0x7f: {  	_ =	shalt  }
0x80: {  	_ =	shalt  }
0x81: {  	_ =	shalt  }
0x82: {  	_ =	shalt  }
0x83: {  	_ =	shalt  }
0x84: {  	_ =	shalt  }
0x85: {  	_ =	shalt  }
0x86: {  	_ =	shalt  }
0x87: {  	_ =	shalt  }
.Lfunc_end0:
.L_simem_size_0:
called_computation_lowered:
.L_overlay_start_0:
0x88: {  	s2 =	sld [smem:$0x3FD9]  }
0x89: {  	s3 =	sld [smem:$0x3FFE];
	_ =	sdelay $0x1  }
0x8a: {  	s1 =	srdreg.scid  }
0x8b: {  	s0 =	sand.u32 $0x1, s1  }
0x8c: {  	s15 =	sshll.u32 s0, $0xA;
	s2 =	sadd.s32 s3, s2  }
0x8d: {  	s2 =	sadd.s32 s2, s15  }
0x8e: {  	[smem:$0x3FC2] =	sst s2  }
0x8f: {  	_ = 	snop  }
0x90: {  	s2 =	sld [smem:$0x3FD0];
	_ =	sdelay $0x2  }
0x91: {  	s4 =	simm.s32 $0xA;
	s5 =	simm.s32 $0x10;
	s16 =	sld [smem:$0x3FC4]  }
0x92: {  	[smem:s5], [sflag:s4] =	dma.local [hbm:s2], $0x1  }
0x93: {  	_ =	swait.eq [sflag:s4], $0x1  }
0x94: {  	[sflag:s4] =	ssyncset.done $0x0  }
0x95: {  	s17 =	sld [smem:$0x10];
	[sflag:s4] =	ssyncadd.s32 $0xFFFFFFFF  }
0x96: {  	s18 =	sld [smem:$0x16];
	(tm) =	ssettm $0x1  }
0x97: {  	s19 =	sld [smem:$0x3FFB];
	_ =	sdelay $0x3  }
0x98: {  	_ =	strace s19  }
0x99: {  	s5 =	sld [smem:$0x3FFC];
	_ =	sdelay $0x3  }
0x9a: {  	_ =	strace s5  }
0x9b: {  	s5 =	sld [smem:$0x3FFD];
	_ =	sdelay $0x3  }
0x9c: {  	_ =	strace s5  }
0x9d: {  	_ =	strace $0x8FFFFFFF  }
0x9e: {  	s20 =	sld [smem:$0x3FDB];
	_ =	sdelay $0x1  }
0x9f: {  	s6 =	simm.s32 $_scs_section_size  }
0xa0: {  	s7 =	simm.s32 $_size__tile_overlayer_lowered;
	s8 =	simm.s32 $_tile_overlayer_lowered  }
0xa1: {  	s23 =	simm.s32 $0x1BFF;
	s22 =	sshll.u32 s8, $0x1;
	s5 =	sadd.s32 s6, s20  }
0xa2: {  	s9 =	simm.s32 $0x0;
	s21 =	sshll.u32 s7, $0x1;
	s7 =	sadd.s32 s22, s5  }
0xa3: {  	[timem:s9], [sflag:s23] =	dma.local [hbm:s7], s21  }
0xa4: {  	_ =	swait.ge [sflag:s23], s21  }
0xa5: {  	s6 =	ssub.s32 $0x0, s21;
	[sflag:s23] =	ssyncset.done $0x0  }
0xa6: {  	[sflag:s23] =	ssyncadd.s32 s6;
	_ =	sdelay $0x1  }
0xa7: {  	s24 =	simm.s32 $0x1B8B  }
0xa8: {  	_ =	swait.ge [sflag:s24], $0x1  }
0xa9: {  	[sflag:s24] =	ssyncset.done $0x0  }
0xaa: {  	s25 =	simm.s32 $0x1B8E;
	[sflag:s24] =	ssyncadd.s32 $0xFFFFFFFF  }
0xab: {  	s26 =	simm.s32 $execute0_lowered;
	[smem:$0x3FD2] =	sst s25  }
0xac: {  	s6 =	sshll.u32 s26, $0x1;
	_ =	strace $0x80000046;
	[dreg:$0x1] =	wrdreg $0xFFFFFFFF  }
0xad: {  	s28 =	simm.s32 $_size_execute0_lowered;
	s5 =	sadd.s32 s5, s6;
	[dreg:$0x0] =	wrdreg $0x0  }
0xae: {  	s6 =	sshll.u32 s28, $0x1;
	[dreg:$0x2] =	wrdreg s5  }
0xaf: {  	[dreg:$0x3] =	wrdreg s6  }
0xb0: {  	[dreg:$0x4] =	wrdreg $0xC0  }
0xb1: {  	_ =	task [dreg:s9], $0x5FFFF  }
0xb2: {  	[dreg:$0x1] =	wrdreg $0xFFFFFFFF  }
0xb3: {  	[dreg:$0x0] =	wrdreg $0x60  }
0xb4: {  	[dreg:$0x2] =	wrdreg s18  }
0xb5: {  	[dreg:$0x3] =	wrdreg s16  }
0xb6: {  	[dreg:$0x4] =	wrdreg s17  }
0xb7: {  	[dreg:$0x5] =	wrdreg $0x9  }
0xb8: {  	_ =	task.clear_ibuf [dreg:s9], $0x6FFFF;
	_ =	strace $0x90000046  }
0xb9: {  	s29 =	simm.s32 $0x9;
	_ =	strace $0x80000048  }
0xba: {  	_ =	swait.ge [sflag:s29], $0x1  }
0xbb: {  	[sflag:s29] =	ssyncadd.s32 $0xFFFFFFFF  }
0xbc: {  	_ =	strace $0x90000048  }
0xbd: {  	_ =	sfence  }
0xbe: {  	s30 =	sld [smem:$0x0];
	_ =	sdelay $0x2  }
0xbf: {  	s31 =	sshll.u32 s1, $0xD;
	s1 =	sshrl.u32 s1, $0x2  }
0xc0: {  	s3 =	sand.u32 $0x4000, s31;
	s1 =	sadd.s32 s1, s30  }
0xc1: {  	s0 =	sor.u32 s3, s0;
	s1 =	sshll.u32 s1, $0x11  }
0xc2: {  	s0 =	sor.u32 s1, s0  }
0xc3: {  	s0 =	sadd.s32 $0x8F2B, s0  }
0xc4: {  	[sflag:s0] =	ssyncadd.remote.s32 $0x1  }
0xc5: {  	_ =	sfence.sel $0xFFFF  }
0xc6: {  	[dreg:$0x0] =	wrdreg $0xFFFFFFFF;
	(pc) =	sbr.abs _section_cstart, $3  }
0xc7: {  	[dreg:$0x1] =	wrdreg $0xFFFFFFFF  }
0xc8: {  	_ =	task.clear_ibuf [dreg:s9], $0x2FFFF;
	_ =	strace $0x9FFFFFFF  }
0xc9: {  	(tm) =	ssettm $0x7FFFFFFF  }
tec
execute0_lowered:
.L_overlay_start_1:
0x0: {  	(tag) =	ssettag $0x1  }
0x1: {  	s0 =	rddreg [dreg:$0x0]  }
0x2: {  	s1 =	rddreg [dreg:$0x1]  }
0x3: {  	s2 =	rddreg [dreg:$0x2];
	s4 =	srdreg.scid  }
0x4: {  	s3 =	simm.s32 $0x0;
	s6 =	stileid.u32;
	s15 =	simm.s32 $0x5  }
0x5: {  	s29 =	simm.s32 $0x6200;
	s30 =	simm.s32 $0x6A00;
	s31 =	simm.s32 $0x7200  }
0x6: {  	s16 =	simm.s32 $0x8200;
	s17 =	simm.s32 $0x2;
	s18 =	simm.s32 $0xC200  }
0x7: {  	s19 =	simm.s32 $0x3;
	s20 =	simm.s32 $0x4;
	s21 =	simm.s32 $0x0  }
0x8: {  	s4 =	sand.u32 $0x1, s4;
	s6 =	sshll.u32 s6, $0xA;
	[smem:$0x7FF] =	sst s3  }
0x9: {  	s8 =	sadd.s32 $0x400, s1;
	s10 =	sadd.s32 $0x600, s1;
	s12 =	sadd.s32 $0x700, s1  }
0xa: {  	s5 =	ssub.s32 $0x2, s4;
	s4 =	sshll.u32 s4, $0x9;
	_ =	strace $0x80000047  }
0xb: {  	s7 =	sshrl.u32 s5, $0x1;
	s9 =	sor.u32 s4, s6;
	s6 =	sadd.s32 $0x200, s1  }
0xc: {  	s13 =	ssub.s32 s5, s7;
	s4 =	sshrl.u32 s9, $0x3;
	s5 =	sadd.s32 $0x100, s1  }
0xd: {  	v0 =	vlaneseq.u32;
	s7 =	sadd.s32 $0x300, s1;
	s28 =	sshll.u32 s9, $0x8;
	s9 =	sadd.s32 $0x500, s1  }
0xe: {  	v1 =	vshrl.u32 v0, $0x3;
	s4 =	sadd.s32 s0, s4;
	s11 =	sadd.s32 s2, s28;
	s13 =	smax.u32 s13, $0x1  }
0xf: {  	vm0 =	vmmov $0xffff;
	v0 =	vand.u32 $0x7, v0;
	v1 =	vmul.u32 $0x8, v1;
	s0 =	simm.s32 $0x7A00;
	s2 =	simm.s32 $0x1;
	s14 =	sadd.s32 $0x800, s11  }
.LBB2_1:
0x10: {  	[tilespmem:s3], [sflag:$0x5] =	stream.linear.gather [hbm4b:s4+s3], $0x200, $0x38;
	[tilespmem:$0x10200] =	vst v63  }
0x11: {  	_ =	swait.ge [sflag:s15], $0x200  }
0x12: {  	[sflag:s15] =	ssyncset.done $0x0  }
0x13: {  	[sflag:s15] =	ssyncadd.s32 $0xFFFFFE00  }
0x14: {  	v2 =	vld.msk [tilespmem:$0x0], $0xff;
	_ =	sdelay $0x4  }
0x15: {  	v3 =	vshll.u32 v2, $0x4  }
0x16: {  	v2 =	vand.u32 $0x7, v2;
	v3 =	vand.u32 $0xFFFFFF80, v3  }
0x17: {  	v2 =	vor.u32 v2, v3  }
0x18: {  	v2 =	vperm.xlane v2, v0;
	_ =	sdelay $0x1  }
0x19: {  	v2 =	vadd.s32 v1, v2;
	_ =	sdelay $0x3  }
0x1a: {  	s22 =	simm.s32 $0x200  }
0x1b: {  	[tilespmem:s22], [sflag:$0x1] =	stream.indirect_vreg.gather [hbm4b:s1+s3], $0x80, v2, vm0, $0xb8;
	[tilespmem:$0x10200] =	vst v63  }
0x1c: {  	s28 =	simm.s32 $0xA00  }
0x1d: {  	[tilespmem:s28], [sflag:$0x1] =	stream.indirect_vreg.gather [hbm4b:s5+s3], $0x80, v2, vm0, $0xb8;
	[tilespmem:$0x10200] =	vst v63  }
0x1e: {  	s23 =	simm.s32 $0x1200  }
0x1f: {  	[tilespmem:s23], [sflag:$0x1] =	stream.indirect_vreg.gather [hbm4b:s6+s3], $0x80, v2, vm0, $0xb8;
	[tilespmem:$0x10200] =	vst v63  }
0x20: {  	s24 =	simm.s32 $0x1A00  }
0x21: {  	[tilespmem:s24], [sflag:$0x1] =	stream.indirect_vreg.gather [hbm4b:s7+s3], $0x80, v2, vm0, $0xb8;
	[tilespmem:$0x10200] =	vst v63  }
0x22: {  	s25 =	simm.s32 $0x2200  }
0x23: {  	[tilespmem:s25], [sflag:$0x1] =	stream.indirect_vreg.gather [hbm4b:s8+s3], $0x80, v2, vm0, $0xb8;
	[tilespmem:$0x10200] =	vst v63  }
0x24: {  	s26 =	simm.s32 $0x2A00  }
0x25: {  	[tilespmem:s26], [sflag:$0x1] =	stream.indirect_vreg.gather [hbm4b:s9+s3], $0x80, v2, vm0, $0xb8;
	[tilespmem:$0x10200] =	vst v63  }
0x26: {  	s28 =	simm.s32 $0x3200  }
0x27: {  	[tilespmem:s28], [sflag:$0x1] =	stream.indirect_vreg.gather [hbm4b:s10+s3], $0x80, v2, vm0, $0xb8;
	[tilespmem:$0x10200] =	vst v63  }
0x28: {  	s23 =	simm.s32 $0x3A00  }
0x29: {  	[tilespmem:s23], [sflag:$0x1] =	stream.indirect_vreg.gather [hbm4b:s12+s3], $0x80, v2, vm0, $0xb8;
	[tilespmem:$0x10200] =	vst v63  }
0x2a: {  	v2 =	vld.msk [tilespmem:$0x8], $0xff;
	_ =	sdelay $0x4  }
0x2b: {  	v3 =	vshll.u32 v2, $0x4  }
0x2c: {  	v2 =	vand.u32 $0x7, v2;
	v3 =	vand.u32 $0xFFFFFF80, v3  }
0x2d: {  	v2 =	vor.u32 v2, v3  }
0x2e: {  	v2 =	vperm.xlane v2, v0;
	_ =	sdelay $0x1  }
0x2f: {  	v2 =	vadd.s32 v1, v2;
	_ =	sdelay $0x3  }
0x30: {  	s24 =	simm.s32 $0x4200  }
0x31: {  	[tilespmem:s24], [sflag:$0x2] =	stream.indirect_vreg.gather [hbm4b:s1+s3], $0x80, v2, vm0, $0xb8;
	[tilespmem:$0x10200] =	vst v63  }
0x32: {  	s25 =	simm.s32 $0x4A00  }
0x33: {  	[tilespmem:s25], [sflag:$0x2] =	stream.indirect_vreg.gather [hbm4b:s5+s3], $0x80, v2, vm0, $0xb8;
	[tilespmem:$0x10200] =	vst v63  }
0x34: {  	s26 =	simm.s32 $0x5200  }
0x35: {  	[tilespmem:s26], [sflag:$0x2] =	stream.indirect_vreg.gather [hbm4b:s6+s3], $0x80, v2, vm0, $0xb8;
	[tilespmem:$0x10200] =	vst v63  }
0x36: {  	s28 =	simm.s32 $0x5A00  }
0x37: {  	[tilespmem:s28], [sflag:$0x2] =	stream.indirect_vreg.gather [hbm4b:s7+s3], $0x80, v2, vm0, $0xb8;
	[tilespmem:$0x10200] =	vst v63  }
0x38: {  	_ = 	snop  }
0x39: {  	[tilespmem:s29], [sflag:$0x2] =	stream.indirect_vreg.gather [hbm4b:s8+s3], $0x80, v2, vm0, $0xb8;
	[tilespmem:$0x10200] =	vst v63  }
0x3a: {  	_ = 	snop  }
0x3b: {  	[tilespmem:s30], [sflag:$0x2] =	stream.indirect_vreg.gather [hbm4b:s9+s3], $0x80, v2, vm0, $0xb8;
	[tilespmem:$0x10200] =	vst v63  }
0x3c: {  	_ = 	snop  }
0x3d: {  	[tilespmem:s31], [sflag:$0x2] =	stream.indirect_vreg.gather [hbm4b:s10+s3], $0x80, v2, vm0, $0xb8;
	[tilespmem:$0x10200] =	vst v63  }
0x3e: {  	s22 =	simm.s32 $0x0  }
0x3f: {  	[tilespmem:s0], [sflag:$0x2] =	stream.indirect_vreg.gather [hbm4b:s12+s3], $0x80, v2, vm0, $0xb8;
	[tilespmem:$0x10200] =	vst v63  }
.LBB2_2:
0x40: {  	_ =	swait.ge [sflag:s2], $0x4000  }
0x41: {  	p1 =	seq.s32 s22, $0x0;
	[sflag:s2] =	ssyncset.done $0x0  }
0x42: {  	s23 =	simm.s32 @!p1 $0x3;
	[sflag:s2] =	ssyncadd.s32 $0xFFFFC000  }
0x43: {  	_ =	swait.ge @!p1 [sflag:s23], $0x4000  }
0x44: {  	[sflag:s23] =	ssyncset.done @!p1 $0x0  }
0x45: {  	s24 =	simm.s32 $0x0;
	[sflag:s23] =	ssyncadd.s32 @!p1 $0xFFFFC000  }
0x46: {  	v2 =	vld [tilespmem:s24+$0x3E70]  }
0x47: {  	v3 =	vld [tilespmem:s24+$0x200]  }
0x48: {  	v4 =	vld [tilespmem:s24+$0x210]  }
0x49: {  	v5 =	vld [tilespmem:s24+$0x220]  }
0x4a: {  	v6 =	vld [tilespmem:s24+$0x230]  }
0x4b: {  	v7 =	vld [tilespmem:s24+$0x240];
	v2 =	vmul.f32 $4.525483320e+01, v2  }
0x4c: {  	v8 =	vld [tilespmem:s24+$0x250];
	v3 =	vmul.f32 $4.525483320e+01, v3  }
0x4d: {  	v9 =	vld [tilespmem:s24+$0x260];
	[tilespmem:s24+$0xBE70] =	vst v2;
	v2 =	vmul.f32 $4.525483320e+01, v4  }
0x4e: {  	[tilespmem:s24+$0x8200] =	vst v3;
	v3 =	vld [tilespmem:s24+$0x270];
	v4 =	vmul.f32 $4.525483320e+01, v5  }
0x4f: {  	v5 =	vmul.f32 $4.525483320e+01, v6;
	[tilespmem:s24+$0x8210] =	vst v2;
	v2 =	vld [tilespmem:s24+$0x600]  }
0x50: {  	v6 =	vmul.f32 $4.525483320e+01, v7;
	[tilespmem:s24+$0x8220] =	vst v4;
	v4 =	vld [tilespmem:s24+$0x610]  }
0x51: {  	v7 =	vmul.f32 $4.525483320e+01, v8;
	[tilespmem:s24+$0x8230] =	vst v5;
	v5 =	vld [tilespmem:s24+$0x620]  }
0x52: {  	v8 =	vmul.f32 $4.525483320e+01, v9;
	[tilespmem:s24+$0x8240] =	vst v6;
	v6 =	vld [tilespmem:s24+$0x630]  }
0x53: {  	[tilespmem:s24+$0x8250] =	vst v7;
	v7 =	vld [tilespmem:s24+$0x640];
	v3 =	vmul.f32 $4.525483320e+01, v3  }
0x54: {  	[tilespmem:s24+$0x8260] =	vst v8;
	v8 =	vld [tilespmem:s24+$0x650];
	v2 =	vmul.f32 $4.525483320e+01, v2  }
0x55: {  	[tilespmem:s24+$0x8270] =	vst v3;
	v3 =	vld [tilespmem:s24+$0x660];
	v4 =	vmul.f32 $4.525483320e+01, v4  }
0x56: {  	v5 =	vmul.f32 $4.525483320e+01, v5;
	[tilespmem:s24+$0x8600] =	vst v2;
	v2 =	vld [tilespmem:s24+$0x670]  }
0x57: {  	v6 =	vmul.f32 $4.525483320e+01, v6;
	[tilespmem:s24+$0x8610] =	vst v4;
	v4 =	vld [tilespmem:s24+$0xA00]  }
0x58: {  	v7 =	vmul.f32 $4.525483320e+01, v7;
	[tilespmem:s24+$0x8620] =	vst v5;
	v5 =	vld [tilespmem:s24+$0xA10]  }
0x59: {  	v8 =	vmul.f32 $4.525483320e+01, v8;
	[tilespmem:s24+$0x8630] =	vst v6;
	v6 =	vld [tilespmem:s24+$0xA20]  }
0x5a: {  	[tilespmem:s24+$0x8640] =	vst v7;
	v7 =	vld [tilespmem:s24+$0xA30];
	v3 =	vmul.f32 $4.525483320e+01, v3  }
0x5b: {  	[tilespmem:s24+$0x8650] =	vst v8;
	v8 =	vld [tilespmem:s24+$0xA40];
	v2 =	vmul.f32 $4.525483320e+01, v2  }
0x5c: {  	[tilespmem:s24+$0x8660] =	vst v3;
	v3 =	vld [tilespmem:s24+$0xA50];
	v4 =	vmul.f32 $4.525483320e+01, v4  }
0x5d: {  	v5 =	vmul.f32 $4.525483320e+01, v5;
	[tilespmem:s24+$0x8670] =	vst v2;
	v2 =	vld [tilespmem:s24+$0xA60]  }
0x5e: {  	v6 =	vmul.f32 $4.525483320e+01, v6;
	[tilespmem:s24+$0x8A00] =	vst v4;
	v4 =	vld [tilespmem:s24+$0xA70]  }
0x5f: {  	v7 =	vmul.f32 $4.525483320e+01, v7;
	[tilespmem:s24+$0x8A10] =	vst v5;
	v5 =	vld [tilespmem:s24+$0xE00]  }
0x60: {  	v8 =	vmul.f32 $4.525483320e+01, v8;
	[tilespmem:s24+$0x8A20] =	vst v6;
	v6 =	vld [tilespmem:s24+$0xE10]  }
0x61: {  	[tilespmem:s24+$0x8A30] =	vst v7;
	v7 =	vld [tilespmem:s24+$0xE20];
	v3 =	vmul.f32 $4.525483320e+01, v3  }
0x62: {  	[tilespmem:s24+$0x8A40] =	vst v8;
	v8 =	vld [tilespmem:s24+$0xE30];
	v2 =	vmul.f32 $4.525483320e+01, v2  }
0x63: {  	[tilespmem:s24+$0x8A50] =	vst v3;
	v3 =	vld [tilespmem:s24+$0xE40];
	v4 =	vmul.f32 $4.525483320e+01, v4  }
0x64: {  	v5 =	vmul.f32 $4.525483320e+01, v5;
	[tilespmem:s24+$0x8A60] =	vst v2;
	v2 =	vld [tilespmem:s24+$0xE50]  }
0x65: {  	v6 =	vmul.f32 $4.525483320e+01, v6;
	[tilespmem:s24+$0x8A70] =	vst v4;
	v4 =	vld [tilespmem:s24+$0xE60]  }
0x66: {  	v7 =	vmul.f32 $4.525483320e+01, v7;
	[tilespmem:s24+$0x8E00] =	vst v5;
	v5 =	vld [tilespmem:s24+$0xE70]  }
0x67: {  	v8 =	vmul.f32 $4.525483320e+01, v8;
	[tilespmem:s24+$0x8E10] =	vst v6;
	v6 =	vld [tilespmem:s24+$0x1200]  }
0x68: {  	[tilespmem:s24+$0x8E20] =	vst v7;
	v7 =	vld [tilespmem:s24+$0x1210];
	v3 =	vmul.f32 $4.525483320e+01, v3  }
0x69: {  	[tilespmem:s24+$0x8E30] =	vst v8;
	v8 =	vld [tilespmem:s24+$0x1220];
	v2 =	vmul.f32 $4.525483320e+01, v2  }
0x6a: {  	[tilespmem:s24+$0x8E40] =	vst v3;
	v3 =	vld [tilespmem:s24+$0x1230];
	v4 =	vmul.f32 $4.525483320e+01, v4  }
0x6b: {  	v5 =	vmul.f32 $4.525483320e+01, v5;
	[tilespmem:s24+$0x8E50] =	vst v2;
	v2 =	vld [tilespmem:s24+$0x1240]  }
0x6c: {  	v6 =	vmul.f32 $4.525483320e+01, v6;
	[tilespmem:s24+$0x8E60] =	vst v4;
	v4 =	vld [tilespmem:s24+$0x1250]  }
0x6d: {  	v7 =	vmul.f32 $4.525483320e+01, v7;
	[tilespmem:s24+$0x8E70] =	vst v5;
	v5 =	vld [tilespmem:s24+$0x1260]  }
0x6e: {  	v8 =	vmul.f32 $4.525483320e+01, v8;
	[tilespmem:s24+$0x9200] =	vst v6;
	v6 =	vld [tilespmem:s24+$0x1270]  }
0x6f: {  	[tilespmem:s24+$0x9210] =	vst v7;
	v7 =	vld [tilespmem:s24+$0x1600];
	v3 =	vmul.f32 $4.525483320e+01, v3  }
0x70: {  	[tilespmem:s24+$0x9220] =	vst v8;
	v8 =	vld [tilespmem:s24+$0x1610];
	v2 =	vmul.f32 $4.525483320e+01, v2  }
0x71: {  	[tilespmem:s24+$0x9230] =	vst v3;
	v3 =	vld [tilespmem:s24+$0x1620];
	v4 =	vmul.f32 $4.525483320e+01, v4  }
0x72: {  	v5 =	vmul.f32 $4.525483320e+01, v5;
	[tilespmem:s24+$0x9240] =	vst v2;
	v2 =	vld [tilespmem:s24+$0x1630]  }
0x73: {  	v6 =	vmul.f32 $4.525483320e+01, v6;
	[tilespmem:s24+$0x9250] =	vst v4;
	v4 =	vld [tilespmem:s24+$0x1640]  }
0x74: {  	v7 =	vmul.f32 $4.525483320e+01, v7;
	[tilespmem:s24+$0x9260] =	vst v5;
	v5 =	vld [tilespmem:s24+$0x1650]  }
0x75: {  	v8 =	vmul.f32 $4.525483320e+01, v8;
	[tilespmem:s24+$0x9270] =	vst v6;
	v6 =	vld [tilespmem:s24+$0x1660]  }
0x76: {  	[tilespmem:s24+$0x9600] =	vst v7;
	v7 =	vld [tilespmem:s24+$0x1670];
	v3 =	vmul.f32 $4.525483320e+01, v3  }
0x77: {  	[tilespmem:s24+$0x9610] =	vst v8;
	v8 =	vld [tilespmem:s24+$0x1A00];
	v2 =	vmul.f32 $4.525483320e+01, v2  }
0x78: {  	[tilespmem:s24+$0x9620] =	vst v3;
	v3 =	vld [tilespmem:s24+$0x1A10];
	v4 =	vmul.f32 $4.525483320e+01, v4  }
0x79: {  	v5 =	vmul.f32 $4.525483320e+01, v5;
	[tilespmem:s24+$0x9630] =	vst v2;
	v2 =	vld [tilespmem:s24+$0x1A20]  }
0x7a: {  	v6 =	vmul.f32 $4.525483320e+01, v6;
	[tilespmem:s24+$0x9640] =	vst v4;
	v4 =	vld [tilespmem:s24+$0x1A30]  }
0x7b: {  	v7 =	vmul.f32 $4.525483320e+01, v7;
	[tilespmem:s24+$0x9650] =	vst v5;
	v5 =	vld [tilespmem:s24+$0x1A40]  }
0x7c: {  	v8 =	vmul.f32 $4.525483320e+01, v8;
	[tilespmem:s24+$0x9660] =	vst v6;
	v6 =	vld [tilespmem:s24+$0x1A50]  }
0x7d: {  	[tilespmem:s24+$0x9670] =	vst v7;
	v7 =	vld [tilespmem:s24+$0x1A60];
	v3 =	vmul.f32 $4.525483320e+01, v3  }
0x7e: {  	[tilespmem:s24+$0x9A00] =	vst v8;
	v8 =	vld [tilespmem:s24+$0x1A70];
	v2 =	vmul.f32 $4.525483320e+01, v2  }
0x7f: {  	[tilespmem:s24+$0x9A10] =	vst v3;
	v3 =	vld [tilespmem:s24+$0x1E00];
	v4 =	vmul.f32 $4.525483320e+01, v4  }
0x80: {  	v5 =	vmul.f32 $4.525483320e+01, v5;
	[tilespmem:s24+$0x9A20] =	vst v2;
	v2 =	vld [tilespmem:s24+$0x1E10]  }
0x81: {  	v6 =	vmul.f32 $4.525483320e+01, v6;
	[tilespmem:s24+$0x9A30] =	vst v4;
	v4 =	vld [tilespmem:s24+$0x1E20]  }
0x82: {  	v7 =	vmul.f32 $4.525483320e+01, v7;
	[tilespmem:s24+$0x9A40] =	vst v5;
	v5 =	vld [tilespmem:s24+$0x1E30]  }
0x83: {  	v8 =	vmul.f32 $4.525483320e+01, v8;
	[tilespmem:s24+$0x9A50] =	vst v6;
	v6 =	vld [tilespmem:s24+$0x1E40]  }
0x84: {  	[tilespmem:s24+$0x9A60] =	vst v7;
	v7 =	vld [tilespmem:s24+$0x1E50];
	v3 =	vmul.f32 $4.525483320e+01, v3  }
0x85: {  	[tilespmem:s24+$0x9A70] =	vst v8;
	v8 =	vld [tilespmem:s24+$0x1E60];
	v2 =	vmul.f32 $4.525483320e+01, v2  }
0x86: {  	[tilespmem:s24+$0x9E00] =	vst v3;
	v3 =	vld [tilespmem:s24+$0x1E70];
	v4 =	vmul.f32 $4.525483320e+01, v4  }
0x87: {  	v5 =	vmul.f32 $4.525483320e+01, v5;
	[tilespmem:s24+$0x9E10] =	vst v2;
	v2 =	vld [tilespmem:s24+$0x2200]  }
0x88: {  	v6 =	vmul.f32 $4.525483320e+01, v6;
	[tilespmem:s24+$0x9E20] =	vst v4;
	v4 =	vld [tilespmem:s24+$0x2210]  }
0x89: {  	v7 =	vmul.f32 $4.525483320e+01, v7;
	[tilespmem:s24+$0x9E30] =	vst v5;
	v5 =	vld [tilespmem:s24+$0x2220]  }
0x8a: {  	v8 =	vmul.f32 $4.525483320e+01, v8;
	[tilespmem:s24+$0x9E40] =	vst v6;
	v6 =	vld [tilespmem:s24+$0x2230]  }
0x8b: {  	[tilespmem:s24+$0x9E50] =	vst v7;
	v7 =	vld [tilespmem:s24+$0x2240];
	v3 =	vmul.f32 $4.525483320e+01, v3  }
0x8c: {  	[tilespmem:s24+$0x9E60] =	vst v8;
	v8 =	vld [tilespmem:s24+$0x2250];
	v2 =	vmul.f32 $4.525483320e+01, v2  }
0x8d: {  	[tilespmem:s24+$0x9E70] =	vst v3;
	v3 =	vld [tilespmem:s24+$0x2260];
	v4 =	vmul.f32 $4.525483320e+01, v4  }
0x8e: {  	v5 =	vmul.f32 $4.525483320e+01, v5;
	[tilespmem:s24+$0xA200] =	vst v2;
	v2 =	vld [tilespmem:s24+$0x2270]  }
0x8f: {  	v6 =	vmul.f32 $4.525483320e+01, v6;
	[tilespmem:s24+$0xA210] =	vst v4;
	v4 =	vld [tilespmem:s24+$0x2600]  }
0x90: {  	v7 =	vmul.f32 $4.525483320e+01, v7;
	[tilespmem:s24+$0xA220] =	vst v5;
	v5 =	vld [tilespmem:s24+$0x2610]  }
0x91: {  	v8 =	vmul.f32 $4.525483320e+01, v8;
	[tilespmem:s24+$0xA230] =	vst v6;
	v6 =	vld [tilespmem:s24+$0x2620]  }
0x92: {  	[tilespmem:s24+$0xA240] =	vst v7;
	v7 =	vld [tilespmem:s24+$0x2630];
	v3 =	vmul.f32 $4.525483320e+01, v3  }
0x93: {  	[tilespmem:s24+$0xA250] =	vst v8;
	v8 =	vld [tilespmem:s24+$0x2640];
	v2 =	vmul.f32 $4.525483320e+01, v2  }
0x94: {  	[tilespmem:s24+$0xA260] =	vst v3;
	v3 =	vld [tilespmem:s24+$0x2650];
	v4 =	vmul.f32 $4.525483320e+01, v4  }
0x95: {  	v5 =	vmul.f32 $4.525483320e+01, v5;
	[tilespmem:s24+$0xA270] =	vst v2;
	v2 =	vld [tilespmem:s24+$0x2660]  }
0x96: {  	v6 =	vmul.f32 $4.525483320e+01, v6;
	[tilespmem:s24+$0xA600] =	vst v4;
	v4 =	vld [tilespmem:s24+$0x2670]  }
0x97: {  	v7 =	vmul.f32 $4.525483320e+01, v7;
	[tilespmem:s24+$0xA610] =	vst v5;
	v5 =	vld [tilespmem:s24+$0x2A00]  }
0x98: {  	v8 =	vmul.f32 $4.525483320e+01, v8;
	[tilespmem:s24+$0xA620] =	vst v6;
	v6 =	vld [tilespmem:s24+$0x2A10]  }
0x99: {  	[tilespmem:s24+$0xA630] =	vst v7;
	v7 =	vld [tilespmem:s24+$0x2A20];
	v3 =	vmul.f32 $4.525483320e+01, v3  }
0x9a: {  	[tilespmem:s24+$0xA640] =	vst v8;
	v8 =	vld [tilespmem:s24+$0x2A30];
	v2 =	vmul.f32 $4.525483320e+01, v2  }
0x9b: {  	[tilespmem:s24+$0xA650] =	vst v3;
	v3 =	vld [tilespmem:s24+$0x2A40];
	v4 =	vmul.f32 $4.525483320e+01, v4  }
0x9c: {  	v5 =	vmul.f32 $4.525483320e+01, v5;
	[tilespmem:s24+$0xA660] =	vst v2;
	v2 =	vld [tilespmem:s24+$0x2A50]  }
0x9d: {  	v6 =	vmul.f32 $4.525483320e+01, v6;
	[tilespmem:s24+$0xA670] =	vst v4;
	v4 =	vld [tilespmem:s24+$0x2A60]  }
0x9e: {  	v7 =	vmul.f32 $4.525483320e+01, v7;
	[tilespmem:s24+$0xAA00] =	vst v5;
	v5 =	vld [tilespmem:s24+$0x2A70]  }
0x9f: {  	v8 =	vmul.f32 $4.525483320e+01, v8;
	[tilespmem:s24+$0xAA10] =	vst v6;
	v6 =	vld [tilespmem:s24+$0x2E00]  }
0xa0: {  	[tilespmem:s24+$0xAA20] =	vst v7;
	v7 =	vld [tilespmem:s24+$0x2E10];
	v3 =	vmul.f32 $4.525483320e+01, v3  }
0xa1: {  	[tilespmem:s24+$0xAA30] =	vst v8;
	v8 =	vld [tilespmem:s24+$0x2E20];
	v2 =	vmul.f32 $4.525483320e+01, v2  }
0xa2: {  	[tilespmem:s24+$0xAA40] =	vst v3;
	v3 =	vld [tilespmem:s24+$0x2E30];
	v4 =	vmul.f32 $4.525483320e+01, v4  }
0xa3: {  	v5 =	vmul.f32 $4.525483320e+01, v5;
	[tilespmem:s24+$0xAA50] =	vst v2;
	v2 =	vld [tilespmem:s24+$0x2E40]  }
0xa4: {  	v6 =	vmul.f32 $4.525483320e+01, v6;
	[tilespmem:s24+$0xAA60] =	vst v4;
	v4 =	vld [tilespmem:s24+$0x2E50]  }
0xa5: {  	v7 =	vmul.f32 $4.525483320e+01, v7;
	[tilespmem:s24+$0xAA70] =	vst v5;
	v5 =	vld [tilespmem:s24+$0x2E60]  }
0xa6: {  	v8 =	vmul.f32 $4.525483320e+01, v8;
	[tilespmem:s24+$0xAE00] =	vst v6;
	v6 =	vld [tilespmem:s24+$0x2E70]  }
0xa7: {  	[tilespmem:s24+$0xAE10] =	vst v7;
	v7 =	vld [tilespmem:s24+$0x3200];
	v3 =	vmul.f32 $4.525483320e+01, v3  }
0xa8: {  	[tilespmem:s24+$0xAE20] =	vst v8;
	v8 =	vld [tilespmem:s24+$0x3210];
	v2 =	vmul.f32 $4.525483320e+01, v2  }
0xa9: {  	[tilespmem:s24+$0xAE30] =	vst v3;
	v3 =	vld [tilespmem:s24+$0x3220];
	v4 =	vmul.f32 $4.525483320e+01, v4  }
0xaa: {  	v5 =	vmul.f32 $4.525483320e+01, v5;
	[tilespmem:s24+$0xAE40] =	vst v2;
	v2 =	vld [tilespmem:s24+$0x3230]  }
0xab: {  	v6 =	vmul.f32 $4.525483320e+01, v6;
	[tilespmem:s24+$0xAE50] =	vst v4;
	v4 =	vld [tilespmem:s24+$0x3240]  }
0xac: {  	v7 =	vmul.f32 $4.525483320e+01, v7;
	[tilespmem:s24+$0xAE60] =	vst v5;
	v5 =	vld [tilespmem:s24+$0x3250]  }
0xad: {  	v8 =	vmul.f32 $4.525483320e+01, v8;
	[tilespmem:s24+$0xAE70] =	vst v6;
	v6 =	vld [tilespmem:s24+$0x3260]  }
0xae: {  	[tilespmem:s24+$0xB200] =	vst v7;
	v7 =	vld [tilespmem:s24+$0x3270];
	v3 =	vmul.f32 $4.525483320e+01, v3  }
0xaf: {  	[tilespmem:s24+$0xB210] =	vst v8;
	v8 =	vld [tilespmem:s24+$0x3600];
	v2 =	vmul.f32 $4.525483320e+01, v2  }
0xb0: {  	[tilespmem:s24+$0xB220] =	vst v3;
	v3 =	vld [tilespmem:s24+$0x3610];
	v4 =	vmul.f32 $4.525483320e+01, v4  }
0xb1: {  	v5 =	vmul.f32 $4.525483320e+01, v5;
	[tilespmem:s24+$0xB230] =	vst v2;
	v2 =	vld [tilespmem:s24+$0x3620]  }
0xb2: {  	v6 =	vmul.f32 $4.525483320e+01, v6;
	[tilespmem:s24+$0xB240] =	vst v4;
	v4 =	vld [tilespmem:s24+$0x3630]  }
0xb3: {  	v7 =	vmul.f32 $4.525483320e+01, v7;
	[tilespmem:s24+$0xB250] =	vst v5;
	v5 =	vld [tilespmem:s24+$0x3640]  }
0xb4: {  	v8 =	vmul.f32 $4.525483320e+01, v8;
	[tilespmem:s24+$0xB260] =	vst v6;
	v6 =	vld [tilespmem:s24+$0x3650]  }
0xb5: {  	[tilespmem:s24+$0xB270] =	vst v7;
	v7 =	vld [tilespmem:s24+$0x3660];
	v3 =	vmul.f32 $4.525483320e+01, v3  }
0xb6: {  	[tilespmem:s24+$0xB600] =	vst v8;
	v8 =	vld [tilespmem:s24+$0x3670];
	v2 =	vmul.f32 $4.525483320e+01, v2  }
0xb7: {  	[tilespmem:s24+$0xB610] =	vst v3;
	v3 =	vld [tilespmem:s24+$0x3A00];
	v4 =	vmul.f32 $4.525483320e+01, v4  }
0xb8: {  	v5 =	vmul.f32 $4.525483320e+01, v5;
	[tilespmem:s24+$0xB620] =	vst v2;
	v2 =	vld [tilespmem:s24+$0x3A10]  }
0xb9: {  	v6 =	vmul.f32 $4.525483320e+01, v6;
	[tilespmem:s24+$0xB630] =	vst v4;
	v4 =	vld [tilespmem:s24+$0x3A20]  }
0xba: {  	v7 =	vmul.f32 $4.525483320e+01, v7;
	[tilespmem:s24+$0xB640] =	vst v5;
	v5 =	vld [tilespmem:s24+$0x3A30]  }
0xbb: {  	v8 =	vmul.f32 $4.525483320e+01, v8;
	[tilespmem:s24+$0xB650] =	vst v6;
	v6 =	vld [tilespmem:s24+$0x3A40]  }
0xbc: {  	[tilespmem:s24+$0xB660] =	vst v7;
	v7 =	vld [tilespmem:s24+$0x3A50];
	v3 =	vmul.f32 $4.525483320e+01, v3  }
0xbd: {  	[tilespmem:s24+$0xB670] =	vst v8;
	v8 =	vld [tilespmem:s24+$0x3A60];
	v2 =	vmul.f32 $4.525483320e+01, v2  }
0xbe: {  	v9 =	vld [tilespmem:s24+$0x3A70];
	[tilespmem:s24+$0xBA00] =	vst v3;
	v3 =	vmul.f32 $4.525483320e+01, v4  }
0xbf: {  	v10 =	vld [tilespmem:s24+$0x3E00];
	[tilespmem:s24+$0xBA10] =	vst v2;
	v2 =	vmul.f32 $4.525483320e+01, v5  }
0xc0: {  	v11 =	vld [tilespmem:s24+$0x3E10];
	[tilespmem:s24+$0xBA20] =	vst v3;
	v3 =	vmul.f32 $4.525483320e+01, v6  }
0xc1: {  	v4 =	vmul.f32 $4.525483320e+01, v7;
	[tilespmem:s24+$0xBA30] =	vst v2;
	v2 =	vld [tilespmem:s24+$0x3E20]  }
0xc2: {  	v5 =	vmul.f32 $4.525483320e+01, v8;
	[tilespmem:s24+$0xBA40] =	vst v3;
	v3 =	vld [tilespmem:s24+$0x3E30]  }
0xc3: {  	[tilespmem:s24+$0xBA50] =	vst v4;
	v4 =	vld [tilespmem:s24+$0x3E40];
	v6 =	vmul.f32 $4.525483320e+01, v9  }
0xc4: {  	v7 =	vmul.f32 $4.525483320e+01, v10;
	[tilespmem:s24+$0xBA60] =	vst v5;
	v5 =	vld [tilespmem:s24+$0x3E50]  }
0xc5: {  	s26 =	simm.s32 $0x80;
	s25 =	simm.s32 $0x2;
	s23 =	sshll.u32 s22, $0x6;
	v8 =	vmul.f32 $4.525483320e+01, v11;
	[tilespmem:s24+$0xBA70] =	vst v6;
	v6 =	vld [tilespmem:s24+$0x3E60]  }
.LBB2_3:
0xc6: {  	p0 =	sne.s32 s25, $0x7;
	v9 =	vld [tilespmem:s26+$0x3E70];
	[tilespmem:s24+$0xBE00] =	vst v7;
	v2 =	vmul.f32 $4.525483320e+01, v2  }
0xc7: {  	v7 =	vld [tilespmem:s26+$0x200];
	[tilespmem:s24+$0xBE10] =	vst v8;
	v3 =	vmul.f32 $4.525483320e+01, v3  }
0xc8: {  	v8 =	vld [tilespmem:s26+$0x210];
	[tilespmem:s24+$0xBE20] =	vst v2;
	v2 =	vmul.f32 $4.525483320e+01, v4  }
0xc9: {  	v4 =	vld [tilespmem:s26+$0x220];
	[tilespmem:s24+$0xBE30] =	vst v3;
	v3 =	vmul.f32 $4.525483320e+01, v5  }
0xca: {  	v5 =	vld [tilespmem:s26+$0x230];
	[tilespmem:s24+$0xBE40] =	vst v2;
	v2 =	vmul.f32 $4.525483320e+01, v6  }
0xcb: {  	v6 =	vld [tilespmem:s26+$0x240];
	v9 =	vmul.f32 $4.525483320e+01, v9;
	[tilespmem:s24+$0xBE50] =	vst v3  }
0xcc: {  	v3 =	vmul.f32 $4.525483320e+01, v7;
	v7 =	vld [tilespmem:s26+$0x250];
	[tilespmem:s24+$0xBE60] =	vst v2;
	s24 =	smov.u32 s26  }
0xcd: {  	v2 =	vmul.f32 $4.525483320e+01, v8;
	v8 =	vld [tilespmem:s24+$0x260];
	[tilespmem:s24+$0xBE70] =	vst v9  }
0xce: {  	[tilespmem:s24+$0x8200] =	vst v3;
	v3 =	vmul.f32 $4.525483320e+01, v4;
	v4 =	vld [tilespmem:s24+$0x270]  }
0xcf: {  	[tilespmem:s24+$0x8210] =	vst v2;
	v2 =	vmul.f32 $4.525483320e+01, v5;
	v5 =	vld [tilespmem:s24+$0x600]  }
0xd0: {  	[tilespmem:s24+$0x8220] =	vst v3;
	v3 =	vmul.f32 $4.525483320e+01, v6;
	v6 =	vld [tilespmem:s24+$0x610]  }
0xd1: {  	[tilespmem:s24+$0x8230] =	vst v2;
	v2 =	vmul.f32 $4.525483320e+01, v7;
	v7 =	vld [tilespmem:s24+$0x620]  }
0xd2: {  	[tilespmem:s24+$0x8240] =	vst v3;
	v3 =	vmul.f32 $4.525483320e+01, v8;
	v8 =	vld [tilespmem:s24+$0x630]  }
0xd3: {  	[tilespmem:s24+$0x8250] =	vst v2;
	v2 =	vmul.f32 $4.525483320e+01, v4;
	v4 =	vld [tilespmem:s24+$0x640]  }
0xd4: {  	[tilespmem:s24+$0x8260] =	vst v3;
	v3 =	vmul.f32 $4.525483320e+01, v5;
	v5 =	vld [tilespmem:s24+$0x650]  }
0xd5: {  	[tilespmem:s24+$0x8270] =	vst v2;
	v2 =	vmul.f32 $4.525483320e+01, v6;
	v6 =	vld [tilespmem:s24+$0x660]  }
0xd6: {  	[tilespmem:s24+$0x8600] =	vst v3;
	v3 =	vmul.f32 $4.525483320e+01, v7;
	v7 =	vld [tilespmem:s24+$0x670]  }
0xd7: {  	[tilespmem:s24+$0x8610] =	vst v2;
	v2 =	vmul.f32 $4.525483320e+01, v8;
	v8 =	vld [tilespmem:s24+$0xA00]  }
0xd8: {  	[tilespmem:s24+$0x8620] =	vst v3;
	v3 =	vmul.f32 $4.525483320e+01, v4;
	v4 =	vld [tilespmem:s24+$0xA10]  }
0xd9: {  	[tilespmem:s24+$0x8630] =	vst v2;
	v2 =	vmul.f32 $4.525483320e+01, v5;
	v5 =	vld [tilespmem:s24+$0xA20]  }
0xda: {  	[tilespmem:s24+$0x8640] =	vst v3;
	v3 =	vmul.f32 $4.525483320e+01, v6;
	v6 =	vld [tilespmem:s24+$0xA30]  }
0xdb: {  	[tilespmem:s24+$0x8650] =	vst v2;
	v2 =	vmul.f32 $4.525483320e+01, v7;
	v7 =	vld [tilespmem:s24+$0xA40]  }
0xdc: {  	[tilespmem:s24+$0x8660] =	vst v3;
	v3 =	vmul.f32 $4.525483320e+01, v8;
	v8 =	vld [tilespmem:s24+$0xA50]  }
0xdd: {  	[tilespmem:s24+$0x8670] =	vst v2;
	v2 =	vmul.f32 $4.525483320e+01, v4;
	v4 =	vld [tilespmem:s24+$0xA60]  }
0xde: {  	[tilespmem:s24+$0x8A00] =	vst v3;
	v3 =	vmul.f32 $4.525483320e+01, v5;
	v5 =	vld [tilespmem:s24+$0xA70]  }
0xdf: {  	[tilespmem:s24+$0x8A10] =	vst v2;
	v2 =	vmul.f32 $4.525483320e+01, v6;
	v6 =	vld [tilespmem:s24+$0xE00]  }
0xe0: {  	[tilespmem:s24+$0x8A20] =	vst v3;
	v3 =	vmul.f32 $4.525483320e+01, v7;
	v7 =	vld [tilespmem:s24+$0xE10]  }
0xe1: {  	[tilespmem:s24+$0x8A30] =	vst v2;
	v2 =	vmul.f32 $4.525483320e+01, v8;
	v8 =	vld [tilespmem:s24+$0xE20]  }
0xe2: {  	[tilespmem:s24+$0x8A40] =	vst v3;
	v3 =	vmul.f32 $4.525483320e+01, v4;
	v4 =	vld [tilespmem:s24+$0xE30]  }
0xe3: {  	[tilespmem:s24+$0x8A50] =	vst v2;
	v2 =	vmul.f32 $4.525483320e+01, v5;
	v5 =	vld [tilespmem:s24+$0xE40]  }
0xe4: {  	[tilespmem:s24+$0x8A60] =	vst v3;
	v3 =	vmul.f32 $4.525483320e+01, v6;
	v6 =	vld [tilespmem:s24+$0xE50]  }
0xe5: {  	[tilespmem:s24+$0x8A70] =	vst v2;
	v2 =	vmul.f32 $4.525483320e+01, v7;
	v7 =	vld [tilespmem:s24+$0xE60]  }
0xe6: {  	[tilespmem:s24+$0x8E00] =	vst v3;
	v3 =	vmul.f32 $4.525483320e+01, v8;
	v8 =	vld [tilespmem:s24+$0xE70]  }
0xe7: {  	[tilespmem:s24+$0x8E10] =	vst v2;
	v2 =	vmul.f32 $4.525483320e+01, v4;
	v4 =	vld [tilespmem:s24+$0x1200]  }
0xe8: {  	[tilespmem:s24+$0x8E20] =	vst v3;
	v3 =	vmul.f32 $4.525483320e+01, v5;
	v5 =	vld [tilespmem:s24+$0x1210]  }
0xe9: {  	[tilespmem:s24+$0x8E30] =	vst v2;
	v2 =	vmul.f32 $4.525483320e+01, v6;
	v6 =	vld [tilespmem:s24+$0x1220]  }
0xea: {  	[tilespmem:s24+$0x8E40] =	vst v3;
	v3 =	vmul.f32 $4.525483320e+01, v7;
	v7 =	vld [tilespmem:s24+$0x1230]  }
0xeb: {  	[tilespmem:s24+$0x8E50] =	vst v2;
	v2 =	vmul.f32 $4.525483320e+01, v8;
	v8 =	vld [tilespmem:s24+$0x1240]  }
0xec: {  	[tilespmem:s24+$0x8E60] =	vst v3;
	v3 =	vmul.f32 $4.525483320e+01, v4;
	v4 =	vld [tilespmem:s24+$0x1250]  }
0xed: {  	[tilespmem:s24+$0x8E70] =	vst v2;
	v2 =	vmul.f32 $4.525483320e+01, v5;
	v5 =	vld [tilespmem:s24+$0x1260]  }
0xee: {  	[tilespmem:s24+$0x9200] =	vst v3;
	v3 =	vmul.f32 $4.525483320e+01, v6;
	v6 =	vld [tilespmem:s24+$0x1270]  }
0xef: {  	[tilespmem:s24+$0x9210] =	vst v2;
	v2 =	vmul.f32 $4.525483320e+01, v7;
	v7 =	vld [tilespmem:s24+$0x1600]  }
0xf0: {  	[tilespmem:s24+$0x9220] =	vst v3;
	v3 =	vmul.f32 $4.525483320e+01, v8;
	v8 =	vld [tilespmem:s24+$0x1610]  }
0xf1: {  	[tilespmem:s24+$0x9230] =	vst v2;
	v2 =	vmul.f32 $4.525483320e+01, v4;
	v4 =	vld [tilespmem:s24+$0x1620]  }
0xf2: {  	[tilespmem:s24+$0x9240] =	vst v3;
	v3 =	vmul.f32 $4.525483320e+01, v5;
	v5 =	vld [tilespmem:s24+$0x1630]  }
0xf3: {  	[tilespmem:s24+$0x9250] =	vst v2;
	v2 =	vmul.f32 $4.525483320e+01, v6;
	v6 =	vld [tilespmem:s24+$0x1640]  }
0xf4: {  	[tilespmem:s24+$0x9260] =	vst v3;
	v3 =	vmul.f32 $4.525483320e+01, v7;
	v7 =	vld [tilespmem:s24+$0x1650]  }
0xf5: {  	[tilespmem:s24+$0x9270] =	vst v2;
	v2 =	vmul.f32 $4.525483320e+01, v8;
	v8 =	vld [tilespmem:s24+$0x1660]  }
0xf6: {  	[tilespmem:s24+$0x9600] =	vst v3;
	v3 =	vmul.f32 $4.525483320e+01, v4;
	v4 =	vld [tilespmem:s24+$0x1670]  }
0xf7: {  	[tilespmem:s24+$0x9610] =	vst v2;
	v2 =	vmul.f32 $4.525483320e+01, v5;
	v5 =	vld [tilespmem:s24+$0x1A00]  }
0xf8: {  	[tilespmem:s24+$0x9620] =	vst v3;
	v3 =	vmul.f32 $4.525483320e+01, v6;
	v6 =	vld [tilespmem:s24+$0x1A10]  }
0xf9: {  	[tilespmem:s24+$0x9630] =	vst v2;
	v2 =	vmul.f32 $4.525483320e+01, v7;
	v7 =	vld [tilespmem:s24+$0x1A20]  }
0xfa: {  	[tilespmem:s24+$0x9640] =	vst v3;
	v3 =	vmul.f32 $4.525483320e+01, v8;
	v8 =	vld [tilespmem:s24+$0x1A30]  }
0xfb: {  	[tilespmem:s24+$0x9650] =	vst v2;
	v2 =	vmul.f32 $4.525483320e+01, v4;
	v4 =	vld [tilespmem:s24+$0x1A40]  }
0xfc: {  	[tilespmem:s24+$0x9660] =	vst v3;
	v3 =	vmul.f32 $4.525483320e+01, v5;
	v5 =	vld [tilespmem:s24+$0x1A50]  }
0xfd: {  	[tilespmem:s24+$0x9670] =	vst v2;
	v2 =	vmul.f32 $4.525483320e+01, v6;
	v6 =	vld [tilespmem:s24+$0x1A60]  }
0xfe: {  	[tilespmem:s24+$0x9A00] =	vst v3;
	v3 =	vmul.f32 $4.525483320e+01, v7;
	v7 =	vld [tilespmem:s24+$0x1A70]  }
0xff: {  	[tilespmem:s24+$0x9A10] =	vst v2;
	v2 =	vmul.f32 $4.525483320e+01, v8;
	v8 =	vld [tilespmem:s24+$0x1E00]  }
0x100: {  	[tilespmem:s24+$0x9A20] =	vst v3;
	v3 =	vmul.f32 $4.525483320e+01, v4;
	v4 =	vld [tilespmem:s24+$0x1E10]  }
0x101: {  	[tilespmem:s24+$0x9A30] =	vst v2;
	v2 =	vmul.f32 $4.525483320e+01, v5;
	v5 =	vld [tilespmem:s24+$0x1E20]  }
0x102: {  	[tilespmem:s24+$0x9A40] =	vst v3;
	v3 =	vmul.f32 $4.525483320e+01, v6;
	v6 =	vld [tilespmem:s24+$0x1E30]  }
0x103: {  	[tilespmem:s24+$0x9A50] =	vst v2;
	v2 =	vmul.f32 $4.525483320e+01, v7;
	v7 =	vld [tilespmem:s24+$0x1E40]  }
0x104: {  	[tilespmem:s24+$0x9A60] =	vst v3;
	v3 =	vmul.f32 $4.525483320e+01, v8;
	v8 =	vld [tilespmem:s24+$0x1E50]  }
0x105: {  	[tilespmem:s24+$0x9A70] =	vst v2;
	v2 =	vmul.f32 $4.525483320e+01, v4;
	v4 =	vld [tilespmem:s24+$0x1E60]  }
0x106: {  	[tilespmem:s24+$0x9E00] =	vst v3;
	v3 =	vmul.f32 $4.525483320e+01, v5;
	v5 =	vld [tilespmem:s24+$0x1E70]  }
0x107: {  	[tilespmem:s24+$0x9E10] =	vst v2;
	v2 =	vmul.f32 $4.525483320e+01, v6;
	v6 =	vld [tilespmem:s24+$0x2200]  }
0x108: {  	[tilespmem:s24+$0x9E20] =	vst v3;
	v3 =	vmul.f32 $4.525483320e+01, v7;
	v7 =	vld [tilespmem:s24+$0x2210]  }
0x109: {  	[tilespmem:s24+$0x9E30] =	vst v2;
	v2 =	vmul.f32 $4.525483320e+01, v8;
	v8 =	vld [tilespmem:s24+$0x2220]  }
0x10a: {  	[tilespmem:s24+$0x9E40] =	vst v3;
	v3 =	vmul.f32 $4.525483320e+01, v4;
	v4 =	vld [tilespmem:s24+$0x2230]  }
0x10b: {  	[tilespmem:s24+$0x9E50] =	vst v2;
	v2 =	vmul.f32 $4.525483320e+01, v5;
	v5 =	vld [tilespmem:s24+$0x2240]  }
0x10c: {  	[tilespmem:s24+$0x9E60] =	vst v3;
	v3 =	vmul.f32 $4.525483320e+01, v6;
	v6 =	vld [tilespmem:s24+$0x2250]  }
0x10d: {  	[tilespmem:s24+$0x9E70] =	vst v2;
	v2 =	vmul.f32 $4.525483320e+01, v7;
	v7 =	vld [tilespmem:s24+$0x2260]  }
0x10e: {  	[tilespmem:s24+$0xA200] =	vst v3;
	v3 =	vmul.f32 $4.525483320e+01, v8;
	v8 =	vld [tilespmem:s24+$0x2270]  }
0x10f: {  	[tilespmem:s24+$0xA210] =	vst v2;
	v2 =	vmul.f32 $4.525483320e+01, v4;
	v4 =	vld [tilespmem:s24+$0x2600]  }
0x110: {  	[tilespmem:s24+$0xA220] =	vst v3;
	v3 =	vmul.f32 $4.525483320e+01, v5;
	v5 =	vld [tilespmem:s24+$0x2610]  }
0x111: {  	[tilespmem:s24+$0xA230] =	vst v2;
	v2 =	vmul.f32 $4.525483320e+01, v6;
	v6 =	vld [tilespmem:s24+$0x2620]  }
0x112: {  	[tilespmem:s24+$0xA240] =	vst v3;
	v3 =	vmul.f32 $4.525483320e+01, v7;
	v7 =	vld [tilespmem:s24+$0x2630]  }
0x113: {  	[tilespmem:s24+$0xA250] =	vst v2;
	v2 =	vmul.f32 $4.525483320e+01, v8;
	v8 =	vld [tilespmem:s24+$0x2640]  }
0x114: {  	[tilespmem:s24+$0xA260] =	vst v3;
	v3 =	vmul.f32 $4.525483320e+01, v4;
	v4 =	vld [tilespmem:s24+$0x2650]  }
0x115: {  	[tilespmem:s24+$0xA270] =	vst v2;
	v2 =	vmul.f32 $4.525483320e+01, v5;
	v5 =	vld [tilespmem:s24+$0x2660]  }
0x116: {  	[tilespmem:s24+$0xA600] =	vst v3;
	v3 =	vmul.f32 $4.525483320e+01, v6;
	v6 =	vld [tilespmem:s24+$0x2670]  }
0x117: {  	[tilespmem:s24+$0xA610] =	vst v2;
	v2 =	vmul.f32 $4.525483320e+01, v7;
	v7 =	vld [tilespmem:s24+$0x2A00]  }
0x118: {  	[tilespmem:s24+$0xA620] =	vst v3;
	v3 =	vmul.f32 $4.525483320e+01, v8;
	v8 =	vld [tilespmem:s24+$0x2A10]  }
0x119: {  	[tilespmem:s24+$0xA630] =	vst v2;
	v2 =	vmul.f32 $4.525483320e+01, v4;
	v4 =	vld [tilespmem:s24+$0x2A20]  }
0x11a: {  	[tilespmem:s24+$0xA640] =	vst v3;
	v3 =	vmul.f32 $4.525483320e+01, v5;
	v5 =	vld [tilespmem:s24+$0x2A30]  }
0x11b: {  	[tilespmem:s24+$0xA650] =	vst v2;
	v2 =	vmul.f32 $4.525483320e+01, v6;
	v6 =	vld [tilespmem:s24+$0x2A40]  }
0x11c: {  	[tilespmem:s24+$0xA660] =	vst v3;
	v3 =	vmul.f32 $4.525483320e+01, v7;
	v7 =	vld [tilespmem:s24+$0x2A50]  }
0x11d: {  	[tilespmem:s24+$0xA670] =	vst v2;
	v2 =	vmul.f32 $4.525483320e+01, v8;
	v8 =	vld [tilespmem:s24+$0x2A60]  }
0x11e: {  	[tilespmem:s24+$0xAA00] =	vst v3;
	v3 =	vmul.f32 $4.525483320e+01, v4;
	v4 =	vld [tilespmem:s24+$0x2A70]  }
0x11f: {  	[tilespmem:s24+$0xAA10] =	vst v2;
	v2 =	vmul.f32 $4.525483320e+01, v5;
	v5 =	vld [tilespmem:s24+$0x2E00]  }
0x120: {  	[tilespmem:s24+$0xAA20] =	vst v3;
	v3 =	vmul.f32 $4.525483320e+01, v6;
	v6 =	vld [tilespmem:s24+$0x2E10]  }
0x121: {  	[tilespmem:s24+$0xAA30] =	vst v2;
	v2 =	vmul.f32 $4.525483320e+01, v7;
	v7 =	vld [tilespmem:s24+$0x2E20]  }
0x122: {  	[tilespmem:s24+$0xAA40] =	vst v3;
	v3 =	vmul.f32 $4.525483320e+01, v8;
	v8 =	vld [tilespmem:s24+$0x2E30]  }
0x123: {  	[tilespmem:s24+$0xAA50] =	vst v2;
	v2 =	vmul.f32 $4.525483320e+01, v4;
	v4 =	vld [tilespmem:s24+$0x2E40]  }
0x124: {  	[tilespmem:s24+$0xAA60] =	vst v3;
	v3 =	vmul.f32 $4.525483320e+01, v5;
	v5 =	vld [tilespmem:s24+$0x2E50]  }
0x125: {  	[tilespmem:s24+$0xAA70] =	vst v2;
	v2 =	vmul.f32 $4.525483320e+01, v6;
	v6 =	vld [tilespmem:s24+$0x2E60]  }
0x126: {  	[tilespmem:s24+$0xAE00] =	vst v3;
	v3 =	vmul.f32 $4.525483320e+01, v7;
	v7 =	vld [tilespmem:s24+$0x2E70]  }
0x127: {  	[tilespmem:s24+$0xAE10] =	vst v2;
	v2 =	vmul.f32 $4.525483320e+01, v8;
	v8 =	vld [tilespmem:s24+$0x3200]  }
0x128: {  	[tilespmem:s24+$0xAE20] =	vst v3;
	v3 =	vmul.f32 $4.525483320e+01, v4;
	v4 =	vld [tilespmem:s24+$0x3210]  }
0x129: {  	[tilespmem:s24+$0xAE30] =	vst v2;
	v2 =	vmul.f32 $4.525483320e+01, v5;
	v5 =	vld [tilespmem:s24+$0x3220]  }
0x12a: {  	[tilespmem:s24+$0xAE40] =	vst v3;
	v3 =	vmul.f32 $4.525483320e+01, v6;
	v6 =	vld [tilespmem:s24+$0x3230]  }
0x12b: {  	[tilespmem:s24+$0xAE50] =	vst v2;
	v2 =	vmul.f32 $4.525483320e+01, v7;
	v7 =	vld [tilespmem:s24+$0x3240]  }
0x12c: {  	[tilespmem:s24+$0xAE60] =	vst v3;
	v3 =	vmul.f32 $4.525483320e+01, v8;
	v8 =	vld [tilespmem:s24+$0x3250]  }
0x12d: {  	[tilespmem:s24+$0xAE70] =	vst v2;
	v2 =	vmul.f32 $4.525483320e+01, v4;
	v4 =	vld [tilespmem:s24+$0x3260]  }
0x12e: {  	[tilespmem:s24+$0xB200] =	vst v3;
	v3 =	vmul.f32 $4.525483320e+01, v5;
	v5 =	vld [tilespmem:s24+$0x3270]  }
0x12f: {  	[tilespmem:s24+$0xB210] =	vst v2;
	v2 =	vmul.f32 $4.525483320e+01, v6;
	v6 =	vld [tilespmem:s24+$0x3600]  }
0x130: {  	[tilespmem:s24+$0xB220] =	vst v3;
	v3 =	vmul.f32 $4.525483320e+01, v7;
	v7 =	vld [tilespmem:s24+$0x3610]  }
0x131: {  	[tilespmem:s24+$0xB230] =	vst v2;
	v2 =	vmul.f32 $4.525483320e+01, v8;
	v8 =	vld [tilespmem:s24+$0x3620]  }
0x132: {  	[tilespmem:s24+$0xB240] =	vst v3;
	v3 =	vmul.f32 $4.525483320e+01, v4;
	v4 =	vld [tilespmem:s24+$0x3630]  }
0x133: {  	[tilespmem:s24+$0xB250] =	vst v2;
	v2 =	vmul.f32 $4.525483320e+01, v5;
	v5 =	vld [tilespmem:s24+$0x3640]  }
0x134: {  	[tilespmem:s24+$0xB260] =	vst v3;
	v3 =	vmul.f32 $4.525483320e+01, v6;
	v6 =	vld [tilespmem:s24+$0x3650]  }
0x135: {  	[tilespmem:s24+$0xB270] =	vst v2;
	v2 =	vmul.f32 $4.525483320e+01, v7;
	v7 =	vld [tilespmem:s24+$0x3660]  }
0x136: {  	[tilespmem:s24+$0xB600] =	vst v3;
	v3 =	vmul.f32 $4.525483320e+01, v8;
	v8 =	vld [tilespmem:s24+$0x3670]  }
0x137: {  	[tilespmem:s24+$0xB610] =	vst v2;
	v2 =	vmul.f32 $4.525483320e+01, v4;
	v4 =	vld [tilespmem:s24+$0x3A00]  }
0x138: {  	[tilespmem:s24+$0xB620] =	vst v3;
	v3 =	vmul.f32 $4.525483320e+01, v5;
	v5 =	vld [tilespmem:s24+$0x3A10]  }
0x139: {  	[tilespmem:s24+$0xB630] =	vst v2;
	v2 =	vmul.f32 $4.525483320e+01, v6;
	v6 =	vld [tilespmem:s24+$0x3A20]  }
0x13a: {  	[tilespmem:s24+$0xB640] =	vst v3;
	v3 =	vmul.f32 $4.525483320e+01, v7;
	v7 =	vld [tilespmem:s24+$0x3A30]  }
0x13b: {  	[tilespmem:s24+$0xB650] =	vst v2;
	v2 =	vmul.f32 $4.525483320e+01, v8;
	v8 =	vld [tilespmem:s24+$0x3A40]  }
0x13c: {  	[tilespmem:s24+$0xB660] =	vst v3;
	v3 =	vmul.f32 $4.525483320e+01, v4;
	v4 =	vld [tilespmem:s24+$0x3A50]  }
0x13d: {  	[tilespmem:s24+$0xB670] =	vst v2;
	v2 =	vmul.f32 $4.525483320e+01, v5;
	v5 =	vld [tilespmem:s24+$0x3A60]  }
0x13e: {  	[tilespmem:s24+$0xBA00] =	vst v3;
	v3 =	vmul.f32 $4.525483320e+01, v6;
	v6 =	vld [tilespmem:s24+$0x3A70]  }
0x13f: {  	[tilespmem:s24+$0xBA10] =	vst v2;
	v2 =	vmul.f32 $4.525483320e+01, v7;
	v7 =	vld [tilespmem:s24+$0x3E00]  }
0x140: {  	[tilespmem:s24+$0xBA20] =	vst v3;
	v3 =	vmul.f32 $4.525483320e+01, v8;
	v8 =	vld [tilespmem:s24+$0x3E10]  }
.Ltmp0:
0x141: {  	[tilespmem:s24+$0xBA30] =	vst v2;
	v4 =	vmul.f32 $4.525483320e+01, v4;
	v2 =	vld [tilespmem:s24+$0x3E20];
	(pc) =	sbr.rel @p0 .LBB2_3-.Ltmp0, $4  }
0x142: {  	[tilespmem:s24+$0xBA40] =	vst v3;
	v5 =	vmul.f32 $4.525483320e+01, v5;
	v3 =	vld [tilespmem:s24+$0x3E30]  }
0x143: {  	[tilespmem:s24+$0xBA50] =	vst v4;
	v6 =	vmul.f32 $4.525483320e+01, v6;
	v4 =	vld [tilespmem:s24+$0x3E40]  }
0x144: {  	[tilespmem:s24+$0xBA60] =	vst v5;
	v7 =	vmul.f32 $4.525483320e+01, v7;
	v5 =	vld [tilespmem:s24+$0x3E50]  }
0x145: {  	s26 =	sshll.u32 s25, $0x7;
	s25 =	sadd.s32 $0x1, s25;
	[tilespmem:s24+$0xBA70] =	vst v6;
	v8 =	vmul.f32 $4.525483320e+01, v8;
	v6 =	vld [tilespmem:s24+$0x3E60]  }
0x146: {  	v9 =	vld [tilespmem:s26+$0x3E70];
	[tilespmem:s24+$0xBE00] =	vst v7;
	v2 =	vmul.f32 $4.525483320e+01, v2  }
0x147: {  	v7 =	vld [tilespmem:s26+$0x200];
	[tilespmem:s24+$0xBE10] =	vst v8;
	v3 =	vmul.f32 $4.525483320e+01, v3  }
0x148: {  	v8 =	vld [tilespmem:s26+$0x210];
	[tilespmem:s24+$0xBE20] =	vst v2;
	v4 =	vmul.f32 $4.525483320e+01, v4  }
0x149: {  	v2 =	vld [tilespmem:s26+$0x220];
	[tilespmem:s24+$0xBE30] =	vst v3;
	v5 =	vmul.f32 $4.525483320e+01, v5  }
0x14a: {  	v3 =	vld [tilespmem:s26+$0x230];
	[tilespmem:s24+$0xBE40] =	vst v4;
	v6 =	vmul.f32 $4.525483320e+01, v6  }
0x14b: {  	v4 =	vld [tilespmem:s26+$0x240];
	[tilespmem:s24+$0xBE50] =	vst v5;
	v9 =	vmul.f32 $4.525483320e+01, v9  }
0x14c: {  	v5 =	vld [tilespmem:s26+$0x250];
	[tilespmem:s24+$0xBE60] =	vst v6;
	v6 =	vmul.f32 $4.525483320e+01, v7  }
0x14d: {  	[tilespmem:s26+$0xBE70] =	vst v9;
	v8 =	vmul.f32 $4.525483320e+01, v8  }
0x14e: {  	v7 =	vld [tilespmem:s26+$0x260];
	[tilespmem:s26+$0x8200] =	vst v6;
	v2 =	vmul.f32 $4.525483320e+01, v2  }
0x14f: {  	v6 =	vld [tilespmem:s26+$0x270];
	[tilespmem:s26+$0x8210] =	vst v8;
	v3 =	vmul.f32 $4.525483320e+01, v3  }
0x150: {  	v8 =	vld [tilespmem:s26+$0x600];
	[tilespmem:s26+$0x8220] =	vst v2;
	v4 =	vmul.f32 $4.525483320e+01, v4  }
0x151: {  	v2 =	vld [tilespmem:s26+$0x610];
	[tilespmem:s26+$0x8230] =	vst v3;
	v5 =	vmul.f32 $4.525483320e+01, v5  }
0x152: {  	v3 =	vld [tilespmem:s26+$0x620];
	[tilespmem:s26+$0x8240] =	vst v4  }
0x153: {  	v4 =	vld [tilespmem:s26+$0x630];
	v7 =	vmul.f32 $4.525483320e+01, v7;
	[tilespmem:s26+$0x8250] =	vst v5  }
0x154: {  	v6 =	vmul.f32 $4.525483320e+01, v6;
	v5 =	vld [tilespmem:s26+$0x640]  }
0x155: {  	[tilespmem:s26+$0x8260] =	vst v7;
	v7 =	vld [tilespmem:s26+$0x650];
	v8 =	vmul.f32 $4.525483320e+01, v8  }
0x156: {  	[tilespmem:s26+$0x8270] =	vst v6;
	v6 =	vld [tilespmem:s26+$0x660];
	v2 =	vmul.f32 $4.525483320e+01, v2  }
0x157: {  	[tilespmem:s26+$0x8600] =	vst v8;
	v8 =	vld [tilespmem:s26+$0x670];
	v3 =	vmul.f32 $4.525483320e+01, v3  }
0x158: {  	[tilespmem:s26+$0x8610] =	vst v2;
	v2 =	vld [tilespmem:s26+$0xA00];
	v4 =	vmul.f32 $4.525483320e+01, v4  }
0x159: {  	[tilespmem:s26+$0x8620] =	vst v3;
	v3 =	vld [tilespmem:s26+$0xA10];
	v5 =	vmul.f32 $4.525483320e+01, v5  }
0x15a: {  	[tilespmem:s26+$0x8630] =	vst v4;
	v4 =	vld [tilespmem:s26+$0xA20];
	v7 =	vmul.f32 $4.525483320e+01, v7  }
0x15b: {  	v6 =	vmul.f32 $4.525483320e+01, v6;
	[tilespmem:s26+$0x8640] =	vst v5;
	v5 =	vld [tilespmem:s26+$0xA30]  }
0x15c: {  	[tilespmem:s26+$0x8650] =	vst v7;
	v7 =	vld [tilespmem:s26+$0xA40];
	v8 =	vmul.f32 $4.525483320e+01, v8  }
0x15d: {  	[tilespmem:s26+$0x8660] =	vst v6;
	v6 =	vld [tilespmem:s26+$0xA50];
	v2 =	vmul.f32 $4.525483320e+01, v2  }
0x15e: {  	[tilespmem:s26+$0x8670] =	vst v8;
	v8 =	vld [tilespmem:s26+$0xA60];
	v3 =	vmul.f32 $4.525483320e+01, v3  }
0x15f: {  	[tilespmem:s26+$0x8A00] =	vst v2;
	v2 =	vld [tilespmem:s26+$0xA70];
	v4 =	vmul.f32 $4.525483320e+01, v4  }
0x160: {  	[tilespmem:s26+$0x8A10] =	vst v3;
	v3 =	vld [tilespmem:s26+$0xE00];
	v5 =	vmul.f32 $4.525483320e+01, v5  }
0x161: {  	[tilespmem:s26+$0x8A20] =	vst v4;
	v4 =	vld [tilespmem:s26+$0xE10];
	v7 =	vmul.f32 $4.525483320e+01, v7  }
0x162: {  	v6 =	vmul.f32 $4.525483320e+01, v6;
	[tilespmem:s26+$0x8A30] =	vst v5;
	v5 =	vld [tilespmem:s26+$0xE20]  }
0x163: {  	[tilespmem:s26+$0x8A40] =	vst v7;
	v7 =	vld [tilespmem:s26+$0xE30];
	v8 =	vmul.f32 $4.525483320e+01, v8  }
0x164: {  	[tilespmem:s26+$0x8A50] =	vst v6;
	v6 =	vld [tilespmem:s26+$0xE40];
	v2 =	vmul.f32 $4.525483320e+01, v2  }
0x165: {  	[tilespmem:s26+$0x8A60] =	vst v8;
	v8 =	vld [tilespmem:s26+$0xE50];
	v3 =	vmul.f32 $4.525483320e+01, v3  }
0x166: {  	[tilespmem:s26+$0x8A70] =	vst v2;
	v2 =	vld [tilespmem:s26+$0xE60];
	v4 =	vmul.f32 $4.525483320e+01, v4  }
0x167: {  	[tilespmem:s26+$0x8E00] =	vst v3;
	v3 =	vld [tilespmem:s26+$0xE70];
	v5 =	vmul.f32 $4.525483320e+01, v5  }
0x168: {  	[tilespmem:s26+$0x8E10] =	vst v4;
	v4 =	vld [tilespmem:s26+$0x1200];
	v7 =	vmul.f32 $4.525483320e+01, v7  }
0x169: {  	v6 =	vmul.f32 $4.525483320e+01, v6;
	[tilespmem:s26+$0x8E20] =	vst v5;
	v5 =	vld [tilespmem:s26+$0x1210]  }
0x16a: {  	[tilespmem:s26+$0x8E30] =	vst v7;
	v7 =	vld [tilespmem:s26+$0x1220];
	v8 =	vmul.f32 $4.525483320e+01, v8  }
0x16b: {  	[tilespmem:s26+$0x8E40] =	vst v6;
	v6 =	vld [tilespmem:s26+$0x1230];
	v2 =	vmul.f32 $4.525483320e+01, v2  }
0x16c: {  	[tilespmem:s26+$0x8E50] =	vst v8;
	v8 =	vld [tilespmem:s26+$0x1240];
	v3 =	vmul.f32 $4.525483320e+01, v3  }
0x16d: {  	[tilespmem:s26+$0x8E60] =	vst v2;
	v2 =	vld [tilespmem:s26+$0x1250];
	v4 =	vmul.f32 $4.525483320e+01, v4  }
0x16e: {  	[tilespmem:s26+$0x8E70] =	vst v3;
	v3 =	vld [tilespmem:s26+$0x1260];
	v5 =	vmul.f32 $4.525483320e+01, v5  }
0x16f: {  	[tilespmem:s26+$0x9200] =	vst v4;
	v4 =	vld [tilespmem:s26+$0x1270];
	v7 =	vmul.f32 $4.525483320e+01, v7  }
0x170: {  	v6 =	vmul.f32 $4.525483320e+01, v6;
	[tilespmem:s26+$0x9210] =	vst v5;
	v5 =	vld [tilespmem:s26+$0x1600]  }
0x171: {  	[tilespmem:s26+$0x9220] =	vst v7;
	v7 =	vld [tilespmem:s26+$0x1610];
	v8 =	vmul.f32 $4.525483320e+01, v8  }
0x172: {  	[tilespmem:s26+$0x9230] =	vst v6;
	v6 =	vld [tilespmem:s26+$0x1620];
	v2 =	vmul.f32 $4.525483320e+01, v2  }
0x173: {  	[tilespmem:s26+$0x9240] =	vst v8;
	v8 =	vld [tilespmem:s26+$0x1630];
	v3 =	vmul.f32 $4.525483320e+01, v3  }
0x174: {  	[tilespmem:s26+$0x9250] =	vst v2;
	v2 =	vld [tilespmem:s26+$0x1640];
	v4 =	vmul.f32 $4.525483320e+01, v4  }
0x175: {  	[tilespmem:s26+$0x9260] =	vst v3;
	v3 =	vld [tilespmem:s26+$0x1650];
	v5 =	vmul.f32 $4.525483320e+01, v5  }
0x176: {  	[tilespmem:s26+$0x9270] =	vst v4;
	v4 =	vld [tilespmem:s26+$0x1660];
	v7 =	vmul.f32 $4.525483320e+01, v7  }
0x177: {  	v6 =	vmul.f32 $4.525483320e+01, v6;
	[tilespmem:s26+$0x9600] =	vst v5;
	v5 =	vld [tilespmem:s26+$0x1670]  }
0x178: {  	[tilespmem:s26+$0x9610] =	vst v7;
	v7 =	vld [tilespmem:s26+$0x1A00];
	v8 =	vmul.f32 $4.525483320e+01, v8  }
0x179: {  	[tilespmem:s26+$0x9620] =	vst v6;
	v6 =	vld [tilespmem:s26+$0x1A10];
	v2 =	vmul.f32 $4.525483320e+01, v2  }
0x17a: {  	[tilespmem:s26+$0x9630] =	vst v8;
	v8 =	vld [tilespmem:s26+$0x1A20];
	v3 =	vmul.f32 $4.525483320e+01, v3  }
0x17b: {  	[tilespmem:s26+$0x9640] =	vst v2;
	v2 =	vld [tilespmem:s26+$0x1A30];
	v4 =	vmul.f32 $4.525483320e+01, v4  }
0x17c: {  	[tilespmem:s26+$0x9650] =	vst v3;
	v3 =	vld [tilespmem:s26+$0x1A40];
	v5 =	vmul.f32 $4.525483320e+01, v5  }
0x17d: {  	[tilespmem:s26+$0x9660] =	vst v4;
	v4 =	vld [tilespmem:s26+$0x1A50];
	v7 =	vmul.f32 $4.525483320e+01, v7  }
0x17e: {  	v6 =	vmul.f32 $4.525483320e+01, v6;
	[tilespmem:s26+$0x9670] =	vst v5;
	v5 =	vld [tilespmem:s26+$0x1A60]  }
0x17f: {  	[tilespmem:s26+$0x9A00] =	vst v7;
	v7 =	vld [tilespmem:s26+$0x1A70];
	v8 =	vmul.f32 $4.525483320e+01, v8  }
0x180: {  	[tilespmem:s26+$0x9A10] =	vst v6;
	v6 =	vld [tilespmem:s26+$0x1E00];
	v2 =	vmul.f32 $4.525483320e+01, v2  }
0x181: {  	[tilespmem:s26+$0x9A20] =	vst v8;
	v8 =	vld [tilespmem:s26+$0x1E10];
	v3 =	vmul.f32 $4.525483320e+01, v3  }
0x182: {  	[tilespmem:s26+$0x9A30] =	vst v2;
	v2 =	vld [tilespmem:s26+$0x1E20];
	v4 =	vmul.f32 $4.525483320e+01, v4  }
0x183: {  	[tilespmem:s26+$0x9A40] =	vst v3;
	v3 =	vld [tilespmem:s26+$0x1E30];
	v5 =	vmul.f32 $4.525483320e+01, v5  }
0x184: {  	[tilespmem:s26+$0x9A50] =	vst v4;
	v4 =	vld [tilespmem:s26+$0x1E40];
	v7 =	vmul.f32 $4.525483320e+01, v7  }
0x185: {  	v6 =	vmul.f32 $4.525483320e+01, v6;
	[tilespmem:s26+$0x9A60] =	vst v5;
	v5 =	vld [tilespmem:s26+$0x1E50]  }
0x186: {  	[tilespmem:s26+$0x9A70] =	vst v7;
	v7 =	vld [tilespmem:s26+$0x1E60];
	v8 =	vmul.f32 $4.525483320e+01, v8  }
0x187: {  	[tilespmem:s26+$0x9E00] =	vst v6;
	v6 =	vld [tilespmem:s26+$0x1E70];
	v2 =	vmul.f32 $4.525483320e+01, v2  }
0x188: {  	[tilespmem:s26+$0x9E10] =	vst v8;
	v8 =	vld [tilespmem:s26+$0x2200];
	v3 =	vmul.f32 $4.525483320e+01, v3  }
0x189: {  	[tilespmem:s26+$0x9E20] =	vst v2;
	v2 =	vld [tilespmem:s26+$0x2210];
	v4 =	vmul.f32 $4.525483320e+01, v4  }
0x18a: {  	[tilespmem:s26+$0x9E30] =	vst v3;
	v3 =	vld [tilespmem:s26+$0x2220];
	v5 =	vmul.f32 $4.525483320e+01, v5  }
0x18b: {  	[tilespmem:s26+$0x9E40] =	vst v4;
	v4 =	vld [tilespmem:s26+$0x2230];
	v7 =	vmul.f32 $4.525483320e+01, v7  }
0x18c: {  	v6 =	vmul.f32 $4.525483320e+01, v6;
	[tilespmem:s26+$0x9E50] =	vst v5;
	v5 =	vld [tilespmem:s26+$0x2240]  }
0x18d: {  	[tilespmem:s26+$0x9E60] =	vst v7;
	v7 =	vld [tilespmem:s26+$0x2250];
	v8 =	vmul.f32 $4.525483320e+01, v8  }
0x18e: {  	[tilespmem:s26+$0x9E70] =	vst v6;
	v6 =	vld [tilespmem:s26+$0x2260];
	v2 =	vmul.f32 $4.525483320e+01, v2  }
0x18f: {  	[tilespmem:s26+$0xA200] =	vst v8;
	v8 =	vld [tilespmem:s26+$0x2270];
	v3 =	vmul.f32 $4.525483320e+01, v3  }
0x190: {  	[tilespmem:s26+$0xA210] =	vst v2;
	v2 =	vld [tilespmem:s26+$0x2600];
	v4 =	vmul.f32 $4.525483320e+01, v4  }
0x191: {  	[tilespmem:s26+$0xA220] =	vst v3;
	v3 =	vld [tilespmem:s26+$0x2610];
	v5 =	vmul.f32 $4.525483320e+01, v5  }
0x192: {  	[tilespmem:s26+$0xA230] =	vst v4;
	v4 =	vld [tilespmem:s26+$0x2620];
	v7 =	vmul.f32 $4.525483320e+01, v7  }
0x193: {  	v6 =	vmul.f32 $4.525483320e+01, v6;
	[tilespmem:s26+$0xA240] =	vst v5;
	v5 =	vld [tilespmem:s26+$0x2630]  }
0x194: {  	[tilespmem:s26+$0xA250] =	vst v7;
	v7 =	vld [tilespmem:s26+$0x2640];
	v8 =	vmul.f32 $4.525483320e+01, v8  }
0x195: {  	[tilespmem:s26+$0xA260] =	vst v6;
	v6 =	vld [tilespmem:s26+$0x2650];
	v2 =	vmul.f32 $4.525483320e+01, v2  }
0x196: {  	[tilespmem:s26+$0xA270] =	vst v8;
	v8 =	vld [tilespmem:s26+$0x2660];
	v3 =	vmul.f32 $4.525483320e+01, v3  }
0x197: {  	[tilespmem:s26+$0xA600] =	vst v2;
	v2 =	vld [tilespmem:s26+$0x2670];
	v4 =	vmul.f32 $4.525483320e+01, v4  }
0x198: {  	[tilespmem:s26+$0xA610] =	vst v3;
	v3 =	vld [tilespmem:s26+$0x2A00];
	v5 =	vmul.f32 $4.525483320e+01, v5  }
0x199: {  	[tilespmem:s26+$0xA620] =	vst v4;
	v4 =	vld [tilespmem:s26+$0x2A10];
	v7 =	vmul.f32 $4.525483320e+01, v7  }
0x19a: {  	v6 =	vmul.f32 $4.525483320e+01, v6;
	[tilespmem:s26+$0xA630] =	vst v5;
	v5 =	vld [tilespmem:s26+$0x2A20]  }
0x19b: {  	[tilespmem:s26+$0xA640] =	vst v7;
	v7 =	vld [tilespmem:s26+$0x2A30];
	v8 =	vmul.f32 $4.525483320e+01, v8  }
0x19c: {  	[tilespmem:s26+$0xA650] =	vst v6;
	v6 =	vld [tilespmem:s26+$0x2A40];
	v2 =	vmul.f32 $4.525483320e+01, v2  }
0x19d: {  	[tilespmem:s26+$0xA660] =	vst v8;
	v8 =	vld [tilespmem:s26+$0x2A50];
	v3 =	vmul.f32 $4.525483320e+01, v3  }
0x19e: {  	[tilespmem:s26+$0xA670] =	vst v2;
	v2 =	vld [tilespmem:s26+$0x2A60];
	v4 =	vmul.f32 $4.525483320e+01, v4  }
0x19f: {  	[tilespmem:s26+$0xAA00] =	vst v3;
	v3 =	vld [tilespmem:s26+$0x2A70];
	v5 =	vmul.f32 $4.525483320e+01, v5  }
0x1a0: {  	[tilespmem:s26+$0xAA10] =	vst v4;
	v4 =	vld [tilespmem:s26+$0x2E00];
	v7 =	vmul.f32 $4.525483320e+01, v7  }
0x1a1: {  	v6 =	vmul.f32 $4.525483320e+01, v6;
	[tilespmem:s26+$0xAA20] =	vst v5;
	v5 =	vld [tilespmem:s26+$0x2E10]  }
0x1a2: {  	[tilespmem:s26+$0xAA30] =	vst v7;
	v7 =	vld [tilespmem:s26+$0x2E20];
	v8 =	vmul.f32 $4.525483320e+01, v8  }
0x1a3: {  	[tilespmem:s26+$0xAA40] =	vst v6;
	v6 =	vld [tilespmem:s26+$0x2E30];
	v2 =	vmul.f32 $4.525483320e+01, v2  }
0x1a4: {  	[tilespmem:s26+$0xAA50] =	vst v8;
	v8 =	vld [tilespmem:s26+$0x2E40];
	v3 =	vmul.f32 $4.525483320e+01, v3  }
0x1a5: {  	[tilespmem:s26+$0xAA60] =	vst v2;
	v2 =	vld [tilespmem:s26+$0x2E50];
	v4 =	vmul.f32 $4.525483320e+01, v4  }
0x1a6: {  	[tilespmem:s26+$0xAA70] =	vst v3;
	v3 =	vld [tilespmem:s26+$0x2E60];
	v5 =	vmul.f32 $4.525483320e+01, v5  }
0x1a7: {  	[tilespmem:s26+$0xAE00] =	vst v4;
	v4 =	vld [tilespmem:s26+$0x2E70];
	v7 =	vmul.f32 $4.525483320e+01, v7  }
0x1a8: {  	v6 =	vmul.f32 $4.525483320e+01, v6;
	[tilespmem:s26+$0xAE10] =	vst v5;
	v5 =	vld [tilespmem:s26+$0x3200]  }
0x1a9: {  	[tilespmem:s26+$0xAE20] =	vst v7;
	v7 =	vld [tilespmem:s26+$0x3210];
	v8 =	vmul.f32 $4.525483320e+01, v8  }
0x1aa: {  	[tilespmem:s26+$0xAE30] =	vst v6;
	v6 =	vld [tilespmem:s26+$0x3220];
	v2 =	vmul.f32 $4.525483320e+01, v2  }
0x1ab: {  	[tilespmem:s26+$0xAE40] =	vst v8;
	v8 =	vld [tilespmem:s26+$0x3230];
	v3 =	vmul.f32 $4.525483320e+01, v3  }
0x1ac: {  	[tilespmem:s26+$0xAE50] =	vst v2;
	v2 =	vld [tilespmem:s26+$0x3240];
	v4 =	vmul.f32 $4.525483320e+01, v4  }
0x1ad: {  	[tilespmem:s26+$0xAE60] =	vst v3;
	v3 =	vld [tilespmem:s26+$0x3250];
	v5 =	vmul.f32 $4.525483320e+01, v5  }
0x1ae: {  	[tilespmem:s26+$0xAE70] =	vst v4;
	v4 =	vld [tilespmem:s26+$0x3260];
	v7 =	vmul.f32 $4.525483320e+01, v7  }
0x1af: {  	v6 =	vmul.f32 $4.525483320e+01, v6;
	[tilespmem:s26+$0xB200] =	vst v5;
	v5 =	vld [tilespmem:s26+$0x3270]  }
0x1b0: {  	[tilespmem:s26+$0xB210] =	vst v7;
	v7 =	vld [tilespmem:s26+$0x3600];
	v8 =	vmul.f32 $4.525483320e+01, v8  }
0x1b1: {  	[tilespmem:s26+$0xB220] =	vst v6;
	v6 =	vld [tilespmem:s26+$0x3610];
	v2 =	vmul.f32 $4.525483320e+01, v2  }
0x1b2: {  	[tilespmem:s26+$0xB230] =	vst v8;
	v8 =	vld [tilespmem:s26+$0x3620];
	v3 =	vmul.f32 $4.525483320e+01, v3  }
0x1b3: {  	[tilespmem:s26+$0xB240] =	vst v2;
	v2 =	vld [tilespmem:s26+$0x3630];
	v4 =	vmul.f32 $4.525483320e+01, v4  }
0x1b4: {  	[tilespmem:s26+$0xB250] =	vst v3;
	v3 =	vld [tilespmem:s26+$0x3640];
	v5 =	vmul.f32 $4.525483320e+01, v5  }
0x1b5: {  	[tilespmem:s26+$0xB260] =	vst v4;
	v4 =	vld [tilespmem:s26+$0x3650];
	v7 =	vmul.f32 $4.525483320e+01, v7  }
0x1b6: {  	v6 =	vmul.f32 $4.525483320e+01, v6;
	[tilespmem:s26+$0xB270] =	vst v5;
	v5 =	vld [tilespmem:s26+$0x3660]  }
0x1b7: {  	[tilespmem:s26+$0xB600] =	vst v7;
	v7 =	vld [tilespmem:s26+$0x3670];
	v8 =	vmul.f32 $4.525483320e+01, v8  }
0x1b8: {  	[tilespmem:s26+$0xB610] =	vst v6;
	v6 =	vld [tilespmem:s26+$0x3A00];
	v2 =	vmul.f32 $4.525483320e+01, v2  }
0x1b9: {  	[tilespmem:s26+$0xB620] =	vst v8;
	v8 =	vld [tilespmem:s26+$0x3A10];
	v3 =	vmul.f32 $4.525483320e+01, v3  }
0x1ba: {  	[tilespmem:s26+$0xB630] =	vst v2;
	v2 =	vld [tilespmem:s26+$0x3A20];
	v4 =	vmul.f32 $4.525483320e+01, v4  }
0x1bb: {  	[tilespmem:s26+$0xB640] =	vst v3;
	v3 =	vld [tilespmem:s26+$0x3A30];
	v5 =	vmul.f32 $4.525483320e+01, v5  }
0x1bc: {  	[tilespmem:s26+$0xB650] =	vst v4;
	v4 =	vld [tilespmem:s26+$0x3A40];
	v7 =	vmul.f32 $4.525483320e+01, v7  }
0x1bd: {  	v6 =	vmul.f32 $4.525483320e+01, v6;
	[tilespmem:s26+$0xB660] =	vst v5;
	v5 =	vld [tilespmem:s26+$0x3A50]  }
0x1be: {  	[tilespmem:s26+$0xB670] =	vst v7;
	v7 =	vld [tilespmem:s26+$0x3A60];
	v8 =	vmul.f32 $4.525483320e+01, v8  }
0x1bf: {  	[tilespmem:s26+$0xBA00] =	vst v6;
	v6 =	vld [tilespmem:s26+$0x3A70];
	v2 =	vmul.f32 $4.525483320e+01, v2  }
0x1c0: {  	[tilespmem:s26+$0xBA10] =	vst v8;
	v8 =	vld [tilespmem:s26+$0x3E00];
	v3 =	vmul.f32 $4.525483320e+01, v3  }
0x1c1: {  	[tilespmem:s26+$0xBA20] =	vst v2;
	v2 =	vld [tilespmem:s26+$0x3E10];
	v4 =	vmul.f32 $4.525483320e+01, v4  }
0x1c2: {  	[tilespmem:s26+$0xBA30] =	vst v3;
	v3 =	vld [tilespmem:s26+$0x3E20];
	v5 =	vmul.f32 $4.525483320e+01, v5  }
0x1c3: {  	[tilespmem:s26+$0xBA40] =	vst v4;
	v4 =	vld [tilespmem:s26+$0x3E30];
	v7 =	vmul.f32 $4.525483320e+01, v7  }
0x1c4: {  	v6 =	vmul.f32 $4.525483320e+01, v6;
	[tilespmem:s26+$0xBA50] =	vst v5;
	v5 =	vld [tilespmem:s26+$0x3E40]  }
0x1c5: {  	[tilespmem:s26+$0xBA60] =	vst v7;
	v7 =	vld [tilespmem:s26+$0x3E50];
	v8 =	vmul.f32 $4.525483320e+01, v8  }
0x1c6: {  	[tilespmem:s26+$0xBA70] =	vst v6;
	v2 =	vmul.f32 $4.525483320e+01, v2;
	v6 =	vld [tilespmem:s26+$0x3E60]  }
0x1c7: {  	[tilespmem:s26+$0xBE00] =	vst v8;
	v3 =	vmul.f32 $4.525483320e+01, v3  }
0x1c8: {  	[tilespmem:s26+$0xBE10] =	vst v2;
	v2 =	vmul.f32 $4.525483320e+01, v4  }
0x1c9: {  	[tilespmem:s26+$0xBE20] =	vst v3;
	v3 =	vmul.f32 $4.525483320e+01, v5  }
0x1ca: {  	[tilespmem:s26+$0xBE30] =	vst v2;
	v2 =	vmul.f32 $4.525483320e+01, v7  }
0x1cb: {  	[tilespmem:s26+$0xBE40] =	vst v3;
	v3 =	vmul.f32 $4.525483320e+01, v6  }
0x1cc: {  	p0 =	seq.s32 s22, $0x1F;
	[tilespmem:s26+$0xBE50] =	vst v2  }
0x1cd: {  	s23 =	sshrl.u32 @!p0 s23, $0x2;
	[tilespmem:s26+$0xBE60] =	vst v3  }
0x1ce: {  	v2 =	vld.msk @!p0 [tilespmem:s23+$0x10], $0xff;
	_ =	sdelay $0x4  }
0x1cf: {  	v3 =	vshll.u32 @!p0 v2, $0x4  }
0x1d0: {  	v4 =	vlaneseq.u32 @!p0;
	v2 =	vand.u32 @!p0 $0x7, v2;
	v3 =	vand.u32 @!p0 $0xFFFFFF80, v3  }
0x1d1: {  	v2 =	vor.u32 @!p0 v2, v3;
	v3 =	vand.u32 @!p0 $0x7, v4;
	v4 =	vshrl.u32 @!p0 v4, $0x3  }
0x1d2: {  	v2 =	vperm.xlane @!p0 v2, v3;
	v3 =	vmul.u32 @!p0 $0x8, v4;
	_ =	sdelay $0x1  }
0x1d3: {  	v2 =	vadd.s32 @!p0 v3, v2;
	_ =	sdelay $0x3  }
0x1d4: {  	vm1 =	vmmov @!p0 $0xffff;
	s25 =	simm.s32 @!p0 $0x200;
	s24 =	simm.s32 @!p0 $0x0  }
0x1d5: {  	[tilespmem:s25], [sflag:$0x1] =	stream.indirect_vreg.gather @!p0 [hbm4b:s1+s24], $0x80, v2, vm1, $0xb8;
	[tilespmem:$0x10200] =	vst v63  }
0x1d6: {  	s25 =	simm.s32 @!p0 $0xA00  }
0x1d7: {  	[tilespmem:s25], [sflag:$0x1] =	stream.indirect_vreg.gather @!p0 [hbm4b:s5+s24], $0x80, v2, vm1, $0xb8;
	[tilespmem:$0x10200] =	vst v63  }
0x1d8: {  	s25 =	simm.s32 @!p0 $0x1200  }
0x1d9: {  	[tilespmem:s25], [sflag:$0x1] =	stream.indirect_vreg.gather @!p0 [hbm4b:s6+s24], $0x80, v2, vm1, $0xb8;
	[tilespmem:$0x10200] =	vst v63  }
0x1da: {  	s25 =	simm.s32 @!p0 $0x1A00  }
0x1db: {  	[tilespmem:s25], [sflag:$0x1] =	stream.indirect_vreg.gather @!p0 [hbm4b:s7+s24], $0x80, v2, vm1, $0xb8;
	[tilespmem:$0x10200] =	vst v63  }
0x1dc: {  	s25 =	simm.s32 @!p0 $0x2200  }
0x1dd: {  	[tilespmem:s25], [sflag:$0x1] =	stream.indirect_vreg.gather @!p0 [hbm4b:s8+s24], $0x80, v2, vm1, $0xb8;
	[tilespmem:$0x10200] =	vst v63  }
0x1de: {  	s25 =	simm.s32 @!p0 $0x2A00  }
0x1df: {  	[tilespmem:s25], [sflag:$0x1] =	stream.indirect_vreg.gather @!p0 [hbm4b:s9+s24], $0x80, v2, vm1, $0xb8;
	[tilespmem:$0x10200] =	vst v63  }
0x1e0: {  	s25 =	simm.s32 @!p0 $0x3200  }
0x1e1: {  	[tilespmem:s25], [sflag:$0x1] =	stream.indirect_vreg.gather @!p0 [hbm4b:s10+s24], $0x80, v2, vm1, $0xb8;
	[tilespmem:$0x10200] =	vst v63  }
0x1e2: {  	s25 =	simm.s32 @!p0 $0x3A00  }
0x1e3: {  	[tilespmem:s25], [sflag:$0x1] =	stream.indirect_vreg.gather @!p0 [hbm4b:s12+s24], $0x80, v2, vm1, $0xb8;
	[tilespmem:$0x10200] =	vst v63  }
0x1e4: {  	s24 =	sshll.u32 s22, $0xC  }
0x1e5: {  	s26 =	sadd.s32 s24, s11  }
0x1e6: {  	[hbm4b:s26+s3] =	stream.linear.scatter [tilespmem:s16], [sflag:$0x3], $0x4000, $0x38;
	[tilespmem:$0x10200] =	vst v63  }
0x1e7: {  	_ =	swait.ge [sflag:s17], $0x4000  }
0x1e8: {  	[sflag:s17] =	ssyncset.done $0x0  }
0x1e9: {  	s25 =	simm.s32 @!p1 $0x4;
	[sflag:s17] =	ssyncadd.s32 $0xFFFFC000  }
0x1ea: {  	_ =	swait.ge @!p1 [sflag:s25], $0x4000  }
0x1eb: {  	[sflag:s25] =	ssyncset.done @!p1 $0x0  }
0x1ec: {  	[sflag:s25] =	ssyncadd.s32 @!p1 $0xFFFFC000;
	s25 =	simm.s32 $0x0  }
0x1ed: {  	v2 =	vld [tilespmem:s25+$0x7E70]  }
0x1ee: {  	v3 =	vld [tilespmem:s25+$0x4200]  }
0x1ef: {  	v4 =	vld [tilespmem:s25+$0x4210]  }
0x1f0: {  	v5 =	vld [tilespmem:s25+$0x4220]  }
0x1f1: {  	v6 =	vld [tilespmem:s25+$0x4230]  }
0x1f2: {  	v7 =	vld [tilespmem:s25+$0x4240];
	v2 =	vmul.f32 $4.525483320e+01, v2  }
0x1f3: {  	v8 =	vld [tilespmem:s25+$0x4250];
	v3 =	vmul.f32 $4.525483320e+01, v3  }
0x1f4: {  	v9 =	vld [tilespmem:s25+$0x4260];
	[tilespmem:s25+$0xFE70] =	vst v2;
	v2 =	vmul.f32 $4.525483320e+01, v4  }
0x1f5: {  	[tilespmem:s25+$0xC200] =	vst v3;
	v3 =	vld [tilespmem:s25+$0x4270];
	v4 =	vmul.f32 $4.525483320e+01, v5  }
0x1f6: {  	v5 =	vmul.f32 $4.525483320e+01, v6;
	[tilespmem:s25+$0xC210] =	vst v2;
	v2 =	vld [tilespmem:s25+$0x4600]  }
0x1f7: {  	v6 =	vmul.f32 $4.525483320e+01, v7;
	[tilespmem:s25+$0xC220] =	vst v4;
	v4 =	vld [tilespmem:s25+$0x4610]  }
0x1f8: {  	v7 =	vmul.f32 $4.525483320e+01, v8;
	[tilespmem:s25+$0xC230] =	vst v5;
	v5 =	vld [tilespmem:s25+$0x4620]  }
0x1f9: {  	v8 =	vmul.f32 $4.525483320e+01, v9;
	[tilespmem:s25+$0xC240] =	vst v6;
	v6 =	vld [tilespmem:s25+$0x4630]  }
0x1fa: {  	[tilespmem:s25+$0xC250] =	vst v7;
	v7 =	vld [tilespmem:s25+$0x4640];
	v3 =	vmul.f32 $4.525483320e+01, v3  }
0x1fb: {  	[tilespmem:s25+$0xC260] =	vst v8;
	v8 =	vld [tilespmem:s25+$0x4650];
	v2 =	vmul.f32 $4.525483320e+01, v2  }
0x1fc: {  	[tilespmem:s25+$0xC270] =	vst v3;
	v3 =	vld [tilespmem:s25+$0x4660];
	v4 =	vmul.f32 $4.525483320e+01, v4  }
0x1fd: {  	v5 =	vmul.f32 $4.525483320e+01, v5;
	[tilespmem:s25+$0xC600] =	vst v2;
	v2 =	vld [tilespmem:s25+$0x4670]  }
0x1fe: {  	v6 =	vmul.f32 $4.525483320e+01, v6;
	[tilespmem:s25+$0xC610] =	vst v4;
	v4 =	vld [tilespmem:s25+$0x4A00]  }
0x1ff: {  	v7 =	vmul.f32 $4.525483320e+01, v7;
	[tilespmem:s25+$0xC620] =	vst v5;
	v5 =	vld [tilespmem:s25+$0x4A10]  }
0x200: {  	v8 =	vmul.f32 $4.525483320e+01, v8;
	[tilespmem:s25+$0xC630] =	vst v6;
	v6 =	vld [tilespmem:s25+$0x4A20]  }
0x201: {  	[tilespmem:s25+$0xC640] =	vst v7;
	v7 =	vld [tilespmem:s25+$0x4A30];
	v3 =	vmul.f32 $4.525483320e+01, v3  }
0x202: {  	[tilespmem:s25+$0xC650] =	vst v8;
	v8 =	vld [tilespmem:s25+$0x4A40];
	v2 =	vmul.f32 $4.525483320e+01, v2  }
0x203: {  	[tilespmem:s25+$0xC660] =	vst v3;
	v3 =	vld [tilespmem:s25+$0x4A50];
	v4 =	vmul.f32 $4.525483320e+01, v4  }
0x204: {  	v5 =	vmul.f32 $4.525483320e+01, v5;
	[tilespmem:s25+$0xC670] =	vst v2;
	v2 =	vld [tilespmem:s25+$0x4A60]  }
0x205: {  	v6 =	vmul.f32 $4.525483320e+01, v6;
	[tilespmem:s25+$0xCA00] =	vst v4;
	v4 =	vld [tilespmem:s25+$0x4A70]  }
0x206: {  	v7 =	vmul.f32 $4.525483320e+01, v7;
	[tilespmem:s25+$0xCA10] =	vst v5;
	v5 =	vld [tilespmem:s25+$0x4E00]  }
0x207: {  	v8 =	vmul.f32 $4.525483320e+01, v8;
	[tilespmem:s25+$0xCA20] =	vst v6;
	v6 =	vld [tilespmem:s25+$0x4E10]  }
0x208: {  	[tilespmem:s25+$0xCA30] =	vst v7;
	v7 =	vld [tilespmem:s25+$0x4E20];
	v3 =	vmul.f32 $4.525483320e+01, v3  }
0x209: {  	[tilespmem:s25+$0xCA40] =	vst v8;
	v8 =	vld [tilespmem:s25+$0x4E30];
	v2 =	vmul.f32 $4.525483320e+01, v2  }
0x20a: {  	[tilespmem:s25+$0xCA50] =	vst v3;
	v3 =	vld [tilespmem:s25+$0x4E40];
	v4 =	vmul.f32 $4.525483320e+01, v4  }
0x20b: {  	v5 =	vmul.f32 $4.525483320e+01, v5;
	[tilespmem:s25+$0xCA60] =	vst v2;
	v2 =	vld [tilespmem:s25+$0x4E50]  }
0x20c: {  	v6 =	vmul.f32 $4.525483320e+01, v6;
	[tilespmem:s25+$0xCA70] =	vst v4;
	v4 =	vld [tilespmem:s25+$0x4E60]  }
0x20d: {  	v7 =	vmul.f32 $4.525483320e+01, v7;
	[tilespmem:s25+$0xCE00] =	vst v5;
	v5 =	vld [tilespmem:s25+$0x4E70]  }
0x20e: {  	v8 =	vmul.f32 $4.525483320e+01, v8;
	[tilespmem:s25+$0xCE10] =	vst v6;
	v6 =	vld [tilespmem:s25+$0x5200]  }
0x20f: {  	[tilespmem:s25+$0xCE20] =	vst v7;
	v7 =	vld [tilespmem:s25+$0x5210];
	v3 =	vmul.f32 $4.525483320e+01, v3  }
0x210: {  	[tilespmem:s25+$0xCE30] =	vst v8;
	v8 =	vld [tilespmem:s25+$0x5220];
	v2 =	vmul.f32 $4.525483320e+01, v2  }
0x211: {  	[tilespmem:s25+$0xCE40] =	vst v3;
	v3 =	vld [tilespmem:s25+$0x5230];
	v4 =	vmul.f32 $4.525483320e+01, v4  }
0x212: {  	v5 =	vmul.f32 $4.525483320e+01, v5;
	[tilespmem:s25+$0xCE50] =	vst v2;
	v2 =	vld [tilespmem:s25+$0x5240]  }
0x213: {  	v6 =	vmul.f32 $4.525483320e+01, v6;
	[tilespmem:s25+$0xCE60] =	vst v4;
	v4 =	vld [tilespmem:s25+$0x5250]  }
0x214: {  	v7 =	vmul.f32 $4.525483320e+01, v7;
	[tilespmem:s25+$0xCE70] =	vst v5;
	v5 =	vld [tilespmem:s25+$0x5260]  }
0x215: {  	v8 =	vmul.f32 $4.525483320e+01, v8;
	[tilespmem:s25+$0xD200] =	vst v6;
	v6 =	vld [tilespmem:s25+$0x5270]  }
0x216: {  	[tilespmem:s25+$0xD210] =	vst v7;
	v7 =	vld [tilespmem:s25+$0x5600];
	v3 =	vmul.f32 $4.525483320e+01, v3  }
0x217: {  	[tilespmem:s25+$0xD220] =	vst v8;
	v8 =	vld [tilespmem:s25+$0x5610];
	v2 =	vmul.f32 $4.525483320e+01, v2  }
0x218: {  	[tilespmem:s25+$0xD230] =	vst v3;
	v3 =	vld [tilespmem:s25+$0x5620];
	v4 =	vmul.f32 $4.525483320e+01, v4  }
0x219: {  	v5 =	vmul.f32 $4.525483320e+01, v5;
	[tilespmem:s25+$0xD240] =	vst v2;
	v2 =	vld [tilespmem:s25+$0x5630]  }
0x21a: {  	v6 =	vmul.f32 $4.525483320e+01, v6;
	[tilespmem:s25+$0xD250] =	vst v4;
	v4 =	vld [tilespmem:s25+$0x5640]  }
0x21b: {  	v7 =	vmul.f32 $4.525483320e+01, v7;
	[tilespmem:s25+$0xD260] =	vst v5;
	v5 =	vld [tilespmem:s25+$0x5650]  }
0x21c: {  	v8 =	vmul.f32 $4.525483320e+01, v8;
	[tilespmem:s25+$0xD270] =	vst v6;
	v6 =	vld [tilespmem:s25+$0x5660]  }
0x21d: {  	[tilespmem:s25+$0xD600] =	vst v7;
	v7 =	vld [tilespmem:s25+$0x5670];
	v3 =	vmul.f32 $4.525483320e+01, v3  }
0x21e: {  	[tilespmem:s25+$0xD610] =	vst v8;
	v8 =	vld [tilespmem:s25+$0x5A00];
	v2 =	vmul.f32 $4.525483320e+01, v2  }
0x21f: {  	[tilespmem:s25+$0xD620] =	vst v3;
	v3 =	vld [tilespmem:s25+$0x5A10];
	v4 =	vmul.f32 $4.525483320e+01, v4  }
0x220: {  	v5 =	vmul.f32 $4.525483320e+01, v5;
	[tilespmem:s25+$0xD630] =	vst v2;
	v2 =	vld [tilespmem:s25+$0x5A20]  }
0x221: {  	v6 =	vmul.f32 $4.525483320e+01, v6;
	[tilespmem:s25+$0xD640] =	vst v4;
	v4 =	vld [tilespmem:s25+$0x5A30]  }
0x222: {  	v7 =	vmul.f32 $4.525483320e+01, v7;
	[tilespmem:s25+$0xD650] =	vst v5;
	v5 =	vld [tilespmem:s25+$0x5A40]  }
0x223: {  	v8 =	vmul.f32 $4.525483320e+01, v8;
	[tilespmem:s25+$0xD660] =	vst v6;
	v6 =	vld [tilespmem:s25+$0x5A50]  }
0x224: {  	[tilespmem:s25+$0xD670] =	vst v7;
	v7 =	vld [tilespmem:s25+$0x5A60];
	v3 =	vmul.f32 $4.525483320e+01, v3  }
0x225: {  	[tilespmem:s25+$0xDA00] =	vst v8;
	v8 =	vld [tilespmem:s25+$0x5A70];
	v2 =	vmul.f32 $4.525483320e+01, v2  }
0x226: {  	[tilespmem:s25+$0xDA10] =	vst v3;
	v3 =	vld [tilespmem:s25+$0x5E00];
	v4 =	vmul.f32 $4.525483320e+01, v4  }
0x227: {  	v5 =	vmul.f32 $4.525483320e+01, v5;
	[tilespmem:s25+$0xDA20] =	vst v2;
	v2 =	vld [tilespmem:s25+$0x5E10]  }
0x228: {  	v6 =	vmul.f32 $4.525483320e+01, v6;
	[tilespmem:s25+$0xDA30] =	vst v4;
	v4 =	vld [tilespmem:s25+$0x5E20]  }
0x229: {  	v7 =	vmul.f32 $4.525483320e+01, v7;
	[tilespmem:s25+$0xDA40] =	vst v5;
	v5 =	vld [tilespmem:s25+$0x5E30]  }
0x22a: {  	v8 =	vmul.f32 $4.525483320e+01, v8;
	[tilespmem:s25+$0xDA50] =	vst v6;
	v6 =	vld [tilespmem:s25+$0x5E40]  }
0x22b: {  	[tilespmem:s25+$0xDA60] =	vst v7;
	v7 =	vld [tilespmem:s25+$0x5E50];
	v3 =	vmul.f32 $4.525483320e+01, v3  }
0x22c: {  	[tilespmem:s25+$0xDA70] =	vst v8;
	v8 =	vld [tilespmem:s25+$0x5E60];
	v2 =	vmul.f32 $4.525483320e+01, v2  }
0x22d: {  	[tilespmem:s25+$0xDE00] =	vst v3;
	v3 =	vld [tilespmem:s25+$0x5E70];
	v4 =	vmul.f32 $4.525483320e+01, v4  }
0x22e: {  	v5 =	vmul.f32 $4.525483320e+01, v5;
	[tilespmem:s25+$0xDE10] =	vst v2;
	v2 =	vld [tilespmem:s25+$0x6200]  }
0x22f: {  	v6 =	vmul.f32 $4.525483320e+01, v6;
	[tilespmem:s25+$0xDE20] =	vst v4;
	v4 =	vld [tilespmem:s25+$0x6210]  }
0x230: {  	v7 =	vmul.f32 $4.525483320e+01, v7;
	[tilespmem:s25+$0xDE30] =	vst v5;
	v5 =	vld [tilespmem:s25+$0x6220]  }
0x231: {  	v8 =	vmul.f32 $4.525483320e+01, v8;
	[tilespmem:s25+$0xDE40] =	vst v6;
	v6 =	vld [tilespmem:s25+$0x6230]  }
0x232: {  	[tilespmem:s25+$0xDE50] =	vst v7;
	v7 =	vld [tilespmem:s25+$0x6240];
	v3 =	vmul.f32 $4.525483320e+01, v3  }
0x233: {  	[tilespmem:s25+$0xDE60] =	vst v8;
	v8 =	vld [tilespmem:s25+$0x6250];
	v2 =	vmul.f32 $4.525483320e+01, v2  }
0x234: {  	[tilespmem:s25+$0xDE70] =	vst v3;
	v3 =	vld [tilespmem:s25+$0x6260];
	v4 =	vmul.f32 $4.525483320e+01, v4  }
0x235: {  	v5 =	vmul.f32 $4.525483320e+01, v5;
	[tilespmem:s25+$0xE200] =	vst v2;
	v2 =	vld [tilespmem:s25+$0x6270]  }
0x236: {  	v6 =	vmul.f32 $4.525483320e+01, v6;
	[tilespmem:s25+$0xE210] =	vst v4;
	v4 =	vld [tilespmem:s25+$0x6600]  }
0x237: {  	v7 =	vmul.f32 $4.525483320e+01, v7;
	[tilespmem:s25+$0xE220] =	vst v5;
	v5 =	vld [tilespmem:s25+$0x6610]  }
0x238: {  	v8 =	vmul.f32 $4.525483320e+01, v8;
	[tilespmem:s25+$0xE230] =	vst v6;
	v6 =	vld [tilespmem:s25+$0x6620]  }
0x239: {  	[tilespmem:s25+$0xE240] =	vst v7;
	v7 =	vld [tilespmem:s25+$0x6630];
	v3 =	vmul.f32 $4.525483320e+01, v3  }
0x23a: {  	[tilespmem:s25+$0xE250] =	vst v8;
	v8 =	vld [tilespmem:s25+$0x6640];
	v2 =	vmul.f32 $4.525483320e+01, v2  }
0x23b: {  	[tilespmem:s25+$0xE260] =	vst v3;
	v3 =	vld [tilespmem:s25+$0x6650];
	v4 =	vmul.f32 $4.525483320e+01, v4  }
0x23c: {  	v5 =	vmul.f32 $4.525483320e+01, v5;
	[tilespmem:s25+$0xE270] =	vst v2;
	v2 =	vld [tilespmem:s25+$0x6660]  }
0x23d: {  	v6 =	vmul.f32 $4.525483320e+01, v6;
	[tilespmem:s25+$0xE600] =	vst v4;
	v4 =	vld [tilespmem:s25+$0x6670]  }
0x23e: {  	v7 =	vmul.f32 $4.525483320e+01, v7;
	[tilespmem:s25+$0xE610] =	vst v5;
	v5 =	vld [tilespmem:s25+$0x6A00]  }
0x23f: {  	v8 =	vmul.f32 $4.525483320e+01, v8;
	[tilespmem:s25+$0xE620] =	vst v6;
	v6 =	vld [tilespmem:s25+$0x6A10]  }
0x240: {  	[tilespmem:s25+$0xE630] =	vst v7;
	v7 =	vld [tilespmem:s25+$0x6A20];
	v3 =	vmul.f32 $4.525483320e+01, v3  }
0x241: {  	[tilespmem:s25+$0xE640] =	vst v8;
	v8 =	vld [tilespmem:s25+$0x6A30];
	v2 =	vmul.f32 $4.525483320e+01, v2  }
0x242: {  	[tilespmem:s25+$0xE650] =	vst v3;
	v3 =	vld [tilespmem:s25+$0x6A40];
	v4 =	vmul.f32 $4.525483320e+01, v4  }
0x243: {  	v5 =	vmul.f32 $4.525483320e+01, v5;
	[tilespmem:s25+$0xE660] =	vst v2;
	v2 =	vld [tilespmem:s25+$0x6A50]  }
0x244: {  	v6 =	vmul.f32 $4.525483320e+01, v6;
	[tilespmem:s25+$0xE670] =	vst v4;
	v4 =	vld [tilespmem:s25+$0x6A60]  }
0x245: {  	v7 =	vmul.f32 $4.525483320e+01, v7;
	[tilespmem:s25+$0xEA00] =	vst v5;
	v5 =	vld [tilespmem:s25+$0x6A70]  }
0x246: {  	v8 =	vmul.f32 $4.525483320e+01, v8;
	[tilespmem:s25+$0xEA10] =	vst v6;
	v6 =	vld [tilespmem:s25+$0x6E00]  }
0x247: {  	[tilespmem:s25+$0xEA20] =	vst v7;
	v7 =	vld [tilespmem:s25+$0x6E10];
	v3 =	vmul.f32 $4.525483320e+01, v3  }
0x248: {  	[tilespmem:s25+$0xEA30] =	vst v8;
	v8 =	vld [tilespmem:s25+$0x6E20];
	v2 =	vmul.f32 $4.525483320e+01, v2  }
0x249: {  	[tilespmem:s25+$0xEA40] =	vst v3;
	v3 =	vld [tilespmem:s25+$0x6E30];
	v4 =	vmul.f32 $4.525483320e+01, v4  }
0x24a: {  	v5 =	vmul.f32 $4.525483320e+01, v5;
	[tilespmem:s25+$0xEA50] =	vst v2;
	v2 =	vld [tilespmem:s25+$0x6E40]  }
0x24b: {  	v6 =	vmul.f32 $4.525483320e+01, v6;
	[tilespmem:s25+$0xEA60] =	vst v4;
	v4 =	vld [tilespmem:s25+$0x6E50]  }
0x24c: {  	v7 =	vmul.f32 $4.525483320e+01, v7;
	[tilespmem:s25+$0xEA70] =	vst v5;
	v5 =	vld [tilespmem:s25+$0x6E60]  }
0x24d: {  	v8 =	vmul.f32 $4.525483320e+01, v8;
	[tilespmem:s25+$0xEE00] =	vst v6;
	v6 =	vld [tilespmem:s25+$0x6E70]  }
0x24e: {  	[tilespmem:s25+$0xEE10] =	vst v7;
	v7 =	vld [tilespmem:s25+$0x7200];
	v3 =	vmul.f32 $4.525483320e+01, v3  }
0x24f: {  	[tilespmem:s25+$0xEE20] =	vst v8;
	v8 =	vld [tilespmem:s25+$0x7210];
	v2 =	vmul.f32 $4.525483320e+01, v2  }
0x250: {  	[tilespmem:s25+$0xEE30] =	vst v3;
	v3 =	vld [tilespmem:s25+$0x7220];
	v4 =	vmul.f32 $4.525483320e+01, v4  }
0x251: {  	v5 =	vmul.f32 $4.525483320e+01, v5;
	[tilespmem:s25+$0xEE40] =	vst v2;
	v2 =	vld [tilespmem:s25+$0x7230]  }
0x252: {  	v6 =	vmul.f32 $4.525483320e+01, v6;
	[tilespmem:s25+$0xEE50] =	vst v4;
	v4 =	vld [tilespmem:s25+$0x7240]  }
0x253: {  	v7 =	vmul.f32 $4.525483320e+01, v7;
	[tilespmem:s25+$0xEE60] =	vst v5;
	v5 =	vld [tilespmem:s25+$0x7250]  }
0x254: {  	v8 =	vmul.f32 $4.525483320e+01, v8;
	[tilespmem:s25+$0xEE70] =	vst v6;
	v6 =	vld [tilespmem:s25+$0x7260]  }
0x255: {  	[tilespmem:s25+$0xF200] =	vst v7;
	v7 =	vld [tilespmem:s25+$0x7270];
	v3 =	vmul.f32 $4.525483320e+01, v3  }
0x256: {  	[tilespmem:s25+$0xF210] =	vst v8;
	v8 =	vld [tilespmem:s25+$0x7600];
	v2 =	vmul.f32 $4.525483320e+01, v2  }
0x257: {  	[tilespmem:s25+$0xF220] =	vst v3;
	v3 =	vld [tilespmem:s25+$0x7610];
	v4 =	vmul.f32 $4.525483320e+01, v4  }
0x258: {  	v5 =	vmul.f32 $4.525483320e+01, v5;
	[tilespmem:s25+$0xF230] =	vst v2;
	v2 =	vld [tilespmem:s25+$0x7620]  }
0x259: {  	v6 =	vmul.f32 $4.525483320e+01, v6;
	[tilespmem:s25+$0xF240] =	vst v4;
	v4 =	vld [tilespmem:s25+$0x7630]  }
0x25a: {  	v7 =	vmul.f32 $4.525483320e+01, v7;
	[tilespmem:s25+$0xF250] =	vst v5;
	v5 =	vld [tilespmem:s25+$0x7640]  }
0x25b: {  	v8 =	vmul.f32 $4.525483320e+01, v8;
	[tilespmem:s25+$0xF260] =	vst v6;
	v6 =	vld [tilespmem:s25+$0x7650]  }
0x25c: {  	[tilespmem:s25+$0xF270] =	vst v7;
	v7 =	vld [tilespmem:s25+$0x7660];
	v3 =	vmul.f32 $4.525483320e+01, v3  }
0x25d: {  	[tilespmem:s25+$0xF600] =	vst v8;
	v8 =	vld [tilespmem:s25+$0x7670];
	v2 =	vmul.f32 $4.525483320e+01, v2  }
0x25e: {  	[tilespmem:s25+$0xF610] =	vst v3;
	v3 =	vld [tilespmem:s25+$0x7A00];
	v4 =	vmul.f32 $4.525483320e+01, v4  }
0x25f: {  	v5 =	vmul.f32 $4.525483320e+01, v5;
	[tilespmem:s25+$0xF620] =	vst v2;
	v2 =	vld [tilespmem:s25+$0x7A10]  }
0x260: {  	v6 =	vmul.f32 $4.525483320e+01, v6;
	[tilespmem:s25+$0xF630] =	vst v4;
	v4 =	vld [tilespmem:s25+$0x7A20]  }
0x261: {  	v7 =	vmul.f32 $4.525483320e+01, v7;
	[tilespmem:s25+$0xF640] =	vst v5;
	v5 =	vld [tilespmem:s25+$0x7A30]  }
0x262: {  	v8 =	vmul.f32 $4.525483320e+01, v8;
	[tilespmem:s25+$0xF650] =	vst v6;
	v6 =	vld [tilespmem:s25+$0x7A40]  }
0x263: {  	[tilespmem:s25+$0xF660] =	vst v7;
	v7 =	vld [tilespmem:s25+$0x7A50];
	v3 =	vmul.f32 $4.525483320e+01, v3  }
0x264: {  	[tilespmem:s25+$0xF670] =	vst v8;
	v8 =	vld [tilespmem:s25+$0x7A60];
	v2 =	vmul.f32 $4.525483320e+01, v2  }
0x265: {  	v9 =	vld [tilespmem:s25+$0x7A70];
	[tilespmem:s25+$0xFA00] =	vst v3;
	v3 =	vmul.f32 $4.525483320e+01, v4  }
0x266: {  	v10 =	vld [tilespmem:s25+$0x7E00];
	[tilespmem:s25+$0xFA10] =	vst v2;
	v2 =	vmul.f32 $4.525483320e+01, v5  }
0x267: {  	v11 =	vld [tilespmem:s25+$0x7E10];
	[tilespmem:s25+$0xFA20] =	vst v3;
	v3 =	vmul.f32 $4.525483320e+01, v6  }
0x268: {  	v4 =	vmul.f32 $4.525483320e+01, v7;
	[tilespmem:s25+$0xFA30] =	vst v2;
	v2 =	vld [tilespmem:s25+$0x7E20]  }
0x269: {  	v5 =	vmul.f32 $4.525483320e+01, v8;
	[tilespmem:s25+$0xFA40] =	vst v3;
	v3 =	vld [tilespmem:s25+$0x7E30]  }
0x26a: {  	[tilespmem:s25+$0xFA50] =	vst v4;
	v4 =	vld [tilespmem:s25+$0x7E40];
	v6 =	vmul.f32 $4.525483320e+01, v9  }
0x26b: {  	v7 =	vmul.f32 $4.525483320e+01, v10;
	[tilespmem:s25+$0xFA60] =	vst v5;
	v5 =	vld [tilespmem:s25+$0x7E50]  }
0x26c: {  	s28 =	simm.s32 $0x80;
	s26 =	simm.s32 $0x2;
	v8 =	vmul.f32 $4.525483320e+01, v11;
	[tilespmem:s25+$0xFA70] =	vst v6;
	v6 =	vld [tilespmem:s25+$0x7E60]  }
.LBB2_5:
0x26d: {  	p1 =	sne.s32 s26, $0x7;
	v9 =	vld [tilespmem:s28+$0x7E70];
	[tilespmem:s25+$0xFE00] =	vst v7;
	v2 =	vmul.f32 $4.525483320e+01, v2  }
0x26e: {  	v7 =	vld [tilespmem:s28+$0x4200];
	[tilespmem:s25+$0xFE10] =	vst v8;
	v3 =	vmul.f32 $4.525483320e+01, v3  }
0x26f: {  	v8 =	vld [tilespmem:s28+$0x4210];
	[tilespmem:s25+$0xFE20] =	vst v2;
	v2 =	vmul.f32 $4.525483320e+01, v4  }
0x270: {  	v4 =	vld [tilespmem:s28+$0x4220];
	[tilespmem:s25+$0xFE30] =	vst v3;
	v3 =	vmul.f32 $4.525483320e+01, v5  }
0x271: {  	v5 =	vld [tilespmem:s28+$0x4230];
	[tilespmem:s25+$0xFE40] =	vst v2;
	v2 =	vmul.f32 $4.525483320e+01, v6  }
0x272: {  	v6 =	vld [tilespmem:s28+$0x4240];
	v9 =	vmul.f32 $4.525483320e+01, v9;
	[tilespmem:s25+$0xFE50] =	vst v3  }
0x273: {  	v3 =	vmul.f32 $4.525483320e+01, v7;
	v7 =	vld [tilespmem:s28+$0x4250];
	[tilespmem:s25+$0xFE60] =	vst v2;
	s25 =	smov.u32 s28  }
0x274: {  	v2 =	vmul.f32 $4.525483320e+01, v8;
	v8 =	vld [tilespmem:s25+$0x4260];
	[tilespmem:s25+$0xFE70] =	vst v9  }
0x275: {  	[tilespmem:s25+$0xC200] =	vst v3;
	v3 =	vmul.f32 $4.525483320e+01, v4;
	v4 =	vld [tilespmem:s25+$0x4270]  }
0x276: {  	[tilespmem:s25+$0xC210] =	vst v2;
	v2 =	vmul.f32 $4.525483320e+01, v5;
	v5 =	vld [tilespmem:s25+$0x4600]  }
0x277: {  	[tilespmem:s25+$0xC220] =	vst v3;
	v3 =	vmul.f32 $4.525483320e+01, v6;
	v6 =	vld [tilespmem:s25+$0x4610]  }
0x278: {  	[tilespmem:s25+$0xC230] =	vst v2;
	v2 =	vmul.f32 $4.525483320e+01, v7;
	v7 =	vld [tilespmem:s25+$0x4620]  }
0x279: {  	[tilespmem:s25+$0xC240] =	vst v3;
	v3 =	vmul.f32 $4.525483320e+01, v8;
	v8 =	vld [tilespmem:s25+$0x4630]  }
0x27a: {  	[tilespmem:s25+$0xC250] =	vst v2;
	v2 =	vmul.f32 $4.525483320e+01, v4;
	v4 =	vld [tilespmem:s25+$0x4640]  }
0x27b: {  	[tilespmem:s25+$0xC260] =	vst v3;
	v3 =	vmul.f32 $4.525483320e+01, v5;
	v5 =	vld [tilespmem:s25+$0x4650]  }
0x27c: {  	[tilespmem:s25+$0xC270] =	vst v2;
	v2 =	vmul.f32 $4.525483320e+01, v6;
	v6 =	vld [tilespmem:s25+$0x4660]  }
0x27d: {  	[tilespmem:s25+$0xC600] =	vst v3;
	v3 =	vmul.f32 $4.525483320e+01, v7;
	v7 =	vld [tilespmem:s25+$0x4670]  }
0x27e: {  	[tilespmem:s25+$0xC610] =	vst v2;
	v2 =	vmul.f32 $4.525483320e+01, v8;
	v8 =	vld [tilespmem:s25+$0x4A00]  }
0x27f: {  	[tilespmem:s25+$0xC620] =	vst v3;
	v3 =	vmul.f32 $4.525483320e+01, v4;
	v4 =	vld [tilespmem:s25+$0x4A10]  }
0x280: {  	[tilespmem:s25+$0xC630] =	vst v2;
	v2 =	vmul.f32 $4.525483320e+01, v5;
	v5 =	vld [tilespmem:s25+$0x4A20]  }
0x281: {  	[tilespmem:s25+$0xC640] =	vst v3;
	v3 =	vmul.f32 $4.525483320e+01, v6;
	v6 =	vld [tilespmem:s25+$0x4A30]  }
0x282: {  	[tilespmem:s25+$0xC650] =	vst v2;
	v2 =	vmul.f32 $4.525483320e+01, v7;
	v7 =	vld [tilespmem:s25+$0x4A40]  }
0x283: {  	[tilespmem:s25+$0xC660] =	vst v3;
	v3 =	vmul.f32 $4.525483320e+01, v8;
	v8 =	vld [tilespmem:s25+$0x4A50]  }
0x284: {  	[tilespmem:s25+$0xC670] =	vst v2;
	v2 =	vmul.f32 $4.525483320e+01, v4;
	v4 =	vld [tilespmem:s25+$0x4A60]  }
0x285: {  	[tilespmem:s25+$0xCA00] =	vst v3;
	v3 =	vmul.f32 $4.525483320e+01, v5;
	v5 =	vld [tilespmem:s25+$0x4A70]  }
0x286: {  	[tilespmem:s25+$0xCA10] =	vst v2;
	v2 =	vmul.f32 $4.525483320e+01, v6;
	v6 =	vld [tilespmem:s25+$0x4E00]  }
0x287: {  	[tilespmem:s25+$0xCA20] =	vst v3;
	v3 =	vmul.f32 $4.525483320e+01, v7;
	v7 =	vld [tilespmem:s25+$0x4E10]  }
0x288: {  	[tilespmem:s25+$0xCA30] =	vst v2;
	v2 =	vmul.f32 $4.525483320e+01, v8;
	v8 =	vld [tilespmem:s25+$0x4E20]  }
0x289: {  	[tilespmem:s25+$0xCA40] =	vst v3;
	v3 =	vmul.f32 $4.525483320e+01, v4;
	v4 =	vld [tilespmem:s25+$0x4E30]  }
0x28a: {  	[tilespmem:s25+$0xCA50] =	vst v2;
	v2 =	vmul.f32 $4.525483320e+01, v5;
	v5 =	vld [tilespmem:s25+$0x4E40]  }
0x28b: {  	[tilespmem:s25+$0xCA60] =	vst v3;
	v3 =	vmul.f32 $4.525483320e+01, v6;
	v6 =	vld [tilespmem:s25+$0x4E50]  }
0x28c: {  	[tilespmem:s25+$0xCA70] =	vst v2;
	v2 =	vmul.f32 $4.525483320e+01, v7;
	v7 =	vld [tilespmem:s25+$0x4E60]  }
0x28d: {  	[tilespmem:s25+$0xCE00] =	vst v3;
	v3 =	vmul.f32 $4.525483320e+01, v8;
	v8 =	vld [tilespmem:s25+$0x4E70]  }
0x28e: {  	[tilespmem:s25+$0xCE10] =	vst v2;
	v2 =	vmul.f32 $4.525483320e+01, v4;
	v4 =	vld [tilespmem:s25+$0x5200]  }
0x28f: {  	[tilespmem:s25+$0xCE20] =	vst v3;
	v3 =	vmul.f32 $4.525483320e+01, v5;
	v5 =	vld [tilespmem:s25+$0x5210]  }
0x290: {  	[tilespmem:s25+$0xCE30] =	vst v2;
	v2 =	vmul.f32 $4.525483320e+01, v6;
	v6 =	vld [tilespmem:s25+$0x5220]  }
0x291: {  	[tilespmem:s25+$0xCE40] =	vst v3;
	v3 =	vmul.f32 $4.525483320e+01, v7;
	v7 =	vld [tilespmem:s25+$0x5230]  }
0x292: {  	[tilespmem:s25+$0xCE50] =	vst v2;
	v2 =	vmul.f32 $4.525483320e+01, v8;
	v8 =	vld [tilespmem:s25+$0x5240]  }
0x293: {  	[tilespmem:s25+$0xCE60] =	vst v3;
	v3 =	vmul.f32 $4.525483320e+01, v4;
	v4 =	vld [tilespmem:s25+$0x5250]  }
0x294: {  	[tilespmem:s25+$0xCE70] =	vst v2;
	v2 =	vmul.f32 $4.525483320e+01, v5;
	v5 =	vld [tilespmem:s25+$0x5260]  }
0x295: {  	[tilespmem:s25+$0xD200] =	vst v3;
	v3 =	vmul.f32 $4.525483320e+01, v6;
	v6 =	vld [tilespmem:s25+$0x5270]  }
0x296: {  	[tilespmem:s25+$0xD210] =	vst v2;
	v2 =	vmul.f32 $4.525483320e+01, v7;
	v7 =	vld [tilespmem:s25+$0x5600]  }
0x297: {  	[tilespmem:s25+$0xD220] =	vst v3;
	v3 =	vmul.f32 $4.525483320e+01, v8;
	v8 =	vld [tilespmem:s25+$0x5610]  }
0x298: {  	[tilespmem:s25+$0xD230] =	vst v2;
	v2 =	vmul.f32 $4.525483320e+01, v4;
	v4 =	vld [tilespmem:s25+$0x5620]  }
0x299: {  	[tilespmem:s25+$0xD240] =	vst v3;
	v3 =	vmul.f32 $4.525483320e+01, v5;
	v5 =	vld [tilespmem:s25+$0x5630]  }
0x29a: {  	[tilespmem:s25+$0xD250] =	vst v2;
	v2 =	vmul.f32 $4.525483320e+01, v6;
	v6 =	vld [tilespmem:s25+$0x5640]  }
0x29b: {  	[tilespmem:s25+$0xD260] =	vst v3;
	v3 =	vmul.f32 $4.525483320e+01, v7;
	v7 =	vld [tilespmem:s25+$0x5650]  }
0x29c: {  	[tilespmem:s25+$0xD270] =	vst v2;
	v2 =	vmul.f32 $4.525483320e+01, v8;
	v8 =	vld [tilespmem:s25+$0x5660]  }
0x29d: {  	[tilespmem:s25+$0xD600] =	vst v3;
	v3 =	vmul.f32 $4.525483320e+01, v4;
	v4 =	vld [tilespmem:s25+$0x5670]  }
0x29e: {  	[tilespmem:s25+$0xD610] =	vst v2;
	v2 =	vmul.f32 $4.525483320e+01, v5;
	v5 =	vld [tilespmem:s25+$0x5A00]  }
0x29f: {  	[tilespmem:s25+$0xD620] =	vst v3;
	v3 =	vmul.f32 $4.525483320e+01, v6;
	v6 =	vld [tilespmem:s25+$0x5A10]  }
0x2a0: {  	[tilespmem:s25+$0xD630] =	vst v2;
	v2 =	vmul.f32 $4.525483320e+01, v7;
	v7 =	vld [tilespmem:s25+$0x5A20]  }
0x2a1: {  	[tilespmem:s25+$0xD640] =	vst v3;
	v3 =	vmul.f32 $4.525483320e+01, v8;
	v8 =	vld [tilespmem:s25+$0x5A30]  }
0x2a2: {  	[tilespmem:s25+$0xD650] =	vst v2;
	v2 =	vmul.f32 $4.525483320e+01, v4;
	v4 =	vld [tilespmem:s25+$0x5A40]  }
0x2a3: {  	[tilespmem:s25+$0xD660] =	vst v3;
	v3 =	vmul.f32 $4.525483320e+01, v5;
	v5 =	vld [tilespmem:s25+$0x5A50]  }
0x2a4: {  	[tilespmem:s25+$0xD670] =	vst v2;
	v2 =	vmul.f32 $4.525483320e+01, v6;
	v6 =	vld [tilespmem:s25+$0x5A60]  }
0x2a5: {  	[tilespmem:s25+$0xDA00] =	vst v3;
	v3 =	vmul.f32 $4.525483320e+01, v7;
	v7 =	vld [tilespmem:s25+$0x5A70]  }
0x2a6: {  	[tilespmem:s25+$0xDA10] =	vst v2;
	v2 =	vmul.f32 $4.525483320e+01, v8;
	v8 =	vld [tilespmem:s25+$0x5E00]  }
0x2a7: {  	[tilespmem:s25+$0xDA20] =	vst v3;
	v3 =	vmul.f32 $4.525483320e+01, v4;
	v4 =	vld [tilespmem:s25+$0x5E10]  }
0x2a8: {  	[tilespmem:s25+$0xDA30] =	vst v2;
	v2 =	vmul.f32 $4.525483320e+01, v5;
	v5 =	vld [tilespmem:s25+$0x5E20]  }
0x2a9: {  	[tilespmem:s25+$0xDA40] =	vst v3;
	v3 =	vmul.f32 $4.525483320e+01, v6;
	v6 =	vld [tilespmem:s25+$0x5E30]  }
0x2aa: {  	[tilespmem:s25+$0xDA50] =	vst v2;
	v2 =	vmul.f32 $4.525483320e+01, v7;
	v7 =	vld [tilespmem:s25+$0x5E40]  }
0x2ab: {  	[tilespmem:s25+$0xDA60] =	vst v3;
	v3 =	vmul.f32 $4.525483320e+01, v8;
	v8 =	vld [tilespmem:s25+$0x5E50]  }
0x2ac: {  	[tilespmem:s25+$0xDA70] =	vst v2;
	v2 =	vmul.f32 $4.525483320e+01, v4;
	v4 =	vld [tilespmem:s25+$0x5E60]  }
0x2ad: {  	[tilespmem:s25+$0xDE00] =	vst v3;
	v3 =	vmul.f32 $4.525483320e+01, v5;
	v5 =	vld [tilespmem:s25+$0x5E70]  }
0x2ae: {  	[tilespmem:s25+$0xDE10] =	vst v2;
	v2 =	vmul.f32 $4.525483320e+01, v6;
	v6 =	vld [tilespmem:s25+$0x6200]  }
0x2af: {  	[tilespmem:s25+$0xDE20] =	vst v3;
	v3 =	vmul.f32 $4.525483320e+01, v7;
	v7 =	vld [tilespmem:s25+$0x6210]  }
0x2b0: {  	[tilespmem:s25+$0xDE30] =	vst v2;
	v2 =	vmul.f32 $4.525483320e+01, v8;
	v8 =	vld [tilespmem:s25+$0x6220]  }
0x2b1: {  	[tilespmem:s25+$0xDE40] =	vst v3;
	v3 =	vmul.f32 $4.525483320e+01, v4;
	v4 =	vld [tilespmem:s25+$0x6230]  }
0x2b2: {  	[tilespmem:s25+$0xDE50] =	vst v2;
	v2 =	vmul.f32 $4.525483320e+01, v5;
	v5 =	vld [tilespmem:s25+$0x6240]  }
0x2b3: {  	[tilespmem:s25+$0xDE60] =	vst v3;
	v3 =	vmul.f32 $4.525483320e+01, v6;
	v6 =	vld [tilespmem:s25+$0x6250]  }
0x2b4: {  	[tilespmem:s25+$0xDE70] =	vst v2;
	v2 =	vmul.f32 $4.525483320e+01, v7;
	v7 =	vld [tilespmem:s25+$0x6260]  }
0x2b5: {  	[tilespmem:s25+$0xE200] =	vst v3;
	v3 =	vmul.f32 $4.525483320e+01, v8;
	v8 =	vld [tilespmem:s25+$0x6270]  }
0x2b6: {  	[tilespmem:s25+$0xE210] =	vst v2;
	v2 =	vmul.f32 $4.525483320e+01, v4;
	v4 =	vld [tilespmem:s25+$0x6600]  }
0x2b7: {  	[tilespmem:s25+$0xE220] =	vst v3;
	v3 =	vmul.f32 $4.525483320e+01, v5;
	v5 =	vld [tilespmem:s25+$0x6610]  }
0x2b8: {  	[tilespmem:s25+$0xE230] =	vst v2;
	v2 =	vmul.f32 $4.525483320e+01, v6;
	v6 =	vld [tilespmem:s25+$0x6620]  }
0x2b9: {  	[tilespmem:s25+$0xE240] =	vst v3;
	v3 =	vmul.f32 $4.525483320e+01, v7;
	v7 =	vld [tilespmem:s25+$0x6630]  }
0x2ba: {  	[tilespmem:s25+$0xE250] =	vst v2;
	v2 =	vmul.f32 $4.525483320e+01, v8;
	v8 =	vld [tilespmem:s25+$0x6640]  }
0x2bb: {  	[tilespmem:s25+$0xE260] =	vst v3;
	v3 =	vmul.f32 $4.525483320e+01, v4;
	v4 =	vld [tilespmem:s25+$0x6650]  }
0x2bc: {  	[tilespmem:s25+$0xE270] =	vst v2;
	v2 =	vmul.f32 $4.525483320e+01, v5;
	v5 =	vld [tilespmem:s25+$0x6660]  }
0x2bd: {  	[tilespmem:s25+$0xE600] =	vst v3;
	v3 =	vmul.f32 $4.525483320e+01, v6;
	v6 =	vld [tilespmem:s25+$0x6670]  }
0x2be: {  	[tilespmem:s25+$0xE610] =	vst v2;
	v2 =	vmul.f32 $4.525483320e+01, v7;
	v7 =	vld [tilespmem:s25+$0x6A00]  }
0x2bf: {  	[tilespmem:s25+$0xE620] =	vst v3;
	v3 =	vmul.f32 $4.525483320e+01, v8;
	v8 =	vld [tilespmem:s25+$0x6A10]  }
0x2c0: {  	[tilespmem:s25+$0xE630] =	vst v2;
	v2 =	vmul.f32 $4.525483320e+01, v4;
	v4 =	vld [tilespmem:s25+$0x6A20]  }
0x2c1: {  	[tilespmem:s25+$0xE640] =	vst v3;
	v3 =	vmul.f32 $4.525483320e+01, v5;
	v5 =	vld [tilespmem:s25+$0x6A30]  }
0x2c2: {  	[tilespmem:s25+$0xE650] =	vst v2;
	v2 =	vmul.f32 $4.525483320e+01, v6;
	v6 =	vld [tilespmem:s25+$0x6A40]  }
0x2c3: {  	[tilespmem:s25+$0xE660] =	vst v3;
	v3 =	vmul.f32 $4.525483320e+01, v7;
	v7 =	vld [tilespmem:s25+$0x6A50]  }
0x2c4: {  	[tilespmem:s25+$0xE670] =	vst v2;
	v2 =	vmul.f32 $4.525483320e+01, v8;
	v8 =	vld [tilespmem:s25+$0x6A60]  }
0x2c5: {  	[tilespmem:s25+$0xEA00] =	vst v3;
	v3 =	vmul.f32 $4.525483320e+01, v4;
	v4 =	vld [tilespmem:s25+$0x6A70]  }
0x2c6: {  	[tilespmem:s25+$0xEA10] =	vst v2;
	v2 =	vmul.f32 $4.525483320e+01, v5;
	v5 =	vld [tilespmem:s25+$0x6E00]  }
0x2c7: {  	[tilespmem:s25+$0xEA20] =	vst v3;
	v3 =	vmul.f32 $4.525483320e+01, v6;
	v6 =	vld [tilespmem:s25+$0x6E10]  }
0x2c8: {  	[tilespmem:s25+$0xEA30] =	vst v2;
	v2 =	vmul.f32 $4.525483320e+01, v7;
	v7 =	vld [tilespmem:s25+$0x6E20]  }
0x2c9: {  	[tilespmem:s25+$0xEA40] =	vst v3;
	v3 =	vmul.f32 $4.525483320e+01, v8;
	v8 =	vld [tilespmem:s25+$0x6E30]  }
0x2ca: {  	[tilespmem:s25+$0xEA50] =	vst v2;
	v2 =	vmul.f32 $4.525483320e+01, v4;
	v4 =	vld [tilespmem:s25+$0x6E40]  }
0x2cb: {  	[tilespmem:s25+$0xEA60] =	vst v3;
	v3 =	vmul.f32 $4.525483320e+01, v5;
	v5 =	vld [tilespmem:s25+$0x6E50]  }
0x2cc: {  	[tilespmem:s25+$0xEA70] =	vst v2;
	v2 =	vmul.f32 $4.525483320e+01, v6;
	v6 =	vld [tilespmem:s25+$0x6E60]  }
0x2cd: {  	[tilespmem:s25+$0xEE00] =	vst v3;
	v3 =	vmul.f32 $4.525483320e+01, v7;
	v7 =	vld [tilespmem:s25+$0x6E70]  }
0x2ce: {  	[tilespmem:s25+$0xEE10] =	vst v2;
	v2 =	vmul.f32 $4.525483320e+01, v8;
	v8 =	vld [tilespmem:s25+$0x7200]  }
0x2cf: {  	[tilespmem:s25+$0xEE20] =	vst v3;
	v3 =	vmul.f32 $4.525483320e+01, v4;
	v4 =	vld [tilespmem:s25+$0x7210]  }
0x2d0: {  	[tilespmem:s25+$0xEE30] =	vst v2;
	v2 =	vmul.f32 $4.525483320e+01, v5;
	v5 =	vld [tilespmem:s25+$0x7220]  }
0x2d1: {  	[tilespmem:s25+$0xEE40] =	vst v3;
	v3 =	vmul.f32 $4.525483320e+01, v6;
	v6 =	vld [tilespmem:s25+$0x7230]  }
0x2d2: {  	[tilespmem:s25+$0xEE50] =	vst v2;
	v2 =	vmul.f32 $4.525483320e+01, v7;
	v7 =	vld [tilespmem:s25+$0x7240]  }
0x2d3: {  	[tilespmem:s25+$0xEE60] =	vst v3;
	v3 =	vmul.f32 $4.525483320e+01, v8;
	v8 =	vld [tilespmem:s25+$0x7250]  }
0x2d4: {  	[tilespmem:s25+$0xEE70] =	vst v2;
	v2 =	vmul.f32 $4.525483320e+01, v4;
	v4 =	vld [tilespmem:s25+$0x7260]  }
0x2d5: {  	[tilespmem:s25+$0xF200] =	vst v3;
	v3 =	vmul.f32 $4.525483320e+01, v5;
	v5 =	vld [tilespmem:s25+$0x7270]  }
0x2d6: {  	[tilespmem:s25+$0xF210] =	vst v2;
	v2 =	vmul.f32 $4.525483320e+01, v6;
	v6 =	vld [tilespmem:s25+$0x7600]  }
0x2d7: {  	[tilespmem:s25+$0xF220] =	vst v3;
	v3 =	vmul.f32 $4.525483320e+01, v7;
	v7 =	vld [tilespmem:s25+$0x7610]  }
0x2d8: {  	[tilespmem:s25+$0xF230] =	vst v2;
	v2 =	vmul.f32 $4.525483320e+01, v8;
	v8 =	vld [tilespmem:s25+$0x7620]  }
0x2d9: {  	[tilespmem:s25+$0xF240] =	vst v3;
	v3 =	vmul.f32 $4.525483320e+01, v4;
	v4 =	vld [tilespmem:s25+$0x7630]  }
0x2da: {  	[tilespmem:s25+$0xF250] =	vst v2;
	v2 =	vmul.f32 $4.525483320e+01, v5;
	v5 =	vld [tilespmem:s25+$0x7640]  }
0x2db: {  	[tilespmem:s25+$0xF260] =	vst v3;
	v3 =	vmul.f32 $4.525483320e+01, v6;
	v6 =	vld [tilespmem:s25+$0x7650]  }
0x2dc: {  	[tilespmem:s25+$0xF270] =	vst v2;
	v2 =	vmul.f32 $4.525483320e+01, v7;
	v7 =	vld [tilespmem:s25+$0x7660]  }
0x2dd: {  	[tilespmem:s25+$0xF600] =	vst v3;
	v3 =	vmul.f32 $4.525483320e+01, v8;
	v8 =	vld [tilespmem:s25+$0x7670]  }
0x2de: {  	[tilespmem:s25+$0xF610] =	vst v2;
	v2 =	vmul.f32 $4.525483320e+01, v4;
	v4 =	vld [tilespmem:s25+$0x7A00]  }
0x2df: {  	[tilespmem:s25+$0xF620] =	vst v3;
	v3 =	vmul.f32 $4.525483320e+01, v5;
	v5 =	vld [tilespmem:s25+$0x7A10]  }
0x2e0: {  	[tilespmem:s25+$0xF630] =	vst v2;
	v2 =	vmul.f32 $4.525483320e+01, v6;
	v6 =	vld [tilespmem:s25+$0x7A20]  }
0x2e1: {  	[tilespmem:s25+$0xF640] =	vst v3;
	v3 =	vmul.f32 $4.525483320e+01, v7;
	v7 =	vld [tilespmem:s25+$0x7A30]  }
0x2e2: {  	[tilespmem:s25+$0xF650] =	vst v2;
	v2 =	vmul.f32 $4.525483320e+01, v8;
	v8 =	vld [tilespmem:s25+$0x7A40]  }
0x2e3: {  	[tilespmem:s25+$0xF660] =	vst v3;
	v3 =	vmul.f32 $4.525483320e+01, v4;
	v4 =	vld [tilespmem:s25+$0x7A50]  }
0x2e4: {  	[tilespmem:s25+$0xF670] =	vst v2;
	v2 =	vmul.f32 $4.525483320e+01, v5;
	v5 =	vld [tilespmem:s25+$0x7A60]  }
0x2e5: {  	[tilespmem:s25+$0xFA00] =	vst v3;
	v3 =	vmul.f32 $4.525483320e+01, v6;
	v6 =	vld [tilespmem:s25+$0x7A70]  }
0x2e6: {  	[tilespmem:s25+$0xFA10] =	vst v2;
	v2 =	vmul.f32 $4.525483320e+01, v7;
	v7 =	vld [tilespmem:s25+$0x7E00]  }
0x2e7: {  	[tilespmem:s25+$0xFA20] =	vst v3;
	v3 =	vmul.f32 $4.525483320e+01, v8;
	v8 =	vld [tilespmem:s25+$0x7E10]  }
.Ltmp1:
0x2e8: {  	[tilespmem:s25+$0xFA30] =	vst v2;
	v4 =	vmul.f32 $4.525483320e+01, v4;
	v2 =	vld [tilespmem:s25+$0x7E20];
	(pc) =	sbr.rel @p1 .LBB2_5-.Ltmp1, $4  }
0x2e9: {  	[tilespmem:s25+$0xFA40] =	vst v3;
	v5 =	vmul.f32 $4.525483320e+01, v5;
	v3 =	vld [tilespmem:s25+$0x7E30]  }
0x2ea: {  	[tilespmem:s25+$0xFA50] =	vst v4;
	v6 =	vmul.f32 $4.525483320e+01, v6;
	v4 =	vld [tilespmem:s25+$0x7E40]  }
0x2eb: {  	[tilespmem:s25+$0xFA60] =	vst v5;
	v7 =	vmul.f32 $4.525483320e+01, v7;
	v5 =	vld [tilespmem:s25+$0x7E50]  }
0x2ec: {  	s28 =	sshll.u32 s26, $0x7;
	s26 =	sadd.s32 $0x1, s26;
	[tilespmem:s25+$0xFA70] =	vst v6;
	v8 =	vmul.f32 $4.525483320e+01, v8;
	v6 =	vld [tilespmem:s25+$0x7E60]  }
0x2ed: {  	v9 =	vld [tilespmem:s28+$0x7E70];
	[tilespmem:s25+$0xFE00] =	vst v7;
	v2 =	vmul.f32 $4.525483320e+01, v2  }
0x2ee: {  	v7 =	vld [tilespmem:s28+$0x4200];
	[tilespmem:s25+$0xFE10] =	vst v8;
	v3 =	vmul.f32 $4.525483320e+01, v3  }
0x2ef: {  	v8 =	vld [tilespmem:s28+$0x4210];
	[tilespmem:s25+$0xFE20] =	vst v2;
	v4 =	vmul.f32 $4.525483320e+01, v4  }
0x2f0: {  	v2 =	vld [tilespmem:s28+$0x4220];
	[tilespmem:s25+$0xFE30] =	vst v3;
	v5 =	vmul.f32 $4.525483320e+01, v5  }
0x2f1: {  	v3 =	vld [tilespmem:s28+$0x4230];
	[tilespmem:s25+$0xFE40] =	vst v4;
	v6 =	vmul.f32 $4.525483320e+01, v6  }
0x2f2: {  	v4 =	vld [tilespmem:s28+$0x4240];
	[tilespmem:s25+$0xFE50] =	vst v5;
	v9 =	vmul.f32 $4.525483320e+01, v9  }
0x2f3: {  	v5 =	vld [tilespmem:s28+$0x4250];
	[tilespmem:s25+$0xFE60] =	vst v6;
	v28 =	vmul.f32 $4.525483320e+01, v7  }
0x2f4: {  	v29 =	vld [tilespmem:s28+$0x4260];
	[tilespmem:s28+$0xFE70] =	vst v9;
	v8 =	vmul.f32 $4.525483320e+01, v8  }
0x2f5: {  	v30 =	vld [tilespmem:s28+$0x4270];
	[tilespmem:s28+$0xC200] =	vst v28;
	v2 =	vmul.f32 $4.525483320e+01, v2  }
0x2f6: {  	v31 =	vld [tilespmem:s28+$0x4600];
	[tilespmem:s28+$0xC210] =	vst v8;
	v3 =	vmul.f32 $4.525483320e+01, v3  }
0x2f7: {  	[tilespmem:s28+$0xC220] =	vst v2;
	v2 =	vld [tilespmem:s28+$0x4610];
	v4 =	vmul.f32 $4.525483320e+01, v4  }
0x2f8: {  	[tilespmem:s28+$0xC230] =	vst v3;
	v3 =	vld [tilespmem:s28+$0x4620];
	v5 =	vmul.f32 $4.525483320e+01, v5  }
0x2f9: {  	v32 =	vld [tilespmem:s28+$0x4630];
	[tilespmem:s28+$0xC240] =	vst v4;
	v7 =	vmul.f32 $4.525483320e+01, v29  }
0x2fa: {  	v33 =	vld [tilespmem:s28+$0x4640];
	v6 =	vmul.f32 $4.525483320e+01, v30;
	[tilespmem:s28+$0xC250] =	vst v5  }
0x2fb: {  	v34 =	vld [tilespmem:s28+$0x4650];
	v8 =	vmul.f32 $4.525483320e+01, v31;
	[tilespmem:s28+$0xC260] =	vst v7  }
0x2fc: {  	v35 =	vld [tilespmem:s28+$0x4660];
	[tilespmem:s28+$0xC270] =	vst v6;
	v2 =	vmul.f32 $4.525483320e+01, v2  }
0x2fd: {  	v36 =	vld [tilespmem:s28+$0x4670];
	[tilespmem:s28+$0xC600] =	vst v8;
	v3 =	vmul.f32 $4.525483320e+01, v3  }
0x2fe: {  	v4 =	vmul.f32 $4.525483320e+01, v32;
	[tilespmem:s28+$0xC610] =	vst v2;
	v2 =	vld [tilespmem:s28+$0x4A00]  }
0x2ff: {  	v5 =	vmul.f32 $4.525483320e+01, v33;
	[tilespmem:s28+$0xC620] =	vst v3;
	v3 =	vld [tilespmem:s28+$0x4A10]  }
0x300: {  	v37 =	vld [tilespmem:s28+$0x4A20];
	[tilespmem:s28+$0xC630] =	vst v4;
	v7 =	vmul.f32 $4.525483320e+01, v34  }
0x301: {  	v38 =	vld [tilespmem:s28+$0x4A30];
	v6 =	vmul.f32 $4.525483320e+01, v35;
	[tilespmem:s28+$0xC640] =	vst v5  }
0x302: {  	v39 =	vld [tilespmem:s28+$0x4A40];
	v8 =	vmul.f32 $4.525483320e+01, v36;
	[tilespmem:s28+$0xC650] =	vst v7  }
0x303: {  	v40 =	vld [tilespmem:s28+$0x4A50];
	[tilespmem:s28+$0xC660] =	vst v6;
	v2 =	vmul.f32 $4.525483320e+01, v2  }
0x304: {  	v41 =	vld [tilespmem:s28+$0x4A60];
	[tilespmem:s28+$0xC670] =	vst v8;
	v3 =	vmul.f32 $4.525483320e+01, v3  }
0x305: {  	v4 =	vmul.f32 $4.525483320e+01, v37;
	[tilespmem:s28+$0xCA00] =	vst v2;
	v2 =	vld [tilespmem:s28+$0x4A70]  }
0x306: {  	v5 =	vmul.f32 $4.525483320e+01, v38;
	[tilespmem:s28+$0xCA10] =	vst v3;
	v3 =	vld [tilespmem:s28+$0x4E00]  }
0x307: {  	v42 =	vld [tilespmem:s28+$0x4E10];
	[tilespmem:s28+$0xCA20] =	vst v4;
	v7 =	vmul.f32 $4.525483320e+01, v39  }
0x308: {  	v43 =	vld [tilespmem:s28+$0x4E20];
	v6 =	vmul.f32 $4.525483320e+01, v40;
	[tilespmem:s28+$0xCA30] =	vst v5  }
0x309: {  	v44 =	vld [tilespmem:s28+$0x4E30];
	v8 =	vmul.f32 $4.525483320e+01, v41;
	[tilespmem:s28+$0xCA40] =	vst v7  }
0x30a: {  	v45 =	vld [tilespmem:s28+$0x4E40];
	[tilespmem:s28+$0xCA50] =	vst v6;
	v2 =	vmul.f32 $4.525483320e+01, v2  }
0x30b: {  	v46 =	vld [tilespmem:s28+$0x4E50];
	[tilespmem:s28+$0xCA60] =	vst v8;
	v3 =	vmul.f32 $4.525483320e+01, v3  }
0x30c: {  	v4 =	vmul.f32 $4.525483320e+01, v42;
	[tilespmem:s28+$0xCA70] =	vst v2;
	v2 =	vld [tilespmem:s28+$0x4E60]  }
0x30d: {  	v5 =	vmul.f32 $4.525483320e+01, v43;
	[tilespmem:s28+$0xCE00] =	vst v3;
	v3 =	vld [tilespmem:s28+$0x4E70]  }
0x30e: {  	v47 =	vld [tilespmem:s28+$0x5200];
	[tilespmem:s28+$0xCE10] =	vst v4;
	v7 =	vmul.f32 $4.525483320e+01, v44  }
0x30f: {  	v48 =	vld [tilespmem:s28+$0x5210];
	v6 =	vmul.f32 $4.525483320e+01, v45;
	[tilespmem:s28+$0xCE20] =	vst v5  }
0x310: {  	v49 =	vld [tilespmem:s28+$0x5220];
	v8 =	vmul.f32 $4.525483320e+01, v46;
	[tilespmem:s28+$0xCE30] =	vst v7  }
0x311: {  	v50 =	vld [tilespmem:s28+$0x5230];
	[tilespmem:s28+$0xCE40] =	vst v6;
	v2 =	vmul.f32 $4.525483320e+01, v2  }
0x312: {  	v51 =	vld [tilespmem:s28+$0x5240];
	[tilespmem:s28+$0xCE50] =	vst v8;
	v3 =	vmul.f32 $4.525483320e+01, v3  }
0x313: {  	v4 =	vmul.f32 $4.525483320e+01, v47;
	[tilespmem:s28+$0xCE60] =	vst v2;
	v2 =	vld [tilespmem:s28+$0x5250]  }
0x314: {  	v5 =	vmul.f32 $4.525483320e+01, v48;
	[tilespmem:s28+$0xCE70] =	vst v3;
	v3 =	vld [tilespmem:s28+$0x5260]  }
0x315: {  	v52 =	vld [tilespmem:s28+$0x5270];
	[tilespmem:s28+$0xD200] =	vst v4;
	v7 =	vmul.f32 $4.525483320e+01, v49  }
0x316: {  	v53 =	vld [tilespmem:s28+$0x5600];
	v6 =	vmul.f32 $4.525483320e+01, v50;
	[tilespmem:s28+$0xD210] =	vst v5  }
0x317: {  	v54 =	vld [tilespmem:s28+$0x5610];
	v8 =	vmul.f32 $4.525483320e+01, v51;
	[tilespmem:s28+$0xD220] =	vst v7  }
0x318: {  	v55 =	vld [tilespmem:s28+$0x5620];
	[tilespmem:s28+$0xD230] =	vst v6;
	v2 =	vmul.f32 $4.525483320e+01, v2  }
0x319: {  	v56 =	vld [tilespmem:s28+$0x5630];
	[tilespmem:s28+$0xD240] =	vst v8;
	v3 =	vmul.f32 $4.525483320e+01, v3  }
0x31a: {  	v4 =	vmul.f32 $4.525483320e+01, v52;
	[tilespmem:s28+$0xD250] =	vst v2;
	v2 =	vld [tilespmem:s28+$0x5640]  }
0x31b: {  	v5 =	vmul.f32 $4.525483320e+01, v53;
	[tilespmem:s28+$0xD260] =	vst v3;
	v3 =	vld [tilespmem:s28+$0x5650]  }
0x31c: {  	v57 =	vld [tilespmem:s28+$0x5660];
	[tilespmem:s28+$0xD270] =	vst v4;
	v7 =	vmul.f32 $4.525483320e+01, v54  }
0x31d: {  	v58 =	vld [tilespmem:s28+$0x5670];
	v6 =	vmul.f32 $4.525483320e+01, v55;
	[tilespmem:s28+$0xD600] =	vst v5  }
0x31e: {  	v59 =	vld [tilespmem:s28+$0x5A00];
	v8 =	vmul.f32 $4.525483320e+01, v56;
	[tilespmem:s28+$0xD610] =	vst v7  }
0x31f: {  	v60 =	vld [tilespmem:s28+$0x5A10];
	[tilespmem:s28+$0xD620] =	vst v6;
	v2 =	vmul.f32 $4.525483320e+01, v2  }
0x320: {  	v61 =	vld [tilespmem:s28+$0x5A20];
	[tilespmem:s28+$0xD630] =	vst v8;
	v3 =	vmul.f32 $4.525483320e+01, v3  }
0x321: {  	v4 =	vmul.f32 $4.525483320e+01, v57;
	[tilespmem:s28+$0xD640] =	vst v2;
	v2 =	vld [tilespmem:s28+$0x5A30]  }
0x322: {  	v5 =	vmul.f32 $4.525483320e+01, v58;
	[tilespmem:s28+$0xD650] =	vst v3;
	v3 =	vld [tilespmem:s28+$0x5A40]  }
0x323: {  	v62 =	vld [tilespmem:s28+$0x5A50];
	[tilespmem:s28+$0xD660] =	vst v4;
	v7 =	vmul.f32 $4.525483320e+01, v59  }
0x324: {  	v63 =	vld [tilespmem:s28+$0x5A60];
	v6 =	vmul.f32 $4.525483320e+01, v60;
	[tilespmem:s28+$0xD670] =	vst v5  }
0x325: {  	v12 =	vld [tilespmem:s28+$0x5A70];
	v8 =	vmul.f32 $4.525483320e+01, v61;
	[tilespmem:s28+$0xDA00] =	vst v7  }
0x326: {  	v13 =	vld [tilespmem:s28+$0x5E00];
	[tilespmem:s28+$0xDA10] =	vst v6;
	v2 =	vmul.f32 $4.525483320e+01, v2  }
0x327: {  	v14 =	vld [tilespmem:s28+$0x5E10];
	[tilespmem:s28+$0xDA20] =	vst v8;
	v3 =	vmul.f32 $4.525483320e+01, v3  }
0x328: {  	v4 =	vmul.f32 $4.525483320e+01, v62;
	[tilespmem:s28+$0xDA30] =	vst v2;
	v2 =	vld [tilespmem:s28+$0x5E20]  }
0x329: {  	v5 =	vmul.f32 $4.525483320e+01, v63;
	[tilespmem:s28+$0xDA40] =	vst v3;
	v3 =	vld [tilespmem:s28+$0x5E30]  }
0x32a: {  	v15 =	vld [tilespmem:s28+$0x5E40];
	[tilespmem:s28+$0xDA50] =	vst v4;
	v7 =	vmul.f32 $4.525483320e+01, v12  }
0x32b: {  	v16 =	vld [tilespmem:s28+$0x5E50];
	v6 =	vmul.f32 $4.525483320e+01, v13;
	[tilespmem:s28+$0xDA60] =	vst v5  }
0x32c: {  	v17 =	vld [tilespmem:s28+$0x5E60];
	v8 =	vmul.f32 $4.525483320e+01, v14;
	[tilespmem:s28+$0xDA70] =	vst v7  }
0x32d: {  	v18 =	vld [tilespmem:s28+$0x5E70];
	[tilespmem:s28+$0xDE00] =	vst v6;
	v2 =	vmul.f32 $4.525483320e+01, v2  }
0x32e: {  	v19 =	vld [tilespmem:s28+$0x6200];
	[tilespmem:s28+$0xDE10] =	vst v8;
	v3 =	vmul.f32 $4.525483320e+01, v3  }
0x32f: {  	v4 =	vmul.f32 $4.525483320e+01, v15;
	[tilespmem:s28+$0xDE20] =	vst v2;
	v2 =	vld [tilespmem:s28+$0x6210]  }
0x330: {  	v5 =	vmul.f32 $4.525483320e+01, v16;
	[tilespmem:s28+$0xDE30] =	vst v3;
	v3 =	vld [tilespmem:s28+$0x6220]  }
0x331: {  	v20 =	vld [tilespmem:s28+$0x6230];
	[tilespmem:s28+$0xDE40] =	vst v4;
	v7 =	vmul.f32 $4.525483320e+01, v17  }
0x332: {  	v21 =	vld [tilespmem:s28+$0x6240];
	v6 =	vmul.f32 $4.525483320e+01, v18;
	[tilespmem:s28+$0xDE50] =	vst v5  }
0x333: {  	v22 =	vld [tilespmem:s28+$0x6250];
	v8 =	vmul.f32 $4.525483320e+01, v19;
	[tilespmem:s28+$0xDE60] =	vst v7  }
0x334: {  	v23 =	vld [tilespmem:s28+$0x6260];
	[tilespmem:s28+$0xDE70] =	vst v6;
	v2 =	vmul.f32 $4.525483320e+01, v2  }
0x335: {  	v24 =	vld [tilespmem:s28+$0x6270];
	[tilespmem:s28+$0xE200] =	vst v8;
	v3 =	vmul.f32 $4.525483320e+01, v3  }
0x336: {  	v4 =	vmul.f32 $4.525483320e+01, v20;
	[tilespmem:s28+$0xE210] =	vst v2;
	v2 =	vld [tilespmem:s28+$0x6600]  }
0x337: {  	v5 =	vmul.f32 $4.525483320e+01, v21;
	[tilespmem:s28+$0xE220] =	vst v3;
	v3 =	vld [tilespmem:s28+$0x6610]  }
0x338: {  	v25 =	vld [tilespmem:s28+$0x6620];
	[tilespmem:s28+$0xE230] =	vst v4;
	v7 =	vmul.f32 $4.525483320e+01, v22  }
0x339: {  	v26 =	vld [tilespmem:s28+$0x6630];
	v6 =	vmul.f32 $4.525483320e+01, v23;
	[tilespmem:s28+$0xE240] =	vst v5  }
0x33a: {  	v27 =	vld [tilespmem:s28+$0x6640];
	v8 =	vmul.f32 $4.525483320e+01, v24;
	[tilespmem:s28+$0xE250] =	vst v7  }
0x33b: {  	v28 =	vld [tilespmem:s28+$0x6650];
	[tilespmem:s28+$0xE260] =	vst v6;
	v2 =	vmul.f32 $4.525483320e+01, v2  }
0x33c: {  	v29 =	vld [tilespmem:s28+$0x6660];
	[tilespmem:s28+$0xE270] =	vst v8;
	v3 =	vmul.f32 $4.525483320e+01, v3  }
0x33d: {  	v4 =	vmul.f32 $4.525483320e+01, v25;
	[tilespmem:s28+$0xE600] =	vst v2;
	v2 =	vld [tilespmem:s28+$0x6670]  }
0x33e: {  	v5 =	vmul.f32 $4.525483320e+01, v26;
	[tilespmem:s28+$0xE610] =	vst v3;
	v3 =	vld [tilespmem:s28+$0x6A00]  }
0x33f: {  	v30 =	vld [tilespmem:s28+$0x6A10];
	[tilespmem:s28+$0xE620] =	vst v4;
	v7 =	vmul.f32 $4.525483320e+01, v27  }
0x340: {  	v31 =	vld [tilespmem:s28+$0x6A20];
	v6 =	vmul.f32 $4.525483320e+01, v28;
	[tilespmem:s28+$0xE630] =	vst v5  }
0x341: {  	v32 =	vld [tilespmem:s28+$0x6A30];
	v8 =	vmul.f32 $4.525483320e+01, v29;
	[tilespmem:s28+$0xE640] =	vst v7  }
0x342: {  	v33 =	vld [tilespmem:s28+$0x6A40];
	[tilespmem:s28+$0xE650] =	vst v6;
	v2 =	vmul.f32 $4.525483320e+01, v2  }
0x343: {  	v34 =	vld [tilespmem:s28+$0x6A50];
	[tilespmem:s28+$0xE660] =	vst v8;
	v3 =	vmul.f32 $4.525483320e+01, v3  }
0x344: {  	v4 =	vmul.f32 $4.525483320e+01, v30;
	[tilespmem:s28+$0xE670] =	vst v2;
	v2 =	vld [tilespmem:s28+$0x6A60]  }
0x345: {  	v5 =	vmul.f32 $4.525483320e+01, v31;
	[tilespmem:s28+$0xEA00] =	vst v3;
	v3 =	vld [tilespmem:s28+$0x6A70]  }
0x346: {  	v35 =	vld [tilespmem:s28+$0x6E00];
	[tilespmem:s28+$0xEA10] =	vst v4;
	v7 =	vmul.f32 $4.525483320e+01, v32  }
0x347: {  	v36 =	vld [tilespmem:s28+$0x6E10];
	v6 =	vmul.f32 $4.525483320e+01, v33;
	[tilespmem:s28+$0xEA20] =	vst v5  }
0x348: {  	v37 =	vld [tilespmem:s28+$0x6E20];
	v8 =	vmul.f32 $4.525483320e+01, v34;
	[tilespmem:s28+$0xEA30] =	vst v7  }
0x349: {  	v38 =	vld [tilespmem:s28+$0x6E30];
	[tilespmem:s28+$0xEA40] =	vst v6;
	v2 =	vmul.f32 $4.525483320e+01, v2  }
0x34a: {  	v39 =	vld [tilespmem:s28+$0x6E40];
	[tilespmem:s28+$0xEA50] =	vst v8;
	v3 =	vmul.f32 $4.525483320e+01, v3  }
0x34b: {  	v4 =	vmul.f32 $4.525483320e+01, v35;
	[tilespmem:s28+$0xEA60] =	vst v2;
	v2 =	vld [tilespmem:s28+$0x6E50]  }
0x34c: {  	v5 =	vmul.f32 $4.525483320e+01, v36;
	[tilespmem:s28+$0xEA70] =	vst v3;
	v3 =	vld [tilespmem:s28+$0x6E60]  }
0x34d: {  	v40 =	vld [tilespmem:s28+$0x6E70];
	[tilespmem:s28+$0xEE00] =	vst v4;
	v7 =	vmul.f32 $4.525483320e+01, v37  }
0x34e: {  	v41 =	vld [tilespmem:s28+$0x7200];
	v6 =	vmul.f32 $4.525483320e+01, v38;
	[tilespmem:s28+$0xEE10] =	vst v5  }
0x34f: {  	v42 =	vld [tilespmem:s28+$0x7210];
	v8 =	vmul.f32 $4.525483320e+01, v39;
	[tilespmem:s28+$0xEE20] =	vst v7  }
0x350: {  	v43 =	vld [tilespmem:s28+$0x7220];
	[tilespmem:s28+$0xEE30] =	vst v6;
	v2 =	vmul.f32 $4.525483320e+01, v2  }
0x351: {  	v44 =	vld [tilespmem:s28+$0x7230];
	[tilespmem:s28+$0xEE40] =	vst v8;
	v3 =	vmul.f32 $4.525483320e+01, v3  }
0x352: {  	v4 =	vmul.f32 $4.525483320e+01, v40;
	[tilespmem:s28+$0xEE50] =	vst v2;
	v2 =	vld [tilespmem:s28+$0x7240]  }
0x353: {  	v5 =	vmul.f32 $4.525483320e+01, v41;
	[tilespmem:s28+$0xEE60] =	vst v3;
	v3 =	vld [tilespmem:s28+$0x7250]  }
0x354: {  	v45 =	vld [tilespmem:s28+$0x7260];
	[tilespmem:s28+$0xEE70] =	vst v4;
	v7 =	vmul.f32 $4.525483320e+01, v42  }
0x355: {  	v46 =	vld [tilespmem:s28+$0x7270];
	v6 =	vmul.f32 $4.525483320e+01, v43;
	[tilespmem:s28+$0xF200] =	vst v5  }
0x356: {  	v47 =	vld [tilespmem:s28+$0x7600];
	v8 =	vmul.f32 $4.525483320e+01, v44;
	[tilespmem:s28+$0xF210] =	vst v7  }
0x357: {  	v48 =	vld [tilespmem:s28+$0x7610];
	[tilespmem:s28+$0xF220] =	vst v6;
	v2 =	vmul.f32 $4.525483320e+01, v2  }
0x358: {  	v49 =	vld [tilespmem:s28+$0x7620];
	[tilespmem:s28+$0xF230] =	vst v8;
	v3 =	vmul.f32 $4.525483320e+01, v3  }
0x359: {  	v4 =	vmul.f32 $4.525483320e+01, v45;
	[tilespmem:s28+$0xF240] =	vst v2;
	v2 =	vld [tilespmem:s28+$0x7630]  }
0x35a: {  	v5 =	vmul.f32 $4.525483320e+01, v46;
	[tilespmem:s28+$0xF250] =	vst v3;
	v3 =	vld [tilespmem:s28+$0x7640]  }
0x35b: {  	v50 =	vld [tilespmem:s28+$0x7650];
	[tilespmem:s28+$0xF260] =	vst v4;
	v7 =	vmul.f32 $4.525483320e+01, v47  }
0x35c: {  	v51 =	vld [tilespmem:s28+$0x7660];
	v6 =	vmul.f32 $4.525483320e+01, v48;
	[tilespmem:s28+$0xF270] =	vst v5  }
0x35d: {  	v52 =	vld [tilespmem:s28+$0x7670];
	v8 =	vmul.f32 $4.525483320e+01, v49;
	[tilespmem:s28+$0xF600] =	vst v7  }
0x35e: {  	v53 =	vld [tilespmem:s28+$0x7A00];
	[tilespmem:s28+$0xF610] =	vst v6;
	v2 =	vmul.f32 $4.525483320e+01, v2  }
0x35f: {  	v54 =	vld [tilespmem:s28+$0x7A10];
	[tilespmem:s28+$0xF620] =	vst v8;
	v3 =	vmul.f32 $4.525483320e+01, v3  }
0x360: {  	v4 =	vmul.f32 $4.525483320e+01, v50;
	[tilespmem:s28+$0xF630] =	vst v2;
	v2 =	vld [tilespmem:s28+$0x7A20]  }
0x361: {  	v5 =	vmul.f32 $4.525483320e+01, v51;
	[tilespmem:s28+$0xF640] =	vst v3;
	v3 =	vld [tilespmem:s28+$0x7A30]  }
0x362: {  	v55 =	vld [tilespmem:s28+$0x7A40];
	[tilespmem:s28+$0xF650] =	vst v4;
	v7 =	vmul.f32 $4.525483320e+01, v52  }
0x363: {  	v56 =	vld [tilespmem:s28+$0x7A50];
	v6 =	vmul.f32 $4.525483320e+01, v53;
	[tilespmem:s28+$0xF660] =	vst v5  }
0x364: {  	v57 =	vld [tilespmem:s28+$0x7A60];
	v8 =	vmul.f32 $4.525483320e+01, v54;
	[tilespmem:s28+$0xF670] =	vst v7  }
0x365: {  	v58 =	vld [tilespmem:s28+$0x7A70];
	[tilespmem:s28+$0xFA00] =	vst v6;
	v2 =	vmul.f32 $4.525483320e+01, v2  }
0x366: {  	v59 =	vld [tilespmem:s28+$0x7E00];
	[tilespmem:s28+$0xFA10] =	vst v8;
	v3 =	vmul.f32 $4.525483320e+01, v3  }
0x367: {  	v4 =	vmul.f32 $4.525483320e+01, v55;
	[tilespmem:s28+$0xFA20] =	vst v2;
	v2 =	vld [tilespmem:s28+$0x7E10]  }
0x368: {  	v5 =	vmul.f32 $4.525483320e+01, v56;
	[tilespmem:s28+$0xFA30] =	vst v3;
	v3 =	vld [tilespmem:s28+$0x7E20]  }
0x369: {  	v60 =	vld [tilespmem:s28+$0x7E30];
	[tilespmem:s28+$0xFA40] =	vst v4;
	v7 =	vmul.f32 $4.525483320e+01, v57  }
0x36a: {  	v61 =	vld [tilespmem:s28+$0x7E40];
	v6 =	vmul.f32 $4.525483320e+01, v58;
	[tilespmem:s28+$0xFA50] =	vst v5  }
0x36b: {  	v62 =	vld [tilespmem:s28+$0x7E50];
	v8 =	vmul.f32 $4.525483320e+01, v59;
	[tilespmem:s28+$0xFA60] =	vst v7  }
0x36c: {  	v63 =	vld [tilespmem:s28+$0x7E60];
	[tilespmem:s28+$0xFA70] =	vst v6;
	v2 =	vmul.f32 $4.525483320e+01, v2  }
0x36d: {  	[tilespmem:s28+$0xFE00] =	vst v8;
	v3 =	vmul.f32 $4.525483320e+01, v3  }
0x36e: {  	[tilespmem:s28+$0xFE10] =	vst v2;
	v2 =	vmul.f32 $4.525483320e+01, v60  }
0x36f: {  	[tilespmem:s28+$0xFE20] =	vst v3;
	v3 =	vmul.f32 $4.525483320e+01, v61  }
0x370: {  	[tilespmem:s28+$0xFE30] =	vst v2;
	v2 =	vmul.f32 $4.525483320e+01, v62  }
0x371: {  	[tilespmem:s28+$0xFE40] =	vst v3;
	v3 =	vmul.f32 $4.525483320e+01, v63  }
0x372: {  	[tilespmem:s28+$0xFE50] =	vst v2  }
0x373: {  	[tilespmem:s28+$0xFE60] =	vst v3  }
0x374: {  	v2 =	vld.msk @!p0 [tilespmem:s23+$0x18], $0xff;
	_ =	sdelay $0x4  }
0x375: {  	v3 =	vshll.u32 @!p0 v2, $0x4  }
0x376: {  	v4 =	vlaneseq.u32 @!p0;
	v2 =	vand.u32 @!p0 $0x7, v2;
	v3 =	vand.u32 @!p0 $0xFFFFFF80, v3  }
0x377: {  	v2 =	vor.u32 @!p0 v2, v3;
	v3 =	vand.u32 @!p0 $0x7, v4;
	v4 =	vshrl.u32 @!p0 v4, $0x3  }
0x378: {  	v2 =	vperm.xlane @!p0 v2, v3;
	v3 =	vmul.u32 @!p0 $0x8, v4;
	_ =	sdelay $0x1  }
0x379: {  	v2 =	vadd.s32 @!p0 v3, v2;
	_ =	sdelay $0x3  }
0x37a: {  	s25 =	simm.s32 @!p0 $0x4200;
	s23 =	simm.s32 @!p0 $0x0  }
0x37b: {  	[tilespmem:s25], [sflag:$0x2] =	stream.indirect_vreg.gather @!p0 [hbm4b:s1+s23], $0x80, v2, vm1, $0xb8;
	[tilespmem:$0x10200] =	vst v63  }
0x37c: {  	s25 =	simm.s32 @!p0 $0x4A00  }
0x37d: {  	[tilespmem:s25], [sflag:$0x2] =	stream.indirect_vreg.gather @!p0 [hbm4b:s5+s23], $0x80, v2, vm1, $0xb8;
	[tilespmem:$0x10200] =	vst v63  }
0x37e: {  	s25 =	simm.s32 @!p0 $0x5200  }
0x37f: {  	[tilespmem:s25], [sflag:$0x2] =	stream.indirect_vreg.gather @!p0 [hbm4b:s6+s23], $0x80, v2, vm1, $0xb8;
	[tilespmem:$0x10200] =	vst v63  }
0x380: {  	s25 =	simm.s32 @!p0 $0x5A00  }
0x381: {  	[tilespmem:s25], [sflag:$0x2] =	stream.indirect_vreg.gather @!p0 [hbm4b:s7+s23], $0x80, v2, vm1, $0xb8;
	[tilespmem:$0x10200] =	vst v63  }
0x382: {  	s25 =	simm.s32 @!p0 $0x6200  }
0x383: {  	[tilespmem:s25], [sflag:$0x2] =	stream.indirect_vreg.gather @!p0 [hbm4b:s8+s23], $0x80, v2, vm1, $0xb8;
	[tilespmem:$0x10200] =	vst v63  }
0x384: {  	s25 =	simm.s32 @!p0 $0x6A00  }
0x385: {  	[tilespmem:s25], [sflag:$0x2] =	stream.indirect_vreg.gather @!p0 [hbm4b:s9+s23], $0x80, v2, vm1, $0xb8;
	[tilespmem:$0x10200] =	vst v63  }
0x386: {  	s25 =	simm.s32 @!p0 $0x7200  }
0x387: {  	[tilespmem:s25], [sflag:$0x2] =	stream.indirect_vreg.gather @!p0 [hbm4b:s10+s23], $0x80, v2, vm1, $0xb8;
	[tilespmem:$0x10200] =	vst v63  }
0x388: {  	s22 =	sadd.s32 $0x1, s22;
	s25 =	simm.s32 @!p0 $0x7A00  }
0x389: {  	[tilespmem:s25], [sflag:$0x2] =	stream.indirect_vreg.gather @!p0 [hbm4b:s12+s23], $0x80, v2, vm1, $0xb8;
	[tilespmem:$0x10200] =	vst v63  }
0x38a: {  	p0 =	sne.s32 s22, $0x20  }
.Ltmp2:
0x38b: {  	_ = 	snop;
	(pc) =	sbr.rel @p0 .LBB2_2-.Ltmp2, $3  }
0x38c: {  	_ =	sdelay $0x1  }
0x38d: {  	s28 =	sadd.s32 s14, s24  }
0x38e: {  	[hbm4b:s28+s3] =	stream.linear.scatter [tilespmem:s18], [sflag:$0x4], $0x4000, $0x38;
	[tilespmem:$0x10200] =	vst v63  }
0x38f: {  	s21 =	sadd.s32 $0x1, s21  }
0x390: {  	_ =	swait.ge [sflag:s19], $0x4000;
	p0 =	sne.s32 s21, s13  }
.Ltmp3:
0x391: {  	[sflag:s19] =	ssyncset.done $0x0;
	(pc) =	sbr.rel @p0 .LBB2_1-.Ltmp3, $4  }
0x392: {  	[sflag:s19] =	ssyncadd.s32 $0xFFFFC000  }
0x393: {  	_ =	swait.ge [sflag:s20], $0x4000  }
0x394: {  	[sflag:s20] =	ssyncset.done $0x0  }
0x395: {  	[sflag:s20] =	ssyncadd.s32 $0xFFFFC000  }
0x396: {  	_ =	sfence.sel $0x180000  }
0x397: {  	[bflag:$0x0] =	sbarrier.arrive $0xFFFF  }
0x398: {  	_ =	strace $0x90000047  }
0x399: {  	s0 =	stileid.u32;
	[bflag:$0x2] =	sbarrier.arrive $0xFFFF  }
0x39a: {  	p0 =	sne.s32 s0, $0x0;
	s0 =	rddreg [dreg:$0x3]  }
0x39b: {  	s0 =	sadd.s32 @!p0 $0x100000, s0  }
0x39c: {  	[sflag:s0] =	ssyncadd.tile.s32 @!p0 $0x1;
	_ =	shalt  }
.Lfunc_end2:
_tile_overlayer_lowered:
.L_overlay_start_2:
0x39d: {  	(tag) =	ssettag $0x2  }
0x39e: {  	s0 =	rddreg [dreg:$0x0];
	s2 =	stileid.u32  }
0x39f: {  	s1 =	rddreg [dreg:$0x1];
	p0 =	sne.s32 s2, $0x0  }
0x3a0: {  	s3 =	rddreg [dreg:$0x2];
	[bflag:$0x3] =	sbarrier.arrive $0xFFFF;
	s2 =	simm.s32 @!p0 $0x1C05  }
0x3a1: {  	[timem:s3], [sflag:s2] =	dma.local @!p0 [hbm:s0], s1  }
0x3a2: {  	s0 =	simm.s32 @!p0 $0x5  }
0x3a3: {  	_ =	swait.ge @!p0 [sflag:s0], s1  }
0x3a4: {  	s1 =	ssub.s32 @!p0 $0x0, s1;
	[sflag:s0] =	ssyncset.done @!p0 $0x0  }
0x3a5: {  	[sflag:s0] =	ssyncadd.s32 @!p0 s1  }
0x3a6: {  	[bflag:$0x3] =	sbarrier.arrive $0xFFFF  }
0x3a7: {  	_ =	shalt  }

</sc_bundles>
